<compile_context>
chip_gen: v7x
topology: tpu7x:2x2x1
jax: 0.10.2.dev20260603
libtpu: 0.0.44.dev20260713+nightly
codegen_flags: <defaults>
</compile_context>

<pallas_src>
import functools

import jax
import jax.numpy as jnp
from jax import lax
from jax.experimental import pallas as pl
from jax.experimental.pallas import tpu as pltpu
from jax.experimental.pallas import tpu_sc as plsc

N = 2097152
B = 64
NC = 2
NS = 16
NW = NC * NS
ROWS_PER_W = N // NW
CHUNK = 8192
NCHUNK = ROWS_PER_W // CHUNK
VECS = CHUNK // 16
NSTAT = 6


def _sc_body(lf_hbm, idx_hbm, lab_hbm, fidx_hbm, out_hbm,
             logits_v, idx_v, lab_v, fidx_v,
             acc_sa, acc_sb, acc_mx, acc_ct, acc_c4, acc_c1, part_v):
    wid = lax.axis_index("s") * NC + lax.axis_index("c")
    lane = lax.iota(jnp.int32, 16)
    lane3 = lane * 3
    zeros = jnp.zeros((16,), jnp.float32)
    ones = jnp.ones((16,), jnp.float32)
    accs = (acc_sa, acc_sb, acc_mx, acc_ct, acc_c4, acc_c1)

    for ref in accs:
        for l in range(16):
            for g in range(B // 16):
                ref[l, pl.ds(g * 16, 16)] = zeros

    def vec_body(i, _):
        off = i * 16
        iv = idx_v[pl.ds(off, 16)]
        pos0 = lane3 + off * 3
        l0 = plsc.load_gather(logits_v, [pos0])
        l1 = plsc.load_gather(logits_v, [pos0 + 1])
        l2 = plsc.load_gather(logits_v, [pos0 + 2])
        plsc.addupdate_scatter(acc_sa, [lane, iv], l0)
        plsc.addupdate_scatter(acc_sb, [lane, iv], l1 + l2)
        plsc.addupdate_scatter(acc_mx, [lane, iv],
                               jnp.maximum(jnp.maximum(l0, l1), l2))
        plsc.addupdate_scatter(acc_ct, [lane, iv], ones)
        fiv = fidx_v[pl.ds(off, 16)]
        lb = lab_v[pl.ds(off, 16)]
        plsc.addupdate_scatter(acc_c4, [lane, fiv],
                               jnp.where(lb == 4, 1.0, 0.0).astype(jnp.float32))
        plsc.addupdate_scatter(acc_c1, [lane, fiv],
                               jnp.where(lb == 1, 1.0, 0.0).astype(jnp.float32))
        return 0

    def chunk_body(c, _):
        base = wid * ROWS_PER_W + c * CHUNK
        pltpu.sync_copy(lf_hbm.at[pl.ds(base * 3, CHUNK * 3)], logits_v)
        pltpu.sync_copy(idx_hbm.at[pl.ds(base, CHUNK)], idx_v)
        pltpu.sync_copy(lab_hbm.at[pl.ds(base, CHUNK)], lab_v)
        pltpu.sync_copy(fidx_hbm.at[pl.ds(base, CHUNK)], fidx_v)
        lax.fori_loop(0, VECS, vec_body, 0)
        return 0

    lax.fori_loop(0, NCHUNK, chunk_body, 0)

    for s, ref in enumerate(accs):
        for g in range(B // 16):
            acc = ref[0, pl.ds(g * 16, 16)]
            for l in range(1, 16):
                acc = acc + ref[l, pl.ds(g * 16, 16)]
            part_v[s, pl.ds(g * 16, 16)] = acc

    pltpu.sync_copy(part_v, out_hbm.at[wid])


_sc_stage = functools.partial(
    pl.kernel,
    mesh=plsc.VectorSubcoreMesh(core_axis_name="c", subcore_axis_name="s"),
    compiler_params=pltpu.CompilerParams(needs_layout_passes=False),
    out_type=jax.ShapeDtypeStruct((NW, NSTAT, B), jnp.float32),
    scratch_types=[
        pltpu.VMEM((CHUNK * 3,), jnp.float32),
        pltpu.VMEM((CHUNK,), jnp.int32),
        pltpu.VMEM((CHUNK,), jnp.int32),
        pltpu.VMEM((CHUNK,), jnp.int32),
    ] + [pltpu.VMEM((16, B), jnp.float32)] * NSTAT
    + [pltpu.VMEM((NSTAT, B), jnp.float32)],
)(_sc_body)


def _combine_body(parts_ref, o_ref):
    t = jnp.sum(parts_ref[...], axis=0)
    sa = t[0:1, :]
    sb = t[1:2, :]
    mx = t[2:3, :]
    ct = t[3:4, :]
    c4 = t[4:5, :]
    c1 = t[5:6, :]
    avg = mx / ct
    small = ct < 6.0
    c4 = jnp.where(small, c4, 0.0)
    c1 = jnp.where(small, c1, 0.0)
    j0 = jax.nn.sigmoid(5.0 * (sa + c1 * avg - 5.0 * avg))
    j1 = jax.nn.sigmoid(5.0 * (sb + c4 * avg - 1.0 * avg))
    o_ref[...] = jnp.concatenate([j0, j1], axis=0)


def kernel(sub_logits, original_indices, full_sub_labels, full_original_indices):
    parts = _sc_stage(sub_logits.reshape(-1), original_indices,
                      full_sub_labels, full_original_indices)
    cmb = pl.pallas_call(
        _combine_body,
        out_shape=jax.ShapeDtypeStruct((2, B), jnp.float32),
    )(parts)
    return cmb.T

# --- scband reference (transcript-rebuilt; emitter-appended) ---
"""Pipeline reference for scband-differentiable-aggregation-avg-6330781794350 (READ-ONLY COPY).

The authoritative reference and input builder live on the scoring server;
editing this copy changes nothing except your own understanding.
"""

import jax, jax.numpy as jnp
import numpy as np

K = 5.0
B = 64
N = 2097152

def setup_inputs(seed: int = 0) -> dict:
    key = jax.random.key(seed)
    k0, k1, k2, k3 = jax.random.split(key, 4)
    sub_logits = jax.random.normal(k0, (N, 3), dtype=jnp.float32)
    original_indices = jnp.sort(jax.random.randint(k1, (N,), 0, B, dtype=jnp.int64) if jnp.int64 == jnp.int64 else None)
    original_indices = jnp.sort(jax.random.randint(k1, (N,), 0, B)).astype(jnp.int32)
    full_sub_labels = jax.random.randint(k2, (N,), 0, 5).astype(jnp.int32)
    full_original_indices = jnp.sort(jax.random.randint(k3, (N,), 0, B)).astype(jnp.int32)
    return {
        "sub_logits": sub_logits,
        "original_indices": original_indices,
        "full_sub_labels": full_sub_labels,
        "full_original_indices": full_original_indices,
    }

def reference(sub_logits, original_indices, full_sub_labels, full_original_indices):
    # per-segment size over sub_logits segments
    ones = jnp.ones((sub_logits.shape[0],), dtype=sub_logits.dtype)
    seg_size = jax.ops.segment_sum(ones, original_indices, num_segments=B)
    # max over classes per sub-image, then segment mean
    row_max = jnp.max(sub_logits, axis=1)
    sum_max = jax.ops.segment_sum(row_max, original_indices, num_segments=B)
    avg_max = sum_max / seg_size
    # per-class segment sums
    sums = jax.ops.segment_sum(sub_logits, original_indices, num_segments=B)  # [B, 3]
    all0 = sums[:, 0]
    all1 = sums[:, 1]
    all2 = sums[:, 2]
    # label counts from full arrays, only used when segment has < 6 sub-images
    cnt4 = jax.ops.segment_sum((full_sub_labels == 4).astype(sub_logits.dtype), full_original_indices, num_segments=B)
    cnt1 = jax.ops.segment_sum((full_sub_labels == 1).astype(sub_logits.dtype), full_original_indices, num_segments=B)
    small = seg_size < 6.0
    cnt4 = jnp.where(small, cnt4, 0.0)
    cnt1 = jnp.where(small, cnt1, 0.0)
    class_0_judge = jax.nn.sigmoid(K * (all0 + cnt1 * avg_max - 5.0 * avg_max))
    class_1_judge = jax.nn.sigmoid(K * (all1 + all2 + cnt4 * avg_max - 1.0 * avg_max))
    total_logits = jnp.stack([class_0_judge, class_1_judge], axis=1)  # [B, 2]
    return total_logits

if __name__ == "__main__":
    import jax
    _d = setup_inputs()
    print(jax.jit(kernel)(*tuple(_d.values())))

</pallas_src>

<mosaic_0001>
#map = affine_map<(d0, d1) -> (0)>
#map1 = affine_map<(d0, d1) -> (0, 0, 0)>
module attributes {stable_mosaic.version = 14 : i64} {
  func.func @_sc_body(%arg0: i32, %arg1: i32, %arg2: memref<6291456xf32, #tpu.memory_space<hbm>>, %arg3: memref<2097152xi32, #tpu.memory_space<hbm>>, %arg4: memref<2097152xi32, #tpu.memory_space<hbm>>, %arg5: memref<2097152xi32, #tpu.memory_space<hbm>>, %arg6: memref<32x6x64xf32, #tpu.memory_space<hbm>>, %arg7: memref<24576xf32, #tpu.memory_space<vmem>>, %arg8: memref<8192xi32, #tpu.memory_space<vmem>>, %arg9: memref<8192xi32, #tpu.memory_space<vmem>>, %arg10: memref<8192xi32, #tpu.memory_space<vmem>>, %arg11: memref<16x64xf32, #tpu.memory_space<vmem>>, %arg12: memref<16x64xf32, #tpu.memory_space<vmem>>, %arg13: memref<16x64xf32, #tpu.memory_space<vmem>>, %arg14: memref<16x64xf32, #tpu.memory_space<vmem>>, %arg15: memref<16x64xf32, #tpu.memory_space<vmem>>, %arg16: memref<16x64xf32, #tpu.memory_space<vmem>>, %arg17: memref<6x64xf32, #tpu.memory_space<vmem>>) attributes {dimension_semantics = [#tpu.dimension_semantics<core_parallel>, #tpu.dimension_semantics<subcore_parallel>], iteration_bounds = array<i64: 2, 16>, scalar_prefetch = 0 : i64, scratch_operands = 11 : i64, tpu.core_type = #tpu.core_type<sc_vector_subcore>, window_params = [{transform_indices = #map}, {transform_indices = #map}, {transform_indices = #map}, {transform_indices = #map}, {transform_indices = #map1}]} {
    %mul3A = arith.constant 2 : i32
    %mul3A_0 = arith.muli %arg1, %mul3A : i32
    %add3A = arith.addi %mul3A_0, %arg0 : i32
    %iota3A = tpu.iota {dimensions = array<i32: 0>} : vector<16xi32>
    %mul3A_1 = arith.constant 3 : i32
    %mul3A_2 = vector.broadcast %mul3A_1 : i32 to vector<16xi32>
    %mul3A_3 = arith.muli %iota3A, %mul3A_2 : vector<16xi32>
    %broadcast_in_dim3A = arith.constant 0.000000e+00 : f32
    %broadcast_in_dim3A_4 = vector.broadcast %broadcast_in_dim3A : f32 to vector<16xf32>
    %broadcast_in_dim3A_5 = arith.constant 1.000000e+00 : f32
    %broadcast_in_dim3A_6 = vector.broadcast %broadcast_in_dim3A_5 : f32 to vector<16xf32>
    %swap3A = arith.constant 0 : i32
    %swap3A_7 = arith.index_cast %swap3A : i32 to index
    %swap3A_8 = arith.constant 0 : index
    %swap3A_9 = tpu.vector_load %arg11[%swap3A_7, %swap3A_8] {strides = array<i32>} : memref<16x64xf32, #tpu.memory_space<vmem>>, vector<16xf32>,
    tpu.vector_store %arg11[%swap3A_7, %swap3A_8], %broadcast_in_dim3A_4 {strides = array<i32>} : memref<16x64xf32, #tpu.memory_space<vmem>>, vector<16xf32>,
    %swap3A_10 = arith.constant 0 : i32
    %swap3A_11 = arith.index_cast %swap3A_10 : i32 to index
    %swap3A_12 = arith.constant 16 : index
    %swap3A_13 = tpu.vector_load %arg11[%swap3A_11, %swap3A_12] {strides = array<i32>} : memref<16x64xf32, #tpu.memory_space<vmem>>, vector<16xf32>,
    tpu.vector_store %arg11[%swap3A_11, %swap3A_12], %broadcast_in_dim3A_4 {strides = array<i32>} : memref<16x64xf32, #tpu.memory_space<vmem>>, vector<16xf32>,
    %swap3A_14 = arith.constant 0 : i32
    %swap3A_15 = arith.index_cast %swap3A_14 : i32 to index
    %swap3A_16 = arith.constant 32 : index
    %swap3A_17 = tpu.vector_load %arg11[%swap3A_15, %swap3A_16] {strides = array<i32>} : memref<16x64xf32, #tpu.memory_space<vmem>>, vector<16xf32>,
    tpu.vector_store %arg11[%swap3A_15, %swap3A_16], %broadcast_in_dim3A_4 {strides = array<i32>} : memref<16x64xf32, #tpu.memory_space<vmem>>, vector<16xf32>,
    %swap3A_18 = arith.constant 0 : i32
    %swap3A_19 = arith.index_cast %swap3A_18 : i32 to index
    %swap3A_20 = arith.constant 48 : index
    %swap3A_21 = tpu.vector_load %arg11[%swap3A_19, %swap3A_20] {strides = array<i32>} : memref<16x64xf32, #tpu.memory_space<vmem>>, vector<16xf32>,
    tpu.vector_store %arg11[%swap3A_19, %swap3A_20], %broadcast_in_dim3A_4 {strides = array<i32>} : memref<16x64xf32, #tpu.memory_space<vmem>>, vector<16xf32>,
    %swap3A_22 = arith.constant 1 : i32
    %swap3A_23 = arith.index_cast %swap3A_22 : i32 to index
    %swap3A_24 = arith.constant 0 : index
    %swap3A_25 = tpu.vector_load %arg11[%swap3A_23, %swap3A_24] {strides = array<i32>} : memref<16x64xf32, #tpu.memory_space<vmem>>, vector<16xf32>,
    tpu.vector_store %arg11[%swap3A_23, %swap3A_24], %broadcast_in_dim3A_4 {strides = array<i32>} : memref<16x64xf32, #tpu.memory_space<vmem>>, vector<16xf32>,
    %swap3A_26 = arith.constant 1 : i32
    %swap3A_27 = arith.index_cast %swap3A_26 : i32 to index
    %swap3A_28 = arith.constant 16 : index
    %swap3A_29 = tpu.vector_load %arg11[%swap3A_27, %swap3A_28] {strides = array<i32>} : memref<16x64xf32, #tpu.memory_space<vmem>>, vector<16xf32>,
    tpu.vector_store %arg11[%swap3A_27, %swap3A_28], %broadcast_in_dim3A_4 {strides = array<i32>} : memref<16x64xf32, #tpu.memory_space<vmem>>, vector<16xf32>,
    %swap3A_30 = arith.constant 1 : i32
    %swap3A_31 = arith.index_cast %swap3A_30 : i32 to index
    %swap3A_32 = arith.constant 32 : index
    %swap3A_33 = tpu.vector_load %arg11[%swap3A_31, %swap3A_32] {strides = array<i32>} : memref<16x64xf32, #tpu.memory_space<vmem>>, vector<16xf32>,
    tpu.vector_store %arg11[%swap3A_31, %swap3A_32], %broadcast_in_dim3A_4 {strides = array<i32>} : memref<16x64xf32, #tpu.memory_space<vmem>>, vector<16xf32>,
    %swap3A_34 = arith.constant 1 : i32
    %swap3A_35 = arith.index_cast %swap3A_34 : i32 to index
    %swap3A_36 = arith.constant 48 : index
    %swap3A_37 = tpu.vector_load %arg11[%swap3A_35, %swap3A_36] {strides = array<i32>} : memref<16x64xf32, #tpu.memory_space<vmem>>, vector<16xf32>,
    tpu.vector_store %arg11[%swap3A_35, %swap3A_36], %broadcast_in_dim3A_4 {strides = array<i32>} : memref<16x64xf32, #tpu.memory_space<vmem>>, vector<16xf32>,
    %swap3A_38 = arith.constant 2 : i32
    %swap3A_39 = arith.index_cast %swap3A_38 : i32 to index
    %swap3A_40 = arith.constant 0 : index
    %swap3A_41 = tpu.vector_load %arg11[%swap3A_39, %swap3A_40] {strides = array<i32>} : memref<16x64xf32, #tpu.memory_space<vmem>>, vector<16xf32>,
    tpu.vector_store %arg11[%swap3A_39, %swap3A_40], %broadcast_in_dim3A_4 {strides = array<i32>} : memref<16x64xf32, #tpu.memory_space<vmem>>, vector<16xf32>,
    %swap3A_42 = arith.constant 2 : i32
    %swap3A_43 = arith.index_cast %swap3A_42 : i32 to index
    %swap3A_44 = arith.constant 16 : index
    %swap3A_45 = tpu.vector_load %arg11[%swap3A_43, %swap3A_44] {strides = array<i32>} : memref<16x64xf32, #tpu.memory_space<vmem>>, vector<16xf32>,
    tpu.vector_store %arg11[%swap3A_43, %swap3A_44], %broadcast_in_dim3A_4 {strides = array<i32>} : memref<16x64xf32, #tpu.memory_space<vmem>>, vector<16xf32>,
    %swap3A_46 = arith.constant 2 : i32
    %swap3A_47 = arith.index_cast %swap3A_46 : i32 to index
    %swap3A_48 = arith.constant 32 : index
    %swap3A_49 = tpu.vector_load %arg11[%swap3A_47, %swap3A_48] {strides = array<i32>} : memref<16x64xf32, #tpu.memory_space<vmem>>, vector<16xf32>,
    tpu.vector_store %arg11[%swap3A_47, %swap3A_48], %broadcast_in_dim3A_4 {strides = array<i32>} : memref<16x64xf32, #tpu.memory_space<vmem>>, vector<16xf32>,
    %swap3A_50 = arith.constant 2 : i32
    %swap3A_51 = arith.index_cast %swap3A_50 : i32 to index
    %swap3A_52 = arith.constant 48 : index
    %swap3A_53 = tpu.vector_load %arg11[%swap3A_51, %swap3A_52] {strides = array<i32>} : memref<16x64xf32, #tpu.memory_space<vmem>>, vector<16xf32>,
    tpu.vector_store %arg11[%swap3A_51, %swap3A_52], %broadcast_in_dim3A_4 {strides = array<i32>} : memref<16x64xf32, #tpu.memory_space<vmem>>, vector<16xf32>,
    %swap3A_54 = arith.constant 3 : i32
    %swap3A_55 = arith.index_cast %swap3A_54 : i32 to index
    %swap3A_56 = arith.constant 0 : index
    %swap3A_57 = tpu.vector_load %arg11[%swap3A_55, %swap3A_56] {strides = array<i32>} : memref<16x64xf32, #tpu.memory_space<vmem>>, vector<16xf32>,
    tpu.vector_store %arg11[%swap3A_55, %swap3A_56], %broadcast_in_dim3A_4 {strides = array<i32>} : memref<16x64xf32, #tpu.memory_space<vmem>>, vector<16xf32>,
    %swap3A_58 = arith.constant 3 : i32
    %swap3A_59 = arith.index_cast %swap3A_58 : i32 to index
    %swap3A_60 = arith.constant 16 : index
    %swap3A_61 = tpu.vector_load %arg11[%swap3A_59, %swap3A_60] {strides = array<i32>} : memref<16x64xf32, #tpu.memory_space<vmem>>, vector<16xf32>,
    tpu.vector_store %arg11[%swap3A_59, %swap3A_60], %broadcast_in_dim3A_4 {strides = array<i32>} : memref<16x64xf32, #tpu.memory_space<vmem>>, vector<16xf32>,
    %swap3A_62 = arith.constant 3 : i32
    %swap3A_63 = arith.index_cast %swap3A_62 : i32 to index
    %swap3A_64 = arith.constant 32 : index
    %swap3A_65 = tpu.vector_load %arg11[%swap3A_63, %swap3A_64] {strides = array<i32>} : memref<16x64xf32, #tpu.memory_space<vmem>>, vector<16xf32>,
    tpu.vector_store %arg11[%swap3A_63, %swap3A_64], %broadcast_in_dim3A_4 {strides = array<i32>} : memref<16x64xf32, #tpu.memory_space<vmem>>, vector<16xf32>,
    %swap3A_66 = arith.constant 3 : i32
    %swap3A_67 = arith.index_cast %swap3A_66 : i32 to index
    %swap3A_68 = arith.constant 48 : index
    %swap3A_69 = tpu.vector_load %arg11[%swap3A_67, %swap3A_68] {strides = array<i32>} : memref<16x64xf32, #tpu.memory_space<vmem>>, vector<16xf32>,
    tpu.vector_store %arg11[%swap3A_67, %swap3A_68], %broadcast_in_dim3A_4 {strides = array<i32>} : memref<16x64xf32, #tpu.memory_space<vmem>>, vector<16xf32>,
    %swap3A_70 = arith.constant 4 : i32
    %swap3A_71 = arith.index_cast %swap3A_70 : i32 to index
    %swap3A_72 = arith.constant 0 : index
    %swap3A_73 = tpu.vector_load %arg11[%swap3A_71, %swap3A_72] {strides = array<i32>} : memref<16x64xf32, #tpu.memory_space<vmem>>, vector<16xf32>,
    tpu.vector_store %arg11[%swap3A_71, %swap3A_72], %broadcast_in_dim3A_4 {strides = array<i32>} : memref<16x64xf32, #tpu.memory_space<vmem>>, vector<16xf32>,
    %swap3A_74 = arith.constant 4 : i32
    %swap3A_75 = arith.index_cast %swap3A_74 : i32 to index
    %swap3A_76 = arith.constant 16 : index
    %swap3A_77 = tpu.vector_load %arg11[%swap3A_75, %swap3A_76] {strides = array<i32>} : memref<16x64xf32, #tpu.memory_space<vmem>>, vector<16xf32>,
    tpu.vector_store %arg11[%swap3A_75, %swap3A_76], %broadcast_in_dim3A_4 {strides = array<i32>} : memref<16x64xf32, #tpu.memory_space<vmem>>, vector<16xf32>,
    %swap3A_78 = arith.constant 4 : i32
    %swap3A_79 = arith.index_cast %swap3A_78 : i32 to index
    %swap3A_80 = arith.constant 32 : index
    %swap3A_81 = tpu.vector_load %arg11[%swap3A_79, %swap3A_80] {strides = array<i32>} : memref<16x64xf32, #tpu.memory_space<vmem>>, vector<16xf32>,
    tpu.vector_store %arg11[%swap3A_79, %swap3A_80], %broadcast_in_dim3A_4 {strides = array<i32>} : memref<16x64xf32, #tpu.memory_space<vmem>>, vector<16xf32>,
    %swap3A_82 = arith.constant 4 : i32
    %swap3A_83 = arith.index_cast %swap3A_82 : i32 to index
    %swap3A_84 = arith.constant 48 : index
    %swap3A_85 = tpu.vector_load %arg11[%swap3A_83, %swap3A_84] {strides = array<i32>} : memref<16x64xf32, #tpu.memory_space<vmem>>, vector<16xf32>,
    tpu.vector_store %arg11[%swap3A_83, %swap3A_84], %broadcast_in_dim3A_4 {strides = array<i32>} : memref<16x64xf32, #tpu.memory_space<vmem>>, vector<16xf32>,
    %swap3A_86 = arith.constant 5 : i32
    %swap3A_87 = arith.index_cast %swap3A_86 : i32 to index
    %swap3A_88 = arith.constant 0 : index
    %swap3A_89 = tpu.vector_load %arg11[%swap3A_87, %swap3A_88] {strides = array<i32>} : memref<16x64xf32, #tpu.memory_space<vmem>>, vector<16xf32>,
    tpu.vector_store %arg11[%swap3A_87, %swap3A_88], %broadcast_in_dim3A_4 {strides = array<i32>} : memref<16x64xf32, #tpu.memory_space<vmem>>, vector<16xf32>,
    %swap3A_90 = arith.constant 5 : i32
    %swap3A_91 = arith.index_cast %swap3A_90 : i32 to index
    %swap3A_92 = arith.constant 16 : index
    %swap3A_93 = tpu.vector_load %arg11[%swap3A_91, %swap3A_92] {strides = array<i32>} : memref<16x64xf32, #tpu.memory_space<vmem>>, vector<16xf32>,
    tpu.vector_store %arg11[%swap3A_91, %swap3A_92], %broadcast_in_dim3A_4 {strides = array<i32>} : memref<16x64xf32, #tpu.memory_space<vmem>>, vector<16xf32>,
    %swap3A_94 = arith.constant 5 : i32
    %swap3A_95 = arith.index_cast %swap3A_94 : i32 to index
    %swap3A_96 = arith.constant 32 : index
    %swap3A_97 = tpu.vector_load %arg11[%swap3A_95, %swap3A_96] {strides = array<i32>} : memref<16x64xf32, #tpu.memory_space<vmem>>, vector<16xf32>,
    tpu.vector_store %arg11[%swap3A_95, %swap3A_96], %broadcast_in_dim3A_4 {strides = array<i32>} : memref<16x64xf32, #tpu.memory_space<vmem>>, vector<16xf32>,
    %swap3A_98 = arith.constant 5 : i32
    %swap3A_99 = arith.index_cast %swap3A_98 : i32 to index
    %swap3A_100 = arith.constant 48 : index
    %swap3A_101 = tpu.vector_load %arg11[%swap3A_99, %swap3A_100] {strides = array<i32>} : memref<16x64xf32, #tpu.memory_space<vmem>>, vector<16xf32>,
    tpu.vector_store %arg11[%swap3A_99, %swap3A_100], %broadcast_in_dim3A_4 {strides = array<i32>} : memref<16x64xf32, #tpu.memory_space<vmem>>, vector<16xf32>,
    %swap3A_102 = arith.constant 6 : i32
    %swap3A_103 = arith.index_cast %swap3A_102 : i32 to index
    %swap3A_104 = arith.constant 0 : index
    %swap3A_105 = tpu.vector_load %arg11[%swap3A_103, %swap3A_104] {strides = array<i32>} : memref<16x64xf32, #tpu.memory_space<vmem>>, vector<16xf32>,
    tpu.vector_store %arg11[%swap3A_103, %swap3A_104], %broadcast_in_dim3A_4 {strides = array<i32>} : memref<16x64xf32, #tpu.memory_space<vmem>>, vector<16xf32>,
    %swap3A_106 = arith.constant 6 : i32
    %swap3A_107 = arith.index_cast %swap3A_106 : i32 to index
    %swap3A_108 = arith.constant 16 : index
    %swap3A_109 = tpu.vector_load %arg11[%swap3A_107, %swap3A_108] {strides = array<i32>} : memref<16x64xf32, #tpu.memory_space<vmem>>, vector<16xf32>,
    tpu.vector_store %arg11[%swap3A_107, %swap3A_108], %broadcast_in_dim3A_4 {strides = array<i32>} : memref<16x64xf32, #tpu.memory_space<vmem>>, vector<16xf32>,
    %swap3A_110 = arith.constant 6 : i32
    %swap3A_111 = arith.index_cast %swap3A_110 : i32 to index
    %swap3A_112 = arith.constant 32 : index
    %swap3A_113 = tpu.vector_load %arg11[%swap3A_111, %swap3A_112] {strides = array<i32>} : memref<16x64xf32, #tpu.memory_space<vmem>>, vector<16xf32>,
    tpu.vector_store %arg11[%swap3A_111, %swap3A_112], %broadcast_in_dim3A_4 {strides = array<i32>} : memref<16x64xf32, #tpu.memory_space<vmem>>, vector<16xf32>,
    %swap3A_114 = arith.constant 6 : i32
    %swap3A_115 = arith.index_cast %swap3A_114 : i32 to index
    %swap3A_116 = arith.constant 48 : index
    %swap3A_117 = tpu.vector_load %arg11[%swap3A_115, %swap3A_116] {strides = array<i32>} : memref<16x64xf32, #tpu.memory_space<vmem>>, vector<16xf32>,
    tpu.vector_store %arg11[%swap3A_115, %swap3A_116], %broadcast_in_dim3A_4 {strides = array<i32>} : memref<16x64xf32, #tpu.memory_space<vmem>>, vector<16xf32>,
    %swap3A_118 = arith.constant 7 : i32
    %swap3A_119 = arith.index_cast %swap3A_118 : i32 to index
    %swap3A_120 = arith.constant 0 : index
    %swap3A_121 = tpu.vector_load %arg11[%swap3A_119, %swap3A_120] {strides = array<i32>} : memref<16x64xf32, #tpu.memory_space<vmem>>, vector<16xf32>,
    tpu.vector_store %arg11[%swap3A_119, %swap3A_120], %broadcast_in_dim3A_4 {strides = array<i32>} : memref<16x64xf32, #tpu.memory_space<vmem>>, vector<16xf32>,
    %swap3A_122 = arith.constant 7 : i32
    %swap3A_123 = arith.index_cast %swap3A_122 : i32 to index
    %swap3A_124 = arith.constant 16 : index
    %swap3A_125 = tpu.vector_load %arg11[%swap3A_123, %swap3A_124] {strides = array<i32>} : memref<16x64xf32, #tpu.memory_space<vmem>>, vector<16xf32>,
    tpu.vector_store %arg11[%swap3A_123, %swap3A_124], %broadcast_in_dim3A_4 {strides = array<i32>} : memref<16x64xf32, #tpu.memory_space<vmem>>, vector<16xf32>,
    %swap3A_126 = arith.constant 7 : i32
    %swap3A_127 = arith.index_cast %swap3A_126 : i32 to index
    %swap3A_128 = arith.constant 32 : index
    %swap3A_129 = tpu.vector_load %arg11[%swap3A_127, %swap3A_128] {strides = array<i32>} : memref<16x64xf32, #tpu.memory_space<vmem>>, vector<16xf32>,
    tpu.vector_store %arg11[%swap3A_127, %swap3A_128], %broadcast_in_dim3A_4 {strides = array<i32>} : memref<16x64xf32, #tpu.memory_space<vmem>>, vector<16xf32>,
    %swap3A_130 = arith.constant 7 : i32
    %swap3A_131 = arith.index_cast %swap3A_130 : i32 to index
    %swap3A_132 = arith.constant 48 : index
    %swap3A_133 = tpu.vector_load %arg11[%swap3A_131, %swap3A_132] {strides = array<i32>} : memref<16x64xf32, #tpu.memory_space<vmem>>, vector<16xf32>,
    tpu.vector_store %arg11[%swap3A_131, %swap3A_132], %broadcast_in_dim3A_4 {strides = array<i32>} : memref<16x64xf32, #tpu.memory_space<vmem>>, vector<16xf32>,
    %swap3A_134 = arith.constant 8 : i32
    %swap3A_135 = arith.index_cast %swap3A_134 : i32 to index
    %swap3A_136 = arith.constant 0 : index
    %swap3A_137 = tpu.vector_load %arg11[%swap3A_135, %swap3A_136] {strides = array<i32>} : memref<16x64xf32, #tpu.memory_space<vmem>>, vector<16xf32>,
    tpu.vector_store %arg11[%swap3A_135, %swap3A_136], %broadcast_in_dim3A_4 {strides = array<i32>} : memref<16x64xf32, #tpu.memory_space<vmem>>, vector<16xf32>,
    %swap3A_138 = arith.constant 8 : i32
    %swap3A_139 = arith.index_cast %swap3A_138 : i32 to index
    %swap3A_140 = arith.constant 16 : index
    %swap3A_141 = tpu.vector_load %arg11[%swap3A_139, %swap3A_140] {strides = array<i32>} : memref<16x64xf32, #tpu.memory_space<vmem>>, vector<16xf32>,
    tpu.vector_store %arg11[%swap3A_139, %swap3A_140], %broadcast_in_dim3A_4 {strides = array<i32>} : memref<16x64xf32, #tpu.memory_space<vmem>>, vector<16xf32>,
    %swap3A_142 = arith.constant 8 : i32
    %swap3A_143 = arith.index_cast %swap3A_142 : i32 to index
    %swap3A_144 = arith.constant 32 : index
    %swap3A_145 = tpu.vector_load %arg11[%swap3A_143, %swap3A_144] {strides = array<i32>} : memref<16x64xf32, #tpu.memory_space<vmem>>, vector<16xf32>,
    tpu.vector_store %arg11[%swap3A_143, %swap3A_144], %broadcast_in_dim3A_4 {strides = array<i32>} : memref<16x64xf32, #tpu.memory_space<vmem>>, vector<16xf32>,
    %swap3A_146 = arith.constant 8 : i32
    %swap3A_147 = arith.index_cast %swap3A_146 : i32 to index
    %swap3A_148 = arith.constant 48 : index
    %swap3A_149 = tpu.vector_load %arg11[%swap3A_147, %swap3A_148] {strides = array<i32>} : memref<16x64xf32, #tpu.memory_space<vmem>>, vector<16xf32>,
    tpu.vector_store %arg11[%swap3A_147, %swap3A_148], %broadcast_in_dim3A_4 {strides = array<i32>} : memref<16x64xf32, #tpu.memory_space<vmem>>, vector<16xf32>,
    %swap3A_150 = arith.constant 9 : i32
    %swap3A_151 = arith.index_cast %swap3A_150 : i32 to index
    %swap3A_152 = arith.constant 0 : index
    %swap3A_153 = tpu.vector_load %arg11[%swap3A_151, %swap3A_152] {strides = array<i32>} : memref<16x64xf32, #tpu.memory_space<vmem>>, vector<16xf32>,
    tpu.vector_store %arg11[%swap3A_151, %swap3A_152], %broadcast_in_dim3A_4 {strides = array<i32>} : memref<16x64xf32, #tpu.memory_space<vmem>>, vector<16xf32>,
    %swap3A_154 = arith.constant 9 : i32
    %swap3A_155 = arith.index_cast %swap3A_154 : i32 to index
    %swap3A_156 = arith.constant 16 : index
    %swap3A_157 = tpu.vector_load %arg11[%swap3A_155, %swap3A_156] {strides = array<i32>} : memref<16x64xf32, #tpu.memory_space<vmem>>, vector<16xf32>,
    tpu.vector_store %arg11[%swap3A_155, %swap3A_156], %broadcast_in_dim3A_4 {strides = array<i32>} : memref<16x64xf32, #tpu.memory_space<vmem>>, vector<16xf32>,
    %swap3A_158 = arith.constant 9 : i32
    %swap3A_159 = arith.index_cast %swap3A_158 : i32 to index
    %swap3A_160 = arith.constant 32 : index
    %swap3A_161 = tpu.vector_load %arg11[%swap3A_159, %swap3A_160] {strides = array<i32>} : memref<16x64xf32, #tpu.memory_space<vmem>>, vector<16xf32>,
    tpu.vector_store %arg11[%swap3A_159, %swap3A_160], %broadcast_in_dim3A_4 {strides = array<i32>} : memref<16x64xf32, #tpu.memory_space<vmem>>, vector<16xf32>,
    %swap3A_162 = arith.constant 9 : i32
    %swap3A_163 = arith.index_cast %swap3A_162 : i32 to index
    %swap3A_164 = arith.constant 48 : index
    %swap3A_165 = tpu.vector_load %arg11[%swap3A_163, %swap3A_164] {strides = array<i32>} : memref<16x64xf32, #tpu.memory_space<vmem>>, vector<16xf32>,
    tpu.vector_store %arg11[%swap3A_163, %swap3A_164], %broadcast_in_dim3A_4 {strides = array<i32>} : memref<16x64xf32, #tpu.memory_space<vmem>>, vector<16xf32>,
    %swap3A_166 = arith.constant 10 : i32
    %swap3A_167 = arith.index_cast %swap3A_166 : i32 to index
    %swap3A_168 = arith.constant 0 : index
    %swap3A_169 = tpu.vector_load %arg11[%swap3A_167, %swap3A_168] {strides = array<i32>} : memref<16x64xf32, #tpu.memory_space<vmem>>, vector<16xf32>,
    tpu.vector_store %arg11[%swap3A_167, %swap3A_168], %broadcast_in_dim3A_4 {strides = array<i32>} : memref<16x64xf32, #tpu.memory_space<vmem>>, vector<16xf32>,
    %swap3A_170 = arith.constant 10 : i32
    %swap3A_171 = arith.index_cast %swap3A_170 : i32 to index
    %swap3A_172 = arith.constant 16 : index
    %swap3A_173 = tpu.vector_load %arg11[%swap3A_171, %swap3A_172] {strides = array<i32>} : memref<16x64xf32, #tpu.memory_space<vmem>>, vector<16xf32>,
    tpu.vector_store %arg11[%swap3A_171, %swap3A_172], %broadcast_in_dim3A_4 {strides = array<i32>} : memref<16x64xf32, #tpu.memory_space<vmem>>, vector<16xf32>,
    %swap3A_174 = arith.constant 10 : i32
    %swap3A_175 = arith.index_cast %swap3A_174 : i32 to index
    %swap3A_176 = arith.constant 32 : index
    %swap3A_177 = tpu.vector_load %arg11[%swap3A_175, %swap3A_176] {strides = array<i32>} : memref<16x64xf32, #tpu.memory_space<vmem>>, vector<16xf32>,
    tpu.vector_store %arg11[%swap3A_175, %swap3A_176], %broadcast_in_dim3A_4 {strides = array<i32>} : memref<16x64xf32, #tpu.memory_space<vmem>>, vector<16xf32>,
    %swap3A_178 = arith.constant 10 : i32
    %swap3A_179 = arith.index_cast %swap3A_178 : i32 to index
    %swap3A_180 = arith.constant 48 : index
    %swap3A_181 = tpu.vector_load %arg11[%swap3A_179, %swap3A_180] {strides = array<i32>} : memref<16x64xf32, #tpu.memory_space<vmem>>, vector<16xf32>,
    tpu.vector_store %arg11[%swap3A_179, %swap3A_180], %broadcast_in_dim3A_4 {strides = array<i32>} : memref<16x64xf32, #tpu.memory_space<vmem>>, vector<16xf32>,
    %swap3A_182 = arith.constant 11 : i32
    %swap3A_183 = arith.index_cast %swap3A_182 : i32 to index
    %swap3A_184 = arith.constant 0 : index
    %swap3A_185 = tpu.vector_load %arg11[%swap3A_183, %swap3A_184] {strides = array<i32>} : memref<16x64xf32, #tpu.memory_space<vmem>>, vector<16xf32>,
    tpu.vector_store %arg11[%swap3A_183, %swap3A_184], %broadcast_in_dim3A_4 {strides = array<i32>} : memref<16x64xf32, #tpu.memory_space<vmem>>, vector<16xf32>,
    %swap3A_186 = arith.constant 11 : i32
    %swap3A_187 = arith.index_cast %swap3A_186 : i32 to index
    %swap3A_188 = arith.constant 16 : index
    %swap3A_189 = tpu.vector_load %arg11[%swap3A_187, %swap3A_188] {strides = array<i32>} : memref<16x64xf32, #tpu.memory_space<vmem>>, vector<16xf32>,
    tpu.vector_store %arg11[%swap3A_187, %swap3A_188], %broadcast_in_dim3A_4 {strides = array<i32>} : memref<16x64xf32, #tpu.memory_space<vmem>>, vector<16xf32>,
    %swap3A_190 = arith.constant 11 : i32
    %swap3A_191 = arith.index_cast %swap3A_190 : i32 to index
    %swap3A_192 = arith.constant 32 : index
    %swap3A_193 = tpu.vector_load %arg11[%swap3A_191, %swap3A_192] {strides = array<i32>} : memref<16x64xf32, #tpu.memory_space<vmem>>, vector<16xf32>,
    tpu.vector_store %arg11[%swap3A_191, %swap3A_192], %broadcast_in_dim3A_4 {strides = array<i32>} : memref<16x64xf32, #tpu.memory_space<vmem>>, vector<16xf32>,
    %swap3A_194 = arith.constant 11 : i32
    %swap3A_195 = arith.index_cast %swap3A_194 : i32 to index
    %swap3A_196 = arith.constant 48 : index
    %swap3A_197 = tpu.vector_load %arg11[%swap3A_195, %swap3A_196] {strides = array<i32>} : memref<16x64xf32, #tpu.memory_space<vmem>>, vector<16xf32>,
    tpu.vector_store %arg11[%swap3A_195, %swap3A_196], %broadcast_in_dim3A_4 {strides = array<i32>} : memref<16x64xf32, #tpu.memory_space<vmem>>, vector<16xf32>,
    %swap3A_198 = arith.constant 12 : i32
    %swap3A_199 = arith.index_cast %swap3A_198 : i32 to index
    %swap3A_200 = arith.constant 0 : index
    %swap3A_201 = tpu.vector_load %arg11[%swap3A_199, %swap3A_200] {strides = array<i32>} : memref<16x64xf32, #tpu.memory_space<vmem>>, vector<16xf32>,
    tpu.vector_store %arg11[%swap3A_199, %swap3A_200], %broadcast_in_dim3A_4 {strides = array<i32>} : memref<16x64xf32, #tpu.memory_space<vmem>>, vector<16xf32>,
    %swap3A_202 = arith.constant 12 : i32
    %swap3A_203 = arith.index_cast %swap3A_202 : i32 to index
    %swap3A_204 = arith.constant 16 : index
    %swap3A_205 = tpu.vector_load %arg11[%swap3A_203, %swap3A_204] {strides = array<i32>} : memref<16x64xf32, #tpu.memory_space<vmem>>, vector<16xf32>,
    tpu.vector_store %arg11[%swap3A_203, %swap3A_204], %broadcast_in_dim3A_4 {strides = array<i32>} : memref<16x64xf32, #tpu.memory_space<vmem>>, vector<16xf32>,
    %swap3A_206 = arith.constant 12 : i32
    %swap3A_207 = arith.index_cast %swap3A_206 : i32 to index
    %swap3A_208 = arith.constant 32 : index
    %swap3A_209 = tpu.vector_load %arg11[%swap3A_207, %swap3A_208] {strides = array<i32>} : memref<16x64xf32, #tpu.memory_space<vmem>>, vector<16xf32>,
    tpu.vector_store %arg11[%swap3A_207, %swap3A_208], %broadcast_in_dim3A_4 {strides = array<i32>} : memref<16x64xf32, #tpu.memory_space<vmem>>, vector<16xf32>,
    %swap3A_210 = arith.constant 12 : i32
    %swap3A_211 = arith.index_cast %swap3A_210 : i32 to index
    %swap3A_212 = arith.constant 48 : index
    %swap3A_213 = tpu.vector_load %arg11[%swap3A_211, %swap3A_212] {strides = array<i32>} : memref<16x64xf32, #tpu.memory_space<vmem>>, vector<16xf32>,
    tpu.vector_store %arg11[%swap3A_211, %swap3A_212], %broadcast_in_dim3A_4 {strides = array<i32>} : memref<16x64xf32, #tpu.memory_space<vmem>>, vector<16xf32>,
    %swap3A_214 = arith.constant 13 : i32
    %swap3A_215 = arith.index_cast %swap3A_214 : i32 to index
    %swap3A_216 = arith.constant 0 : index
    %swap3A_217 = tpu.vector_load %arg11[%swap3A_215, %swap3A_216] {strides = array<i32>} : memref<16x64xf32, #tpu.memory_space<vmem>>, vector<16xf32>,
    tpu.vector_store %arg11[%swap3A_215, %swap3A_216], %broadcast_in_dim3A_4 {strides = array<i32>} : memref<16x64xf32, #tpu.memory_space<vmem>>, vector<16xf32>,
    %swap3A_218 = arith.constant 13 : i32
    %swap3A_219 = arith.index_cast %swap3A_218 : i32 to index
    %swap3A_220 = arith.constant 16 : index
    %swap3A_221 = tpu.vector_load %arg11[%swap3A_219, %swap3A_220] {strides = array<i32>} : memref<16x64xf32, #tpu.memory_space<vmem>>, vector<16xf32>,
    tpu.vector_store %arg11[%swap3A_219, %swap3A_220], %broadcast_in_dim3A_4 {strides = array<i32>} : memref<16x64xf32, #tpu.memory_space<vmem>>, vector<16xf32>,
    %swap3A_222 = arith.constant 13 : i32
    %swap3A_223 = arith.index_cast %swap3A_222 : i32 to index
    %swap3A_224 = arith.constant 32 : index
    %swap3A_225 = tpu.vector_load %arg11[%swap3A_223, %swap3A_224] {strides = array<i32>} : memref<16x64xf32, #tpu.memory_space<vmem>>, vector<16xf32>,
    tpu.vector_store %arg11[%swap3A_223, %swap3A_224], %broadcast_in_dim3A_4 {strides = array<i32>} : memref<16x64xf32, #tpu.memory_space<vmem>>, vector<16xf32>,
    %swap3A_226 = arith.constant 13 : i32
    %swap3A_227 = arith.index_cast %swap3A_226 : i32 to index
    %swap3A_228 = arith.constant 48 : index
    %swap3A_229 = tpu.vector_load %arg11[%swap3A_227, %swap3A_228] {strides = array<i32>} : memref<16x64xf32, #tpu.memory_space<vmem>>, vector<16xf32>,
    tpu.vector_store %arg11[%swap3A_227, %swap3A_228], %broadcast_in_dim3A_4 {strides = array<i32>} : memref<16x64xf32, #tpu.memory_space<vmem>>, vector<16xf32>,
    %swap3A_230 = arith.constant 14 : i32
    %swap3A_231 = arith.index_cast %swap3A_230 : i32 to index
    %swap3A_232 = arith.constant 0 : index
    %swap3A_233 = tpu.vector_load %arg11[%swap3A_231, %swap3A_232] {strides = array<i32>} : memref<16x64xf32, #tpu.memory_space<vmem>>, vector<16xf32>,
    tpu.vector_store %arg11[%swap3A_231, %swap3A_232], %broadcast_in_dim3A_4 {strides = array<i32>} : memref<16x64xf32, #tpu.memory_space<vmem>>, vector<16xf32>,
    %swap3A_234 = arith.constant 14 : i32
    %swap3A_235 = arith.index_cast %swap3A_234 : i32 to index
    %swap3A_236 = arith.constant 16 : index
    %swap3A_237 = tpu.vector_load %arg11[%swap3A_235, %swap3A_236] {strides = array<i32>} : memref<16x64xf32, #tpu.memory_space<vmem>>, vector<16xf32>,
    tpu.vector_store %arg11[%swap3A_235, %swap3A_236], %broadcast_in_dim3A_4 {strides = array<i32>} : memref<16x64xf32, #tpu.memory_space<vmem>>, vector<16xf32>,
    %swap3A_238 = arith.constant 14 : i32
    %swap3A_239 = arith.index_cast %swap3A_238 : i32 to index
    %swap3A_240 = arith.constant 32 : index
    %swap3A_241 = tpu.vector_load %arg11[%swap3A_239, %swap3A_240] {strides = array<i32>} : memref<16x64xf32, #tpu.memory_space<vmem>>, vector<16xf32>,
    tpu.vector_store %arg11[%swap3A_239, %swap3A_240], %broadcast_in_dim3A_4 {strides = array<i32>} : memref<16x64xf32, #tpu.memory_space<vmem>>, vector<16xf32>,
    %swap3A_242 = arith.constant 14 : i32
    %swap3A_243 = arith.index_cast %swap3A_242 : i32 to index
    %swap3A_244 = arith.constant 48 : index
    %swap3A_245 = tpu.vector_load %arg11[%swap3A_243, %swap3A_244] {strides = array<i32>} : memref<16x64xf32, #tpu.memory_space<vmem>>, vector<16xf32>,
    tpu.vector_store %arg11[%swap3A_243, %swap3A_244], %broadcast_in_dim3A_4 {strides = array<i32>} : memref<16x64xf32, #tpu.memory_space<vmem>>, vector<16xf32>,
    %swap3A_246 = arith.constant 15 : i32
    %swap3A_247 = arith.index_cast %swap3A_246 : i32 to index
    %swap3A_248 = arith.constant 0 : index
    %swap3A_249 = tpu.vector_load %arg11[%swap3A_247, %swap3A_248] {strides = array<i32>} : memref<16x64xf32, #tpu.memory_space<vmem>>, vector<16xf32>,
    tpu.vector_store %arg11[%swap3A_247, %swap3A_248], %broadcast_in_dim3A_4 {strides = array<i32>} : memref<16x64xf32, #tpu.memory_space<vmem>>, vector<16xf32>,
    %swap3A_250 = arith.constant 15 : i32
    %swap3A_251 = arith.index_cast %swap3A_250 : i32 to index
    %swap3A_252 = arith.constant 16 : index
    %swap3A_253 = tpu.vector_load %arg11[%swap3A_251, %swap3A_252] {strides = array<i32>} : memref<16x64xf32, #tpu.memory_space<vmem>>, vector<16xf32>,
    tpu.vector_store %arg11[%swap3A_251, %swap3A_252], %broadcast_in_dim3A_4 {strides = array<i32>} : memref<16x64xf32, #tpu.memory_space<vmem>>, vector<16xf32>,
    %swap3A_254 = arith.constant 15 : i32
    %swap3A_255 = arith.index_cast %swap3A_254 : i32 to index
    %swap3A_256 = arith.constant 32 : index
    %swap3A_257 = tpu.vector_load %arg11[%swap3A_255, %swap3A_256] {strides = array<i32>} : memref<16x64xf32, #tpu.memory_space<vmem>>, vector<16xf32>,
    tpu.vector_store %arg11[%swap3A_255, %swap3A_256], %broadcast_in_dim3A_4 {strides = array<i32>} : memref<16x64xf32, #tpu.memory_space<vmem>>, vector<16xf32>,
    %swap3A_258 = arith.constant 15 : i32
    %swap3A_259 = arith.index_cast %swap3A_258 : i32 to index
    %swap3A_260 = arith.constant 48 : index
    %swap3A_261 = tpu.vector_load %arg11[%swap3A_259, %swap3A_260] {strides = array<i32>} : memref<16x64xf32, #tpu.memory_space<vmem>>, vector<16xf32>,
    tpu.vector_store %arg11[%swap3A_259, %swap3A_260], %broadcast_in_dim3A_4 {strides = array<i32>} : memref<16x64xf32, #tpu.memory_space<vmem>>, vector<16xf32>,
    %swap3A_262 = arith.constant 0 : i32
    %swap3A_263 = arith.index_cast %swap3A_262 : i32 to index
    %swap3A_264 = arith.constant 0 : index
    %swap3A_265 = tpu.vector_load %arg12[%swap3A_263, %swap3A_264] {strides = array<i32>} : memref<16x64xf32, #tpu.memory_space<vmem>>, vector<16xf32>,
    tpu.vector_store %arg12[%swap3A_263, %swap3A_264], %broadcast_in_dim3A_4 {strides = array<i32>} : memref<16x64xf32, #tpu.memory_space<vmem>>, vector<16xf32>,
    %swap3A_266 = arith.constant 0 : i32
    %swap3A_267 = arith.index_cast %swap3A_266 : i32 to index
    %swap3A_268 = arith.constant 16 : index
    %swap3A_269 = tpu.vector_load %arg12[%swap3A_267, %swap3A_268] {strides = array<i32>} : memref<16x64xf32, #tpu.memory_space<vmem>>, vector<16xf32>,
    tpu.vector_store %arg12[%swap3A_267, %swap3A_268], %broadcast_in_dim3A_4 {strides = array<i32>} : memref<16x64xf32, #tpu.memory_space<vmem>>, vector<16xf32>,
    %swap3A_270 = arith.constant 0 : i32
    %swap3A_271 = arith.index_cast %swap3A_270 : i32 to index
    %swap3A_272 = arith.constant 32 : index
    %swap3A_273 = tpu.vector_load %arg12[%swap3A_271, %swap3A_272] {strides = array<i32>} : memref<16x64xf32, #tpu.memory_space<vmem>>, vector<16xf32>,
    tpu.vector_store %arg12[%swap3A_271, %swap3A_272], %broadcast_in_dim3A_4 {strides = array<i32>} : memref<16x64xf32, #tpu.memory_space<vmem>>, vector<16xf32>,
    %swap3A_274 = arith.constant 0 : i32
    %swap3A_275 = arith.index_cast %swap3A_274 : i32 to index
    %swap3A_276 = arith.constant 48 : index
    %swap3A_277 = tpu.vector_load %arg12[%swap3A_275, %swap3A_276] {strides = array<i32>} : memref<16x64xf32, #tpu.memory_space<vmem>>, vector<16xf32>,
    tpu.vector_store %arg12[%swap3A_275, %swap3A_276], %broadcast_in_dim3A_4 {strides = array<i32>} : memref<16x64xf32, #tpu.memory_space<vmem>>, vector<16xf32>,
    %swap3A_278 = arith.constant 1 : i32
    %swap3A_279 = arith.index_cast %swap3A_278 : i32 to index
    %swap3A_280 = arith.constant 0 : index
    %swap3A_281 = tpu.vector_load %arg12[%swap3A_279, %swap3A_280] {strides = array<i32>} : memref<16x64xf32, #tpu.memory_space<vmem>>, vector<16xf32>,
    tpu.vector_store %arg12[%swap3A_279, %swap3A_280], %broadcast_in_dim3A_4 {strides = array<i32>} : memref<16x64xf32, #tpu.memory_space<vmem>>, vector<16xf32>,
    %swap3A_282 = arith.constant 1 : i32
    %swap3A_283 = arith.index_cast %swap3A_282 : i32 to index
    %swap3A_284 = arith.constant 16 : index
    %swap3A_285 = tpu.vector_load %arg12[%swap3A_283, %swap3A_284] {strides = array<i32>} : memref<16x64xf32, #tpu.memory_space<vmem>>, vector<16xf32>,
    tpu.vector_store %arg12[%swap3A_283, %swap3A_284], %broadcast_in_dim3A_4 {strides = array<i32>} : memref<16x64xf32, #tpu.memory_space<vmem>>, vector<16xf32>,
    %swap3A_286 = arith.constant 1 : i32
    %swap3A_287 = arith.index_cast %swap3A_286 : i32 to index
    %swap3A_288 = arith.constant 32 : index
    %swap3A_289 = tpu.vector_load %arg12[%swap3A_287, %swap3A_288] {strides = array<i32>} : memref<16x64xf32, #tpu.memory_space<vmem>>, vector<16xf32>,
    tpu.vector_store %arg12[%swap3A_287, %swap3A_288], %broadcast_in_dim3A_4 {strides = array<i32>} : memref<16x64xf32, #tpu.memory_space<vmem>>, vector<16xf32>,
    %swap3A_290 = arith.constant 1 : i32
    %swap3A_291 = arith.index_cast %swap3A_290 : i32 to index
    %swap3A_292 = arith.constant 48 : index
    %swap3A_293 = tpu.vector_load %arg12[%swap3A_291, %swap3A_292] {strides = array<i32>} : memref<16x64xf32, #tpu.memory_space<vmem>>, vector<16xf32>,
    tpu.vector_store %arg12[%swap3A_291, %swap3A_292], %broadcast_in_dim3A_4 {strides = array<i32>} : memref<16x64xf32, #tpu.memory_space<vmem>>, vector<16xf32>,
    %swap3A_294 = arith.constant 2 : i32
    %swap3A_295 = arith.index_cast %swap3A_294 : i32 to index
    %swap3A_296 = arith.constant 0 : index
    %swap3A_297 = tpu.vector_load %arg12[%swap3A_295, %swap3A_296] {strides = array<i32>} : memref<16x64xf32, #tpu.memory_space<vmem>>, vector<16xf32>,
    tpu.vector_store %arg12[%swap3A_295, %swap3A_296], %broadcast_in_dim3A_4 {strides = array<i32>} : memref<16x64xf32, #tpu.memory_space<vmem>>, vector<16xf32>,
    %swap3A_298 = arith.constant 2 : i32
    %swap3A_299 = arith.index_cast %swap3A_298 : i32 to index
    %swap3A_300 = arith.constant 16 : index
    %swap3A_301 = tpu.vector_load %arg12[%swap3A_299, %swap3A_300] {strides = array<i32>} : memref<16x64xf32, #tpu.memory_space<vmem>>, vector<16xf32>,
    tpu.vector_store %arg12[%swap3A_299, %swap3A_300], %broadcast_in_dim3A_4 {strides = array<i32>} : memref<16x64xf32, #tpu.memory_space<vmem>>, vector<16xf32>,
    %swap3A_302 = arith.constant 2 : i32
    %swap3A_303 = arith.index_cast %swap3A_302 : i32 to index
    %swap3A_304 = arith.constant 32 : index
    %swap3A_305 = tpu.vector_load %arg12[%swap3A_303, %swap3A_304] {strides = array<i32>} : memref<16x64xf32, #tpu.memory_space<vmem>>, vector<16xf32>,
    tpu.vector_store %arg12[%swap3A_303, %swap3A_304], %broadcast_in_dim3A_4 {strides = array<i32>} : memref<16x64xf32, #tpu.memory_space<vmem>>, vector<16xf32>,
    %swap3A_306 = arith.constant 2 : i32
    %swap3A_307 = arith.index_cast %swap3A_306 : i32 to index
    %swap3A_308 = arith.constant 48 : index
    %swap3A_309 = tpu.vector_load %arg12[%swap3A_307, %swap3A_308] {strides = array<i32>} : memref<16x64xf32, #tpu.memory_space<vmem>>, vector<16xf32>,
    tpu.vector_store %arg12[%swap3A_307, %swap3A_308], %broadcast_in_dim3A_4 {strides = array<i32>} : memref<16x64xf32, #tpu.memory_space<vmem>>, vector<16xf32>,
    %swap3A_310 = arith.constant 3 : i32
    %swap3A_311 = arith.index_cast %swap3A_310 : i32 to index
    %swap3A_312 = arith.constant 0 : index
    %swap3A_313 = tpu.vector_load %arg12[%swap3A_311, %swap3A_312] {strides = array<i32>} : memref<16x64xf32, #tpu.memory_space<vmem>>, vector<16xf32>,
    tpu.vector_store %arg12[%swap3A_311, %swap3A_312], %broadcast_in_dim3A_4 {strides = array<i32>} : memref<16x64xf32, #tpu.memory_space<vmem>>, vector<16xf32>,
    %swap3A_314 = arith.constant 3 : i32
    %swap3A_315 = arith.index_cast %swap3A_314 : i32 to index
    %swap3A_316 = arith.constant 16 : index
    %swap3A_317 = tpu.vector_load %arg12[%swap3A_315, %swap3A_316] {strides = array<i32>} : memref<16x64xf32, #tpu.memory_space<vmem>>, vector<16xf32>,
    tpu.vector_store %arg12[%swap3A_315, %swap3A_316], %broadcast_in_dim3A_4 {strides = array<i32>} : memref<16x64xf32, #tpu.memory_space<vmem>>, vector<16xf32>,
    %swap3A_318 = arith.constant 3 : i32
    %swap3A_319 = arith.index_cast %swap3A_318 : i32 to index
    %swap3A_320 = arith.constant 32 : index
    %swap3A_321 = tpu.vector_load %arg12[%swap3A_319, %swap3A_320] {strides = array<i32>} : memref<16x64xf32, #tpu.memory_space<vmem>>, vector<16xf32>,
    tpu.vector_store %arg12[%swap3A_319, %swap3A_320], %broadcast_in_dim3A_4 {strides = array<i32>} : memref<16x64xf32, #tpu.memory_space<vmem>>, vector<16xf32>,
    %swap3A_322 = arith.constant 3 : i32
    %swap3A_323 = arith.index_cast %swap3A_322 : i32 to index
    %swap3A_324 = arith.constant 48 : index
    %swap3A_325 = tpu.vector_load %arg12[%swap3A_323, %swap3A_324] {strides = array<i32>} : memref<16x64xf32, #tpu.memory_space<vmem>>, vector<16xf32>,
    tpu.vector_store %arg12[%swap3A_323, %swap3A_324], %broadcast_in_dim3A_4 {strides = array<i32>} : memref<16x64xf32, #tpu.memory_space<vmem>>, vector<16xf32>,
    %swap3A_326 = arith.constant 4 : i32
    %swap3A_327 = arith.index_cast %swap3A_326 : i32 to index
    %swap3A_328 = arith.constant 0 : index
    %swap3A_329 = tpu.vector_load %arg12[%swap3A_327, %swap3A_328] {strides = array<i32>} : memref<16x64xf32, #tpu.memory_space<vmem>>, vector<16xf32>,
    tpu.vector_store %arg12[%swap3A_327, %swap3A_328], %broadcast_in_dim3A_4 {strides = array<i32>} : memref<16x64xf32, #tpu.memory_space<vmem>>, vector<16xf32>,
    %swap3A_330 = arith.constant 4 : i32
    %swap3A_331 = arith.index_cast %swap3A_330 : i32 to index
    %swap3A_332 = arith.constant 16 : index
    %swap3A_333 = tpu.vector_load %arg12[%swap3A_331, %swap3A_332] {strides = array<i32>} : memref<16x64xf32, #tpu.memory_space<vmem>>, vector<16xf32>,
    tpu.vector_store %arg12[%swap3A_331, %swap3A_332], %broadcast_in_dim3A_4 {strides = array<i32>} : memref<16x64xf32, #tpu.memory_space<vmem>>, vector<16xf32>,
    %swap3A_334 = arith.constant 4 : i32
    %swap3A_335 = arith.index_cast %swap3A_334 : i32 to index
    %swap3A_336 = arith.constant 32 : index
    %swap3A_337 = tpu.vector_load %arg12[%swap3A_335, %swap3A_336] {strides = array<i32>} : memref<16x64xf32, #tpu.memory_space<vmem>>, vector<16xf32>,
    tpu.vector_store %arg12[%swap3A_335, %swap3A_336], %broadcast_in_dim3A_4 {strides = array<i32>} : memref<16x64xf32, #tpu.memory_space<vmem>>, vector<16xf32>,
    %swap3A_338 = arith.constant 4 : i32
    %swap3A_339 = arith.index_cast %swap3A_338 : i32 to index
    %swap3A_340 = arith.constant 48 : index
    %swap3A_341 = tpu.vector_load %arg12[%swap3A_339, %swap3A_340] {strides = array<i32>} : memref<16x64xf32, #tpu.memory_space<vmem>>, vector<16xf32>,
    tpu.vector_store %arg12[%swap3A_339, %swap3A_340], %broadcast_in_dim3A_4 {strides = array<i32>} : memref<16x64xf32, #tpu.memory_space<vmem>>, vector<16xf32>,
    %swap3A_342 = arith.constant 5 : i32
    %swap3A_343 = arith.index_cast %swap3A_342 : i32 to index
    %swap3A_344 = arith.constant 0 : index
    %swap3A_345 = tpu.vector_load %arg12[%swap3A_343, %swap3A_344] {strides = array<i32>} : memref<16x64xf32, #tpu.memory_space<vmem>>, vector<16xf32>,
    tpu.vector_store %arg12[%swap3A_343, %swap3A_344], %broadcast_in_dim3A_4 {strides = array<i32>} : memref<16x64xf32, #tpu.memory_space<vmem>>, vector<16xf32>,
    %swap3A_346 = arith.constant 5 : i32
    %swap3A_347 = arith.index_cast %swap3A_346 : i32 to index
    %swap3A_348 = arith.constant 16 : index
    %swap3A_349 = tpu.vector_load %arg12[%swap3A_347, %swap3A_348] {strides = array<i32>} : memref<16x64xf32, #tpu.memory_space<vmem>>, vector<16xf32>,
    tpu.vector_store %arg12[%swap3A_347, %swap3A_348], %broadcast_in_dim3A_4 {strides = array<i32>} : memref<16x64xf32, #tpu.memory_space<vmem>>, vector<16xf32>,
    %swap3A_350 = arith.constant 5 : i32
    %swap3A_351 = arith.index_cast %swap3A_350 : i32 to index
    %swap3A_352 = arith.constant 32 : index
    %swap3A_353 = tpu.vector_load %arg12[%swap3A_351, %swap3A_352] {strides = array<i32>} : memref<16x64xf32, #tpu.memory_space<vmem>>, vector<16xf32>,
    tpu.vector_store %arg12[%swap3A_351, %swap3A_352], %broadcast_in_dim3A_4 {strides = array<i32>} : memref<16x64xf32, #tpu.memory_space<vmem>>, vector<16xf32>,
    %swap3A_354 = arith.constant 5 : i32
    %swap3A_355 = arith.index_cast %swap3A_354 : i32 to index
    %swap3A_356 = arith.constant 48 : index
    %swap3A_357 = tpu.vector_load %arg12[%swap3A_355, %swap3A_356] {strides = array<i32>} : memref<16x64xf32, #tpu.memory_space<vmem>>, vector<16xf32>,
    tpu.vector_store %arg12[%swap3A_355, %swap3A_356], %broadcast_in_dim3A_4 {strides = array<i32>} : memref<16x64xf32, #tpu.memory_space<vmem>>, vector<16xf32>,
    %swap3A_358 = arith.constant 6 : i32
    %swap3A_359 = arith.index_cast %swap3A_358 : i32 to index
    %swap3A_360 = arith.constant 0 : index
    %swap3A_361 = tpu.vector_load %arg12[%swap3A_359, %swap3A_360] {strides = array<i32>} : memref<16x64xf32, #tpu.memory_space<vmem>>, vector<16xf32>,
    tpu.vector_store %arg12[%swap3A_359, %swap3A_360], %broadcast_in_dim3A_4 {strides = array<i32>} : memref<16x64xf32, #tpu.memory_space<vmem>>, vector<16xf32>,
    %swap3A_362 = arith.constant 6 : i32
    %swap3A_363 = arith.index_cast %swap3A_362 : i32 to index
    %swap3A_364 = arith.constant 16 : index
    %swap3A_365 = tpu.vector_load %arg12[%swap3A_363, %swap3A_364] {strides = array<i32>} : memref<16x64xf32, #tpu.memory_space<vmem>>, vector<16xf32>,
    tpu.vector_store %arg12[%swap3A_363, %swap3A_364], %broadcast_in_dim3A_4 {strides = array<i32>} : memref<16x64xf32, #tpu.memory_space<vmem>>, vector<16xf32>,
    %swap3A_366 = arith.constant 6 : i32
    %swap3A_367 = arith.index_cast %swap3A_366 : i32 to index
    %swap3A_368 = arith.constant 32 : index
    %swap3A_369 = tpu.vector_load %arg12[%swap3A_367, %swap3A_368] {strides = array<i32>} : memref<16x64xf32, #tpu.memory_space<vmem>>, vector<16xf32>,
    tpu.vector_store %arg12[%swap3A_367, %swap3A_368], %broadcast_in_dim3A_4 {strides = array<i32>} : memref<16x64xf32, #tpu.memory_space<vmem>>, vector<16xf32>,
    %swap3A_370 = arith.constant 6 : i32
    %swap3A_371 = arith.index_cast %swap3A_370 : i32 to index
    %swap3A_372 = arith.constant 48 : index
    %swap3A_373 = tpu.vector_load %arg12[%swap3A_371, %swap3A_372] {strides = array<i32>} : memref<16x64xf32, #tpu.memory_space<vmem>>, vector<16xf32>,
    tpu.vector_store %arg12[%swap3A_371, %swap3A_372], %broadcast_in_dim3A_4 {strides = array<i32>} : memref<16x64xf32, #tpu.memory_space<vmem>>, vector<16xf32>,
    %swap3A_374 = arith.constant 7 : i32
    %swap3A_375 = arith.index_cast %swap3A_374 : i32 to index
    %swap3A_376 = arith.constant 0 : index
    %swap3A_377 = tpu.vector_load %arg12[%swap3A_375, %swap3A_376] {strides = array<i32>} : memref<16x64xf32, #tpu.memory_space<vmem>>, vector<16xf32>,
    tpu.vector_store %arg12[%swap3A_375, %swap3A_376], %broadcast_in_dim3A_4 {strides = array<i32>} : memref<16x64xf32, #tpu.memory_space<vmem>>, vector<16xf32>,
    %swap3A_378 = arith.constant 7 : i32
    %swap3A_379 = arith.index_cast %swap3A_378 : i32 to index
    %swap3A_380 = arith.constant 16 : index
    %swap3A_381 = tpu.vector_load %arg12[%swap3A_379, %swap3A_380] {strides = array<i32>} : memref<16x64xf32, #tpu.memory_space<vmem>>, vector<16xf32>,
    tpu.vector_store %arg12[%swap3A_379, %swap3A_380], %broadcast_in_dim3A_4 {strides = array<i32>} : memref<16x64xf32, #tpu.memory_space<vmem>>, vector<16xf32>,
    %swap3A_382 = arith.constant 7 : i32
    %swap3A_383 = arith.index_cast %swap3A_382 : i32 to index
    %swap3A_384 = arith.constant 32 : index
    %swap3A_385 = tpu.vector_load %arg12[%swap3A_383, %swap3A_384] {strides = array<i32>} : memref<16x64xf32, #tpu.memory_space<vmem>>, vector<16xf32>,
    tpu.vector_store %arg12[%swap3A_383, %swap3A_384], %broadcast_in_dim3A_4 {strides = array<i32>} : memref<16x64xf32, #tpu.memory_space<vmem>>, vector<16xf32>,
    %swap3A_386 = arith.constant 7 : i32
    %swap3A_387 = arith.index_cast %swap3A_386 : i32 to index
    %swap3A_388 = arith.constant 48 : index
    %swap3A_389 = tpu.vector_load %arg12[%swap3A_387, %swap3A_388] {strides = array<i32>} : memref<16x64xf32, #tpu.memory_space<vmem>>, vector<16xf32>,
    tpu.vector_store %arg12[%swap3A_387, %swap3A_388], %broadcast_in_dim3A_4 {strides = array<i32>} : memref<16x64xf32, #tpu.memory_space<vmem>>, vector<16xf32>,
    %swap3A_390 = arith.constant 8 : i32
    %swap3A_391 = arith.index_cast %swap3A_390 : i32 to index
    %swap3A_392 = arith.constant 0 : index
    %swap3A_393 = tpu.vector_load %arg12[%swap3A_391, %swap3A_392] {strides = array<i32>} : memref<16x64xf32, #tpu.memory_space<vmem>>, vector<16xf32>,
    tpu.vector_store %arg12[%swap3A_391, %swap3A_392], %broadcast_in_dim3A_4 {strides = array<i32>} : memref<16x64xf32, #tpu.memory_space<vmem>>, vector<16xf32>,
    %swap3A_394 = arith.constant 8 : i32
    %swap3A_395 = arith.index_cast %swap3A_394 : i32 to index
    %swap3A_396 = arith.constant 16 : index
    %swap3A_397 = tpu.vector_load %arg12[%swap3A_395, %swap3A_396] {strides = array<i32>} : memref<16x64xf32, #tpu.memory_space<vmem>>, vector<16xf32>,
    tpu.vector_store %arg12[%swap3A_395, %swap3A_396], %broadcast_in_dim3A_4 {strides = array<i32>} : memref<16x64xf32, #tpu.memory_space<vmem>>, vector<16xf32>,
    %swap3A_398 = arith.constant 8 : i32
    %swap3A_399 = arith.index_cast %swap3A_398 : i32 to index
    %swap3A_400 = arith.constant 32 : index
    %swap3A_401 = tpu.vector_load %arg12[%swap3A_399, %swap3A_400] {strides = array<i32>} : memref<16x64xf32, #tpu.memory_space<vmem>>, vector<16xf32>,
    tpu.vector_store %arg12[%swap3A_399, %swap3A_400], %broadcast_in_dim3A_4 {strides = array<i32>} : memref<16x64xf32, #tpu.memory_space<vmem>>, vector<16xf32>,
    %swap3A_402 = arith.constant 8 : i32
    %swap3A_403 = arith.index_cast %swap3A_402 : i32 to index
    %swap3A_404 = arith.constant 48 : index
    %swap3A_405 = tpu.vector_load %arg12[%swap3A_403, %swap3A_404] {strides = array<i32>} : memref<16x64xf32, #tpu.memory_space<vmem>>, vector<16xf32>,
    tpu.vector_store %arg12[%swap3A_403, %swap3A_404], %broadcast_in_dim3A_4 {strides = array<i32>} : memref<16x64xf32, #tpu.memory_space<vmem>>, vector<16xf32>,
    %swap3A_406 = arith.constant 9 : i32
    %swap3A_407 = arith.index_cast %swap3A_406 : i32 to index
    %swap3A_408 = arith.constant 0 : index
    %swap3A_409 = tpu.vector_load %arg12[%swap3A_407, %swap3A_408] {strides = array<i32>} : memref<16x64xf32, #tpu.memory_space<vmem>>, vector<16xf32>,
    tpu.vector_store %arg12[%swap3A_407, %swap3A_408], %broadcast_in_dim3A_4 {strides = array<i32>} : memref<16x64xf32, #tpu.memory_space<vmem>>, vector<16xf32>,
    %swap3A_410 = arith.constant 9 : i32
    %swap3A_411 = arith.index_cast %swap3A_410 : i32 to index
    %swap3A_412 = arith.constant 16 : index
    %swap3A_413 = tpu.vector_load %arg12[%swap3A_411, %swap3A_412] {strides = array<i32>} : memref<16x64xf32, #tpu.memory_space<vmem>>, vector<16xf32>,
    tpu.vector_store %arg12[%swap3A_411, %swap3A_412], %broadcast_in_dim3A_4 {strides = array<i32>} : memref<16x64xf32, #tpu.memory_space<vmem>>, vector<16xf32>,
    %swap3A_414 = arith.constant 9 : i32
    %swap3A_415 = arith.index_cast %swap3A_414 : i32 to index
    %swap3A_416 = arith.constant 32 : index
    %swap3A_417 = tpu.vector_load %arg12[%swap3A_415, %swap3A_416] {strides = array<i32>} : memref<16x64xf32, #tpu.memory_space<vmem>>, vector<16xf32>,
    tpu.vector_store %arg12[%swap3A_415, %swap3A_416], %broadcast_in_dim3A_4 {strides = array<i32>} : memref<16x64xf32, #tpu.memory_space<vmem>>, vector<16xf32>,
    %swap3A_418 = arith.constant 9 : i32
    %swap3A_419 = arith.index_cast %swap3A_418 : i32 to index
    %swap3A_420 = arith.constant 48 : index
    %swap3A_421 = tpu.vector_load %arg12[%swap3A_419, %swap3A_420] {strides = array<i32>} : memref<16x64xf32, #tpu.memory_space<vmem>>, vector<16xf32>,
    tpu.vector_store %arg12[%swap3A_419, %swap3A_420], %broadcast_in_dim3A_4 {strides = array<i32>} : memref<16x64xf32, #tpu.memory_space<vmem>>, vector<16xf32>,
    %swap3A_422 = arith.constant 10 : i32
    %swap3A_423 = arith.index_cast %swap3A_422 : i32 to index
    %swap3A_424 = arith.constant 0 : index
    %swap3A_425 = tpu.vector_load %arg12[%swap3A_423, %swap3A_424] {strides = array<i32>} : memref<16x64xf32, #tpu.memory_space<vmem>>, vector<16xf32>,
    tpu.vector_store %arg12[%swap3A_423, %swap3A_424], %broadcast_in_dim3A_4 {strides = array<i32>} : memref<16x64xf32, #tpu.memory_space<vmem>>, vector<16xf32>,
    %swap3A_426 = arith.constant 10 : i32
    %swap3A_427 = arith.index_cast %swap3A_426 : i32 to index
    %swap3A_428 = arith.constant 16 : index
    %swap3A_429 = tpu.vector_load %arg12[%swap3A_427, %swap3A_428] {strides = array<i32>} : memref<16x64xf32, #tpu.memory_space<vmem>>, vector<16xf32>,
    tpu.vector_store %arg12[%swap3A_427, %swap3A_428], %broadcast_in_dim3A_4 {strides = array<i32>} : memref<16x64xf32, #tpu.memory_space<vmem>>, vector<16xf32>,
    %swap3A_430 = arith.constant 10 : i32
    %swap3A_431 = arith.index_cast %swap3A_430 : i32 to index
    %swap3A_432 = arith.constant 32 : index
    %swap3A_433 = tpu.vector_load %arg12[%swap3A_431, %swap3A_432] {strides = array<i32>} : memref<16x64xf32, #tpu.memory_space<vmem>>, vector<16xf32>,
    tpu.vector_store %arg12[%swap3A_431, %swap3A_432], %broadcast_in_dim3A_4 {strides = array<i32>} : memref<16x64xf32, #tpu.memory_space<vmem>>, vector<16xf32>,
    %swap3A_434 = arith.constant 10 : i32
    %swap3A_435 = arith.index_cast %swap3A_434 : i32 to index
    %swap3A_436 = arith.constant 48 : index
    %swap3A_437 = tpu.vector_load %arg12[%swap3A_435, %swap3A_436] {strides = array<i32>} : memref<16x64xf32, #tpu.memory_space<vmem>>, vector<16xf32>,
    tpu.vector_store %arg12[%swap3A_435, %swap3A_436], %broadcast_in_dim3A_4 {strides = array<i32>} : memref<16x64xf32, #tpu.memory_space<vmem>>, vector<16xf32>,
    %swap3A_438 = arith.constant 11 : i32
    %swap3A_439 = arith.index_cast %swap3A_438 : i32 to index
    %swap3A_440 = arith.constant 0 : index
    %swap3A_441 = tpu.vector_load %arg12[%swap3A_439, %swap3A_440] {strides = array<i32>} : memref<16x64xf32, #tpu.memory_space<vmem>>, vector<16xf32>,
    tpu.vector_store %arg12[%swap3A_439, %swap3A_440], %broadcast_in_dim3A_4 {strides = array<i32>} : memref<16x64xf32, #tpu.memory_space<vmem>>, vector<16xf32>,
    %swap3A_442 = arith.constant 11 : i32
    %swap3A_443 = arith.index_cast %swap3A_442 : i32 to index
    %swap3A_444 = arith.constant 16 : index
    %swap3A_445 = tpu.vector_load %arg12[%swap3A_443, %swap3A_444] {strides = array<i32>} : memref<16x64xf32, #tpu.memory_space<vmem>>, vector<16xf32>,
    tpu.vector_store %arg12[%swap3A_443, %swap3A_444], %broadcast_in_dim3A_4 {strides = array<i32>} : memref<16x64xf32, #tpu.memory_space<vmem>>, vector<16xf32>,
    %swap3A_446 = arith.constant 11 : i32
    %swap3A_447 = arith.index_cast %swap3A_446 : i32 to index
    %swap3A_448 = arith.constant 32 : index
    %swap3A_449 = tpu.vector_load %arg12[%swap3A_447, %swap3A_448] {strides = array<i32>} : memref<16x64xf32, #tpu.memory_space<vmem>>, vector<16xf32>,
    tpu.vector_store %arg12[%swap3A_447, %swap3A_448], %broadcast_in_dim3A_4 {strides = array<i32>} : memref<16x64xf32, #tpu.memory_space<vmem>>, vector<16xf32>,
    %swap3A_450 = arith.constant 11 : i32
    %swap3A_451 = arith.index_cast %swap3A_450 : i32 to index
    %swap3A_452 = arith.constant 48 : index
    %swap3A_453 = tpu.vector_load %arg12[%swap3A_451, %swap3A_452] {strides = array<i32>} : memref<16x64xf32, #tpu.memory_space<vmem>>, vector<16xf32>,
    tpu.vector_store %arg12[%swap3A_451, %swap3A_452], %broadcast_in_dim3A_4 {strides = array<i32>} : memref<16x64xf32, #tpu.memory_space<vmem>>, vector<16xf32>,
    %swap3A_454 = arith.constant 12 : i32
    %swap3A_455 = arith.index_cast %swap3A_454 : i32 to index
    %swap3A_456 = arith.constant 0 : index
    %swap3A_457 = tpu.vector_load %arg12[%swap3A_455, %swap3A_456] {strides = array<i32>} : memref<16x64xf32, #tpu.memory_space<vmem>>, vector<16xf32>,
    tpu.vector_store %arg12[%swap3A_455, %swap3A_456], %broadcast_in_dim3A_4 {strides = array<i32>} : memref<16x64xf32, #tpu.memory_space<vmem>>, vector<16xf32>,
    %swap3A_458 = arith.constant 12 : i32
    %swap3A_459 = arith.index_cast %swap3A_458 : i32 to index
    %swap3A_460 = arith.constant 16 : index
    %swap3A_461 = tpu.vector_load %arg12[%swap3A_459, %swap3A_460] {strides = array<i32>} : memref<16x64xf32, #tpu.memory_space<vmem>>, vector<16xf32>,
    tpu.vector_store %arg12[%swap3A_459, %swap3A_460], %broadcast_in_dim3A_4 {strides = array<i32>} : memref<16x64xf32, #tpu.memory_space<vmem>>, vector<16xf32>,
    %swap3A_462 = arith.constant 12 : i32
    %swap3A_463 = arith.index_cast %swap3A_462 : i32 to index
    %swap3A_464 = arith.constant 32 : index
    %swap3A_465 = tpu.vector_load %arg12[%swap3A_463, %swap3A_464] {strides = array<i32>} : memref<16x64xf32, #tpu.memory_space<vmem>>, vector<16xf32>,
    tpu.vector_store %arg12[%swap3A_463, %swap3A_464], %broadcast_in_dim3A_4 {strides = array<i32>} : memref<16x64xf32, #tpu.memory_space<vmem>>, vector<16xf32>,
    %swap3A_466 = arith.constant 12 : i32
    %swap3A_467 = arith.index_cast %swap3A_466 : i32 to index
    %swap3A_468 = arith.constant 48 : index
    %swap3A_469 = tpu.vector_load %arg12[%swap3A_467, %swap3A_468] {strides = array<i32>} : memref<16x64xf32, #tpu.memory_space<vmem>>, vector<16xf32>,
    tpu.vector_store %arg12[%swap3A_467, %swap3A_468], %broadcast_in_dim3A_4 {strides = array<i32>} : memref<16x64xf32, #tpu.memory_space<vmem>>, vector<16xf32>,
    %swap3A_470 = arith.constant 13 : i32
    %swap3A_471 = arith.index_cast %swap3A_470 : i32 to index
    %swap3A_472 = arith.constant 0 : index
    %swap3A_473 = tpu.vector_load %arg12[%swap3A_471, %swap3A_472] {strides = array<i32>} : memref<16x64xf32, #tpu.memory_space<vmem>>, vector<16xf32>,
    tpu.vector_store %arg12[%swap3A_471, %swap3A_472], %broadcast_in_dim3A_4 {strides = array<i32>} : memref<16x64xf32, #tpu.memory_space<vmem>>, vector<16xf32>,
    %swap3A_474 = arith.constant 13 : i32
    %swap3A_475 = arith.index_cast %swap3A_474 : i32 to index
    %swap3A_476 = arith.constant 16 : index
    %swap3A_477 = tpu.vector_load %arg12[%swap3A_475, %swap3A_476] {strides = array<i32>} : memref<16x64xf32, #tpu.memory_space<vmem>>, vector<16xf32>,
    tpu.vector_store %arg12[%swap3A_475, %swap3A_476], %broadcast_in_dim3A_4 {strides = array<i32>} : memref<16x64xf32, #tpu.memory_space<vmem>>, vector<16xf32>,
    %swap3A_478 = arith.constant 13 : i32
    %swap3A_479 = arith.index_cast %swap3A_478 : i32 to index
    %swap3A_480 = arith.constant 32 : index
    %swap3A_481 = tpu.vector_load %arg12[%swap3A_479, %swap3A_480] {strides = array<i32>} : memref<16x64xf32, #tpu.memory_space<vmem>>, vector<16xf32>,
    tpu.vector_store %arg12[%swap3A_479, %swap3A_480], %broadcast_in_dim3A_4 {strides = array<i32>} : memref<16x64xf32, #tpu.memory_space<vmem>>, vector<16xf32>,
    %swap3A_482 = arith.constant 13 : i32
    %swap3A_483 = arith.index_cast %swap3A_482 : i32 to index
    %swap3A_484 = arith.constant 48 : index
    %swap3A_485 = tpu.vector_load %arg12[%swap3A_483, %swap3A_484] {strides = array<i32>} : memref<16x64xf32, #tpu.memory_space<vmem>>, vector<16xf32>,
    tpu.vector_store %arg12[%swap3A_483, %swap3A_484], %broadcast_in_dim3A_4 {strides = array<i32>} : memref<16x64xf32, #tpu.memory_space<vmem>>, vector<16xf32>,
    %swap3A_486 = arith.constant 14 : i32
    %swap3A_487 = arith.index_cast %swap3A_486 : i32 to index
    %swap3A_488 = arith.constant 0 : index
    %swap3A_489 = tpu.vector_load %arg12[%swap3A_487, %swap3A_488] {strides = array<i32>} : memref<16x64xf32, #tpu.memory_space<vmem>>, vector<16xf32>,
    tpu.vector_store %arg12[%swap3A_487, %swap3A_488], %broadcast_in_dim3A_4 {strides = array<i32>} : memref<16x64xf32, #tpu.memory_space<vmem>>, vector<16xf32>,
    %swap3A_490 = arith.constant 14 : i32
    %swap3A_491 = arith.index_cast %swap3A_490 : i32 to index
    %swap3A_492 = arith.constant 16 : index
    %swap3A_493 = tpu.vector_load %arg12[%swap3A_491, %swap3A_492] {strides = array<i32>} : memref<16x64xf32, #tpu.memory_space<vmem>>, vector<16xf32>,
    tpu.vector_store %arg12[%swap3A_491, %swap3A_492], %broadcast_in_dim3A_4 {strides = array<i32>} : memref<16x64xf32, #tpu.memory_space<vmem>>, vector<16xf32>,
    %swap3A_494 = arith.constant 14 : i32
    %swap3A_495 = arith.index_cast %swap3A_494 : i32 to index
    %swap3A_496 = arith.constant 32 : index
    %swap3A_497 = tpu.vector_load %arg12[%swap3A_495, %swap3A_496] {strides = array<i32>} : memref<16x64xf32, #tpu.memory_space<vmem>>, vector<16xf32>,
    tpu.vector_store %arg12[%swap3A_495, %swap3A_496], %broadcast_in_dim3A_4 {strides = array<i32>} : memref<16x64xf32, #tpu.memory_space<vmem>>, vector<16xf32>,
    %swap3A_498 = arith.constant 14 : i32
    %swap3A_499 = arith.index_cast %swap3A_498 : i32 to index
    %swap3A_500 = arith.constant 48 : index
    %swap3A_501 = tpu.vector_load %arg12[%swap3A_499, %swap3A_500] {strides = array<i32>} : memref<16x64xf32, #tpu.memory_space<vmem>>, vector<16xf32>,
    tpu.vector_store %arg12[%swap3A_499, %swap3A_500], %broadcast_in_dim3A_4 {strides = array<i32>} : memref<16x64xf32, #tpu.memory_space<vmem>>, vector<16xf32>,
    %swap3A_502 = arith.constant 15 : i32
    %swap3A_503 = arith.index_cast %swap3A_502 : i32 to index
    %swap3A_504 = arith.constant 0 : index
    %swap3A_505 = tpu.vector_load %arg12[%swap3A_503, %swap3A_504] {strides = array<i32>} : memref<16x64xf32, #tpu.memory_space<vmem>>, vector<16xf32>,
    tpu.vector_store %arg12[%swap3A_503, %swap3A_504], %broadcast_in_dim3A_4 {strides = array<i32>} : memref<16x64xf32, #tpu.memory_space<vmem>>, vector<16xf32>,
    %swap3A_506 = arith.constant 15 : i32
    %swap3A_507 = arith.index_cast %swap3A_506 : i32 to index
    %swap3A_508 = arith.constant 16 : index
    %swap3A_509 = tpu.vector_load %arg12[%swap3A_507, %swap3A_508] {strides = array<i32>} : memref<16x64xf32, #tpu.memory_space<vmem>>, vector<16xf32>,
    tpu.vector_store %arg12[%swap3A_507, %swap3A_508], %broadcast_in_dim3A_4 {strides = array<i32>} : memref<16x64xf32, #tpu.memory_space<vmem>>, vector<16xf32>,
    %swap3A_510 = arith.constant 15 : i32
    %swap3A_511 = arith.index_cast %swap3A_510 : i32 to index
    %swap3A_512 = arith.constant 32 : index
    %swap3A_513 = tpu.vector_load %arg12[%swap3A_511, %swap3A_512] {strides = array<i32>} : memref<16x64xf32, #tpu.memory_space<vmem>>, vector<16xf32>,
    tpu.vector_store %arg12[%swap3A_511, %swap3A_512], %broadcast_in_dim3A_4 {strides = array<i32>} : memref<16x64xf32, #tpu.memory_space<vmem>>, vector<16xf32>,
    %swap3A_514 = arith.constant 15 : i32
    %swap3A_515 = arith.index_cast %swap3A_514 : i32 to index
    %swap3A_516 = arith.constant 48 : index
    %swap3A_517 = tpu.vector_load %arg12[%swap3A_515, %swap3A_516] {strides = array<i32>} : memref<16x64xf32, #tpu.memory_space<vmem>>, vector<16xf32>,
    tpu.vector_store %arg12[%swap3A_515, %swap3A_516], %broadcast_in_dim3A_4 {strides = array<i32>} : memref<16x64xf32, #tpu.memory_space<vmem>>, vector<16xf32>,
    %swap3A_518 = arith.constant 0 : i32
    %swap3A_519 = arith.index_cast %swap3A_518 : i32 to index
    %swap3A_520 = arith.constant 0 : index
    %swap3A_521 = tpu.vector_load %arg13[%swap3A_519, %swap3A_520] {strides = array<i32>} : memref<16x64xf32, #tpu.memory_space<vmem>>, vector<16xf32>,
    tpu.vector_store %arg13[%swap3A_519, %swap3A_520], %broadcast_in_dim3A_4 {strides = array<i32>} : memref<16x64xf32, #tpu.memory_space<vmem>>, vector<16xf32>,
    %swap3A_522 = arith.constant 0 : i32
    %swap3A_523 = arith.index_cast %swap3A_522 : i32 to index
    %swap3A_524 = arith.constant 16 : index
    %swap3A_525 = tpu.vector_load %arg13[%swap3A_523, %swap3A_524] {strides = array<i32>} : memref<16x64xf32, #tpu.memory_space<vmem>>, vector<16xf32>,
    tpu.vector_store %arg13[%swap3A_523, %swap3A_524], %broadcast_in_dim3A_4 {strides = array<i32>} : memref<16x64xf32, #tpu.memory_space<vmem>>, vector<16xf32>,
    %swap3A_526 = arith.constant 0 : i32
    %swap3A_527 = arith.index_cast %swap3A_526 : i32 to index
    %swap3A_528 = arith.constant 32 : index
    %swap3A_529 = tpu.vector_load %arg13[%swap3A_527, %swap3A_528] {strides = array<i32>} : memref<16x64xf32, #tpu.memory_space<vmem>>, vector<16xf32>,
    tpu.vector_store %arg13[%swap3A_527, %swap3A_528], %broadcast_in_dim3A_4 {strides = array<i32>} : memref<16x64xf32, #tpu.memory_space<vmem>>, vector<16xf32>,
    %swap3A_530 = arith.constant 0 : i32
    %swap3A_531 = arith.index_cast %swap3A_530 : i32 to index
    %swap3A_532 = arith.constant 48 : index
    %swap3A_533 = tpu.vector_load %arg13[%swap3A_531, %swap3A_532] {strides = array<i32>} : memref<16x64xf32, #tpu.memory_space<vmem>>, vector<16xf32>,
    tpu.vector_store %arg13[%swap3A_531, %swap3A_532], %broadcast_in_dim3A_4 {strides = array<i32>} : memref<16x64xf32, #tpu.memory_space<vmem>>, vector<16xf32>,
    %swap3A_534 = arith.constant 1 : i32
    %swap3A_535 = arith.index_cast %swap3A_534 : i32 to index
    %swap3A_536 = arith.constant 0 : index
    %swap3A_537 = tpu.vector_load %arg13[%swap3A_535, %swap3A_536] {strides = array<i32>} : memref<16x64xf32, #tpu.memory_space<vmem>>, vector<16xf32>,
    tpu.vector_store %arg13[%swap3A_535, %swap3A_536], %broadcast_in_dim3A_4 {strides = array<i32>} : memref<16x64xf32, #tpu.memory_space<vmem>>, vector<16xf32>,
    %swap3A_538 = arith.constant 1 : i32
    %swap3A_539 = arith.index_cast %swap3A_538 : i32 to index
    %swap3A_540 = arith.constant 16 : index
    %swap3A_541 = tpu.vector_load %arg13[%swap3A_539, %swap3A_540] {strides = array<i32>} : memref<16x64xf32, #tpu.memory_space<vmem>>, vector<16xf32>,
    tpu.vector_store %arg13[%swap3A_539, %swap3A_540], %broadcast_in_dim3A_4 {strides = array<i32>} : memref<16x64xf32, #tpu.memory_space<vmem>>, vector<16xf32>,
    %swap3A_542 = arith.constant 1 : i32
    %swap3A_543 = arith.index_cast %swap3A_542 : i32 to index
    %swap3A_544 = arith.constant 32 : index
    %swap3A_545 = tpu.vector_load %arg13[%swap3A_543, %swap3A_544] {strides = array<i32>} : memref<16x64xf32, #tpu.memory_space<vmem>>, vector<16xf32>,
    tpu.vector_store %arg13[%swap3A_543, %swap3A_544], %broadcast_in_dim3A_4 {strides = array<i32>} : memref<16x64xf32, #tpu.memory_space<vmem>>, vector<16xf32>,
    %swap3A_546 = arith.constant 1 : i32
    %swap3A_547 = arith.index_cast %swap3A_546 : i32 to index
    %swap3A_548 = arith.constant 48 : index
    %swap3A_549 = tpu.vector_load %arg13[%swap3A_547, %swap3A_548] {strides = array<i32>} : memref<16x64xf32, #tpu.memory_space<vmem>>, vector<16xf32>,
    tpu.vector_store %arg13[%swap3A_547, %swap3A_548], %broadcast_in_dim3A_4 {strides = array<i32>} : memref<16x64xf32, #tpu.memory_space<vmem>>, vector<16xf32>,
    %swap3A_550 = arith.constant 2 : i32
    %swap3A_551 = arith.index_cast %swap3A_550 : i32 to index
    %swap3A_552 = arith.constant 0 : index
    %swap3A_553 = tpu.vector_load %arg13[%swap3A_551, %swap3A_552] {strides = array<i32>} : memref<16x64xf32, #tpu.memory_space<vmem>>, vector<16xf32>,
    tpu.vector_store %arg13[%swap3A_551, %swap3A_552], %broadcast_in_dim3A_4 {strides = array<i32>} : memref<16x64xf32, #tpu.memory_space<vmem>>, vector<16xf32>,
    %swap3A_554 = arith.constant 2 : i32
    %swap3A_555 = arith.index_cast %swap3A_554 : i32 to index
    %swap3A_556 = arith.constant 16 : index
    %swap3A_557 = tpu.vector_load %arg13[%swap3A_555, %swap3A_556] {strides = array<i32>} : memref<16x64xf32, #tpu.memory_space<vmem>>, vector<16xf32>,
    tpu.vector_store %arg13[%swap3A_555, %swap3A_556], %broadcast_in_dim3A_4 {strides = array<i32>} : memref<16x64xf32, #tpu.memory_space<vmem>>, vector<16xf32>,
    %swap3A_558 = arith.constant 2 : i32
    %swap3A_559 = arith.index_cast %swap3A_558 : i32 to index
    %swap3A_560 = arith.constant 32 : index
    %swap3A_561 = tpu.vector_load %arg13[%swap3A_559, %swap3A_560] {strides = array<i32>} : memref<16x64xf32, #tpu.memory_space<vmem>>, vector<16xf32>,
    tpu.vector_store %arg13[%swap3A_559, %swap3A_560], %broadcast_in_dim3A_4 {strides = array<i32>} : memref<16x64xf32, #tpu.memory_space<vmem>>, vector<16xf32>,
    %swap3A_562 = arith.constant 2 : i32
    %swap3A_563 = arith.index_cast %swap3A_562 : i32 to index
    %swap3A_564 = arith.constant 48 : index
    %swap3A_565 = tpu.vector_load %arg13[%swap3A_563, %swap3A_564] {strides = array<i32>} : memref<16x64xf32, #tpu.memory_space<vmem>>, vector<16xf32>,
    tpu.vector_store %arg13[%swap3A_563, %swap3A_564], %broadcast_in_dim3A_4 {strides = array<i32>} : memref<16x64xf32, #tpu.memory_space<vmem>>, vector<16xf32>,
    %swap3A_566 = arith.constant 3 : i32
    %swap3A_567 = arith.index_cast %swap3A_566 : i32 to index
    %swap3A_568 = arith.constant 0 : index
    %swap3A_569 = tpu.vector_load %arg13[%swap3A_567, %swap3A_568] {strides = array<i32>} : memref<16x64xf32, #tpu.memory_space<vmem>>, vector<16xf32>,
    tpu.vector_store %arg13[%swap3A_567, %swap3A_568], %broadcast_in_dim3A_4 {strides = array<i32>} : memref<16x64xf32, #tpu.memory_space<vmem>>, vector<16xf32>,
    %swap3A_570 = arith.constant 3 : i32
    %swap3A_571 = arith.index_cast %swap3A_570 : i32 to index
    %swap3A_572 = arith.constant 16 : index
    %swap3A_573 = tpu.vector_load %arg13[%swap3A_571, %swap3A_572] {strides = array<i32>} : memref<16x64xf32, #tpu.memory_space<vmem>>, vector<16xf32>,
    tpu.vector_store %arg13[%swap3A_571, %swap3A_572], %broadcast_in_dim3A_4 {strides = array<i32>} : memref<16x64xf32, #tpu.memory_space<vmem>>, vector<16xf32>,
    %swap3A_574 = arith.constant 3 : i32
    %swap3A_575 = arith.index_cast %swap3A_574 : i32 to index
    %swap3A_576 = arith.constant 32 : index
    %swap3A_577 = tpu.vector_load %arg13[%swap3A_575, %swap3A_576] {strides = array<i32>} : memref<16x64xf32, #tpu.memory_space<vmem>>, vector<16xf32>,
    tpu.vector_store %arg13[%swap3A_575, %swap3A_576], %broadcast_in_dim3A_4 {strides = array<i32>} : memref<16x64xf32, #tpu.memory_space<vmem>>, vector<16xf32>,
    %swap3A_578 = arith.constant 3 : i32
    %swap3A_579 = arith.index_cast %swap3A_578 : i32 to index
    %swap3A_580 = arith.constant 48 : index
    %swap3A_581 = tpu.vector_load %arg13[%swap3A_579, %swap3A_580] {strides = array<i32>} : memref<16x64xf32, #tpu.memory_space<vmem>>, vector<16xf32>,
    tpu.vector_store %arg13[%swap3A_579, %swap3A_580], %broadcast_in_dim3A_4 {strides = array<i32>} : memref<16x64xf32, #tpu.memory_space<vmem>>, vector<16xf32>,
    %swap3A_582 = arith.constant 4 : i32
    %swap3A_583 = arith.index_cast %swap3A_582 : i32 to index
    %swap3A_584 = arith.constant 0 : index
    %swap3A_585 = tpu.vector_load %arg13[%swap3A_583, %swap3A_584] {strides = array<i32>} : memref<16x64xf32, #tpu.memory_space<vmem>>, vector<16xf32>,
    tpu.vector_store %arg13[%swap3A_583, %swap3A_584], %broadcast_in_dim3A_4 {strides = array<i32>} : memref<16x64xf32, #tpu.memory_space<vmem>>, vector<16xf32>,
    %swap3A_586 = arith.constant 4 : i32
    %swap3A_587 = arith.index_cast %swap3A_586 : i32 to index
    %swap3A_588 = arith.constant 16 : index
    %swap3A_589 = tpu.vector_load %arg13[%swap3A_587, %swap3A_588] {strides = array<i32>} : memref<16x64xf32, #tpu.memory_space<vmem>>, vector<16xf32>,
    tpu.vector_store %arg13[%swap3A_587, %swap3A_588], %broadcast_in_dim3A_4 {strides = array<i32>} : memref<16x64xf32, #tpu.memory_space<vmem>>, vector<16xf32>,
    %swap3A_590 = arith.constant 4 : i32
    %swap3A_591 = arith.index_cast %swap3A_590 : i32 to index
    %swap3A_592 = arith.constant 32 : index
    %swap3A_593 = tpu.vector_load %arg13[%swap3A_591, %swap3A_592] {strides = array<i32>} : memref<16x64xf32, #tpu.memory_space<vmem>>, vector<16xf32>,
    tpu.vector_store %arg13[%swap3A_591, %swap3A_592], %broadcast_in_dim3A_4 {strides = array<i32>} : memref<16x64xf32, #tpu.memory_space<vmem>>, vector<16xf32>,
    %swap3A_594 = arith.constant 4 : i32
    %swap3A_595 = arith.index_cast %swap3A_594 : i32 to index
    %swap3A_596 = arith.constant 48 : index
    %swap3A_597 = tpu.vector_load %arg13[%swap3A_595, %swap3A_596] {strides = array<i32>} : memref<16x64xf32, #tpu.memory_space<vmem>>, vector<16xf32>,
    tpu.vector_store %arg13[%swap3A_595, %swap3A_596], %broadcast_in_dim3A_4 {strides = array<i32>} : memref<16x64xf32, #tpu.memory_space<vmem>>, vector<16xf32>,
    %swap3A_598 = arith.constant 5 : i32
    %swap3A_599 = arith.index_cast %swap3A_598 : i32 to index
    %swap3A_600 = arith.constant 0 : index
    %swap3A_601 = tpu.vector_load %arg13[%swap3A_599, %swap3A_600] {strides = array<i32>} : memref<16x64xf32, #tpu.memory_space<vmem>>, vector<16xf32>,
    tpu.vector_store %arg13[%swap3A_599, %swap3A_600], %broadcast_in_dim3A_4 {strides = array<i32>} : memref<16x64xf32, #tpu.memory_space<vmem>>, vector<16xf32>,
    %swap3A_602 = arith.constant 5 : i32
    %swap3A_603 = arith.index_cast %swap3A_602 : i32 to index
    %swap3A_604 = arith.constant 16 : index
    %swap3A_605 = tpu.vector_load %arg13[%swap3A_603, %swap3A_604] {strides = array<i32>} : memref<16x64xf32, #tpu.memory_space<vmem>>, vector<16xf32>,
    tpu.vector_store %arg13[%swap3A_603, %swap3A_604], %broadcast_in_dim3A_4 {strides = array<i32>} : memref<16x64xf32, #tpu.memory_space<vmem>>, vector<16xf32>,
    %swap3A_606 = arith.constant 5 : i32
    %swap3A_607 = arith.index_cast %swap3A_606 : i32 to index
    %swap3A_608 = arith.constant 32 : index
    %swap3A_609 = tpu.vector_load %arg13[%swap3A_607, %swap3A_608] {strides = array<i32>} : memref<16x64xf32, #tpu.memory_space<vmem>>, vector<16xf32>,
    tpu.vector_store %arg13[%swap3A_607, %swap3A_608], %broadcast_in_dim3A_4 {strides = array<i32>} : memref<16x64xf32, #tpu.memory_space<vmem>>, vector<16xf32>,
    %swap3A_610 = arith.constant 5 : i32
    %swap3A_611 = arith.index_cast %swap3A_610 : i32 to index
    %swap3A_612 = arith.constant 48 : index
    %swap3A_613 = tpu.vector_load %arg13[%swap3A_611, %swap3A_612] {strides = array<i32>} : memref<16x64xf32, #tpu.memory_space<vmem>>, vector<16xf32>,
    tpu.vector_store %arg13[%swap3A_611, %swap3A_612], %broadcast_in_dim3A_4 {strides = array<i32>} : memref<16x64xf32, #tpu.memory_space<vmem>>, vector<16xf32>,
    %swap3A_614 = arith.constant 6 : i32
    %swap3A_615 = arith.index_cast %swap3A_614 : i32 to index
    %swap3A_616 = arith.constant 0 : index
    %swap3A_617 = tpu.vector_load %arg13[%swap3A_615, %swap3A_616] {strides = array<i32>} : memref<16x64xf32, #tpu.memory_space<vmem>>, vector<16xf32>,
    tpu.vector_store %arg13[%swap3A_615, %swap3A_616], %broadcast_in_dim3A_4 {strides = array<i32>} : memref<16x64xf32, #tpu.memory_space<vmem>>, vector<16xf32>,
    %swap3A_618 = arith.constant 6 : i32
    %swap3A_619 = arith.index_cast %swap3A_618 : i32 to index
    %swap3A_620 = arith.constant 16 : index
    %swap3A_621 = tpu.vector_load %arg13[%swap3A_619, %swap3A_620] {strides = array<i32>} : memref<16x64xf32, #tpu.memory_space<vmem>>, vector<16xf32>,
    tpu.vector_store %arg13[%swap3A_619, %swap3A_620], %broadcast_in_dim3A_4 {strides = array<i32>} : memref<16x64xf32, #tpu.memory_space<vmem>>, vector<16xf32>,
    %swap3A_622 = arith.constant 6 : i32
    %swap3A_623 = arith.index_cast %swap3A_622 : i32 to index
    %swap3A_624 = arith.constant 32 : index
    %swap3A_625 = tpu.vector_load %arg13[%swap3A_623, %swap3A_624] {strides = array<i32>} : memref<16x64xf32, #tpu.memory_space<vmem>>, vector<16xf32>,
    tpu.vector_store %arg13[%swap3A_623, %swap3A_624], %broadcast_in_dim3A_4 {strides = array<i32>} : memref<16x64xf32, #tpu.memory_space<vmem>>, vector<16xf32>,
    %swap3A_626 = arith.constant 6 : i32
    %swap3A_627 = arith.index_cast %swap3A_626 : i32 to index
    %swap3A_628 = arith.constant 48 : index
    %swap3A_629 = tpu.vector_load %arg13[%swap3A_627, %swap3A_628] {strides = array<i32>} : memref<16x64xf32, #tpu.memory_space<vmem>>, vector<16xf32>,
    tpu.vector_store %arg13[%swap3A_627, %swap3A_628], %broadcast_in_dim3A_4 {strides = array<i32>} : memref<16x64xf32, #tpu.memory_space<vmem>>, vector<16xf32>,
    %swap3A_630 = arith.constant 7 : i32
    %swap3A_631 = arith.index_cast %swap3A_630 : i32 to index
    %swap3A_632 = arith.constant 0 : index
    %swap3A_633 = tpu.vector_load %arg13[%swap3A_631, %swap3A_632] {strides = array<i32>} : memref<16x64xf32, #tpu.memory_space<vmem>>, vector<16xf32>,
    tpu.vector_store %arg13[%swap3A_631, %swap3A_632], %broadcast_in_dim3A_4 {strides = array<i32>} : memref<16x64xf32, #tpu.memory_space<vmem>>, vector<16xf32>,
    %swap3A_634 = arith.constant 7 : i32
    %swap3A_635 = arith.index_cast %swap3A_634 : i32 to index
    %swap3A_636 = arith.constant 16 : index
    %swap3A_637 = tpu.vector_load %arg13[%swap3A_635, %swap3A_636] {strides = array<i32>} : memref<16x64xf32, #tpu.memory_space<vmem>>, vector<16xf32>,
    tpu.vector_store %arg13[%swap3A_635, %swap3A_636], %broadcast_in_dim3A_4 {strides = array<i32>} : memref<16x64xf32, #tpu.memory_space<vmem>>, vector<16xf32>,
    %swap3A_638 = arith.constant 7 : i32
    %swap3A_639 = arith.index_cast %swap3A_638 : i32 to index
    %swap3A_640 = arith.constant 32 : index
    %swap3A_641 = tpu.vector_load %arg13[%swap3A_639, %swap3A_640] {strides = array<i32>} : memref<16x64xf32, #tpu.memory_space<vmem>>, vector<16xf32>,
    tpu.vector_store %arg13[%swap3A_639, %swap3A_640], %broadcast_in_dim3A_4 {strides = array<i32>} : memref<16x64xf32, #tpu.memory_space<vmem>>, vector<16xf32>,
    %swap3A_642 = arith.constant 7 : i32
    %swap3A_643 = arith.index_cast %swap3A_642 : i32 to index
    %swap3A_644 = arith.constant 48 : index
    %swap3A_645 = tpu.vector_load %arg13[%swap3A_643, %swap3A_644] {strides = array<i32>} : memref<16x64xf32, #tpu.memory_space<vmem>>, vector<16xf32>,
    tpu.vector_store %arg13[%swap3A_643, %swap3A_644], %broadcast_in_dim3A_4 {strides = array<i32>} : memref<16x64xf32, #tpu.memory_space<vmem>>, vector<16xf32>,
    %swap3A_646 = arith.constant 8 : i32
    %swap3A_647 = arith.index_cast %swap3A_646 : i32 to index
    %swap3A_648 = arith.constant 0 : index
    %swap3A_649 = tpu.vector_load %arg13[%swap3A_647, %swap3A_648] {strides = array<i32>} : memref<16x64xf32, #tpu.memory_space<vmem>>, vector<16xf32>,
    tpu.vector_store %arg13[%swap3A_647, %swap3A_648], %broadcast_in_dim3A_4 {strides = array<i32>} : memref<16x64xf32, #tpu.memory_space<vmem>>, vector<16xf32>,
    %swap3A_650 = arith.constant 8 : i32
    %swap3A_651 = arith.index_cast %swap3A_650 : i32 to index
    %swap3A_652 = arith.constant 16 : index
    %swap3A_653 = tpu.vector_load %arg13[%swap3A_651, %swap3A_652] {strides = array<i32>} : memref<16x64xf32, #tpu.memory_space<vmem>>, vector<16xf32>,
    tpu.vector_store %arg13[%swap3A_651, %swap3A_652], %broadcast_in_dim3A_4 {strides = array<i32>} : memref<16x64xf32, #tpu.memory_space<vmem>>, vector<16xf32>,
    %swap3A_654 = arith.constant 8 : i32
    %swap3A_655 = arith.index_cast %swap3A_654 : i32 to index
    %swap3A_656 = arith.constant 32 : index
    %swap3A_657 = tpu.vector_load %arg13[%swap3A_655, %swap3A_656] {strides = array<i32>} : memref<16x64xf32, #tpu.memory_space<vmem>>, vector<16xf32>,
    tpu.vector_store %arg13[%swap3A_655, %swap3A_656], %broadcast_in_dim3A_4 {strides = array<i32>} : memref<16x64xf32, #tpu.memory_space<vmem>>, vector<16xf32>,
    %swap3A_658 = arith.constant 8 : i32
    %swap3A_659 = arith.index_cast %swap3A_658 : i32 to index
    %swap3A_660 = arith.constant 48 : index
    %swap3A_661 = tpu.vector_load %arg13[%swap3A_659, %swap3A_660] {strides = array<i32>} : memref<16x64xf32, #tpu.memory_space<vmem>>, vector<16xf32>,
    tpu.vector_store %arg13[%swap3A_659, %swap3A_660], %broadcast_in_dim3A_4 {strides = array<i32>} : memref<16x64xf32, #tpu.memory_space<vmem>>, vector<16xf32>,
    %swap3A_662 = arith.constant 9 : i32
    %swap3A_663 = arith.index_cast %swap3A_662 : i32 to index
    %swap3A_664 = arith.constant 0 : index
    %swap3A_665 = tpu.vector_load %arg13[%swap3A_663, %swap3A_664] {strides = array<i32>} : memref<16x64xf32, #tpu.memory_space<vmem>>, vector<16xf32>,
    tpu.vector_store %arg13[%swap3A_663, %swap3A_664], %broadcast_in_dim3A_4 {strides = array<i32>} : memref<16x64xf32, #tpu.memory_space<vmem>>, vector<16xf32>,
    %swap3A_666 = arith.constant 9 : i32
    %swap3A_667 = arith.index_cast %swap3A_666 : i32 to index
    %swap3A_668 = arith.constant 16 : index
    %swap3A_669 = tpu.vector_load %arg13[%swap3A_667, %swap3A_668] {strides = array<i32>} : memref<16x64xf32, #tpu.memory_space<vmem>>, vector<16xf32>,
    tpu.vector_store %arg13[%swap3A_667, %swap3A_668], %broadcast_in_dim3A_4 {strides = array<i32>} : memref<16x64xf32, #tpu.memory_space<vmem>>, vector<16xf32>,
    %swap3A_670 = arith.constant 9 : i32
    %swap3A_671 = arith.index_cast %swap3A_670 : i32 to index
    %swap3A_672 = arith.constant 32 : index
    %swap3A_673 = tpu.vector_load %arg13[%swap3A_671, %swap3A_672] {strides = array<i32>} : memref<16x64xf32, #tpu.memory_space<vmem>>, vector<16xf32>,
    tpu.vector_store %arg13[%swap3A_671, %swap3A_672], %broadcast_in_dim3A_4 {strides = array<i32>} : memref<16x64xf32, #tpu.memory_space<vmem>>, vector<16xf32>,
    %swap3A_674 = arith.constant 9 : i32
    %swap3A_675 = arith.index_cast %swap3A_674 : i32 to index
    %swap3A_676 = arith.constant 48 : index
    %swap3A_677 = tpu.vector_load %arg13[%swap3A_675, %swap3A_676] {strides = array<i32>} : memref<16x64xf32, #tpu.memory_space<vmem>>, vector<16xf32>,
    tpu.vector_store %arg13[%swap3A_675, %swap3A_676], %broadcast_in_dim3A_4 {strides = array<i32>} : memref<16x64xf32, #tpu.memory_space<vmem>>, vector<16xf32>,
    %swap3A_678 = arith.constant 10 : i32
    %swap3A_679 = arith.index_cast %swap3A_678 : i32 to index
    %swap3A_680 = arith.constant 0 : index
    %swap3A_681 = tpu.vector_load %arg13[%swap3A_679, %swap3A_680] {strides = array<i32>} : memref<16x64xf32, #tpu.memory_space<vmem>>, vector<16xf32>,
    tpu.vector_store %arg13[%swap3A_679, %swap3A_680], %broadcast_in_dim3A_4 {strides = array<i32>} : memref<16x64xf32, #tpu.memory_space<vmem>>, vector<16xf32>,
    %swap3A_682 = arith.constant 10 : i32
    %swap3A_683 = arith.index_cast %swap3A_682 : i32 to index
    %swap3A_684 = arith.constant 16 : index
    %swap3A_685 = tpu.vector_load %arg13[%swap3A_683, %swap3A_684] {strides = array<i32>} : memref<16x64xf32, #tpu.memory_space<vmem>>, vector<16xf32>,
    tpu.vector_store %arg13[%swap3A_683, %swap3A_684], %broadcast_in_dim3A_4 {strides = array<i32>} : memref<16x64xf32, #tpu.memory_space<vmem>>, vector<16xf32>,
    %swap3A_686 = arith.constant 10 : i32
    %swap3A_687 = arith.index_cast %swap3A_686 : i32 to index
    %swap3A_688 = arith.constant 32 : index
    %swap3A_689 = tpu.vector_load %arg13[%swap3A_687, %swap3A_688] {strides = array<i32>} : memref<16x64xf32, #tpu.memory_space<vmem>>, vector<16xf32>,
    tpu.vector_store %arg13[%swap3A_687, %swap3A_688], %broadcast_in_dim3A_4 {strides = array<i32>} : memref<16x64xf32, #tpu.memory_space<vmem>>, vector<16xf32>,
    %swap3A_690 = arith.constant 10 : i32
    %swap3A_691 = arith.index_cast %swap3A_690 : i32 to index
    %swap3A_692 = arith.constant 48 : index
    %swap3A_693 = tpu.vector_load %arg13[%swap3A_691, %swap3A_692] {strides = array<i32>} : memref<16x64xf32, #tpu.memory_space<vmem>>, vector<16xf32>,
    tpu.vector_store %arg13[%swap3A_691, %swap3A_692], %broadcast_in_dim3A_4 {strides = array<i32>} : memref<16x64xf32, #tpu.memory_space<vmem>>, vector<16xf32>,
    %swap3A_694 = arith.constant 11 : i32
    %swap3A_695 = arith.index_cast %swap3A_694 : i32 to index
    %swap3A_696 = arith.constant 0 : index
    %swap3A_697 = tpu.vector_load %arg13[%swap3A_695, %swap3A_696] {strides = array<i32>} : memref<16x64xf32, #tpu.memory_space<vmem>>, vector<16xf32>,
    tpu.vector_store %arg13[%swap3A_695, %swap3A_696], %broadcast_in_dim3A_4 {strides = array<i32>} : memref<16x64xf32, #tpu.memory_space<vmem>>, vector<16xf32>,
    %swap3A_698 = arith.constant 11 : i32
    %swap3A_699 = arith.index_cast %swap3A_698 : i32 to index
    %swap3A_700 = arith.constant 16 : index
    %swap3A_701 = tpu.vector_load %arg13[%swap3A_699, %swap3A_700] {strides = array<i32>} : memref<16x64xf32, #tpu.memory_space<vmem>>, vector<16xf32>,
    tpu.vector_store %arg13[%swap3A_699, %swap3A_700], %broadcast_in_dim3A_4 {strides = array<i32>} : memref<16x64xf32, #tpu.memory_space<vmem>>, vector<16xf32>,
    %swap3A_702 = arith.constant 11 : i32
    %swap3A_703 = arith.index_cast %swap3A_702 : i32 to index
    %swap3A_704 = arith.constant 32 : index
    %swap3A_705 = tpu.vector_load %arg13[%swap3A_703, %swap3A_704] {strides = array<i32>} : memref<16x64xf32, #tpu.memory_space<vmem>>, vector<16xf32>,
    tpu.vector_store %arg13[%swap3A_703, %swap3A_704], %broadcast_in_dim3A_4 {strides = array<i32>} : memref<16x64xf32, #tpu.memory_space<vmem>>, vector<16xf32>,
    %swap3A_706 = arith.constant 11 : i32
    %swap3A_707 = arith.index_cast %swap3A_706 : i32 to index
    %swap3A_708 = arith.constant 48 : index
    %swap3A_709 = tpu.vector_load %arg13[%swap3A_707, %swap3A_708] {strides = array<i32>} : memref<16x64xf32, #tpu.memory_space<vmem>>, vector<16xf32>,
    tpu.vector_store %arg13[%swap3A_707, %swap3A_708], %broadcast_in_dim3A_4 {strides = array<i32>} : memref<16x64xf32, #tpu.memory_space<vmem>>, vector<16xf32>,
    %swap3A_710 = arith.constant 12 : i32
    %swap3A_711 = arith.index_cast %swap3A_710 : i32 to index
    %swap3A_712 = arith.constant 0 : index
    %swap3A_713 = tpu.vector_load %arg13[%swap3A_711, %swap3A_712] {strides = array<i32>} : memref<16x64xf32, #tpu.memory_space<vmem>>, vector<16xf32>,
    tpu.vector_store %arg13[%swap3A_711, %swap3A_712], %broadcast_in_dim3A_4 {strides = array<i32>} : memref<16x64xf32, #tpu.memory_space<vmem>>, vector<16xf32>,
    %swap3A_714 = arith.constant 12 : i32
    %swap3A_715 = arith.index_cast %swap3A_714 : i32 to index
    %swap3A_716 = arith.constant 16 : index
    %swap3A_717 = tpu.vector_load %arg13[%swap3A_715, %swap3A_716] {strides = array<i32>} : memref<16x64xf32, #tpu.memory_space<vmem>>, vector<16xf32>,
    tpu.vector_store %arg13[%swap3A_715, %swap3A_716], %broadcast_in_dim3A_4 {strides = array<i32>} : memref<16x64xf32, #tpu.memory_space<vmem>>, vector<16xf32>,
    %swap3A_718 = arith.constant 12 : i32
    %swap3A_719 = arith.index_cast %swap3A_718 : i32 to index
    %swap3A_720 = arith.constant 32 : index
    %swap3A_721 = tpu.vector_load %arg13[%swap3A_719, %swap3A_720] {strides = array<i32>} : memref<16x64xf32, #tpu.memory_space<vmem>>, vector<16xf32>,
    tpu.vector_store %arg13[%swap3A_719, %swap3A_720], %broadcast_in_dim3A_4 {strides = array<i32>} : memref<16x64xf32, #tpu.memory_space<vmem>>, vector<16xf32>,
    %swap3A_722 = arith.constant 12 : i32
    %swap3A_723 = arith.index_cast %swap3A_722 : i32 to index
    %swap3A_724 = arith.constant 48 : index
    %swap3A_725 = tpu.vector_load %arg13[%swap3A_723, %swap3A_724] {strides = array<i32>} : memref<16x64xf32, #tpu.memory_space<vmem>>, vector<16xf32>,
    tpu.vector_store %arg13[%swap3A_723, %swap3A_724], %broadcast_in_dim3A_4 {strides = array<i32>} : memref<16x64xf32, #tpu.memory_space<vmem>>, vector<16xf32>,
    %swap3A_726 = arith.constant 13 : i32
    %swap3A_727 = arith.index_cast %swap3A_726 : i32 to index
    %swap3A_728 = arith.constant 0 : index
    %swap3A_729 = tpu.vector_load %arg13[%swap3A_727, %swap3A_728] {strides = array<i32>} : memref<16x64xf32, #tpu.memory_space<vmem>>, vector<16xf32>,
    tpu.vector_store %arg13[%swap3A_727, %swap3A_728], %broadcast_in_dim3A_4 {strides = array<i32>} : memref<16x64xf32, #tpu.memory_space<vmem>>, vector<16xf32>,
    %swap3A_730 = arith.constant 13 : i32
    %swap3A_731 = arith.index_cast %swap3A_730 : i32 to index
    %swap3A_732 = arith.constant 16 : index
    %swap3A_733 = tpu.vector_load %arg13[%swap3A_731, %swap3A_732] {strides = array<i32>} : memref<16x64xf32, #tpu.memory_space<vmem>>, vector<16xf32>,
    tpu.vector_store %arg13[%swap3A_731, %swap3A_732], %broadcast_in_dim3A_4 {strides = array<i32>} : memref<16x64xf32, #tpu.memory_space<vmem>>, vector<16xf32>,
    %swap3A_734 = arith.constant 13 : i32
    %swap3A_735 = arith.index_cast %swap3A_734 : i32 to index
    %swap3A_736 = arith.constant 32 : index
    %swap3A_737 = tpu.vector_load %arg13[%swap3A_735, %swap3A_736] {strides = array<i32>} : memref<16x64xf32, #tpu.memory_space<vmem>>, vector<16xf32>,
    tpu.vector_store %arg13[%swap3A_735, %swap3A_736], %broadcast_in_dim3A_4 {strides = array<i32>} : memref<16x64xf32, #tpu.memory_space<vmem>>, vector<16xf32>,
    %swap3A_738 = arith.constant 13 : i32
    %swap3A_739 = arith.index_cast %swap3A_738 : i32 to index
    %swap3A_740 = arith.constant 48 : index
    %swap3A_741 = tpu.vector_load %arg13[%swap3A_739, %swap3A_740] {strides = array<i32>} : memref<16x64xf32, #tpu.memory_space<vmem>>, vector<16xf32>,
    tpu.vector_store %arg13[%swap3A_739, %swap3A_740], %broadcast_in_dim3A_4 {strides = array<i32>} : memref<16x64xf32, #tpu.memory_space<vmem>>, vector<16xf32>,
    %swap3A_742 = arith.constant 14 : i32
    %swap3A_743 = arith.index_cast %swap3A_742 : i32 to index
    %swap3A_744 = arith.constant 0 : index
    %swap3A_745 = tpu.vector_load %arg13[%swap3A_743, %swap3A_744] {strides = array<i32>} : memref<16x64xf32, #tpu.memory_space<vmem>>, vector<16xf32>,
    tpu.vector_store %arg13[%swap3A_743, %swap3A_744], %broadcast_in_dim3A_4 {strides = array<i32>} : memref<16x64xf32, #tpu.memory_space<vmem>>, vector<16xf32>,
    %swap3A_746 = arith.constant 14 : i32
    %swap3A_747 = arith.index_cast %swap3A_746 : i32 to index
    %swap3A_748 = arith.constant 16 : index
    %swap3A_749 = tpu.vector_load %arg13[%swap3A_747, %swap3A_748] {strides = array<i32>} : memref<16x64xf32, #tpu.memory_space<vmem>>, vector<16xf32>,
    tpu.vector_store %arg13[%swap3A_747, %swap3A_748], %broadcast_in_dim3A_4 {strides = array<i32>} : memref<16x64xf32, #tpu.memory_space<vmem>>, vector<16xf32>,
    %swap3A_750 = arith.constant 14 : i32
    %swap3A_751 = arith.index_cast %swap3A_750 : i32 to index
    %swap3A_752 = arith.constant 32 : index
    %swap3A_753 = tpu.vector_load %arg13[%swap3A_751, %swap3A_752] {strides = array<i32>} : memref<16x64xf32, #tpu.memory_space<vmem>>, vector<16xf32>,
    tpu.vector_store %arg13[%swap3A_751, %swap3A_752], %broadcast_in_dim3A_4 {strides = array<i32>} : memref<16x64xf32, #tpu.memory_space<vmem>>, vector<16xf32>,
    %swap3A_754 = arith.constant 14 : i32
    %swap3A_755 = arith.index_cast %swap3A_754 : i32 to index
    %swap3A_756 = arith.constant 48 : index
    %swap3A_757 = tpu.vector_load %arg13[%swap3A_755, %swap3A_756] {strides = array<i32>} : memref<16x64xf32, #tpu.memory_space<vmem>>, vector<16xf32>,
    tpu.vector_store %arg13[%swap3A_755, %swap3A_756], %broadcast_in_dim3A_4 {strides = array<i32>} : memref<16x64xf32, #tpu.memory_space<vmem>>, vector<16xf32>,
    %swap3A_758 = arith.constant 15 : i32
    %swap3A_759 = arith.index_cast %swap3A_758 : i32 to index
    %swap3A_760 = arith.constant 0 : index
    %swap3A_761 = tpu.vector_load %arg13[%swap3A_759, %swap3A_760] {strides = array<i32>} : memref<16x64xf32, #tpu.memory_space<vmem>>, vector<16xf32>,
    tpu.vector_store %arg13[%swap3A_759, %swap3A_760], %broadcast_in_dim3A_4 {strides = array<i32>} : memref<16x64xf32, #tpu.memory_space<vmem>>, vector<16xf32>,
    %swap3A_762 = arith.constant 15 : i32
    %swap3A_763 = arith.index_cast %swap3A_762 : i32 to index
    %swap3A_764 = arith.constant 16 : index
    %swap3A_765 = tpu.vector_load %arg13[%swap3A_763, %swap3A_764] {strides = array<i32>} : memref<16x64xf32, #tpu.memory_space<vmem>>, vector<16xf32>,
    tpu.vector_store %arg13[%swap3A_763, %swap3A_764], %broadcast_in_dim3A_4 {strides = array<i32>} : memref<16x64xf32, #tpu.memory_space<vmem>>, vector<16xf32>,
    %swap3A_766 = arith.constant 15 : i32
    %swap3A_767 = arith.index_cast %swap3A_766 : i32 to index
    %swap3A_768 = arith.constant 32 : index
    %swap3A_769 = tpu.vector_load %arg13[%swap3A_767, %swap3A_768] {strides = array<i32>} : memref<16x64xf32, #tpu.memory_space<vmem>>, vector<16xf32>,
    tpu.vector_store %arg13[%swap3A_767, %swap3A_768], %broadcast_in_dim3A_4 {strides = array<i32>} : memref<16x64xf32, #tpu.memory_space<vmem>>, vector<16xf32>,
    %swap3A_770 = arith.constant 15 : i32
    %swap3A_771 = arith.index_cast %swap3A_770 : i32 to index
    %swap3A_772 = arith.constant 48 : index
    %swap3A_773 = tpu.vector_load %arg13[%swap3A_771, %swap3A_772] {strides = array<i32>} : memref<16x64xf32, #tpu.memory_space<vmem>>, vector<16xf32>,
    tpu.vector_store %arg13[%swap3A_771, %swap3A_772], %broadcast_in_dim3A_4 {strides = array<i32>} : memref<16x64xf32, #tpu.memory_space<vmem>>, vector<16xf32>,
    %swap3A_774 = arith.constant 0 : i32
    %swap3A_775 = arith.index_cast %swap3A_774 : i32 to index
    %swap3A_776 = arith.constant 0 : index
    %swap3A_777 = tpu.vector_load %arg14[%swap3A_775, %swap3A_776] {strides = array<i32>} : memref<16x64xf32, #tpu.memory_space<vmem>>, vector<16xf32>,
    tpu.vector_store %arg14[%swap3A_775, %swap3A_776], %broadcast_in_dim3A_4 {strides = array<i32>} : memref<16x64xf32, #tpu.memory_space<vmem>>, vector<16xf32>,
    %swap3A_778 = arith.constant 0 : i32
    %swap3A_779 = arith.index_cast %swap3A_778 : i32 to index
    %swap3A_780 = arith.constant 16 : index
    %swap3A_781 = tpu.vector_load %arg14[%swap3A_779, %swap3A_780] {strides = array<i32>} : memref<16x64xf32, #tpu.memory_space<vmem>>, vector<16xf32>,
    tpu.vector_store %arg14[%swap3A_779, %swap3A_780], %broadcast_in_dim3A_4 {strides = array<i32>} : memref<16x64xf32, #tpu.memory_space<vmem>>, vector<16xf32>,
    %swap3A_782 = arith.constant 0 : i32
    %swap3A_783 = arith.index_cast %swap3A_782 : i32 to index
    %swap3A_784 = arith.constant 32 : index
    %swap3A_785 = tpu.vector_load %arg14[%swap3A_783, %swap3A_784] {strides = array<i32>} : memref<16x64xf32, #tpu.memory_space<vmem>>, vector<16xf32>,
    tpu.vector_store %arg14[%swap3A_783, %swap3A_784], %broadcast_in_dim3A_4 {strides = array<i32>} : memref<16x64xf32, #tpu.memory_space<vmem>>, vector<16xf32>,
    %swap3A_786 = arith.constant 0 : i32
    %swap3A_787 = arith.index_cast %swap3A_786 : i32 to index
    %swap3A_788 = arith.constant 48 : index
    %swap3A_789 = tpu.vector_load %arg14[%swap3A_787, %swap3A_788] {strides = array<i32>} : memref<16x64xf32, #tpu.memory_space<vmem>>, vector<16xf32>,
    tpu.vector_store %arg14[%swap3A_787, %swap3A_788], %broadcast_in_dim3A_4 {strides = array<i32>} : memref<16x64xf32, #tpu.memory_space<vmem>>, vector<16xf32>,
    %swap3A_790 = arith.constant 1 : i32
    %swap3A_791 = arith.index_cast %swap3A_790 : i32 to index
    %swap3A_792 = arith.constant 0 : index
    %swap3A_793 = tpu.vector_load %arg14[%swap3A_791, %swap3A_792] {strides = array<i32>} : memref<16x64xf32, #tpu.memory_space<vmem>>, vector<16xf32>,
    tpu.vector_store %arg14[%swap3A_791, %swap3A_792], %broadcast_in_dim3A_4 {strides = array<i32>} : memref<16x64xf32, #tpu.memory_space<vmem>>, vector<16xf32>,
    %swap3A_794 = arith.constant 1 : i32
    %swap3A_795 = arith.index_cast %swap3A_794 : i32 to index
    %swap3A_796 = arith.constant 16 : index
    %swap3A_797 = tpu.vector_load %arg14[%swap3A_795, %swap3A_796] {strides = array<i32>} : memref<16x64xf32, #tpu.memory_space<vmem>>, vector<16xf32>,
    tpu.vector_store %arg14[%swap3A_795, %swap3A_796], %broadcast_in_dim3A_4 {strides = array<i32>} : memref<16x64xf32, #tpu.memory_space<vmem>>, vector<16xf32>,
    %swap3A_798 = arith.constant 1 : i32
    %swap3A_799 = arith.index_cast %swap3A_798 : i32 to index
    %swap3A_800 = arith.constant 32 : index
    %swap3A_801 = tpu.vector_load %arg14[%swap3A_799, %swap3A_800] {strides = array<i32>} : memref<16x64xf32, #tpu.memory_space<vmem>>, vector<16xf32>,
    tpu.vector_store %arg14[%swap3A_799, %swap3A_800], %broadcast_in_dim3A_4 {strides = array<i32>} : memref<16x64xf32, #tpu.memory_space<vmem>>, vector<16xf32>,
    %swap3A_802 = arith.constant 1 : i32
    %swap3A_803 = arith.index_cast %swap3A_802 : i32 to index
    %swap3A_804 = arith.constant 48 : index
    %swap3A_805 = tpu.vector_load %arg14[%swap3A_803, %swap3A_804] {strides = array<i32>} : memref<16x64xf32, #tpu.memory_space<vmem>>, vector<16xf32>,
    tpu.vector_store %arg14[%swap3A_803, %swap3A_804], %broadcast_in_dim3A_4 {strides = array<i32>} : memref<16x64xf32, #tpu.memory_space<vmem>>, vector<16xf32>,
    %swap3A_806 = arith.constant 2 : i32
    %swap3A_807 = arith.index_cast %swap3A_806 : i32 to index
    %swap3A_808 = arith.constant 0 : index
    %swap3A_809 = tpu.vector_load %arg14[%swap3A_807, %swap3A_808] {strides = array<i32>} : memref<16x64xf32, #tpu.memory_space<vmem>>, vector<16xf32>,
    tpu.vector_store %arg14[%swap3A_807, %swap3A_808], %broadcast_in_dim3A_4 {strides = array<i32>} : memref<16x64xf32, #tpu.memory_space<vmem>>, vector<16xf32>,
    %swap3A_810 = arith.constant 2 : i32
    %swap3A_811 = arith.index_cast %swap3A_810 : i32 to index
    %swap3A_812 = arith.constant 16 : index
    %swap3A_813 = tpu.vector_load %arg14[%swap3A_811, %swap3A_812] {strides = array<i32>} : memref<16x64xf32, #tpu.memory_space<vmem>>, vector<16xf32>,
    tpu.vector_store %arg14[%swap3A_811, %swap3A_812], %broadcast_in_dim3A_4 {strides = array<i32>} : memref<16x64xf32, #tpu.memory_space<vmem>>, vector<16xf32>,
    %swap3A_814 = arith.constant 2 : i32
    %swap3A_815 = arith.index_cast %swap3A_814 : i32 to index
    %swap3A_816 = arith.constant 32 : index
    %swap3A_817 = tpu.vector_load %arg14[%swap3A_815, %swap3A_816] {strides = array<i32>} : memref<16x64xf32, #tpu.memory_space<vmem>>, vector<16xf32>,
    tpu.vector_store %arg14[%swap3A_815, %swap3A_816], %broadcast_in_dim3A_4 {strides = array<i32>} : memref<16x64xf32, #tpu.memory_space<vmem>>, vector<16xf32>,
    %swap3A_818 = arith.constant 2 : i32
    %swap3A_819 = arith.index_cast %swap3A_818 : i32 to index
    %swap3A_820 = arith.constant 48 : index
    %swap3A_821 = tpu.vector_load %arg14[%swap3A_819, %swap3A_820] {strides = array<i32>} : memref<16x64xf32, #tpu.memory_space<vmem>>, vector<16xf32>,
    tpu.vector_store %arg14[%swap3A_819, %swap3A_820], %broadcast_in_dim3A_4 {strides = array<i32>} : memref<16x64xf32, #tpu.memory_space<vmem>>, vector<16xf32>,
    %swap3A_822 = arith.constant 3 : i32
    %swap3A_823 = arith.index_cast %swap3A_822 : i32 to index
    %swap3A_824 = arith.constant 0 : index
    %swap3A_825 = tpu.vector_load %arg14[%swap3A_823, %swap3A_824] {strides = array<i32>} : memref<16x64xf32, #tpu.memory_space<vmem>>, vector<16xf32>,
    tpu.vector_store %arg14[%swap3A_823, %swap3A_824], %broadcast_in_dim3A_4 {strides = array<i32>} : memref<16x64xf32, #tpu.memory_space<vmem>>, vector<16xf32>,
    %swap3A_826 = arith.constant 3 : i32
    %swap3A_827 = arith.index_cast %swap3A_826 : i32 to index
    %swap3A_828 = arith.constant 16 : index
    %swap3A_829 = tpu.vector_load %arg14[%swap3A_827, %swap3A_828] {strides = array<i32>} : memref<16x64xf32, #tpu.memory_space<vmem>>, vector<16xf32>,
    tpu.vector_store %arg14[%swap3A_827, %swap3A_828], %broadcast_in_dim3A_4 {strides = array<i32>} : memref<16x64xf32, #tpu.memory_space<vmem>>, vector<16xf32>,
    %swap3A_830 = arith.constant 3 : i32
    %swap3A_831 = arith.index_cast %swap3A_830 : i32 to index
    %swap3A_832 = arith.constant 32 : index
    %swap3A_833 = tpu.vector_load %arg14[%swap3A_831, %swap3A_832] {strides = array<i32>} : memref<16x64xf32, #tpu.memory_space<vmem>>, vector<16xf32>,
    tpu.vector_store %arg14[%swap3A_831, %swap3A_832], %broadcast_in_dim3A_4 {strides = array<i32>} : memref<16x64xf32, #tpu.memory_space<vmem>>, vector<16xf32>,
    %swap3A_834 = arith.constant 3 : i32
    %swap3A_835 = arith.index_cast %swap3A_834 : i32 to index
    %swap3A_836 = arith.constant 48 : index
    %swap3A_837 = tpu.vector_load %arg14[%swap3A_835, %swap3A_836] {strides = array<i32>} : memref<16x64xf32, #tpu.memory_space<vmem>>, vector<16xf32>,
    tpu.vector_store %arg14[%swap3A_835, %swap3A_836], %broadcast_in_dim3A_4 {strides = array<i32>} : memref<16x64xf32, #tpu.memory_space<vmem>>, vector<16xf32>,
    %swap3A_838 = arith.constant 4 : i32
    %swap3A_839 = arith.index_cast %swap3A_838 : i32 to index
    %swap3A_840 = arith.constant 0 : index
    %swap3A_841 = tpu.vector_load %arg14[%swap3A_839, %swap3A_840] {strides = array<i32>} : memref<16x64xf32, #tpu.memory_space<vmem>>, vector<16xf32>,
    tpu.vector_store %arg14[%swap3A_839, %swap3A_840], %broadcast_in_dim3A_4 {strides = array<i32>} : memref<16x64xf32, #tpu.memory_space<vmem>>, vector<16xf32>,
    %swap3A_842 = arith.constant 4 : i32
    %swap3A_843 = arith.index_cast %swap3A_842 : i32 to index
    %swap3A_844 = arith.constant 16 : index
    %swap3A_845 = tpu.vector_load %arg14[%swap3A_843, %swap3A_844] {strides = array<i32>} : memref<16x64xf32, #tpu.memory_space<vmem>>, vector<16xf32>,
    tpu.vector_store %arg14[%swap3A_843, %swap3A_844], %broadcast_in_dim3A_4 {strides = array<i32>} : memref<16x64xf32, #tpu.memory_space<vmem>>, vector<16xf32>,
    %swap3A_846 = arith.constant 4 : i32
    %swap3A_847 = arith.index_cast %swap3A_846 : i32 to index
    %swap3A_848 = arith.constant 32 : index
    %swap3A_849 = tpu.vector_load %arg14[%swap3A_847, %swap3A_848] {strides = array<i32>} : memref<16x64xf32, #tpu.memory_space<vmem>>, vector<16xf32>,
    tpu.vector_store %arg14[%swap3A_847, %swap3A_848], %broadcast_in_dim3A_4 {strides = array<i32>} : memref<16x64xf32, #tpu.memory_space<vmem>>, vector<16xf32>,
    %swap3A_850 = arith.constant 4 : i32
    %swap3A_851 = arith.index_cast %swap3A_850 : i32 to index
    %swap3A_852 = arith.constant 48 : index
    %swap3A_853 = tpu.vector_load %arg14[%swap3A_851, %swap3A_852] {strides = array<i32>} : memref<16x64xf32, #tpu.memory_space<vmem>>, vector<16xf32>,
    tpu.vector_store %arg14[%swap3A_851, %swap3A_852], %broadcast_in_dim3A_4 {strides = array<i32>} : memref<16x64xf32, #tpu.memory_space<vmem>>, vector<16xf32>,
    %swap3A_854 = arith.constant 5 : i32
    %swap3A_855 = arith.index_cast %swap3A_854 : i32 to index
    %swap3A_856 = arith.constant 0 : index
    %swap3A_857 = tpu.vector_load %arg14[%swap3A_855, %swap3A_856] {strides = array<i32>} : memref<16x64xf32, #tpu.memory_space<vmem>>, vector<16xf32>,
    tpu.vector_store %arg14[%swap3A_855, %swap3A_856], %broadcast_in_dim3A_4 {strides = array<i32>} : memref<16x64xf32, #tpu.memory_space<vmem>>, vector<16xf32>,
    %swap3A_858 = arith.constant 5 : i32
    %swap3A_859 = arith.index_cast %swap3A_858 : i32 to index
    %swap3A_860 = arith.constant 16 : index
    %swap3A_861 = tpu.vector_load %arg14[%swap3A_859, %swap3A_860] {strides = array<i32>} : memref<16x64xf32, #tpu.memory_space<vmem>>, vector<16xf32>,
    tpu.vector_store %arg14[%swap3A_859, %swap3A_860], %broadcast_in_dim3A_4 {strides = array<i32>} : memref<16x64xf32, #tpu.memory_space<vmem>>, vector<16xf32>,
    %swap3A_862 = arith.constant 5 : i32
    %swap3A_863 = arith.index_cast %swap3A_862 : i32 to index
    %swap3A_864 = arith.constant 32 : index
    %swap3A_865 = tpu.vector_load %arg14[%swap3A_863, %swap3A_864] {strides = array<i32>} : memref<16x64xf32, #tpu.memory_space<vmem>>, vector<16xf32>,
    tpu.vector_store %arg14[%swap3A_863, %swap3A_864], %broadcast_in_dim3A_4 {strides = array<i32>} : memref<16x64xf32, #tpu.memory_space<vmem>>, vector<16xf32>,
    %swap3A_866 = arith.constant 5 : i32
    %swap3A_867 = arith.index_cast %swap3A_866 : i32 to index
    %swap3A_868 = arith.constant 48 : index
    %swap3A_869 = tpu.vector_load %arg14[%swap3A_867, %swap3A_868] {strides = array<i32>} : memref<16x64xf32, #tpu.memory_space<vmem>>, vector<16xf32>,
    tpu.vector_store %arg14[%swap3A_867, %swap3A_868], %broadcast_in_dim3A_4 {strides = array<i32>} : memref<16x64xf32, #tpu.memory_space<vmem>>, vector<16xf32>,
    %swap3A_870 = arith.constant 6 : i32
    %swap3A_871 = arith.index_cast %swap3A_870 : i32 to index
    %swap3A_872 = arith.constant 0 : index
    %swap3A_873 = tpu.vector_load %arg14[%swap3A_871, %swap3A_872] {strides = array<i32>} : memref<16x64xf32, #tpu.memory_space<vmem>>, vector<16xf32>,
    tpu.vector_store %arg14[%swap3A_871, %swap3A_872], %broadcast_in_dim3A_4 {strides = array<i32>} : memref<16x64xf32, #tpu.memory_space<vmem>>, vector<16xf32>,
    %swap3A_874 = arith.constant 6 : i32
    %swap3A_875 = arith.index_cast %swap3A_874 : i32 to index
    %swap3A_876 = arith.constant 16 : index
    %swap3A_877 = tpu.vector_load %arg14[%swap3A_875, %swap3A_876] {strides = array<i32>} : memref<16x64xf32, #tpu.memory_space<vmem>>, vector<16xf32>,
    tpu.vector_store %arg14[%swap3A_875, %swap3A_876], %broadcast_in_dim3A_4 {strides = array<i32>} : memref<16x64xf32, #tpu.memory_space<vmem>>, vector<16xf32>,
    %swap3A_878 = arith.constant 6 : i32
    %swap3A_879 = arith.index_cast %swap3A_878 : i32 to index
    %swap3A_880 = arith.constant 32 : index
    %swap3A_881 = tpu.vector_load %arg14[%swap3A_879, %swap3A_880] {strides = array<i32>} : memref<16x64xf32, #tpu.memory_space<vmem>>, vector<16xf32>,
    tpu.vector_store %arg14[%swap3A_879, %swap3A_880], %broadcast_in_dim3A_4 {strides = array<i32>} : memref<16x64xf32, #tpu.memory_space<vmem>>, vector<16xf32>,
    %swap3A_882 = arith.constant 6 : i32
    %swap3A_883 = arith.index_cast %swap3A_882 : i32 to index
    %swap3A_884 = arith.constant 48 : index
    %swap3A_885 = tpu.vector_load %arg14[%swap3A_883, %swap3A_884] {strides = array<i32>} : memref<16x64xf32, #tpu.memory_space<vmem>>, vector<16xf32>,
    tpu.vector_store %arg14[%swap3A_883, %swap3A_884], %broadcast_in_dim3A_4 {strides = array<i32>} : memref<16x64xf32, #tpu.memory_space<vmem>>, vector<16xf32>,
    %swap3A_886 = arith.constant 7 : i32
    %swap3A_887 = arith.index_cast %swap3A_886 : i32 to index
    %swap3A_888 = arith.constant 0 : index
    %swap3A_889 = tpu.vector_load %arg14[%swap3A_887, %swap3A_888] {strides = array<i32>} : memref<16x64xf32, #tpu.memory_space<vmem>>, vector<16xf32>,
    tpu.vector_store %arg14[%swap3A_887, %swap3A_888], %broadcast_in_dim3A_4 {strides = array<i32>} : memref<16x64xf32, #tpu.memory_space<vmem>>, vector<16xf32>,
    %swap3A_890 = arith.constant 7 : i32
    %swap3A_891 = arith.index_cast %swap3A_890 : i32 to index
    %swap3A_892 = arith.constant 16 : index
    %swap3A_893 = tpu.vector_load %arg14[%swap3A_891, %swap3A_892] {strides = array<i32>} : memref<16x64xf32, #tpu.memory_space<vmem>>, vector<16xf32>,
    tpu.vector_store %arg14[%swap3A_891, %swap3A_892], %broadcast_in_dim3A_4 {strides = array<i32>} : memref<16x64xf32, #tpu.memory_space<vmem>>, vector<16xf32>,
    %swap3A_894 = arith.constant 7 : i32
    %swap3A_895 = arith.index_cast %swap3A_894 : i32 to index
    %swap3A_896 = arith.constant 32 : index
    %swap3A_897 = tpu.vector_load %arg14[%swap3A_895, %swap3A_896] {strides = array<i32>} : memref<16x64xf32, #tpu.memory_space<vmem>>, vector<16xf32>,
    tpu.vector_store %arg14[%swap3A_895, %swap3A_896], %broadcast_in_dim3A_4 {strides = array<i32>} : memref<16x64xf32, #tpu.memory_space<vmem>>, vector<16xf32>,
    %swap3A_898 = arith.constant 7 : i32
    %swap3A_899 = arith.index_cast %swap3A_898 : i32 to index
    %swap3A_900 = arith.constant 48 : index
    %swap3A_901 = tpu.vector_load %arg14[%swap3A_899, %swap3A_900] {strides = array<i32>} : memref<16x64xf32, #tpu.memory_space<vmem>>, vector<16xf32>,
    tpu.vector_store %arg14[%swap3A_899, %swap3A_900], %broadcast_in_dim3A_4 {strides = array<i32>} : memref<16x64xf32, #tpu.memory_space<vmem>>, vector<16xf32>,
    %swap3A_902 = arith.constant 8 : i32
    %swap3A_903 = arith.index_cast %swap3A_902 : i32 to index
    %swap3A_904 = arith.constant 0 : index
    %swap3A_905 = tpu.vector_load %arg14[%swap3A_903, %swap3A_904] {strides = array<i32>} : memref<16x64xf32, #tpu.memory_space<vmem>>, vector<16xf32>,
    tpu.vector_store %arg14[%swap3A_903, %swap3A_904], %broadcast_in_dim3A_4 {strides = array<i32>} : memref<16x64xf32, #tpu.memory_space<vmem>>, vector<16xf32>,
    %swap3A_906 = arith.constant 8 : i32
    %swap3A_907 = arith.index_cast %swap3A_906 : i32 to index
    %swap3A_908 = arith.constant 16 : index
    %swap3A_909 = tpu.vector_load %arg14[%swap3A_907, %swap3A_908] {strides = array<i32>} : memref<16x64xf32, #tpu.memory_space<vmem>>, vector<16xf32>,
    tpu.vector_store %arg14[%swap3A_907, %swap3A_908], %broadcast_in_dim3A_4 {strides = array<i32>} : memref<16x64xf32, #tpu.memory_space<vmem>>, vector<16xf32>,
    %swap3A_910 = arith.constant 8 : i32
    %swap3A_911 = arith.index_cast %swap3A_910 : i32 to index
    %swap3A_912 = arith.constant 32 : index
    %swap3A_913 = tpu.vector_load %arg14[%swap3A_911, %swap3A_912] {strides = array<i32>} : memref<16x64xf32, #tpu.memory_space<vmem>>, vector<16xf32>,
    tpu.vector_store %arg14[%swap3A_911, %swap3A_912], %broadcast_in_dim3A_4 {strides = array<i32>} : memref<16x64xf32, #tpu.memory_space<vmem>>, vector<16xf32>,
    %swap3A_914 = arith.constant 8 : i32
    %swap3A_915 = arith.index_cast %swap3A_914 : i32 to index
    %swap3A_916 = arith.constant 48 : index
    %swap3A_917 = tpu.vector_load %arg14[%swap3A_915, %swap3A_916] {strides = array<i32>} : memref<16x64xf32, #tpu.memory_space<vmem>>, vector<16xf32>,
    tpu.vector_store %arg14[%swap3A_915, %swap3A_916], %broadcast_in_dim3A_4 {strides = array<i32>} : memref<16x64xf32, #tpu.memory_space<vmem>>, vector<16xf32>,
    %swap3A_918 = arith.constant 9 : i32
    %swap3A_919 = arith.index_cast %swap3A_918 : i32 to index
    %swap3A_920 = arith.constant 0 : index
    %swap3A_921 = tpu.vector_load %arg14[%swap3A_919, %swap3A_920] {strides = array<i32>} : memref<16x64xf32, #tpu.memory_space<vmem>>, vector<16xf32>,
    tpu.vector_store %arg14[%swap3A_919, %swap3A_920], %broadcast_in_dim3A_4 {strides = array<i32>} : memref<16x64xf32, #tpu.memory_space<vmem>>, vector<16xf32>,
    %swap3A_922 = arith.constant 9 : i32
    %swap3A_923 = arith.index_cast %swap3A_922 : i32 to index
    %swap3A_924 = arith.constant 16 : index
    %swap3A_925 = tpu.vector_load %arg14[%swap3A_923, %swap3A_924] {strides = array<i32>} : memref<16x64xf32, #tpu.memory_space<vmem>>, vector<16xf32>,
    tpu.vector_store %arg14[%swap3A_923, %swap3A_924], %broadcast_in_dim3A_4 {strides = array<i32>} : memref<16x64xf32, #tpu.memory_space<vmem>>, vector<16xf32>,
    %swap3A_926 = arith.constant 9 : i32
    %swap3A_927 = arith.index_cast %swap3A_926 : i32 to index
    %swap3A_928 = arith.constant 32 : index
    %swap3A_929 = tpu.vector_load %arg14[%swap3A_927, %swap3A_928] {strides = array<i32>} : memref<16x64xf32, #tpu.memory_space<vmem>>, vector<16xf32>,
    tpu.vector_store %arg14[%swap3A_927, %swap3A_928], %broadcast_in_dim3A_4 {strides = array<i32>} : memref<16x64xf32, #tpu.memory_space<vmem>>, vector<16xf32>,
    %swap3A_930 = arith.constant 9 : i32
    %swap3A_931 = arith.index_cast %swap3A_930 : i32 to index
    %swap3A_932 = arith.constant 48 : index
    %swap3A_933 = tpu.vector_load %arg14[%swap3A_931, %swap3A_932] {strides = array<i32>} : memref<16x64xf32, #tpu.memory_space<vmem>>, vector<16xf32>,
    tpu.vector_store %arg14[%swap3A_931, %swap3A_932], %broadcast_in_dim3A_4 {strides = array<i32>} : memref<16x64xf32, #tpu.memory_space<vmem>>, vector<16xf32>,
    %swap3A_934 = arith.constant 10 : i32
    %swap3A_935 = arith.index_cast %swap3A_934 : i32 to index
    %swap3A_936 = arith.constant 0 : index
    %swap3A_937 = tpu.vector_load %arg14[%swap3A_935, %swap3A_936] {strides = array<i32>} : memref<16x64xf32, #tpu.memory_space<vmem>>, vector<16xf32>,
    tpu.vector_store %arg14[%swap3A_935, %swap3A_936], %broadcast_in_dim3A_4 {strides = array<i32>} : memref<16x64xf32, #tpu.memory_space<vmem>>, vector<16xf32>,
    %swap3A_938 = arith.constant 10 : i32
    %swap3A_939 = arith.index_cast %swap3A_938 : i32 to index
    %swap3A_940 = arith.constant 16 : index
    %swap3A_941 = tpu.vector_load %arg14[%swap3A_939, %swap3A_940] {strides = array<i32>} : memref<16x64xf32, #tpu.memory_space<vmem>>, vector<16xf32>,
    tpu.vector_store %arg14[%swap3A_939, %swap3A_940], %broadcast_in_dim3A_4 {strides = array<i32>} : memref<16x64xf32, #tpu.memory_space<vmem>>, vector<16xf32>,
    %swap3A_942 = arith.constant 10 : i32
    %swap3A_943 = arith.index_cast %swap3A_942 : i32 to index
    %swap3A_944 = arith.constant 32 : index
    %swap3A_945 = tpu.vector_load %arg14[%swap3A_943, %swap3A_944] {strides = array<i32>} : memref<16x64xf32, #tpu.memory_space<vmem>>, vector<16xf32>,
    tpu.vector_store %arg14[%swap3A_943, %swap3A_944], %broadcast_in_dim3A_4 {strides = array<i32>} : memref<16x64xf32, #tpu.memory_space<vmem>>, vector<16xf32>,
    %swap3A_946 = arith.constant 10 : i32
    %swap3A_947 = arith.index_cast %swap3A_946 : i32 to index
    %swap3A_948 = arith.constant 48 : index
    %swap3A_949 = tpu.vector_load %arg14[%swap3A_947, %swap3A_948] {strides = array<i32>} : memref<16x64xf32, #tpu.memory_space<vmem>>, vector<16xf32>,
    tpu.vector_store %arg14[%swap3A_947, %swap3A_948], %broadcast_in_dim3A_4 {strides = array<i32>} : memref<16x64xf32, #tpu.memory_space<vmem>>, vector<16xf32>,
    %swap3A_950 = arith.constant 11 : i32
    %swap3A_951 = arith.index_cast %swap3A_950 : i32 to index
    %swap3A_952 = arith.constant 0 : index
    %swap3A_953 = tpu.vector_load %arg14[%swap3A_951, %swap3A_952] {strides = array<i32>} : memref<16x64xf32, #tpu.memory_space<vmem>>, vector<16xf32>,
    tpu.vector_store %arg14[%swap3A_951, %swap3A_952], %broadcast_in_dim3A_4 {strides = array<i32>} : memref<16x64xf32, #tpu.memory_space<vmem>>, vector<16xf32>,
    %swap3A_954 = arith.constant 11 : i32
    %swap3A_955 = arith.index_cast %swap3A_954 : i32 to index
    %swap3A_956 = arith.constant 16 : index
    %swap3A_957 = tpu.vector_load %arg14[%swap3A_955, %swap3A_956] {strides = array<i32>} : memref<16x64xf32, #tpu.memory_space<vmem>>, vector<16xf32>,
    tpu.vector_store %arg14[%swap3A_955, %swap3A_956], %broadcast_in_dim3A_4 {strides = array<i32>} : memref<16x64xf32, #tpu.memory_space<vmem>>, vector<16xf32>,
    %swap3A_958 = arith.constant 11 : i32
    %swap3A_959 = arith.index_cast %swap3A_958 : i32 to index
    %swap3A_960 = arith.constant 32 : index
    %swap3A_961 = tpu.vector_load %arg14[%swap3A_959, %swap3A_960] {strides = array<i32>} : memref<16x64xf32, #tpu.memory_space<vmem>>, vector<16xf32>,
    tpu.vector_store %arg14[%swap3A_959, %swap3A_960], %broadcast_in_dim3A_4 {strides = array<i32>} : memref<16x64xf32, #tpu.memory_space<vmem>>, vector<16xf32>,
    %swap3A_962 = arith.constant 11 : i32
    %swap3A_963 = arith.index_cast %swap3A_962 : i32 to index
    %swap3A_964 = arith.constant 48 : index
    %swap3A_965 = tpu.vector_load %arg14[%swap3A_963, %swap3A_964] {strides = array<i32>} : memref<16x64xf32, #tpu.memory_space<vmem>>, vector<16xf32>,
    tpu.vector_store %arg14[%swap3A_963, %swap3A_964], %broadcast_in_dim3A_4 {strides = array<i32>} : memref<16x64xf32, #tpu.memory_space<vmem>>, vector<16xf32>,
    %swap3A_966 = arith.constant 12 : i32
    %swap3A_967 = arith.index_cast %swap3A_966 : i32 to index
    %swap3A_968 = arith.constant 0 : index
    %swap3A_969 = tpu.vector_load %arg14[%swap3A_967, %swap3A_968] {strides = array<i32>} : memref<16x64xf32, #tpu.memory_space<vmem>>, vector<16xf32>,
    tpu.vector_store %arg14[%swap3A_967, %swap3A_968], %broadcast_in_dim3A_4 {strides = array<i32>} : memref<16x64xf32, #tpu.memory_space<vmem>>, vector<16xf32>,
    %swap3A_970 = arith.constant 12 : i32
    %swap3A_971 = arith.index_cast %swap3A_970 : i32 to index
    %swap3A_972 = arith.constant 16 : index
    %swap3A_973 = tpu.vector_load %arg14[%swap3A_971, %swap3A_972] {strides = array<i32>} : memref<16x64xf32, #tpu.memory_space<vmem>>, vector<16xf32>,
    tpu.vector_store %arg14[%swap3A_971, %swap3A_972], %broadcast_in_dim3A_4 {strides = array<i32>} : memref<16x64xf32, #tpu.memory_space<vmem>>, vector<16xf32>,
    %swap3A_974 = arith.constant 12 : i32
    %swap3A_975 = arith.index_cast %swap3A_974 : i32 to index
    %swap3A_976 = arith.constant 32 : index
    %swap3A_977 = tpu.vector_load %arg14[%swap3A_975, %swap3A_976] {strides = array<i32>} : memref<16x64xf32, #tpu.memory_space<vmem>>, vector<16xf32>,
    tpu.vector_store %arg14[%swap3A_975, %swap3A_976], %broadcast_in_dim3A_4 {strides = array<i32>} : memref<16x64xf32, #tpu.memory_space<vmem>>, vector<16xf32>,
    %swap3A_978 = arith.constant 12 : i32
    %swap3A_979 = arith.index_cast %swap3A_978 : i32 to index
    %swap3A_980 = arith.constant 48 : index
    %swap3A_981 = tpu.vector_load %arg14[%swap3A_979, %swap3A_980] {strides = array<i32>} : memref<16x64xf32, #tpu.memory_space<vmem>>, vector<16xf32>,
    tpu.vector_store %arg14[%swap3A_979, %swap3A_980], %broadcast_in_dim3A_4 {strides = array<i32>} : memref<16x64xf32, #tpu.memory_space<vmem>>, vector<16xf32>,
    %swap3A_982 = arith.constant 13 : i32
    %swap3A_983 = arith.index_cast %swap3A_982 : i32 to index
    %swap3A_984 = arith.constant 0 : index
    %swap3A_985 = tpu.vector_load %arg14[%swap3A_983, %swap3A_984] {strides = array<i32>} : memref<16x64xf32, #tpu.memory_space<vmem>>, vector<16xf32>,
    tpu.vector_store %arg14[%swap3A_983, %swap3A_984], %broadcast_in_dim3A_4 {strides = array<i32>} : memref<16x64xf32, #tpu.memory_space<vmem>>, vector<16xf32>,
    %swap3A_986 = arith.constant 13 : i32
    %swap3A_987 = arith.index_cast %swap3A_986 : i32 to index
    %swap3A_988 = arith.constant 16 : index
    %swap3A_989 = tpu.vector_load %arg14[%swap3A_987, %swap3A_988] {strides = array<i32>} : memref<16x64xf32, #tpu.memory_space<vmem>>, vector<16xf32>,
    tpu.vector_store %arg14[%swap3A_987, %swap3A_988], %broadcast_in_dim3A_4 {strides = array<i32>} : memref<16x64xf32, #tpu.memory_space<vmem>>, vector<16xf32>,
    %swap3A_990 = arith.constant 13 : i32
    %swap3A_991 = arith.index_cast %swap3A_990 : i32 to index
    %swap3A_992 = arith.constant 32 : index
    %swap3A_993 = tpu.vector_load %arg14[%swap3A_991, %swap3A_992] {strides = array<i32>} : memref<16x64xf32, #tpu.memory_space<vmem>>, vector<16xf32>,
    tpu.vector_store %arg14[%swap3A_991, %swap3A_992], %broadcast_in_dim3A_4 {strides = array<i32>} : memref<16x64xf32, #tpu.memory_space<vmem>>, vector<16xf32>,
    %swap3A_994 = arith.constant 13 : i32
    %swap3A_995 = arith.index_cast %swap3A_994 : i32 to index
    %swap3A_996 = arith.constant 48 : index
    %swap3A_997 = tpu.vector_load %arg14[%swap3A_995, %swap3A_996] {strides = array<i32>} : memref<16x64xf32, #tpu.memory_space<vmem>>, vector<16xf32>,
    tpu.vector_store %arg14[%swap3A_995, %swap3A_996], %broadcast_in_dim3A_4 {strides = array<i32>} : memref<16x64xf32, #tpu.memory_space<vmem>>, vector<16xf32>,
    %swap3A_998 = arith.constant 14 : i32
    %swap3A_999 = arith.index_cast %swap3A_998 : i32 to index
    %swap3A_1000 = arith.constant 0 : index
    %swap3A_1001 = tpu.vector_load %arg14[%swap3A_999, %swap3A_1000] {strides = array<i32>} : memref<16x64xf32, #tpu.memory_space<vmem>>, vector<16xf32>,
    tpu.vector_store %arg14[%swap3A_999, %swap3A_1000], %broadcast_in_dim3A_4 {strides = array<i32>} : memref<16x64xf32, #tpu.memory_space<vmem>>, vector<16xf32>,
    %swap3A_1002 = arith.constant 14 : i32
    %swap3A_1003 = arith.index_cast %swap3A_1002 : i32 to index
    %swap3A_1004 = arith.constant 16 : index
    %swap3A_1005 = tpu.vector_load %arg14[%swap3A_1003, %swap3A_1004] {strides = array<i32>} : memref<16x64xf32, #tpu.memory_space<vmem>>, vector<16xf32>,
    tpu.vector_store %arg14[%swap3A_1003, %swap3A_1004], %broadcast_in_dim3A_4 {strides = array<i32>} : memref<16x64xf32, #tpu.memory_space<vmem>>, vector<16xf32>,
    %swap3A_1006 = arith.constant 14 : i32
    %swap3A_1007 = arith.index_cast %swap3A_1006 : i32 to index
    %swap3A_1008 = arith.constant 32 : index
    %swap3A_1009 = tpu.vector_load %arg14[%swap3A_1007, %swap3A_1008] {strides = array<i32>} : memref<16x64xf32, #tpu.memory_space<vmem>>, vector<16xf32>,
    tpu.vector_store %arg14[%swap3A_1007, %swap3A_1008], %broadcast_in_dim3A_4 {strides = array<i32>} : memref<16x64xf32, #tpu.memory_space<vmem>>, vector<16xf32>,
    %swap3A_1010 = arith.constant 14 : i32
    %swap3A_1011 = arith.index_cast %swap3A_1010 : i32 to index
    %swap3A_1012 = arith.constant 48 : index
    %swap3A_1013 = tpu.vector_load %arg14[%swap3A_1011, %swap3A_1012] {strides = array<i32>} : memref<16x64xf32, #tpu.memory_space<vmem>>, vector<16xf32>,
    tpu.vector_store %arg14[%swap3A_1011, %swap3A_1012], %broadcast_in_dim3A_4 {strides = array<i32>} : memref<16x64xf32, #tpu.memory_space<vmem>>, vector<16xf32>,
    %swap3A_1014 = arith.constant 15 : i32
    %swap3A_1015 = arith.index_cast %swap3A_1014 : i32 to index
    %swap3A_1016 = arith.constant 0 : index
    %swap3A_1017 = tpu.vector_load %arg14[%swap3A_1015, %swap3A_1016] {strides = array<i32>} : memref<16x64xf32, #tpu.memory_space<vmem>>, vector<16xf32>,
    tpu.vector_store %arg14[%swap3A_1015, %swap3A_1016], %broadcast_in_dim3A_4 {strides = array<i32>} : memref<16x64xf32, #tpu.memory_space<vmem>>, vector<16xf32>,
    %swap3A_1018 = arith.constant 15 : i32
    %swap3A_1019 = arith.index_cast %swap3A_1018 : i32 to index
    %swap3A_1020 = arith.constant 16 : index
    %swap3A_1021 = tpu.vector_load %arg14[%swap3A_1019, %swap3A_1020] {strides = array<i32>} : memref<16x64xf32, #tpu.memory_space<vmem>>, vector<16xf32>,
    tpu.vector_store %arg14[%swap3A_1019, %swap3A_1020], %broadcast_in_dim3A_4 {strides = array<i32>} : memref<16x64xf32, #tpu.memory_space<vmem>>, vector<16xf32>,
    %swap3A_1022 = arith.constant 15 : i32
    %swap3A_1023 = arith.index_cast %swap3A_1022 : i32 to index
    %swap3A_1024 = arith.constant 32 : index
    %swap3A_1025 = tpu.vector_load %arg14[%swap3A_1023, %swap3A_1024] {strides = array<i32>} : memref<16x64xf32, #tpu.memory_space<vmem>>, vector<16xf32>,
    tpu.vector_store %arg14[%swap3A_1023, %swap3A_1024], %broadcast_in_dim3A_4 {strides = array<i32>} : memref<16x64xf32, #tpu.memory_space<vmem>>, vector<16xf32>,
    %swap3A_1026 = arith.constant 15 : i32
    %swap3A_1027 = arith.index_cast %swap3A_1026 : i32 to index
    %swap3A_1028 = arith.constant 48 : index
    %swap3A_1029 = tpu.vector_load %arg14[%swap3A_1027, %swap3A_1028] {strides = array<i32>} : memref<16x64xf32, #tpu.memory_space<vmem>>, vector<16xf32>,
    tpu.vector_store %arg14[%swap3A_1027, %swap3A_1028], %broadcast_in_dim3A_4 {strides = array<i32>} : memref<16x64xf32, #tpu.memory_space<vmem>>, vector<16xf32>,
    %swap3A_1030 = arith.constant 0 : i32
    %swap3A_1031 = arith.index_cast %swap3A_1030 : i32 to index
    %swap3A_1032 = arith.constant 0 : index
    %swap3A_1033 = tpu.vector_load %arg15[%swap3A_1031, %swap3A_1032] {strides = array<i32>} : memref<16x64xf32, #tpu.memory_space<vmem>>, vector<16xf32>,
    tpu.vector_store %arg15[%swap3A_1031, %swap3A_1032], %broadcast_in_dim3A_4 {strides = array<i32>} : memref<16x64xf32, #tpu.memory_space<vmem>>, vector<16xf32>,
    %swap3A_1034 = arith.constant 0 : i32
    %swap3A_1035 = arith.index_cast %swap3A_1034 : i32 to index
    %swap3A_1036 = arith.constant 16 : index
    %swap3A_1037 = tpu.vector_load %arg15[%swap3A_1035, %swap3A_1036] {strides = array<i32>} : memref<16x64xf32, #tpu.memory_space<vmem>>, vector<16xf32>,
    tpu.vector_store %arg15[%swap3A_1035, %swap3A_1036], %broadcast_in_dim3A_4 {strides = array<i32>} : memref<16x64xf32, #tpu.memory_space<vmem>>, vector<16xf32>,
    %swap3A_1038 = arith.constant 0 : i32
    %swap3A_1039 = arith.index_cast %swap3A_1038 : i32 to index
    %swap3A_1040 = arith.constant 32 : index
    %swap3A_1041 = tpu.vector_load %arg15[%swap3A_1039, %swap3A_1040] {strides = array<i32>} : memref<16x64xf32, #tpu.memory_space<vmem>>, vector<16xf32>,
    tpu.vector_store %arg15[%swap3A_1039, %swap3A_1040], %broadcast_in_dim3A_4 {strides = array<i32>} : memref<16x64xf32, #tpu.memory_space<vmem>>, vector<16xf32>,
    %swap3A_1042 = arith.constant 0 : i32
    %swap3A_1043 = arith.index_cast %swap3A_1042 : i32 to index
    %swap3A_1044 = arith.constant 48 : index
    %swap3A_1045 = tpu.vector_load %arg15[%swap3A_1043, %swap3A_1044] {strides = array<i32>} : memref<16x64xf32, #tpu.memory_space<vmem>>, vector<16xf32>,
    tpu.vector_store %arg15[%swap3A_1043, %swap3A_1044], %broadcast_in_dim3A_4 {strides = array<i32>} : memref<16x64xf32, #tpu.memory_space<vmem>>, vector<16xf32>,
    %swap3A_1046 = arith.constant 1 : i32
    %swap3A_1047 = arith.index_cast %swap3A_1046 : i32 to index
    %swap3A_1048 = arith.constant 0 : index
    %swap3A_1049 = tpu.vector_load %arg15[%swap3A_1047, %swap3A_1048] {strides = array<i32>} : memref<16x64xf32, #tpu.memory_space<vmem>>, vector<16xf32>,
    tpu.vector_store %arg15[%swap3A_1047, %swap3A_1048], %broadcast_in_dim3A_4 {strides = array<i32>} : memref<16x64xf32, #tpu.memory_space<vmem>>, vector<16xf32>,
    %swap3A_1050 = arith.constant 1 : i32
    %swap3A_1051 = arith.index_cast %swap3A_1050 : i32 to index
    %swap3A_1052 = arith.constant 16 : index
    %swap3A_1053 = tpu.vector_load %arg15[%swap3A_1051, %swap3A_1052] {strides = array<i32>} : memref<16x64xf32, #tpu.memory_space<vmem>>, vector<16xf32>,
    tpu.vector_store %arg15[%swap3A_1051, %swap3A_1052], %broadcast_in_dim3A_4 {strides = array<i32>} : memref<16x64xf32, #tpu.memory_space<vmem>>, vector<16xf32>,
    %swap3A_1054 = arith.constant 1 : i32
    %swap3A_1055 = arith.index_cast %swap3A_1054 : i32 to index
    %swap3A_1056 = arith.constant 32 : index
    %swap3A_1057 = tpu.vector_load %arg15[%swap3A_1055, %swap3A_1056] {strides = array<i32>} : memref<16x64xf32, #tpu.memory_space<vmem>>, vector<16xf32>,
    tpu.vector_store %arg15[%swap3A_1055, %swap3A_1056], %broadcast_in_dim3A_4 {strides = array<i32>} : memref<16x64xf32, #tpu.memory_space<vmem>>, vector<16xf32>,
    %swap3A_1058 = arith.constant 1 : i32
    %swap3A_1059 = arith.index_cast %swap3A_1058 : i32 to index
    %swap3A_1060 = arith.constant 48 : index
    %swap3A_1061 = tpu.vector_load %arg15[%swap3A_1059, %swap3A_1060] {strides = array<i32>} : memref<16x64xf32, #tpu.memory_space<vmem>>, vector<16xf32>,
    tpu.vector_store %arg15[%swap3A_1059, %swap3A_1060], %broadcast_in_dim3A_4 {strides = array<i32>} : memref<16x64xf32, #tpu.memory_space<vmem>>, vector<16xf32>,
    %swap3A_1062 = arith.constant 2 : i32
    %swap3A_1063 = arith.index_cast %swap3A_1062 : i32 to index
    %swap3A_1064 = arith.constant 0 : index
    %swap3A_1065 = tpu.vector_load %arg15[%swap3A_1063, %swap3A_1064] {strides = array<i32>} : memref<16x64xf32, #tpu.memory_space<vmem>>, vector<16xf32>,
    tpu.vector_store %arg15[%swap3A_1063, %swap3A_1064], %broadcast_in_dim3A_4 {strides = array<i32>} : memref<16x64xf32, #tpu.memory_space<vmem>>, vector<16xf32>,
    %swap3A_1066 = arith.constant 2 : i32
    %swap3A_1067 = arith.index_cast %swap3A_1066 : i32 to index
    %swap3A_1068 = arith.constant 16 : index
    %swap3A_1069 = tpu.vector_load %arg15[%swap3A_1067, %swap3A_1068] {strides = array<i32>} : memref<16x64xf32, #tpu.memory_space<vmem>>, vector<16xf32>,
    tpu.vector_store %arg15[%swap3A_1067, %swap3A_1068], %broadcast_in_dim3A_4 {strides = array<i32>} : memref<16x64xf32, #tpu.memory_space<vmem>>, vector<16xf32>,
    %swap3A_1070 = arith.constant 2 : i32
    %swap3A_1071 = arith.index_cast %swap3A_1070 : i32 to index
    %swap3A_1072 = arith.constant 32 : index
    %swap3A_1073 = tpu.vector_load %arg15[%swap3A_1071, %swap3A_1072] {strides = array<i32>} : memref<16x64xf32, #tpu.memory_space<vmem>>, vector<16xf32>,
    tpu.vector_store %arg15[%swap3A_1071, %swap3A_1072], %broadcast_in_dim3A_4 {strides = array<i32>} : memref<16x64xf32, #tpu.memory_space<vmem>>, vector<16xf32>,
    %swap3A_1074 = arith.constant 2 : i32
    %swap3A_1075 = arith.index_cast %swap3A_1074 : i32 to index
    %swap3A_1076 = arith.constant 48 : index
    %swap3A_1077 = tpu.vector_load %arg15[%swap3A_1075, %swap3A_1076] {strides = array<i32>} : memref<16x64xf32, #tpu.memory_space<vmem>>, vector<16xf32>,
    tpu.vector_store %arg15[%swap3A_1075, %swap3A_1076], %broadcast_in_dim3A_4 {strides = array<i32>} : memref<16x64xf32, #tpu.memory_space<vmem>>, vector<16xf32>,
    %swap3A_1078 = arith.constant 3 : i32
    %swap3A_1079 = arith.index_cast %swap3A_1078 : i32 to index
    %swap3A_1080 = arith.constant 0 : index
    %swap3A_1081 = tpu.vector_load %arg15[%swap3A_1079, %swap3A_1080] {strides = array<i32>} : memref<16x64xf32, #tpu.memory_space<vmem>>, vector<16xf32>,
    tpu.vector_store %arg15[%swap3A_1079, %swap3A_1080], %broadcast_in_dim3A_4 {strides = array<i32>} : memref<16x64xf32, #tpu.memory_space<vmem>>, vector<16xf32>,
    %swap3A_1082 = arith.constant 3 : i32
    %swap3A_1083 = arith.index_cast %swap3A_1082 : i32 to index
    %swap3A_1084 = arith.constant 16 : index
    %swap3A_1085 = tpu.vector_load %arg15[%swap3A_1083, %swap3A_1084] {strides = array<i32>} : memref<16x64xf32, #tpu.memory_space<vmem>>, vector<16xf32>,
    tpu.vector_store %arg15[%swap3A_1083, %swap3A_1084], %broadcast_in_dim3A_4 {strides = array<i32>} : memref<16x64xf32, #tpu.memory_space<vmem>>, vector<16xf32>,
    %swap3A_1086 = arith.constant 3 : i32
    %swap3A_1087 = arith.index_cast %swap3A_1086 : i32 to index
    %swap3A_1088 = arith.constant 32 : index
    %swap3A_1089 = tpu.vector_load %arg15[%swap3A_1087, %swap3A_1088] {strides = array<i32>} : memref<16x64xf32, #tpu.memory_space<vmem>>, vector<16xf32>,
    tpu.vector_store %arg15[%swap3A_1087, %swap3A_1088], %broadcast_in_dim3A_4 {strides = array<i32>} : memref<16x64xf32, #tpu.memory_space<vmem>>, vector<16xf32>,
    %swap3A_1090 = arith.constant 3 : i32
    %swap3A_1091 = arith.index_cast %swap3A_1090 : i32 to index
    %swap3A_1092 = arith.constant 48 : index
    %swap3A_1093 = tpu.vector_load %arg15[%swap3A_1091, %swap3A_1092] {strides = array<i32>} : memref<16x64xf32, #tpu.memory_space<vmem>>, vector<16xf32>,
    tpu.vector_store %arg15[%swap3A_1091, %swap3A_1092], %broadcast_in_dim3A_4 {strides = array<i32>} : memref<16x64xf32, #tpu.memory_space<vmem>>, vector<16xf32>,
    %swap3A_1094 = arith.constant 4 : i32
    %swap3A_1095 = arith.index_cast %swap3A_1094 : i32 to index
    %swap3A_1096 = arith.constant 0 : index
    %swap3A_1097 = tpu.vector_load %arg15[%swap3A_1095, %swap3A_1096] {strides = array<i32>} : memref<16x64xf32, #tpu.memory_space<vmem>>, vector<16xf32>,
    tpu.vector_store %arg15[%swap3A_1095, %swap3A_1096], %broadcast_in_dim3A_4 {strides = array<i32>} : memref<16x64xf32, #tpu.memory_space<vmem>>, vector<16xf32>,
    %swap3A_1098 = arith.constant 4 : i32
    %swap3A_1099 = arith.index_cast %swap3A_1098 : i32 to index
    %swap3A_1100 = arith.constant 16 : index
    %swap3A_1101 = tpu.vector_load %arg15[%swap3A_1099, %swap3A_1100] {strides = array<i32>} : memref<16x64xf32, #tpu.memory_space<vmem>>, vector<16xf32>,
    tpu.vector_store %arg15[%swap3A_1099, %swap3A_1100], %broadcast_in_dim3A_4 {strides = array<i32>} : memref<16x64xf32, #tpu.memory_space<vmem>>, vector<16xf32>,
    %swap3A_1102 = arith.constant 4 : i32
    %swap3A_1103 = arith.index_cast %swap3A_1102 : i32 to index
    %swap3A_1104 = arith.constant 32 : index
    %swap3A_1105 = tpu.vector_load %arg15[%swap3A_1103, %swap3A_1104] {strides = array<i32>} : memref<16x64xf32, #tpu.memory_space<vmem>>, vector<16xf32>,
    tpu.vector_store %arg15[%swap3A_1103, %swap3A_1104], %broadcast_in_dim3A_4 {strides = array<i32>} : memref<16x64xf32, #tpu.memory_space<vmem>>, vector<16xf32>,
    %swap3A_1106 = arith.constant 4 : i32
    %swap3A_1107 = arith.index_cast %swap3A_1106 : i32 to index
    %swap3A_1108 = arith.constant 48 : index
    %swap3A_1109 = tpu.vector_load %arg15[%swap3A_1107, %swap3A_1108] {strides = array<i32>} : memref<16x64xf32, #tpu.memory_space<vmem>>, vector<16xf32>,
    tpu.vector_store %arg15[%swap3A_1107, %swap3A_1108], %broadcast_in_dim3A_4 {strides = array<i32>} : memref<16x64xf32, #tpu.memory_space<vmem>>, vector<16xf32>,
    %swap3A_1110 = arith.constant 5 : i32
    %swap3A_1111 = arith.index_cast %swap3A_1110 : i32 to index
    %swap3A_1112 = arith.constant 0 : index
    %swap3A_1113 = tpu.vector_load %arg15[%swap3A_1111, %swap3A_1112] {strides = array<i32>} : memref<16x64xf32, #tpu.memory_space<vmem>>, vector<16xf32>,
    tpu.vector_store %arg15[%swap3A_1111, %swap3A_1112], %broadcast_in_dim3A_4 {strides = array<i32>} : memref<16x64xf32, #tpu.memory_space<vmem>>, vector<16xf32>,
    %swap3A_1114 = arith.constant 5 : i32
    %swap3A_1115 = arith.index_cast %swap3A_1114 : i32 to index
    %swap3A_1116 = arith.constant 16 : index
    %swap3A_1117 = tpu.vector_load %arg15[%swap3A_1115, %swap3A_1116] {strides = array<i32>} : memref<16x64xf32, #tpu.memory_space<vmem>>, vector<16xf32>,
    tpu.vector_store %arg15[%swap3A_1115, %swap3A_1116], %broadcast_in_dim3A_4 {strides = array<i32>} : memref<16x64xf32, #tpu.memory_space<vmem>>, vector<16xf32>,
    %swap3A_1118 = arith.constant 5 : i32
    %swap3A_1119 = arith.index_cast %swap3A_1118 : i32 to index
    %swap3A_1120 = arith.constant 32 : index
    %swap3A_1121 = tpu.vector_load %arg15[%swap3A_1119, %swap3A_1120] {strides = array<i32>} : memref<16x64xf32, #tpu.memory_space<vmem>>, vector<16xf32>,
    tpu.vector_store %arg15[%swap3A_1119, %swap3A_1120], %broadcast_in_dim3A_4 {strides = array<i32>} : memref<16x64xf32, #tpu.memory_space<vmem>>, vector<16xf32>,
    %swap3A_1122 = arith.constant 5 : i32
    %swap3A_1123 = arith.index_cast %swap3A_1122 : i32 to index
    %swap3A_1124 = arith.constant 48 : index
    %swap3A_1125 = tpu.vector_load %arg15[%swap3A_1123, %swap3A_1124] {strides = array<i32>} : memref<16x64xf32, #tpu.memory_space<vmem>>, vector<16xf32>,
    tpu.vector_store %arg15[%swap3A_1123, %swap3A_1124], %broadcast_in_dim3A_4 {strides = array<i32>} : memref<16x64xf32, #tpu.memory_space<vmem>>, vector<16xf32>,
    %swap3A_1126 = arith.constant 6 : i32
    %swap3A_1127 = arith.index_cast %swap3A_1126 : i32 to index
    %swap3A_1128 = arith.constant 0 : index
    %swap3A_1129 = tpu.vector_load %arg15[%swap3A_1127, %swap3A_1128] {strides = array<i32>} : memref<16x64xf32, #tpu.memory_space<vmem>>, vector<16xf32>,
    tpu.vector_store %arg15[%swap3A_1127, %swap3A_1128], %broadcast_in_dim3A_4 {strides = array<i32>} : memref<16x64xf32, #tpu.memory_space<vmem>>, vector<16xf32>,
    %swap3A_1130 = arith.constant 6 : i32
    %swap3A_1131 = arith.index_cast %swap3A_1130 : i32 to index
    %swap3A_1132 = arith.constant 16 : index
    %swap3A_1133 = tpu.vector_load %arg15[%swap3A_1131, %swap3A_1132] {strides = array<i32>} : memref<16x64xf32, #tpu.memory_space<vmem>>, vector<16xf32>,
    tpu.vector_store %arg15[%swap3A_1131, %swap3A_1132], %broadcast_in_dim3A_4 {strides = array<i32>} : memref<16x64xf32, #tpu.memory_space<vmem>>, vector<16xf32>,
    %swap3A_1134 = arith.constant 6 : i32
    %swap3A_1135 = arith.index_cast %swap3A_1134 : i32 to index
    %swap3A_1136 = arith.constant 32 : index
    %swap3A_1137 = tpu.vector_load %arg15[%swap3A_1135, %swap3A_1136] {strides = array<i32>} : memref<16x64xf32, #tpu.memory_space<vmem>>, vector<16xf32>,
    tpu.vector_store %arg15[%swap3A_1135, %swap3A_1136], %broadcast_in_dim3A_4 {strides = array<i32>} : memref<16x64xf32, #tpu.memory_space<vmem>>, vector<16xf32>,
    %swap3A_1138 = arith.constant 6 : i32
    %swap3A_1139 = arith.index_cast %swap3A_1138 : i32 to index
    %swap3A_1140 = arith.constant 48 : index
    %swap3A_1141 = tpu.vector_load %arg15[%swap3A_1139, %swap3A_1140] {strides = array<i32>} : memref<16x64xf32, #tpu.memory_space<vmem>>, vector<16xf32>,
    tpu.vector_store %arg15[%swap3A_1139, %swap3A_1140], %broadcast_in_dim3A_4 {strides = array<i32>} : memref<16x64xf32, #tpu.memory_space<vmem>>, vector<16xf32>,
    %swap3A_1142 = arith.constant 7 : i32
    %swap3A_1143 = arith.index_cast %swap3A_1142 : i32 to index
    %swap3A_1144 = arith.constant 0 : index
    %swap3A_1145 = tpu.vector_load %arg15[%swap3A_1143, %swap3A_1144] {strides = array<i32>} : memref<16x64xf32, #tpu.memory_space<vmem>>, vector<16xf32>,
    tpu.vector_store %arg15[%swap3A_1143, %swap3A_1144], %broadcast_in_dim3A_4 {strides = array<i32>} : memref<16x64xf32, #tpu.memory_space<vmem>>, vector<16xf32>,
    %swap3A_1146 = arith.constant 7 : i32
    %swap3A_1147 = arith.index_cast %swap3A_1146 : i32 to index
    %swap3A_1148 = arith.constant 16 : index
    %swap3A_1149 = tpu.vector_load %arg15[%swap3A_1147, %swap3A_1148] {strides = array<i32>} : memref<16x64xf32, #tpu.memory_space<vmem>>, vector<16xf32>,
    tpu.vector_store %arg15[%swap3A_1147, %swap3A_1148], %broadcast_in_dim3A_4 {strides = array<i32>} : memref<16x64xf32, #tpu.memory_space<vmem>>, vector<16xf32>,
    %swap3A_1150 = arith.constant 7 : i32
    %swap3A_1151 = arith.index_cast %swap3A_1150 : i32 to index
    %swap3A_1152 = arith.constant 32 : index
    %swap3A_1153 = tpu.vector_load %arg15[%swap3A_1151, %swap3A_1152] {strides = array<i32>} : memref<16x64xf32, #tpu.memory_space<vmem>>, vector<16xf32>,
    tpu.vector_store %arg15[%swap3A_1151, %swap3A_1152], %broadcast_in_dim3A_4 {strides = array<i32>} : memref<16x64xf32, #tpu.memory_space<vmem>>, vector<16xf32>,
    %swap3A_1154 = arith.constant 7 : i32
    %swap3A_1155 = arith.index_cast %swap3A_1154 : i32 to index
    %swap3A_1156 = arith.constant 48 : index
    %swap3A_1157 = tpu.vector_load %arg15[%swap3A_1155, %swap3A_1156] {strides = array<i32>} : memref<16x64xf32, #tpu.memory_space<vmem>>, vector<16xf32>,
    tpu.vector_store %arg15[%swap3A_1155, %swap3A_1156], %broadcast_in_dim3A_4 {strides = array<i32>} : memref<16x64xf32, #tpu.memory_space<vmem>>, vector<16xf32>,
    %swap3A_1158 = arith.constant 8 : i32
    %swap3A_1159 = arith.index_cast %swap3A_1158 : i32 to index
    %swap3A_1160 = arith.constant 0 : index
    %swap3A_1161 = tpu.vector_load %arg15[%swap3A_1159, %swap3A_1160] {strides = array<i32>} : memref<16x64xf32, #tpu.memory_space<vmem>>, vector<16xf32>,
    tpu.vector_store %arg15[%swap3A_1159, %swap3A_1160], %broadcast_in_dim3A_4 {strides = array<i32>} : memref<16x64xf32, #tpu.memory_space<vmem>>, vector<16xf32>,
    %swap3A_1162 = arith.constant 8 : i32
    %swap3A_1163 = arith.index_cast %swap3A_1162 : i32 to index
    %swap3A_1164 = arith.constant 16 : index
    %swap3A_1165 = tpu.vector_load %arg15[%swap3A_1163, %swap3A_1164] {strides = array<i32>} : memref<16x64xf32, #tpu.memory_space<vmem>>, vector<16xf32>,
    tpu.vector_store %arg15[%swap3A_1163, %swap3A_1164], %broadcast_in_dim3A_4 {strides = array<i32>} : memref<16x64xf32, #tpu.memory_space<vmem>>, vector<16xf32>,
    %swap3A_1166 = arith.constant 8 : i32
    %swap3A_1167 = arith.index_cast %swap3A_1166 : i32 to index
    %swap3A_1168 = arith.constant 32 : index
    %swap3A_1169 = tpu.vector_load %arg15[%swap3A_1167, %swap3A_1168] {strides = array<i32>} : memref<16x64xf32, #tpu.memory_space<vmem>>, vector<16xf32>,
    tpu.vector_store %arg15[%swap3A_1167, %swap3A_1168], %broadcast_in_dim3A_4 {strides = array<i32>} : memref<16x64xf32, #tpu.memory_space<vmem>>, vector<16xf32>,
    %swap3A_1170 = arith.constant 8 : i32
    %swap3A_1171 = arith.index_cast %swap3A_1170 : i32 to index
    %swap3A_1172 = arith.constant 48 : index
    %swap3A_1173 = tpu.vector_load %arg15[%swap3A_1171, %swap3A_1172] {strides = array<i32>} : memref<16x64xf32, #tpu.memory_space<vmem>>, vector<16xf32>,
    tpu.vector_store %arg15[%swap3A_1171, %swap3A_1172], %broadcast_in_dim3A_4 {strides = array<i32>} : memref<16x64xf32, #tpu.memory_space<vmem>>, vector<16xf32>,
    %swap3A_1174 = arith.constant 9 : i32
    %swap3A_1175 = arith.index_cast %swap3A_1174 : i32 to index
    %swap3A_1176 = arith.constant 0 : index
    %swap3A_1177 = tpu.vector_load %arg15[%swap3A_1175, %swap3A_1176] {strides = array<i32>} : memref<16x64xf32, #tpu.memory_space<vmem>>, vector<16xf32>,
    tpu.vector_store %arg15[%swap3A_1175, %swap3A_1176], %broadcast_in_dim3A_4 {strides = array<i32>} : memref<16x64xf32, #tpu.memory_space<vmem>>, vector<16xf32>,
    %swap3A_1178 = arith.constant 9 : i32
    %swap3A_1179 = arith.index_cast %swap3A_1178 : i32 to index
    %swap3A_1180 = arith.constant 16 : index
    %swap3A_1181 = tpu.vector_load %arg15[%swap3A_1179, %swap3A_1180] {strides = array<i32>} : memref<16x64xf32, #tpu.memory_space<vmem>>, vector<16xf32>,
    tpu.vector_store %arg15[%swap3A_1179, %swap3A_1180], %broadcast_in_dim3A_4 {strides = array<i32>} : memref<16x64xf32, #tpu.memory_space<vmem>>, vector<16xf32>,
    %swap3A_1182 = arith.constant 9 : i32
    %swap3A_1183 = arith.index_cast %swap3A_1182 : i32 to index
    %swap3A_1184 = arith.constant 32 : index
    %swap3A_1185 = tpu.vector_load %arg15[%swap3A_1183, %swap3A_1184] {strides = array<i32>} : memref<16x64xf32, #tpu.memory_space<vmem>>, vector<16xf32>,
    tpu.vector_store %arg15[%swap3A_1183, %swap3A_1184], %broadcast_in_dim3A_4 {strides = array<i32>} : memref<16x64xf32, #tpu.memory_space<vmem>>, vector<16xf32>,
    %swap3A_1186 = arith.constant 9 : i32
    %swap3A_1187 = arith.index_cast %swap3A_1186 : i32 to index
    %swap3A_1188 = arith.constant 48 : index
    %swap3A_1189 = tpu.vector_load %arg15[%swap3A_1187, %swap3A_1188] {strides = array<i32>} : memref<16x64xf32, #tpu.memory_space<vmem>>, vector<16xf32>,
    tpu.vector_store %arg15[%swap3A_1187, %swap3A_1188], %broadcast_in_dim3A_4 {strides = array<i32>} : memref<16x64xf32, #tpu.memory_space<vmem>>, vector<16xf32>,
    %swap3A_1190 = arith.constant 10 : i32
    %swap3A_1191 = arith.index_cast %swap3A_1190 : i32 to index
    %swap3A_1192 = arith.constant 0 : index
    %swap3A_1193 = tpu.vector_load %arg15[%swap3A_1191, %swap3A_1192] {strides = array<i32>} : memref<16x64xf32, #tpu.memory_space<vmem>>, vector<16xf32>,
    tpu.vector_store %arg15[%swap3A_1191, %swap3A_1192], %broadcast_in_dim3A_4 {strides = array<i32>} : memref<16x64xf32, #tpu.memory_space<vmem>>, vector<16xf32>,
    %swap3A_1194 = arith.constant 10 : i32
    %swap3A_1195 = arith.index_cast %swap3A_1194 : i32 to index
    %swap3A_1196 = arith.constant 16 : index
    %swap3A_1197 = tpu.vector_load %arg15[%swap3A_1195, %swap3A_1196] {strides = array<i32>} : memref<16x64xf32, #tpu.memory_space<vmem>>, vector<16xf32>,
    tpu.vector_store %arg15[%swap3A_1195, %swap3A_1196], %broadcast_in_dim3A_4 {strides = array<i32>} : memref<16x64xf32, #tpu.memory_space<vmem>>, vector<16xf32>,
    %swap3A_1198 = arith.constant 10 : i32
    %swap3A_1199 = arith.index_cast %swap3A_1198 : i32 to index
    %swap3A_1200 = arith.constant 32 : index
    %swap3A_1201 = tpu.vector_load %arg15[%swap3A_1199, %swap3A_1200] {strides = array<i32>} : memref<16x64xf32, #tpu.memory_space<vmem>>, vector<16xf32>,
    tpu.vector_store %arg15[%swap3A_1199, %swap3A_1200], %broadcast_in_dim3A_4 {strides = array<i32>} : memref<16x64xf32, #tpu.memory_space<vmem>>, vector<16xf32>,
    %swap3A_1202 = arith.constant 10 : i32
    %swap3A_1203 = arith.index_cast %swap3A_1202 : i32 to index
    %swap3A_1204 = arith.constant 48 : index
    %swap3A_1205 = tpu.vector_load %arg15[%swap3A_1203, %swap3A_1204] {strides = array<i32>} : memref<16x64xf32, #tpu.memory_space<vmem>>, vector<16xf32>,
    tpu.vector_store %arg15[%swap3A_1203, %swap3A_1204], %broadcast_in_dim3A_4 {strides = array<i32>} : memref<16x64xf32, #tpu.memory_space<vmem>>, vector<16xf32>,
    %swap3A_1206 = arith.constant 11 : i32
    %swap3A_1207 = arith.index_cast %swap3A_1206 : i32 to index
    %swap3A_1208 = arith.constant 0 : index
    %swap3A_1209 = tpu.vector_load %arg15[%swap3A_1207, %swap3A_1208] {strides = array<i32>} : memref<16x64xf32, #tpu.memory_space<vmem>>, vector<16xf32>,
    tpu.vector_store %arg15[%swap3A_1207, %swap3A_1208], %broadcast_in_dim3A_4 {strides = array<i32>} : memref<16x64xf32, #tpu.memory_space<vmem>>, vector<16xf32>,
    %swap3A_1210 = arith.constant 11 : i32
    %swap3A_1211 = arith.index_cast %swap3A_1210 : i32 to index
    %swap3A_1212 = arith.constant 16 : index
    %swap3A_1213 = tpu.vector_load %arg15[%swap3A_1211, %swap3A_1212] {strides = array<i32>} : memref<16x64xf32, #tpu.memory_space<vmem>>, vector<16xf32>,
    tpu.vector_store %arg15[%swap3A_1211, %swap3A_1212], %broadcast_in_dim3A_4 {strides = array<i32>} : memref<16x64xf32, #tpu.memory_space<vmem>>, vector<16xf32>,
    %swap3A_1214 = arith.constant 11 : i32
    %swap3A_1215 = arith.index_cast %swap3A_1214 : i32 to index
    %swap3A_1216 = arith.constant 32 : index
    %swap3A_1217 = tpu.vector_load %arg15[%swap3A_1215, %swap3A_1216] {strides = array<i32>} : memref<16x64xf32, #tpu.memory_space<vmem>>, vector<16xf32>,
    tpu.vector_store %arg15[%swap3A_1215, %swap3A_1216], %broadcast_in_dim3A_4 {strides = array<i32>} : memref<16x64xf32, #tpu.memory_space<vmem>>, vector<16xf32>,
    %swap3A_1218 = arith.constant 11 : i32
    %swap3A_1219 = arith.index_cast %swap3A_1218 : i32 to index
    %swap3A_1220 = arith.constant 48 : index
    %swap3A_1221 = tpu.vector_load %arg15[%swap3A_1219, %swap3A_1220] {strides = array<i32>} : memref<16x64xf32, #tpu.memory_space<vmem>>, vector<16xf32>,
    tpu.vector_store %arg15[%swap3A_1219, %swap3A_1220], %broadcast_in_dim3A_4 {strides = array<i32>} : memref<16x64xf32, #tpu.memory_space<vmem>>, vector<16xf32>,
    %swap3A_1222 = arith.constant 12 : i32
    %swap3A_1223 = arith.index_cast %swap3A_1222 : i32 to index
    %swap3A_1224 = arith.constant 0 : index
    %swap3A_1225 = tpu.vector_load %arg15[%swap3A_1223, %swap3A_1224] {strides = array<i32>} : memref<16x64xf32, #tpu.memory_space<vmem>>, vector<16xf32>,
    tpu.vector_store %arg15[%swap3A_1223, %swap3A_1224], %broadcast_in_dim3A_4 {strides = array<i32>} : memref<16x64xf32, #tpu.memory_space<vmem>>, vector<16xf32>,
    %swap3A_1226 = arith.constant 12 : i32
    %swap3A_1227 = arith.index_cast %swap3A_1226 : i32 to index
    %swap3A_1228 = arith.constant 16 : index
    %swap3A_1229 = tpu.vector_load %arg15[%swap3A_1227, %swap3A_1228] {strides = array<i32>} : memref<16x64xf32, #tpu.memory_space<vmem>>, vector<16xf32>,
    tpu.vector_store %arg15[%swap3A_1227, %swap3A_1228], %broadcast_in_dim3A_4 {strides = array<i32>} : memref<16x64xf32, #tpu.memory_space<vmem>>, vector<16xf32>,
    %swap3A_1230 = arith.constant 12 : i32
    %swap3A_1231 = arith.index_cast %swap3A_1230 : i32 to index
    %swap3A_1232 = arith.constant 32 : index
    %swap3A_1233 = tpu.vector_load %arg15[%swap3A_1231, %swap3A_1232] {strides = array<i32>} : memref<16x64xf32, #tpu.memory_space<vmem>>, vector<16xf32>,
    tpu.vector_store %arg15[%swap3A_1231, %swap3A_1232], %broadcast_in_dim3A_4 {strides = array<i32>} : memref<16x64xf32, #tpu.memory_space<vmem>>, vector<16xf32>,
    %swap3A_1234 = arith.constant 12 : i32
    %swap3A_1235 = arith.index_cast %swap3A_1234 : i32 to index
    %swap3A_1236 = arith.constant 48 : index
    %swap3A_1237 = tpu.vector_load %arg15[%swap3A_1235, %swap3A_1236] {strides = array<i32>} : memref<16x64xf32, #tpu.memory_space<vmem>>, vector<16xf32>,
    tpu.vector_store %arg15[%swap3A_1235, %swap3A_1236], %broadcast_in_dim3A_4 {strides = array<i32>} : memref<16x64xf32, #tpu.memory_space<vmem>>, vector<16xf32>,
    %swap3A_1238 = arith.constant 13 : i32
    %swap3A_1239 = arith.index_cast %swap3A_1238 : i32 to index
    %swap3A_1240 = arith.constant 0 : index
    %swap3A_1241 = tpu.vector_load %arg15[%swap3A_1239, %swap3A_1240] {strides = array<i32>} : memref<16x64xf32, #tpu.memory_space<vmem>>, vector<16xf32>,
    tpu.vector_store %arg15[%swap3A_1239, %swap3A_1240], %broadcast_in_dim3A_4 {strides = array<i32>} : memref<16x64xf32, #tpu.memory_space<vmem>>, vector<16xf32>,
    %swap3A_1242 = arith.constant 13 : i32
    %swap3A_1243 = arith.index_cast %swap3A_1242 : i32 to index
    %swap3A_1244 = arith.constant 16 : index
    %swap3A_1245 = tpu.vector_load %arg15[%swap3A_1243, %swap3A_1244] {strides = array<i32>} : memref<16x64xf32, #tpu.memory_space<vmem>>, vector<16xf32>,
    tpu.vector_store %arg15[%swap3A_1243, %swap3A_1244], %broadcast_in_dim3A_4 {strides = array<i32>} : memref<16x64xf32, #tpu.memory_space<vmem>>, vector<16xf32>,
    %swap3A_1246 = arith.constant 13 : i32
    %swap3A_1247 = arith.index_cast %swap3A_1246 : i32 to index
    %swap3A_1248 = arith.constant 32 : index
    %swap3A_1249 = tpu.vector_load %arg15[%swap3A_1247, %swap3A_1248] {strides = array<i32>} : memref<16x64xf32, #tpu.memory_space<vmem>>, vector<16xf32>,
    tpu.vector_store %arg15[%swap3A_1247, %swap3A_1248], %broadcast_in_dim3A_4 {strides = array<i32>} : memref<16x64xf32, #tpu.memory_space<vmem>>, vector<16xf32>,
    %swap3A_1250 = arith.constant 13 : i32
    %swap3A_1251 = arith.index_cast %swap3A_1250 : i32 to index
    %swap3A_1252 = arith.constant 48 : index
    %swap3A_1253 = tpu.vector_load %arg15[%swap3A_1251, %swap3A_1252] {strides = array<i32>} : memref<16x64xf32, #tpu.memory_space<vmem>>, vector<16xf32>,
    tpu.vector_store %arg15[%swap3A_1251, %swap3A_1252], %broadcast_in_dim3A_4 {strides = array<i32>} : memref<16x64xf32, #tpu.memory_space<vmem>>, vector<16xf32>,
    %swap3A_1254 = arith.constant 14 : i32
    %swap3A_1255 = arith.index_cast %swap3A_1254 : i32 to index
    %swap3A_1256 = arith.constant 0 : index
    %swap3A_1257 = tpu.vector_load %arg15[%swap3A_1255, %swap3A_1256] {strides = array<i32>} : memref<16x64xf32, #tpu.memory_space<vmem>>, vector<16xf32>,
    tpu.vector_store %arg15[%swap3A_1255, %swap3A_1256], %broadcast_in_dim3A_4 {strides = array<i32>} : memref<16x64xf32, #tpu.memory_space<vmem>>, vector<16xf32>,
    %swap3A_1258 = arith.constant 14 : i32
    %swap3A_1259 = arith.index_cast %swap3A_1258 : i32 to index
    %swap3A_1260 = arith.constant 16 : index
    %swap3A_1261 = tpu.vector_load %arg15[%swap3A_1259, %swap3A_1260] {strides = array<i32>} : memref<16x64xf32, #tpu.memory_space<vmem>>, vector<16xf32>,
    tpu.vector_store %arg15[%swap3A_1259, %swap3A_1260], %broadcast_in_dim3A_4 {strides = array<i32>} : memref<16x64xf32, #tpu.memory_space<vmem>>, vector<16xf32>,
    %swap3A_1262 = arith.constant 14 : i32
    %swap3A_1263 = arith.index_cast %swap3A_1262 : i32 to index
    %swap3A_1264 = arith.constant 32 : index
    %swap3A_1265 = tpu.vector_load %arg15[%swap3A_1263, %swap3A_1264] {strides = array<i32>} : memref<16x64xf32, #tpu.memory_space<vmem>>, vector<16xf32>,
    tpu.vector_store %arg15[%swap3A_1263, %swap3A_1264], %broadcast_in_dim3A_4 {strides = array<i32>} : memref<16x64xf32, #tpu.memory_space<vmem>>, vector<16xf32>,
    %swap3A_1266 = arith.constant 14 : i32
    %swap3A_1267 = arith.index_cast %swap3A_1266 : i32 to index
    %swap3A_1268 = arith.constant 48 : index
    %swap3A_1269 = tpu.vector_load %arg15[%swap3A_1267, %swap3A_1268] {strides = array<i32>} : memref<16x64xf32, #tpu.memory_space<vmem>>, vector<16xf32>,
    tpu.vector_store %arg15[%swap3A_1267, %swap3A_1268], %broadcast_in_dim3A_4 {strides = array<i32>} : memref<16x64xf32, #tpu.memory_space<vmem>>, vector<16xf32>,
    %swap3A_1270 = arith.constant 15 : i32
    %swap3A_1271 = arith.index_cast %swap3A_1270 : i32 to index
    %swap3A_1272 = arith.constant 0 : index
    %swap3A_1273 = tpu.vector_load %arg15[%swap3A_1271, %swap3A_1272] {strides = array<i32>} : memref<16x64xf32, #tpu.memory_space<vmem>>, vector<16xf32>,
    tpu.vector_store %arg15[%swap3A_1271, %swap3A_1272], %broadcast_in_dim3A_4 {strides = array<i32>} : memref<16x64xf32, #tpu.memory_space<vmem>>, vector<16xf32>,
    %swap3A_1274 = arith.constant 15 : i32
    %swap3A_1275 = arith.index_cast %swap3A_1274 : i32 to index
    %swap3A_1276 = arith.constant 16 : index
    %swap3A_1277 = tpu.vector_load %arg15[%swap3A_1275, %swap3A_1276] {strides = array<i32>} : memref<16x64xf32, #tpu.memory_space<vmem>>, vector<16xf32>,
    tpu.vector_store %arg15[%swap3A_1275, %swap3A_1276], %broadcast_in_dim3A_4 {strides = array<i32>} : memref<16x64xf32, #tpu.memory_space<vmem>>, vector<16xf32>,
    %swap3A_1278 = arith.constant 15 : i32
    %swap3A_1279 = arith.index_cast %swap3A_1278 : i32 to index
    %swap3A_1280 = arith.constant 32 : index
    %swap3A_1281 = tpu.vector_load %arg15[%swap3A_1279, %swap3A_1280] {strides = array<i32>} : memref<16x64xf32, #tpu.memory_space<vmem>>, vector<16xf32>,
    tpu.vector_store %arg15[%swap3A_1279, %swap3A_1280], %broadcast_in_dim3A_4 {strides = array<i32>} : memref<16x64xf32, #tpu.memory_space<vmem>>, vector<16xf32>,
    %swap3A_1282 = arith.constant 15 : i32
    %swap3A_1283 = arith.index_cast %swap3A_1282 : i32 to index
    %swap3A_1284 = arith.constant 48 : index
    %swap3A_1285 = tpu.vector_load %arg15[%swap3A_1283, %swap3A_1284] {strides = array<i32>} : memref<16x64xf32, #tpu.memory_space<vmem>>, vector<16xf32>,
    tpu.vector_store %arg15[%swap3A_1283, %swap3A_1284], %broadcast_in_dim3A_4 {strides = array<i32>} : memref<16x64xf32, #tpu.memory_space<vmem>>, vector<16xf32>,
    %swap3A_1286 = arith.constant 0 : i32
    %swap3A_1287 = arith.index_cast %swap3A_1286 : i32 to index
    %swap3A_1288 = arith.constant 0 : index
    %swap3A_1289 = tpu.vector_load %arg16[%swap3A_1287, %swap3A_1288] {strides = array<i32>} : memref<16x64xf32, #tpu.memory_space<vmem>>, vector<16xf32>,
    tpu.vector_store %arg16[%swap3A_1287, %swap3A_1288], %broadcast_in_dim3A_4 {strides = array<i32>} : memref<16x64xf32, #tpu.memory_space<vmem>>, vector<16xf32>,
    %swap3A_1290 = arith.constant 0 : i32
    %swap3A_1291 = arith.index_cast %swap3A_1290 : i32 to index
    %swap3A_1292 = arith.constant 16 : index
    %swap3A_1293 = tpu.vector_load %arg16[%swap3A_1291, %swap3A_1292] {strides = array<i32>} : memref<16x64xf32, #tpu.memory_space<vmem>>, vector<16xf32>,
    tpu.vector_store %arg16[%swap3A_1291, %swap3A_1292], %broadcast_in_dim3A_4 {strides = array<i32>} : memref<16x64xf32, #tpu.memory_space<vmem>>, vector<16xf32>,
    %swap3A_1294 = arith.constant 0 : i32
    %swap3A_1295 = arith.index_cast %swap3A_1294 : i32 to index
    %swap3A_1296 = arith.constant 32 : index
    %swap3A_1297 = tpu.vector_load %arg16[%swap3A_1295, %swap3A_1296] {strides = array<i32>} : memref<16x64xf32, #tpu.memory_space<vmem>>, vector<16xf32>,
    tpu.vector_store %arg16[%swap3A_1295, %swap3A_1296], %broadcast_in_dim3A_4 {strides = array<i32>} : memref<16x64xf32, #tpu.memory_space<vmem>>, vector<16xf32>,
    %swap3A_1298 = arith.constant 0 : i32
    %swap3A_1299 = arith.index_cast %swap3A_1298 : i32 to index
    %swap3A_1300 = arith.constant 48 : index
    %swap3A_1301 = tpu.vector_load %arg16[%swap3A_1299, %swap3A_1300] {strides = array<i32>} : memref<16x64xf32, #tpu.memory_space<vmem>>, vector<16xf32>,
    tpu.vector_store %arg16[%swap3A_1299, %swap3A_1300], %broadcast_in_dim3A_4 {strides = array<i32>} : memref<16x64xf32, #tpu.memory_space<vmem>>, vector<16xf32>,
    %swap3A_1302 = arith.constant 1 : i32
    %swap3A_1303 = arith.index_cast %swap3A_1302 : i32 to index
    %swap3A_1304 = arith.constant 0 : index
    %swap3A_1305 = tpu.vector_load %arg16[%swap3A_1303, %swap3A_1304] {strides = array<i32>} : memref<16x64xf32, #tpu.memory_space<vmem>>, vector<16xf32>,
    tpu.vector_store %arg16[%swap3A_1303, %swap3A_1304], %broadcast_in_dim3A_4 {strides = array<i32>} : memref<16x64xf32, #tpu.memory_space<vmem>>, vector<16xf32>,
    %swap3A_1306 = arith.constant 1 : i32
    %swap3A_1307 = arith.index_cast %swap3A_1306 : i32 to index
    %swap3A_1308 = arith.constant 16 : index
    %swap3A_1309 = tpu.vector_load %arg16[%swap3A_1307, %swap3A_1308] {strides = array<i32>} : memref<16x64xf32, #tpu.memory_space<vmem>>, vector<16xf32>,
    tpu.vector_store %arg16[%swap3A_1307, %swap3A_1308], %broadcast_in_dim3A_4 {strides = array<i32>} : memref<16x64xf32, #tpu.memory_space<vmem>>, vector<16xf32>,
    %swap3A_1310 = arith.constant 1 : i32
    %swap3A_1311 = arith.index_cast %swap3A_1310 : i32 to index
    %swap3A_1312 = arith.constant 32 : index
    %swap3A_1313 = tpu.vector_load %arg16[%swap3A_1311, %swap3A_1312] {strides = array<i32>} : memref<16x64xf32, #tpu.memory_space<vmem>>, vector<16xf32>,
    tpu.vector_store %arg16[%swap3A_1311, %swap3A_1312], %broadcast_in_dim3A_4 {strides = array<i32>} : memref<16x64xf32, #tpu.memory_space<vmem>>, vector<16xf32>,
    %swap3A_1314 = arith.constant 1 : i32
    %swap3A_1315 = arith.index_cast %swap3A_1314 : i32 to index
    %swap3A_1316 = arith.constant 48 : index
    %swap3A_1317 = tpu.vector_load %arg16[%swap3A_1315, %swap3A_1316] {strides = array<i32>} : memref<16x64xf32, #tpu.memory_space<vmem>>, vector<16xf32>,
    tpu.vector_store %arg16[%swap3A_1315, %swap3A_1316], %broadcast_in_dim3A_4 {strides = array<i32>} : memref<16x64xf32, #tpu.memory_space<vmem>>, vector<16xf32>,
    %swap3A_1318 = arith.constant 2 : i32
    %swap3A_1319 = arith.index_cast %swap3A_1318 : i32 to index
    %swap3A_1320 = arith.constant 0 : index
    %swap3A_1321 = tpu.vector_load %arg16[%swap3A_1319, %swap3A_1320] {strides = array<i32>} : memref<16x64xf32, #tpu.memory_space<vmem>>, vector<16xf32>,
    tpu.vector_store %arg16[%swap3A_1319, %swap3A_1320], %broadcast_in_dim3A_4 {strides = array<i32>} : memref<16x64xf32, #tpu.memory_space<vmem>>, vector<16xf32>,
    %swap3A_1322 = arith.constant 2 : i32
    %swap3A_1323 = arith.index_cast %swap3A_1322 : i32 to index
    %swap3A_1324 = arith.constant 16 : index
    %swap3A_1325 = tpu.vector_load %arg16[%swap3A_1323, %swap3A_1324] {strides = array<i32>} : memref<16x64xf32, #tpu.memory_space<vmem>>, vector<16xf32>,
    tpu.vector_store %arg16[%swap3A_1323, %swap3A_1324], %broadcast_in_dim3A_4 {strides = array<i32>} : memref<16x64xf32, #tpu.memory_space<vmem>>, vector<16xf32>,
    %swap3A_1326 = arith.constant 2 : i32
    %swap3A_1327 = arith.index_cast %swap3A_1326 : i32 to index
    %swap3A_1328 = arith.constant 32 : index
    %swap3A_1329 = tpu.vector_load %arg16[%swap3A_1327, %swap3A_1328] {strides = array<i32>} : memref<16x64xf32, #tpu.memory_space<vmem>>, vector<16xf32>,
    tpu.vector_store %arg16[%swap3A_1327, %swap3A_1328], %broadcast_in_dim3A_4 {strides = array<i32>} : memref<16x64xf32, #tpu.memory_space<vmem>>, vector<16xf32>,
    %swap3A_1330 = arith.constant 2 : i32
    %swap3A_1331 = arith.index_cast %swap3A_1330 : i32 to index
    %swap3A_1332 = arith.constant 48 : index
    %swap3A_1333 = tpu.vector_load %arg16[%swap3A_1331, %swap3A_1332] {strides = array<i32>} : memref<16x64xf32, #tpu.memory_space<vmem>>, vector<16xf32>,
    tpu.vector_store %arg16[%swap3A_1331, %swap3A_1332], %broadcast_in_dim3A_4 {strides = array<i32>} : memref<16x64xf32, #tpu.memory_space<vmem>>, vector<16xf32>,
    %swap3A_1334 = arith.constant 3 : i32
    %swap3A_1335 = arith.index_cast %swap3A_1334 : i32 to index
    %swap3A_1336 = arith.constant 0 : index
    %swap3A_1337 = tpu.vector_load %arg16[%swap3A_1335, %swap3A_1336] {strides = array<i32>} : memref<16x64xf32, #tpu.memory_space<vmem>>, vector<16xf32>,
    tpu.vector_store %arg16[%swap3A_1335, %swap3A_1336], %broadcast_in_dim3A_4 {strides = array<i32>} : memref<16x64xf32, #tpu.memory_space<vmem>>, vector<16xf32>,
    %swap3A_1338 = arith.constant 3 : i32
    %swap3A_1339 = arith.index_cast %swap3A_1338 : i32 to index
    %swap3A_1340 = arith.constant 16 : index
    %swap3A_1341 = tpu.vector_load %arg16[%swap3A_1339, %swap3A_1340] {strides = array<i32>} : memref<16x64xf32, #tpu.memory_space<vmem>>, vector<16xf32>,
    tpu.vector_store %arg16[%swap3A_1339, %swap3A_1340], %broadcast_in_dim3A_4 {strides = array<i32>} : memref<16x64xf32, #tpu.memory_space<vmem>>, vector<16xf32>,
    %swap3A_1342 = arith.constant 3 : i32
    %swap3A_1343 = arith.index_cast %swap3A_1342 : i32 to index
    %swap3A_1344 = arith.constant 32 : index
    %swap3A_1345 = tpu.vector_load %arg16[%swap3A_1343, %swap3A_1344] {strides = array<i32>} : memref<16x64xf32, #tpu.memory_space<vmem>>, vector<16xf32>,
    tpu.vector_store %arg16[%swap3A_1343, %swap3A_1344], %broadcast_in_dim3A_4 {strides = array<i32>} : memref<16x64xf32, #tpu.memory_space<vmem>>, vector<16xf32>,
    %swap3A_1346 = arith.constant 3 : i32
    %swap3A_1347 = arith.index_cast %swap3A_1346 : i32 to index
    %swap3A_1348 = arith.constant 48 : index
    %swap3A_1349 = tpu.vector_load %arg16[%swap3A_1347, %swap3A_1348] {strides = array<i32>} : memref<16x64xf32, #tpu.memory_space<vmem>>, vector<16xf32>,
    tpu.vector_store %arg16[%swap3A_1347, %swap3A_1348], %broadcast_in_dim3A_4 {strides = array<i32>} : memref<16x64xf32, #tpu.memory_space<vmem>>, vector<16xf32>,
    %swap3A_1350 = arith.constant 4 : i32
    %swap3A_1351 = arith.index_cast %swap3A_1350 : i32 to index
    %swap3A_1352 = arith.constant 0 : index
    %swap3A_1353 = tpu.vector_load %arg16[%swap3A_1351, %swap3A_1352] {strides = array<i32>} : memref<16x64xf32, #tpu.memory_space<vmem>>, vector<16xf32>,
    tpu.vector_store %arg16[%swap3A_1351, %swap3A_1352], %broadcast_in_dim3A_4 {strides = array<i32>} : memref<16x64xf32, #tpu.memory_space<vmem>>, vector<16xf32>,
    %swap3A_1354 = arith.constant 4 : i32
    %swap3A_1355 = arith.index_cast %swap3A_1354 : i32 to index
    %swap3A_1356 = arith.constant 16 : index
    %swap3A_1357 = tpu.vector_load %arg16[%swap3A_1355, %swap3A_1356] {strides = array<i32>} : memref<16x64xf32, #tpu.memory_space<vmem>>, vector<16xf32>,
    tpu.vector_store %arg16[%swap3A_1355, %swap3A_1356], %broadcast_in_dim3A_4 {strides = array<i32>} : memref<16x64xf32, #tpu.memory_space<vmem>>, vector<16xf32>,
    %swap3A_1358 = arith.constant 4 : i32
    %swap3A_1359 = arith.index_cast %swap3A_1358 : i32 to index
    %swap3A_1360 = arith.constant 32 : index
    %swap3A_1361 = tpu.vector_load %arg16[%swap3A_1359, %swap3A_1360] {strides = array<i32>} : memref<16x64xf32, #tpu.memory_space<vmem>>, vector<16xf32>,
    tpu.vector_store %arg16[%swap3A_1359, %swap3A_1360], %broadcast_in_dim3A_4 {strides = array<i32>} : memref<16x64xf32, #tpu.memory_space<vmem>>, vector<16xf32>,
    %swap3A_1362 = arith.constant 4 : i32
    %swap3A_1363 = arith.index_cast %swap3A_1362 : i32 to index
    %swap3A_1364 = arith.constant 48 : index
    %swap3A_1365 = tpu.vector_load %arg16[%swap3A_1363, %swap3A_1364] {strides = array<i32>} : memref<16x64xf32, #tpu.memory_space<vmem>>, vector<16xf32>,
    tpu.vector_store %arg16[%swap3A_1363, %swap3A_1364], %broadcast_in_dim3A_4 {strides = array<i32>} : memref<16x64xf32, #tpu.memory_space<vmem>>, vector<16xf32>,
    %swap3A_1366 = arith.constant 5 : i32
    %swap3A_1367 = arith.index_cast %swap3A_1366 : i32 to index
    %swap3A_1368 = arith.constant 0 : index
    %swap3A_1369 = tpu.vector_load %arg16[%swap3A_1367, %swap3A_1368] {strides = array<i32>} : memref<16x64xf32, #tpu.memory_space<vmem>>, vector<16xf32>,
    tpu.vector_store %arg16[%swap3A_1367, %swap3A_1368], %broadcast_in_dim3A_4 {strides = array<i32>} : memref<16x64xf32, #tpu.memory_space<vmem>>, vector<16xf32>,
    %swap3A_1370 = arith.constant 5 : i32
    %swap3A_1371 = arith.index_cast %swap3A_1370 : i32 to index
    %swap3A_1372 = arith.constant 16 : index
    %swap3A_1373 = tpu.vector_load %arg16[%swap3A_1371, %swap3A_1372] {strides = array<i32>} : memref<16x64xf32, #tpu.memory_space<vmem>>, vector<16xf32>,
    tpu.vector_store %arg16[%swap3A_1371, %swap3A_1372], %broadcast_in_dim3A_4 {strides = array<i32>} : memref<16x64xf32, #tpu.memory_space<vmem>>, vector<16xf32>,
    %swap3A_1374 = arith.constant 5 : i32
    %swap3A_1375 = arith.index_cast %swap3A_1374 : i32 to index
    %swap3A_1376 = arith.constant 32 : index
    %swap3A_1377 = tpu.vector_load %arg16[%swap3A_1375, %swap3A_1376] {strides = array<i32>} : memref<16x64xf32, #tpu.memory_space<vmem>>, vector<16xf32>,
    tpu.vector_store %arg16[%swap3A_1375, %swap3A_1376], %broadcast_in_dim3A_4 {strides = array<i32>} : memref<16x64xf32, #tpu.memory_space<vmem>>, vector<16xf32>,
    %swap3A_1378 = arith.constant 5 : i32
    %swap3A_1379 = arith.index_cast %swap3A_1378 : i32 to index
    %swap3A_1380 = arith.constant 48 : index
    %swap3A_1381 = tpu.vector_load %arg16[%swap3A_1379, %swap3A_1380] {strides = array<i32>} : memref<16x64xf32, #tpu.memory_space<vmem>>, vector<16xf32>,
    tpu.vector_store %arg16[%swap3A_1379, %swap3A_1380], %broadcast_in_dim3A_4 {strides = array<i32>} : memref<16x64xf32, #tpu.memory_space<vmem>>, vector<16xf32>,
    %swap3A_1382 = arith.constant 6 : i32
    %swap3A_1383 = arith.index_cast %swap3A_1382 : i32 to index
    %swap3A_1384 = arith.constant 0 : index
    %swap3A_1385 = tpu.vector_load %arg16[%swap3A_1383, %swap3A_1384] {strides = array<i32>} : memref<16x64xf32, #tpu.memory_space<vmem>>, vector<16xf32>,
    tpu.vector_store %arg16[%swap3A_1383, %swap3A_1384], %broadcast_in_dim3A_4 {strides = array<i32>} : memref<16x64xf32, #tpu.memory_space<vmem>>, vector<16xf32>,
    %swap3A_1386 = arith.constant 6 : i32
    %swap3A_1387 = arith.index_cast %swap3A_1386 : i32 to index
    %swap3A_1388 = arith.constant 16 : index
    %swap3A_1389 = tpu.vector_load %arg16[%swap3A_1387, %swap3A_1388] {strides = array<i32>} : memref<16x64xf32, #tpu.memory_space<vmem>>, vector<16xf32>,
    tpu.vector_store %arg16[%swap3A_1387, %swap3A_1388], %broadcast_in_dim3A_4 {strides = array<i32>} : memref<16x64xf32, #tpu.memory_space<vmem>>, vector<16xf32>,
    %swap3A_1390 = arith.constant 6 : i32
    %swap3A_1391 = arith.index_cast %swap3A_1390 : i32 to index
    %swap3A_1392 = arith.constant 32 : index
    %swap3A_1393 = tpu.vector_load %arg16[%swap3A_1391, %swap3A_1392] {strides = array<i32>} : memref<16x64xf32, #tpu.memory_space<vmem>>, vector<16xf32>,
    tpu.vector_store %arg16[%swap3A_1391, %swap3A_1392], %broadcast_in_dim3A_4 {strides = array<i32>} : memref<16x64xf32, #tpu.memory_space<vmem>>, vector<16xf32>,
    %swap3A_1394 = arith.constant 6 : i32
    %swap3A_1395 = arith.index_cast %swap3A_1394 : i32 to index
    %swap3A_1396 = arith.constant 48 : index
    %swap3A_1397 = tpu.vector_load %arg16[%swap3A_1395, %swap3A_1396] {strides = array<i32>} : memref<16x64xf32, #tpu.memory_space<vmem>>, vector<16xf32>,
    tpu.vector_store %arg16[%swap3A_1395, %swap3A_1396], %broadcast_in_dim3A_4 {strides = array<i32>} : memref<16x64xf32, #tpu.memory_space<vmem>>, vector<16xf32>,
    %swap3A_1398 = arith.constant 7 : i32
    %swap3A_1399 = arith.index_cast %swap3A_1398 : i32 to index
    %swap3A_1400 = arith.constant 0 : index
    %swap3A_1401 = tpu.vector_load %arg16[%swap3A_1399, %swap3A_1400] {strides = array<i32>} : memref<16x64xf32, #tpu.memory_space<vmem>>, vector<16xf32>,
    tpu.vector_store %arg16[%swap3A_1399, %swap3A_1400], %broadcast_in_dim3A_4 {strides = array<i32>} : memref<16x64xf32, #tpu.memory_space<vmem>>, vector<16xf32>,
    %swap3A_1402 = arith.constant 7 : i32
    %swap3A_1403 = arith.index_cast %swap3A_1402 : i32 to index
    %swap3A_1404 = arith.constant 16 : index
    %swap3A_1405 = tpu.vector_load %arg16[%swap3A_1403, %swap3A_1404] {strides = array<i32>} : memref<16x64xf32, #tpu.memory_space<vmem>>, vector<16xf32>,
    tpu.vector_store %arg16[%swap3A_1403, %swap3A_1404], %broadcast_in_dim3A_4 {strides = array<i32>} : memref<16x64xf32, #tpu.memory_space<vmem>>, vector<16xf32>,
    %swap3A_1406 = arith.constant 7 : i32
    %swap3A_1407 = arith.index_cast %swap3A_1406 : i32 to index
    %swap3A_1408 = arith.constant 32 : index
    %swap3A_1409 = tpu.vector_load %arg16[%swap3A_1407, %swap3A_1408] {strides = array<i32>} : memref<16x64xf32, #tpu.memory_space<vmem>>, vector<16xf32>,
    tpu.vector_store %arg16[%swap3A_1407, %swap3A_1408], %broadcast_in_dim3A_4 {strides = array<i32>} : memref<16x64xf32, #tpu.memory_space<vmem>>, vector<16xf32>,
    %swap3A_1410 = arith.constant 7 : i32
    %swap3A_1411 = arith.index_cast %swap3A_1410 : i32 to index
    %swap3A_1412 = arith.constant 48 : index
    %swap3A_1413 = tpu.vector_load %arg16[%swap3A_1411, %swap3A_1412] {strides = array<i32>} : memref<16x64xf32, #tpu.memory_space<vmem>>, vector<16xf32>,
    tpu.vector_store %arg16[%swap3A_1411, %swap3A_1412], %broadcast_in_dim3A_4 {strides = array<i32>} : memref<16x64xf32, #tpu.memory_space<vmem>>, vector<16xf32>,
    %swap3A_1414 = arith.constant 8 : i32
    %swap3A_1415 = arith.index_cast %swap3A_1414 : i32 to index
    %swap3A_1416 = arith.constant 0 : index
    %swap3A_1417 = tpu.vector_load %arg16[%swap3A_1415, %swap3A_1416] {strides = array<i32>} : memref<16x64xf32, #tpu.memory_space<vmem>>, vector<16xf32>,
    tpu.vector_store %arg16[%swap3A_1415, %swap3A_1416], %broadcast_in_dim3A_4 {strides = array<i32>} : memref<16x64xf32, #tpu.memory_space<vmem>>, vector<16xf32>,
    %swap3A_1418 = arith.constant 8 : i32
    %swap3A_1419 = arith.index_cast %swap3A_1418 : i32 to index
    %swap3A_1420 = arith.constant 16 : index
    %swap3A_1421 = tpu.vector_load %arg16[%swap3A_1419, %swap3A_1420] {strides = array<i32>} : memref<16x64xf32, #tpu.memory_space<vmem>>, vector<16xf32>,
    tpu.vector_store %arg16[%swap3A_1419, %swap3A_1420], %broadcast_in_dim3A_4 {strides = array<i32>} : memref<16x64xf32, #tpu.memory_space<vmem>>, vector<16xf32>,
    %swap3A_1422 = arith.constant 8 : i32
    %swap3A_1423 = arith.index_cast %swap3A_1422 : i32 to index
    %swap3A_1424 = arith.constant 32 : index
    %swap3A_1425 = tpu.vector_load %arg16[%swap3A_1423, %swap3A_1424] {strides = array<i32>} : memref<16x64xf32, #tpu.memory_space<vmem>>, vector<16xf32>,
    tpu.vector_store %arg16[%swap3A_1423, %swap3A_1424], %broadcast_in_dim3A_4 {strides = array<i32>} : memref<16x64xf32, #tpu.memory_space<vmem>>, vector<16xf32>,
    %swap3A_1426 = arith.constant 8 : i32
    %swap3A_1427 = arith.index_cast %swap3A_1426 : i32 to index
    %swap3A_1428 = arith.constant 48 : index
    %swap3A_1429 = tpu.vector_load %arg16[%swap3A_1427, %swap3A_1428] {strides = array<i32>} : memref<16x64xf32, #tpu.memory_space<vmem>>, vector<16xf32>,
    tpu.vector_store %arg16[%swap3A_1427, %swap3A_1428], %broadcast_in_dim3A_4 {strides = array<i32>} : memref<16x64xf32, #tpu.memory_space<vmem>>, vector<16xf32>,
    %swap3A_1430 = arith.constant 9 : i32
    %swap3A_1431 = arith.index_cast %swap3A_1430 : i32 to index
    %swap3A_1432 = arith.constant 0 : index
    %swap3A_1433 = tpu.vector_load %arg16[%swap3A_1431, %swap3A_1432] {strides = array<i32>} : memref<16x64xf32, #tpu.memory_space<vmem>>, vector<16xf32>,
    tpu.vector_store %arg16[%swap3A_1431, %swap3A_1432], %broadcast_in_dim3A_4 {strides = array<i32>} : memref<16x64xf32, #tpu.memory_space<vmem>>, vector<16xf32>,
    %swap3A_1434 = arith.constant 9 : i32
    %swap3A_1435 = arith.index_cast %swap3A_1434 : i32 to index
    %swap3A_1436 = arith.constant 16 : index
    %swap3A_1437 = tpu.vector_load %arg16[%swap3A_1435, %swap3A_1436] {strides = array<i32>} : memref<16x64xf32, #tpu.memory_space<vmem>>, vector<16xf32>,
    tpu.vector_store %arg16[%swap3A_1435, %swap3A_1436], %broadcast_in_dim3A_4 {strides = array<i32>} : memref<16x64xf32, #tpu.memory_space<vmem>>, vector<16xf32>,
    %swap3A_1438 = arith.constant 9 : i32
    %swap3A_1439 = arith.index_cast %swap3A_1438 : i32 to index
    %swap3A_1440 = arith.constant 32 : index
    %swap3A_1441 = tpu.vector_load %arg16[%swap3A_1439, %swap3A_1440] {strides = array<i32>} : memref<16x64xf32, #tpu.memory_space<vmem>>, vector<16xf32>,
    tpu.vector_store %arg16[%swap3A_1439, %swap3A_1440], %broadcast_in_dim3A_4 {strides = array<i32>} : memref<16x64xf32, #tpu.memory_space<vmem>>, vector<16xf32>,
    %swap3A_1442 = arith.constant 9 : i32
    %swap3A_1443 = arith.index_cast %swap3A_1442 : i32 to index
    %swap3A_1444 = arith.constant 48 : index
    %swap3A_1445 = tpu.vector_load %arg16[%swap3A_1443, %swap3A_1444] {strides = array<i32>} : memref<16x64xf32, #tpu.memory_space<vmem>>, vector<16xf32>,
    tpu.vector_store %arg16[%swap3A_1443, %swap3A_1444], %broadcast_in_dim3A_4 {strides = array<i32>} : memref<16x64xf32, #tpu.memory_space<vmem>>, vector<16xf32>,
    %swap3A_1446 = arith.constant 10 : i32
    %swap3A_1447 = arith.index_cast %swap3A_1446 : i32 to index
    %swap3A_1448 = arith.constant 0 : index
    %swap3A_1449 = tpu.vector_load %arg16[%swap3A_1447, %swap3A_1448] {strides = array<i32>} : memref<16x64xf32, #tpu.memory_space<vmem>>, vector<16xf32>,
    tpu.vector_store %arg16[%swap3A_1447, %swap3A_1448], %broadcast_in_dim3A_4 {strides = array<i32>} : memref<16x64xf32, #tpu.memory_space<vmem>>, vector<16xf32>,
    %swap3A_1450 = arith.constant 10 : i32
    %swap3A_1451 = arith.index_cast %swap3A_1450 : i32 to index
    %swap3A_1452 = arith.constant 16 : index
    %swap3A_1453 = tpu.vector_load %arg16[%swap3A_1451, %swap3A_1452] {strides = array<i32>} : memref<16x64xf32, #tpu.memory_space<vmem>>, vector<16xf32>,
    tpu.vector_store %arg16[%swap3A_1451, %swap3A_1452], %broadcast_in_dim3A_4 {strides = array<i32>} : memref<16x64xf32, #tpu.memory_space<vmem>>, vector<16xf32>,
    %swap3A_1454 = arith.constant 10 : i32
    %swap3A_1455 = arith.index_cast %swap3A_1454 : i32 to index
    %swap3A_1456 = arith.constant 32 : index
    %swap3A_1457 = tpu.vector_load %arg16[%swap3A_1455, %swap3A_1456] {strides = array<i32>} : memref<16x64xf32, #tpu.memory_space<vmem>>, vector<16xf32>,
    tpu.vector_store %arg16[%swap3A_1455, %swap3A_1456], %broadcast_in_dim3A_4 {strides = array<i32>} : memref<16x64xf32, #tpu.memory_space<vmem>>, vector<16xf32>,
    %swap3A_1458 = arith.constant 10 : i32
    %swap3A_1459 = arith.index_cast %swap3A_1458 : i32 to index
    %swap3A_1460 = arith.constant 48 : index
    %swap3A_1461 = tpu.vector_load %arg16[%swap3A_1459, %swap3A_1460] {strides = array<i32>} : memref<16x64xf32, #tpu.memory_space<vmem>>, vector<16xf32>,
    tpu.vector_store %arg16[%swap3A_1459, %swap3A_1460], %broadcast_in_dim3A_4 {strides = array<i32>} : memref<16x64xf32, #tpu.memory_space<vmem>>, vector<16xf32>,
    %swap3A_1462 = arith.constant 11 : i32
    %swap3A_1463 = arith.index_cast %swap3A_1462 : i32 to index
    %swap3A_1464 = arith.constant 0 : index
    %swap3A_1465 = tpu.vector_load %arg16[%swap3A_1463, %swap3A_1464] {strides = array<i32>} : memref<16x64xf32, #tpu.memory_space<vmem>>, vector<16xf32>,
    tpu.vector_store %arg16[%swap3A_1463, %swap3A_1464], %broadcast_in_dim3A_4 {strides = array<i32>} : memref<16x64xf32, #tpu.memory_space<vmem>>, vector<16xf32>,
    %swap3A_1466 = arith.constant 11 : i32
    %swap3A_1467 = arith.index_cast %swap3A_1466 : i32 to index
    %swap3A_1468 = arith.constant 16 : index
    %swap3A_1469 = tpu.vector_load %arg16[%swap3A_1467, %swap3A_1468] {strides = array<i32>} : memref<16x64xf32, #tpu.memory_space<vmem>>, vector<16xf32>,
    tpu.vector_store %arg16[%swap3A_1467, %swap3A_1468], %broadcast_in_dim3A_4 {strides = array<i32>} : memref<16x64xf32, #tpu.memory_space<vmem>>, vector<16xf32>,
    %swap3A_1470 = arith.constant 11 : i32
    %swap3A_1471 = arith.index_cast %swap3A_1470 : i32 to index
    %swap3A_1472 = arith.constant 32 : index
    %swap3A_1473 = tpu.vector_load %arg16[%swap3A_1471, %swap3A_1472] {strides = array<i32>} : memref<16x64xf32, #tpu.memory_space<vmem>>, vector<16xf32>,
    tpu.vector_store %arg16[%swap3A_1471, %swap3A_1472], %broadcast_in_dim3A_4 {strides = array<i32>} : memref<16x64xf32, #tpu.memory_space<vmem>>, vector<16xf32>,
    %swap3A_1474 = arith.constant 11 : i32
    %swap3A_1475 = arith.index_cast %swap3A_1474 : i32 to index
    %swap3A_1476 = arith.constant 48 : index
    %swap3A_1477 = tpu.vector_load %arg16[%swap3A_1475, %swap3A_1476] {strides = array<i32>} : memref<16x64xf32, #tpu.memory_space<vmem>>, vector<16xf32>,
    tpu.vector_store %arg16[%swap3A_1475, %swap3A_1476], %broadcast_in_dim3A_4 {strides = array<i32>} : memref<16x64xf32, #tpu.memory_space<vmem>>, vector<16xf32>,
    %swap3A_1478 = arith.constant 12 : i32
    %swap3A_1479 = arith.index_cast %swap3A_1478 : i32 to index
    %swap3A_1480 = arith.constant 0 : index
    %swap3A_1481 = tpu.vector_load %arg16[%swap3A_1479, %swap3A_1480] {strides = array<i32>} : memref<16x64xf32, #tpu.memory_space<vmem>>, vector<16xf32>,
    tpu.vector_store %arg16[%swap3A_1479, %swap3A_1480], %broadcast_in_dim3A_4 {strides = array<i32>} : memref<16x64xf32, #tpu.memory_space<vmem>>, vector<16xf32>,
    %swap3A_1482 = arith.constant 12 : i32
    %swap3A_1483 = arith.index_cast %swap3A_1482 : i32 to index
    %swap3A_1484 = arith.constant 16 : index
    %swap3A_1485 = tpu.vector_load %arg16[%swap3A_1483, %swap3A_1484] {strides = array<i32>} : memref<16x64xf32, #tpu.memory_space<vmem>>, vector<16xf32>,
    tpu.vector_store %arg16[%swap3A_1483, %swap3A_1484], %broadcast_in_dim3A_4 {strides = array<i32>} : memref<16x64xf32, #tpu.memory_space<vmem>>, vector<16xf32>,
    %swap3A_1486 = arith.constant 12 : i32
    %swap3A_1487 = arith.index_cast %swap3A_1486 : i32 to index
    %swap3A_1488 = arith.constant 32 : index
    %swap3A_1489 = tpu.vector_load %arg16[%swap3A_1487, %swap3A_1488] {strides = array<i32>} : memref<16x64xf32, #tpu.memory_space<vmem>>, vector<16xf32>,
    tpu.vector_store %arg16[%swap3A_1487, %swap3A_1488], %broadcast_in_dim3A_4 {strides = array<i32>} : memref<16x64xf32, #tpu.memory_space<vmem>>, vector<16xf32>,
    %swap3A_1490 = arith.constant 12 : i32
    %swap3A_1491 = arith.index_cast %swap3A_1490 : i32 to index
    %swap3A_1492 = arith.constant 48 : index
    %swap3A_1493 = tpu.vector_load %arg16[%swap3A_1491, %swap3A_1492] {strides = array<i32>} : memref<16x64xf32, #tpu.memory_space<vmem>>, vector<16xf32>,
    tpu.vector_store %arg16[%swap3A_1491, %swap3A_1492], %broadcast_in_dim3A_4 {strides = array<i32>} : memref<16x64xf32, #tpu.memory_space<vmem>>, vector<16xf32>,
    %swap3A_1494 = arith.constant 13 : i32
    %swap3A_1495 = arith.index_cast %swap3A_1494 : i32 to index
    %swap3A_1496 = arith.constant 0 : index
    %swap3A_1497 = tpu.vector_load %arg16[%swap3A_1495, %swap3A_1496] {strides = array<i32>} : memref<16x64xf32, #tpu.memory_space<vmem>>, vector<16xf32>,
    tpu.vector_store %arg16[%swap3A_1495, %swap3A_1496], %broadcast_in_dim3A_4 {strides = array<i32>} : memref<16x64xf32, #tpu.memory_space<vmem>>, vector<16xf32>,
    %swap3A_1498 = arith.constant 13 : i32
    %swap3A_1499 = arith.index_cast %swap3A_1498 : i32 to index
    %swap3A_1500 = arith.constant 16 : index
    %swap3A_1501 = tpu.vector_load %arg16[%swap3A_1499, %swap3A_1500] {strides = array<i32>} : memref<16x64xf32, #tpu.memory_space<vmem>>, vector<16xf32>,
    tpu.vector_store %arg16[%swap3A_1499, %swap3A_1500], %broadcast_in_dim3A_4 {strides = array<i32>} : memref<16x64xf32, #tpu.memory_space<vmem>>, vector<16xf32>,
    %swap3A_1502 = arith.constant 13 : i32
    %swap3A_1503 = arith.index_cast %swap3A_1502 : i32 to index
    %swap3A_1504 = arith.constant 32 : index
    %swap3A_1505 = tpu.vector_load %arg16[%swap3A_1503, %swap3A_1504] {strides = array<i32>} : memref<16x64xf32, #tpu.memory_space<vmem>>, vector<16xf32>,
    tpu.vector_store %arg16[%swap3A_1503, %swap3A_1504], %broadcast_in_dim3A_4 {strides = array<i32>} : memref<16x64xf32, #tpu.memory_space<vmem>>, vector<16xf32>,
    %swap3A_1506 = arith.constant 13 : i32
    %swap3A_1507 = arith.index_cast %swap3A_1506 : i32 to index
    %swap3A_1508 = arith.constant 48 : index
    %swap3A_1509 = tpu.vector_load %arg16[%swap3A_1507, %swap3A_1508] {strides = array<i32>} : memref<16x64xf32, #tpu.memory_space<vmem>>, vector<16xf32>,
    tpu.vector_store %arg16[%swap3A_1507, %swap3A_1508], %broadcast_in_dim3A_4 {strides = array<i32>} : memref<16x64xf32, #tpu.memory_space<vmem>>, vector<16xf32>,
    %swap3A_1510 = arith.constant 14 : i32
    %swap3A_1511 = arith.index_cast %swap3A_1510 : i32 to index
    %swap3A_1512 = arith.constant 0 : index
    %swap3A_1513 = tpu.vector_load %arg16[%swap3A_1511, %swap3A_1512] {strides = array<i32>} : memref<16x64xf32, #tpu.memory_space<vmem>>, vector<16xf32>,
    tpu.vector_store %arg16[%swap3A_1511, %swap3A_1512], %broadcast_in_dim3A_4 {strides = array<i32>} : memref<16x64xf32, #tpu.memory_space<vmem>>, vector<16xf32>,
    %swap3A_1514 = arith.constant 14 : i32
    %swap3A_1515 = arith.index_cast %swap3A_1514 : i32 to index
    %swap3A_1516 = arith.constant 16 : index
    %swap3A_1517 = tpu.vector_load %arg16[%swap3A_1515, %swap3A_1516] {strides = array<i32>} : memref<16x64xf32, #tpu.memory_space<vmem>>, vector<16xf32>,
    tpu.vector_store %arg16[%swap3A_1515, %swap3A_1516], %broadcast_in_dim3A_4 {strides = array<i32>} : memref<16x64xf32, #tpu.memory_space<vmem>>, vector<16xf32>,
    %swap3A_1518 = arith.constant 14 : i32
    %swap3A_1519 = arith.index_cast %swap3A_1518 : i32 to index
    %swap3A_1520 = arith.constant 32 : index
    %swap3A_1521 = tpu.vector_load %arg16[%swap3A_1519, %swap3A_1520] {strides = array<i32>} : memref<16x64xf32, #tpu.memory_space<vmem>>, vector<16xf32>,
    tpu.vector_store %arg16[%swap3A_1519, %swap3A_1520], %broadcast_in_dim3A_4 {strides = array<i32>} : memref<16x64xf32, #tpu.memory_space<vmem>>, vector<16xf32>,
    %swap3A_1522 = arith.constant 14 : i32
    %swap3A_1523 = arith.index_cast %swap3A_1522 : i32 to index
    %swap3A_1524 = arith.constant 48 : index
    %swap3A_1525 = tpu.vector_load %arg16[%swap3A_1523, %swap3A_1524] {strides = array<i32>} : memref<16x64xf32, #tpu.memory_space<vmem>>, vector<16xf32>,
    tpu.vector_store %arg16[%swap3A_1523, %swap3A_1524], %broadcast_in_dim3A_4 {strides = array<i32>} : memref<16x64xf32, #tpu.memory_space<vmem>>, vector<16xf32>,
    %swap3A_1526 = arith.constant 15 : i32
    %swap3A_1527 = arith.index_cast %swap3A_1526 : i32 to index
    %swap3A_1528 = arith.constant 0 : index
    %swap3A_1529 = tpu.vector_load %arg16[%swap3A_1527, %swap3A_1528] {strides = array<i32>} : memref<16x64xf32, #tpu.memory_space<vmem>>, vector<16xf32>,
    tpu.vector_store %arg16[%swap3A_1527, %swap3A_1528], %broadcast_in_dim3A_4 {strides = array<i32>} : memref<16x64xf32, #tpu.memory_space<vmem>>, vector<16xf32>,
    %swap3A_1530 = arith.constant 15 : i32
    %swap3A_1531 = arith.index_cast %swap3A_1530 : i32 to index
    %swap3A_1532 = arith.constant 16 : index
    %swap3A_1533 = tpu.vector_load %arg16[%swap3A_1531, %swap3A_1532] {strides = array<i32>} : memref<16x64xf32, #tpu.memory_space<vmem>>, vector<16xf32>,
    tpu.vector_store %arg16[%swap3A_1531, %swap3A_1532], %broadcast_in_dim3A_4 {strides = array<i32>} : memref<16x64xf32, #tpu.memory_space<vmem>>, vector<16xf32>,
    %swap3A_1534 = arith.constant 15 : i32
    %swap3A_1535 = arith.index_cast %swap3A_1534 : i32 to index
    %swap3A_1536 = arith.constant 32 : index
    %swap3A_1537 = tpu.vector_load %arg16[%swap3A_1535, %swap3A_1536] {strides = array<i32>} : memref<16x64xf32, #tpu.memory_space<vmem>>, vector<16xf32>,
    tpu.vector_store %arg16[%swap3A_1535, %swap3A_1536], %broadcast_in_dim3A_4 {strides = array<i32>} : memref<16x64xf32, #tpu.memory_space<vmem>>, vector<16xf32>,
    %swap3A_1538 = arith.constant 15 : i32
    %swap3A_1539 = arith.index_cast %swap3A_1538 : i32 to index
    %swap3A_1540 = arith.constant 48 : index
    %swap3A_1541 = tpu.vector_load %arg16[%swap3A_1539, %swap3A_1540] {strides = array<i32>} : memref<16x64xf32, #tpu.memory_space<vmem>>, vector<16xf32>,
    tpu.vector_store %arg16[%swap3A_1539, %swap3A_1540], %broadcast_in_dim3A_4 {strides = array<i32>} : memref<16x64xf32, #tpu.memory_space<vmem>>, vector<16xf32>,
    %scan3A = arith.constant 0 : i32
    %scan3A_1542 = arith.constant 0 : i32
    %scan3A_1543 = arith.constant 8 : i32
    %scan3A_1544 = arith.addi %scan3A_1542, %scan3A_1543 : i32
    %scan3A_1545 = arith.constant 1 : i32
    %scan3A_1546 = scf.for %scan3A_3539 = %scan3A_1542 to %scan3A_1544 step %scan3A_1545 iter_args(%scan3A_3540 = %scan3A) -> (i32)  : i32 {
      %mul3A_3541 = arith.constant 65536 : i32
      %mul3A_3542 = arith.muli %add3A, %mul3A_3541 : i32
      %mul3A_3543 = arith.constant 8192 : i32
      %mul3A_3544 = arith.muli %scan3A_3539, %mul3A_3543 : i32
      %add3A_3545 = arith.addi %mul3A_3542, %mul3A_3544 : i32
      %mul3A_3546 = arith.constant 3 : i32
      %mul3A_3547 = arith.muli %add3A_3545, %mul3A_3546 : i32
      "tpu.region"() ({
        %run_scoped3A = tpu.sem_alloc : memref<!tpu.dma_semaphore, #tpu.memory_space<semaphore_mem>>
        %dma_start3A = tpu.memref_slice %arg2[%mul3A_3547] : memref<6291456xf32, #tpu.memory_space<hbm>> -> memref<24576xf32, #tpu.memory_space<hbm>>
        %dma_start3A_3556 = tpu.memref_slice %arg2[%mul3A_3547] : memref<6291456xf32, #tpu.memory_space<hbm>> -> memref<24576xf32, #tpu.memory_space<hbm>>
        tpu.enqueue_dma source(%dma_start3A_3556 : memref<24576xf32, #tpu.memory_space<hbm>>) target(%arg7 : memref<24576xf32, #tpu.memory_space<vmem>>) target_semaphore(%run_scoped3A : memref<!tpu.dma_semaphore, #tpu.memory_space<semaphore_mem>>)
        %dma_wait3A = tpu.memref_slice %arg2[%mul3A_3547] : memref<6291456xf32, #tpu.memory_space<hbm>> -> memref<24576xf32, #tpu.memory_space<hbm>>
        %dma_wait3A_3557 = tpu.memref_slice %arg2[%mul3A_3547] : memref<6291456xf32, #tpu.memory_space<hbm>> -> memref<24576xf32, #tpu.memory_space<hbm>>
        tpu.wait_dma2 semaphore(%run_scoped3A : memref<!tpu.dma_semaphore, #tpu.memory_space<semaphore_mem>>) src(%dma_wait3A_3557 : memref<24576xf32, #tpu.memory_space<hbm>>) dst(%arg7 : memref<24576xf32, #tpu.memory_space<vmem>>)
        tpu.yield
      }) : () -> ()
      "tpu.region"() ({
        %run_scoped3A = tpu.sem_alloc : memref<!tpu.dma_semaphore, #tpu.memory_space<semaphore_mem>>
        %dma_start3A = tpu.memref_slice %arg3[%add3A_3545] : memref<2097152xi32, #tpu.memory_space<hbm>> -> memref<8192xi32, #tpu.memory_space<hbm>>
        %dma_start3A_3556 = tpu.memref_slice %arg3[%add3A_3545] : memref<2097152xi32, #tpu.memory_space<hbm>> -> memref<8192xi32, #tpu.memory_space<hbm>>
        tpu.enqueue_dma source(%dma_start3A_3556 : memref<8192xi32, #tpu.memory_space<hbm>>) target(%arg8 : memref<8192xi32, #tpu.memory_space<vmem>>) target_semaphore(%run_scoped3A : memref<!tpu.dma_semaphore, #tpu.memory_space<semaphore_mem>>)
        %dma_wait3A = tpu.memref_slice %arg3[%add3A_3545] : memref<2097152xi32, #tpu.memory_space<hbm>> -> memref<8192xi32, #tpu.memory_space<hbm>>
        %dma_wait3A_3557 = tpu.memref_slice %arg3[%add3A_3545] : memref<2097152xi32, #tpu.memory_space<hbm>> -> memref<8192xi32, #tpu.memory_space<hbm>>
        tpu.wait_dma2 semaphore(%run_scoped3A : memref<!tpu.dma_semaphore, #tpu.memory_space<semaphore_mem>>) src(%dma_wait3A_3557 : memref<8192xi32, #tpu.memory_space<hbm>>) dst(%arg8 : memref<8192xi32, #tpu.memory_space<vmem>>)
        tpu.yield
      }) : () -> ()
      "tpu.region"() ({
        %run_scoped3A = tpu.sem_alloc : memref<!tpu.dma_semaphore, #tpu.memory_space<semaphore_mem>>
        %dma_start3A = tpu.memref_slice %arg4[%add3A_3545] : memref<2097152xi32, #tpu.memory_space<hbm>> -> memref<8192xi32, #tpu.memory_space<hbm>>
        %dma_start3A_3556 = tpu.memref_slice %arg4[%add3A_3545] : memref<2097152xi32, #tpu.memory_space<hbm>> -> memref<8192xi32, #tpu.memory_space<hbm>>
        tpu.enqueue_dma source(%dma_start3A_3556 : memref<8192xi32, #tpu.memory_space<hbm>>) target(%arg9 : memref<8192xi32, #tpu.memory_space<vmem>>) target_semaphore(%run_scoped3A : memref<!tpu.dma_semaphore, #tpu.memory_space<semaphore_mem>>)
        %dma_wait3A = tpu.memref_slice %arg4[%add3A_3545] : memref<2097152xi32, #tpu.memory_space<hbm>> -> memref<8192xi32, #tpu.memory_space<hbm>>
        %dma_wait3A_3557 = tpu.memref_slice %arg4[%add3A_3545] : memref<2097152xi32, #tpu.memory_space<hbm>> -> memref<8192xi32, #tpu.memory_space<hbm>>
        tpu.wait_dma2 semaphore(%run_scoped3A : memref<!tpu.dma_semaphore, #tpu.memory_space<semaphore_mem>>) src(%dma_wait3A_3557 : memref<8192xi32, #tpu.memory_space<hbm>>) dst(%arg9 : memref<8192xi32, #tpu.memory_space<vmem>>)
        tpu.yield
      }) : () -> ()
      "tpu.region"() ({
        %run_scoped3A = tpu.sem_alloc : memref<!tpu.dma_semaphore, #tpu.memory_space<semaphore_mem>>
        %dma_start3A = tpu.memref_slice %arg5[%add3A_3545] : memref<2097152xi32, #tpu.memory_space<hbm>> -> memref<8192xi32, #tpu.memory_space<hbm>>
        %dma_start3A_3556 = tpu.memref_slice %arg5[%add3A_3545] : memref<2097152xi32, #tpu.memory_space<hbm>> -> memref<8192xi32, #tpu.memory_space<hbm>>
        tpu.enqueue_dma source(%dma_start3A_3556 : memref<8192xi32, #tpu.memory_space<hbm>>) target(%arg10 : memref<8192xi32, #tpu.memory_space<vmem>>) target_semaphore(%run_scoped3A : memref<!tpu.dma_semaphore, #tpu.memory_space<semaphore_mem>>)
        %dma_wait3A = tpu.memref_slice %arg5[%add3A_3545] : memref<2097152xi32, #tpu.memory_space<hbm>> -> memref<8192xi32, #tpu.memory_space<hbm>>
        %dma_wait3A_3557 = tpu.memref_slice %arg5[%add3A_3545] : memref<2097152xi32, #tpu.memory_space<hbm>> -> memref<8192xi32, #tpu.memory_space<hbm>>
        tpu.wait_dma2 semaphore(%run_scoped3A : memref<!tpu.dma_semaphore, #tpu.memory_space<semaphore_mem>>) src(%dma_wait3A_3557 : memref<8192xi32, #tpu.memory_space<hbm>>) dst(%arg10 : memref<8192xi32, #tpu.memory_space<vmem>>)
        tpu.yield
      }) : () -> ()
      %scan3A_3548 = arith.constant 0 : i32
      %scan3A_3549 = arith.constant 0 : i32
      %scan3A_3550 = arith.constant 512 : i32
      %scan3A_3551 = arith.addi %scan3A_3549, %scan3A_3550 : i32
      %scan3A_3552 = arith.constant 1 : i32
      %scan3A_3553 = scf.for %scan3A_3556 = %scan3A_3549 to %scan3A_3551 step %scan3A_3552 iter_args(%scan3A_3557 = %scan3A_3548) -> (i32)  : i32 {
        %mul3A_3558 = arith.constant 16 : i32
        %mul3A_3559 = arith.muli %scan3A_3556, %mul3A_3558 : i32
        %get3A_3560 = arith.index_cast %mul3A_3559 : i32 to index
        %get3A_3561 = tpu.vector_load %arg8[%get3A_3560] {strides = array<i32>} : memref<8192xi32, #tpu.memory_space<vmem>>, vector<16xi32>,
        %mul3A_3562 = arith.constant 3 : i32
        %mul3A_3563 = arith.muli %mul3A_3559, %mul3A_3562 : i32
        %add3A_3564 = vector.broadcast %mul3A_3563 : i32 to vector<16xi32>
        %add3A_3565 = arith.addi %mul3A_3, %add3A_3564 : vector<16xi32>
        %gather3A = tpu.vector_load_idx %arg7[%add3A_3565] : memref<24576xf32, #tpu.memory_space<vmem>>[vector<16xi32>], vector<16xf32>,
        %add3A_3566 = arith.constant 1 : i32
        %add3A_3567 = vector.broadcast %add3A_3566 : i32 to vector<16xi32>
        %add3A_3568 = arith.addi %add3A_3565, %add3A_3567 : vector<16xi32>
        %gather3A_3569 = tpu.vector_load_idx %arg7[%add3A_3568] : memref<24576xf32, #tpu.memory_space<vmem>>[vector<16xi32>], vector<16xf32>,
        %add3A_3570 = arith.constant 2 : i32
        %add3A_3571 = vector.broadcast %add3A_3570 : i32 to vector<16xi32>
        %add3A_3572 = arith.addi %add3A_3565, %add3A_3571 : vector<16xi32>
        %gather3A_3573 = tpu.vector_load_idx %arg7[%add3A_3572] : memref<24576xf32, #tpu.memory_space<vmem>>[vector<16xi32>], vector<16xf32>,
        tpu.vector_store_idx %arg11[%iota3A, %get3A_3561], %gather3A {add = true} : memref<16x64xf32, #tpu.memory_space<vmem>>[vector<16xi32>, vector<16xi32>], vector<16xf32>,
        %add3A_3574 = arith.addf %gather3A_3569, %gather3A_3573 : vector<16xf32>
        tpu.vector_store_idx %arg12[%iota3A, %get3A_3561], %add3A_3574 {add = true} : memref<16x64xf32, #tpu.memory_space<vmem>>[vector<16xi32>, vector<16xi32>], vector<16xf32>,
        %max3A = arith.maximumf %gather3A, %gather3A_3569 : vector<16xf32>
        %max3A_3575 = arith.maximumf %max3A, %gather3A_3573 : vector<16xf32>
        tpu.vector_store_idx %arg13[%iota3A, %get3A_3561], %max3A_3575 {add = true} : memref<16x64xf32, #tpu.memory_space<vmem>>[vector<16xi32>, vector<16xi32>], vector<16xf32>,
        tpu.vector_store_idx %arg14[%iota3A, %get3A_3561], %broadcast_in_dim3A_6 {add = true} : memref<16x64xf32, #tpu.memory_space<vmem>>[vector<16xi32>, vector<16xi32>], vector<16xf32>,
        %get3A_3576 = arith.index_cast %mul3A_3559 : i32 to index
        %get3A_3577 = tpu.vector_load %arg10[%get3A_3576] {strides = array<i32>} : memref<8192xi32, #tpu.memory_space<vmem>>, vector<16xi32>,
        %get3A_3578 = arith.index_cast %mul3A_3559 : i32 to index
        %get3A_3579 = tpu.vector_load %arg9[%get3A_3578] {strides = array<i32>} : memref<8192xi32, #tpu.memory_space<vmem>>, vector<16xi32>,
        %eq3A = arith.constant 4 : i32
        %eq3A_3580 = vector.broadcast %eq3A : i32 to vector<16xi32>
        %eq3A_3581 = arith.cmpi eq, %get3A_3579, %eq3A_3580 : vector<16xi32>
        %jit3A = arith.constant 1.000000e+00 : f32
        %jit3A_3582 = arith.constant 0.000000e+00 : f32
        %broadcast_in_dim3A_3583 = vector.broadcast %jit3A : f32 to vector<16xf32>
        %broadcast_in_dim3A_3584 = vector.broadcast %jit3A_3582 : f32 to vector<16xf32>
        %select_n3A = arith.select %eq3A_3581, %broadcast_in_dim3A_3583, %broadcast_in_dim3A_3584 : vector<16xi1>, vector<16xf32>
        tpu.vector_store_idx %arg15[%iota3A, %get3A_3577], %select_n3A {add = true} : memref<16x64xf32, #tpu.memory_space<vmem>>[vector<16xi32>, vector<16xi32>], vector<16xf32>,
        %eq3A_3585 = arith.constant 1 : i32
        %eq3A_3586 = vector.broadcast %eq3A_3585 : i32 to vector<16xi32>
        %eq3A_3587 = arith.cmpi eq, %get3A_3579, %eq3A_3586 : vector<16xi32>
        %jit3A_3588 = arith.constant 1.000000e+00 : f32
        %jit3A_3589 = arith.constant 0.000000e+00 : f32
        %broadcast_in_dim3A_3590 = vector.broadcast %jit3A_3588 : f32 to vector<16xf32>
        %broadcast_in_dim3A_3591 = vector.broadcast %jit3A_3589 : f32 to vector<16xf32>
        %select_n3A_3592 = arith.select %eq3A_3587, %broadcast_in_dim3A_3590, %broadcast_in_dim3A_3591 : vector<16xi1>, vector<16xf32>
        tpu.vector_store_idx %arg16[%iota3A, %get3A_3577], %select_n3A_3592 {add = true} : memref<16x64xf32, #tpu.memory_space<vmem>>[vector<16xi32>, vector<16xi32>], vector<16xf32>,
        %scan3A_3593 = arith.constant 0 : i32
        scf.yield %scan3A_3593 : i32
      }
      %scan3A_3554 = arith.constant 512 : i32
      %scan3A_3555 = arith.constant 0 : i32
      scf.yield %scan3A_3555 : i32
    }
    %scan3A_1547 = arith.constant 8 : i32
    %get3A = arith.constant 0 : i32
    %get3A_1548 = arith.index_cast %get3A : i32 to index
    %get3A_1549 = arith.constant 0 : index
    %get3A_1550 = tpu.vector_load %arg11[%get3A_1548, %get3A_1549] {strides = array<i32>} : memref<16x64xf32, #tpu.memory_space<vmem>>, vector<16xf32>,
    %get3A_1551 = arith.constant 1 : i32
    %get3A_1552 = arith.index_cast %get3A_1551 : i32 to index
    %get3A_1553 = arith.constant 0 : index
    %get3A_1554 = tpu.vector_load %arg11[%get3A_1552, %get3A_1553] {strides = array<i32>} : memref<16x64xf32, #tpu.memory_space<vmem>>, vector<16xf32>,
    %add3A_1555 = arith.addf %get3A_1550, %get3A_1554 : vector<16xf32>
    %get3A_1556 = arith.constant 2 : i32
    %get3A_1557 = arith.index_cast %get3A_1556 : i32 to index
    %get3A_1558 = arith.constant 0 : index
    %get3A_1559 = tpu.vector_load %arg11[%get3A_1557, %get3A_1558] {strides = array<i32>} : memref<16x64xf32, #tpu.memory_space<vmem>>, vector<16xf32>,
    %add3A_1560 = arith.addf %add3A_1555, %get3A_1559 : vector<16xf32>
    %get3A_1561 = arith.constant 3 : i32
    %get3A_1562 = arith.index_cast %get3A_1561 : i32 to index
    %get3A_1563 = arith.constant 0 : index
    %get3A_1564 = tpu.vector_load %arg11[%get3A_1562, %get3A_1563] {strides = array<i32>} : memref<16x64xf32, #tpu.memory_space<vmem>>, vector<16xf32>,
    %add3A_1565 = arith.addf %add3A_1560, %get3A_1564 : vector<16xf32>
    %get3A_1566 = arith.constant 4 : i32
    %get3A_1567 = arith.index_cast %get3A_1566 : i32 to index
    %get3A_1568 = arith.constant 0 : index
    %get3A_1569 = tpu.vector_load %arg11[%get3A_1567, %get3A_1568] {strides = array<i32>} : memref<16x64xf32, #tpu.memory_space<vmem>>, vector<16xf32>,
    %add3A_1570 = arith.addf %add3A_1565, %get3A_1569 : vector<16xf32>
    %get3A_1571 = arith.constant 5 : i32
    %get3A_1572 = arith.index_cast %get3A_1571 : i32 to index
    %get3A_1573 = arith.constant 0 : index
    %get3A_1574 = tpu.vector_load %arg11[%get3A_1572, %get3A_1573] {strides = array<i32>} : memref<16x64xf32, #tpu.memory_space<vmem>>, vector<16xf32>,
    %add3A_1575 = arith.addf %add3A_1570, %get3A_1574 : vector<16xf32>
    %get3A_1576 = arith.constant 6 : i32
    %get3A_1577 = arith.index_cast %get3A_1576 : i32 to index
    %get3A_1578 = arith.constant 0 : index
    %get3A_1579 = tpu.vector_load %arg11[%get3A_1577, %get3A_1578] {strides = array<i32>} : memref<16x64xf32, #tpu.memory_space<vmem>>, vector<16xf32>,
    %add3A_1580 = arith.addf %add3A_1575, %get3A_1579 : vector<16xf32>
    %get3A_1581 = arith.constant 7 : i32
    %get3A_1582 = arith.index_cast %get3A_1581 : i32 to index
    %get3A_1583 = arith.constant 0 : index
    %get3A_1584 = tpu.vector_load %arg11[%get3A_1582, %get3A_1583] {strides = array<i32>} : memref<16x64xf32, #tpu.memory_space<vmem>>, vector<16xf32>,
    %add3A_1585 = arith.addf %add3A_1580, %get3A_1584 : vector<16xf32>
    %get3A_1586 = arith.constant 8 : i32
    %get3A_1587 = arith.index_cast %get3A_1586 : i32 to index
    %get3A_1588 = arith.constant 0 : index
    %get3A_1589 = tpu.vector_load %arg11[%get3A_1587, %get3A_1588] {strides = array<i32>} : memref<16x64xf32, #tpu.memory_space<vmem>>, vector<16xf32>,
    %add3A_1590 = arith.addf %add3A_1585, %get3A_1589 : vector<16xf32>
    %get3A_1591 = arith.constant 9 : i32
    %get3A_1592 = arith.index_cast %get3A_1591 : i32 to index
    %get3A_1593 = arith.constant 0 : index
    %get3A_1594 = tpu.vector_load %arg11[%get3A_1592, %get3A_1593] {strides = array<i32>} : memref<16x64xf32, #tpu.memory_space<vmem>>, vector<16xf32>,
    %add3A_1595 = arith.addf %add3A_1590, %get3A_1594 : vector<16xf32>
    %get3A_1596 = arith.constant 10 : i32
    %get3A_1597 = arith.index_cast %get3A_1596 : i32 to index
    %get3A_1598 = arith.constant 0 : index
    %get3A_1599 = tpu.vector_load %arg11[%get3A_1597, %get3A_1598] {strides = array<i32>} : memref<16x64xf32, #tpu.memory_space<vmem>>, vector<16xf32>,
    %add3A_1600 = arith.addf %add3A_1595, %get3A_1599 : vector<16xf32>
    %get3A_1601 = arith.constant 11 : i32
    %get3A_1602 = arith.index_cast %get3A_1601 : i32 to index
    %get3A_1603 = arith.constant 0 : index
    %get3A_1604 = tpu.vector_load %arg11[%get3A_1602, %get3A_1603] {strides = array<i32>} : memref<16x64xf32, #tpu.memory_space<vmem>>, vector<16xf32>,
    %add3A_1605 = arith.addf %add3A_1600, %get3A_1604 : vector<16xf32>
    %get3A_1606 = arith.constant 12 : i32
    %get3A_1607 = arith.index_cast %get3A_1606 : i32 to index
    %get3A_1608 = arith.constant 0 : index
    %get3A_1609 = tpu.vector_load %arg11[%get3A_1607, %get3A_1608] {strides = array<i32>} : memref<16x64xf32, #tpu.memory_space<vmem>>, vector<16xf32>,
    %add3A_1610 = arith.addf %add3A_1605, %get3A_1609 : vector<16xf32>
    %get3A_1611 = arith.constant 13 : i32
    %get3A_1612 = arith.index_cast %get3A_1611 : i32 to index
    %get3A_1613 = arith.constant 0 : index
    %get3A_1614 = tpu.vector_load %arg11[%get3A_1612, %get3A_1613] {strides = array<i32>} : memref<16x64xf32, #tpu.memory_space<vmem>>, vector<16xf32>,
    %add3A_1615 = arith.addf %add3A_1610, %get3A_1614 : vector<16xf32>
    %get3A_1616 = arith.constant 14 : i32
    %get3A_1617 = arith.index_cast %get3A_1616 : i32 to index
    %get3A_1618 = arith.constant 0 : index
    %get3A_1619 = tpu.vector_load %arg11[%get3A_1617, %get3A_1618] {strides = array<i32>} : memref<16x64xf32, #tpu.memory_space<vmem>>, vector<16xf32>,
    %add3A_1620 = arith.addf %add3A_1615, %get3A_1619 : vector<16xf32>
    %get3A_1621 = arith.constant 15 : i32
    %get3A_1622 = arith.index_cast %get3A_1621 : i32 to index
    %get3A_1623 = arith.constant 0 : index
    %get3A_1624 = tpu.vector_load %arg11[%get3A_1622, %get3A_1623] {strides = array<i32>} : memref<16x64xf32, #tpu.memory_space<vmem>>, vector<16xf32>,
    %add3A_1625 = arith.addf %add3A_1620, %get3A_1624 : vector<16xf32>
    %swap3A_1626 = arith.constant 0 : i32
    %swap3A_1627 = arith.index_cast %swap3A_1626 : i32 to index
    %swap3A_1628 = arith.constant 0 : index
    %swap3A_1629 = tpu.vector_load %arg17[%swap3A_1627, %swap3A_1628] {strides = array<i32>} : memref<6x64xf32, #tpu.memory_space<vmem>>, vector<16xf32>,
    tpu.vector_store %arg17[%swap3A_1627, %swap3A_1628], %add3A_1625 {strides = array<i32>} : memref<6x64xf32, #tpu.memory_space<vmem>>, vector<16xf32>,
    %get3A_1630 = arith.constant 0 : i32
    %get3A_1631 = arith.index_cast %get3A_1630 : i32 to index
    %get3A_1632 = arith.constant 16 : index
    %get3A_1633 = tpu.vector_load %arg11[%get3A_1631, %get3A_1632] {strides = array<i32>} : memref<16x64xf32, #tpu.memory_space<vmem>>, vector<16xf32>,
    %get3A_1634 = arith.constant 1 : i32
    %get3A_1635 = arith.index_cast %get3A_1634 : i32 to index
    %get3A_1636 = arith.constant 16 : index
    %get3A_1637 = tpu.vector_load %arg11[%get3A_1635, %get3A_1636] {strides = array<i32>} : memref<16x64xf32, #tpu.memory_space<vmem>>, vector<16xf32>,
    %add3A_1638 = arith.addf %get3A_1633, %get3A_1637 : vector<16xf32>
    %get3A_1639 = arith.constant 2 : i32
    %get3A_1640 = arith.index_cast %get3A_1639 : i32 to index
    %get3A_1641 = arith.constant 16 : index
    %get3A_1642 = tpu.vector_load %arg11[%get3A_1640, %get3A_1641] {strides = array<i32>} : memref<16x64xf32, #tpu.memory_space<vmem>>, vector<16xf32>,
    %add3A_1643 = arith.addf %add3A_1638, %get3A_1642 : vector<16xf32>
    %get3A_1644 = arith.constant 3 : i32
    %get3A_1645 = arith.index_cast %get3A_1644 : i32 to index
    %get3A_1646 = arith.constant 16 : index
    %get3A_1647 = tpu.vector_load %arg11[%get3A_1645, %get3A_1646] {strides = array<i32>} : memref<16x64xf32, #tpu.memory_space<vmem>>, vector<16xf32>,
    %add3A_1648 = arith.addf %add3A_1643, %get3A_1647 : vector<16xf32>
    %get3A_1649 = arith.constant 4 : i32
    %get3A_1650 = arith.index_cast %get3A_1649 : i32 to index
    %get3A_1651 = arith.constant 16 : index
    %get3A_1652 = tpu.vector_load %arg11[%get3A_1650, %get3A_1651] {strides = array<i32>} : memref<16x64xf32, #tpu.memory_space<vmem>>, vector<16xf32>,
    %add3A_1653 = arith.addf %add3A_1648, %get3A_1652 : vector<16xf32>
    %get3A_1654 = arith.constant 5 : i32
    %get3A_1655 = arith.index_cast %get3A_1654 : i32 to index
    %get3A_1656 = arith.constant 16 : index
    %get3A_1657 = tpu.vector_load %arg11[%get3A_1655, %get3A_1656] {strides = array<i32>} : memref<16x64xf32, #tpu.memory_space<vmem>>, vector<16xf32>,
    %add3A_1658 = arith.addf %add3A_1653, %get3A_1657 : vector<16xf32>
    %get3A_1659 = arith.constant 6 : i32
    %get3A_1660 = arith.index_cast %get3A_1659 : i32 to index
    %get3A_1661 = arith.constant 16 : index
    %get3A_1662 = tpu.vector_load %arg11[%get3A_1660, %get3A_1661] {strides = array<i32>} : memref<16x64xf32, #tpu.memory_space<vmem>>, vector<16xf32>,
    %add3A_1663 = arith.addf %add3A_1658, %get3A_1662 : vector<16xf32>
    %get3A_1664 = arith.constant 7 : i32
    %get3A_1665 = arith.index_cast %get3A_1664 : i32 to index
    %get3A_1666 = arith.constant 16 : index
    %get3A_1667 = tpu.vector_load %arg11[%get3A_1665, %get3A_1666] {strides = array<i32>} : memref<16x64xf32, #tpu.memory_space<vmem>>, vector<16xf32>,
    %add3A_1668 = arith.addf %add3A_1663, %get3A_1667 : vector<16xf32>
    %get3A_1669 = arith.constant 8 : i32
    %get3A_1670 = arith.index_cast %get3A_1669 : i32 to index
    %get3A_1671 = arith.constant 16 : index
    %get3A_1672 = tpu.vector_load %arg11[%get3A_1670, %get3A_1671] {strides = array<i32>} : memref<16x64xf32, #tpu.memory_space<vmem>>, vector<16xf32>,
    %add3A_1673 = arith.addf %add3A_1668, %get3A_1672 : vector<16xf32>
    %get3A_1674 = arith.constant 9 : i32
    %get3A_1675 = arith.index_cast %get3A_1674 : i32 to index
    %get3A_1676 = arith.constant 16 : index
    %get3A_1677 = tpu.vector_load %arg11[%get3A_1675, %get3A_1676] {strides = array<i32>} : memref<16x64xf32, #tpu.memory_space<vmem>>, vector<16xf32>,
    %add3A_1678 = arith.addf %add3A_1673, %get3A_1677 : vector<16xf32>
    %get3A_1679 = arith.constant 10 : i32
    %get3A_1680 = arith.index_cast %get3A_1679 : i32 to index
    %get3A_1681 = arith.constant 16 : index
    %get3A_1682 = tpu.vector_load %arg11[%get3A_1680, %get3A_1681] {strides = array<i32>} : memref<16x64xf32, #tpu.memory_space<vmem>>, vector<16xf32>,
    %add3A_1683 = arith.addf %add3A_1678, %get3A_1682 : vector<16xf32>
    %get3A_1684 = arith.constant 11 : i32
    %get3A_1685 = arith.index_cast %get3A_1684 : i32 to index
    %get3A_1686 = arith.constant 16 : index
    %get3A_1687 = tpu.vector_load %arg11[%get3A_1685, %get3A_1686] {strides = array<i32>} : memref<16x64xf32, #tpu.memory_space<vmem>>, vector<16xf32>,
    %add3A_1688 = arith.addf %add3A_1683, %get3A_1687 : vector<16xf32>
    %get3A_1689 = arith.constant 12 : i32
    %get3A_1690 = arith.index_cast %get3A_1689 : i32 to index
    %get3A_1691 = arith.constant 16 : index
    %get3A_1692 = tpu.vector_load %arg11[%get3A_1690, %get3A_1691] {strides = array<i32>} : memref<16x64xf32, #tpu.memory_space<vmem>>, vector<16xf32>,
    %add3A_1693 = arith.addf %add3A_1688, %get3A_1692 : vector<16xf32>
    %get3A_1694 = arith.constant 13 : i32
    %get3A_1695 = arith.index_cast %get3A_1694 : i32 to index
    %get3A_1696 = arith.constant 16 : index
    %get3A_1697 = tpu.vector_load %arg11[%get3A_1695, %get3A_1696] {strides = array<i32>} : memref<16x64xf32, #tpu.memory_space<vmem>>, vector<16xf32>,
    %add3A_1698 = arith.addf %add3A_1693, %get3A_1697 : vector<16xf32>
    %get3A_1699 = arith.constant 14 : i32
    %get3A_1700 = arith.index_cast %get3A_1699 : i32 to index
    %get3A_1701 = arith.constant 16 : index
    %get3A_1702 = tpu.vector_load %arg11[%get3A_1700, %get3A_1701] {strides = array<i32>} : memref<16x64xf32, #tpu.memory_space<vmem>>, vector<16xf32>,
    %add3A_1703 = arith.addf %add3A_1698, %get3A_1702 : vector<16xf32>
    %get3A_1704 = arith.constant 15 : i32
    %get3A_1705 = arith.index_cast %get3A_1704 : i32 to index
    %get3A_1706 = arith.constant 16 : index
    %get3A_1707 = tpu.vector_load %arg11[%get3A_1705, %get3A_1706] {strides = array<i32>} : memref<16x64xf32, #tpu.memory_space<vmem>>, vector<16xf32>,
    %add3A_1708 = arith.addf %add3A_1703, %get3A_1707 : vector<16xf32>
    %swap3A_1709 = arith.constant 0 : i32
    %swap3A_1710 = arith.index_cast %swap3A_1709 : i32 to index
    %swap3A_1711 = arith.constant 16 : index
    %swap3A_1712 = tpu.vector_load %arg17[%swap3A_1710, %swap3A_1711] {strides = array<i32>} : memref<6x64xf32, #tpu.memory_space<vmem>>, vector<16xf32>,
    tpu.vector_store %arg17[%swap3A_1710, %swap3A_1711], %add3A_1708 {strides = array<i32>} : memref<6x64xf32, #tpu.memory_space<vmem>>, vector<16xf32>,
    %get3A_1713 = arith.constant 0 : i32
    %get3A_1714 = arith.index_cast %get3A_1713 : i32 to index
    %get3A_1715 = arith.constant 32 : index
    %get3A_1716 = tpu.vector_load %arg11[%get3A_1714, %get3A_1715] {strides = array<i32>} : memref<16x64xf32, #tpu.memory_space<vmem>>, vector<16xf32>,
    %get3A_1717 = arith.constant 1 : i32
    %get3A_1718 = arith.index_cast %get3A_1717 : i32 to index
    %get3A_1719 = arith.constant 32 : index
    %get3A_1720 = tpu.vector_load %arg11[%get3A_1718, %get3A_1719] {strides = array<i32>} : memref<16x64xf32, #tpu.memory_space<vmem>>, vector<16xf32>,
    %add3A_1721 = arith.addf %get3A_1716, %get3A_1720 : vector<16xf32>
    %get3A_1722 = arith.constant 2 : i32
    %get3A_1723 = arith.index_cast %get3A_1722 : i32 to index
    %get3A_1724 = arith.constant 32 : index
    %get3A_1725 = tpu.vector_load %arg11[%get3A_1723, %get3A_1724] {strides = array<i32>} : memref<16x64xf32, #tpu.memory_space<vmem>>, vector<16xf32>,
    %add3A_1726 = arith.addf %add3A_1721, %get3A_1725 : vector<16xf32>
    %get3A_1727 = arith.constant 3 : i32
    %get3A_1728 = arith.index_cast %get3A_1727 : i32 to index
    %get3A_1729 = arith.constant 32 : index
    %get3A_1730 = tpu.vector_load %arg11[%get3A_1728, %get3A_1729] {strides = array<i32>} : memref<16x64xf32, #tpu.memory_space<vmem>>, vector<16xf32>,
    %add3A_1731 = arith.addf %add3A_1726, %get3A_1730 : vector<16xf32>
    %get3A_1732 = arith.constant 4 : i32
    %get3A_1733 = arith.index_cast %get3A_1732 : i32 to index
    %get3A_1734 = arith.constant 32 : index
    %get3A_1735 = tpu.vector_load %arg11[%get3A_1733, %get3A_1734] {strides = array<i32>} : memref<16x64xf32, #tpu.memory_space<vmem>>, vector<16xf32>,
    %add3A_1736 = arith.addf %add3A_1731, %get3A_1735 : vector<16xf32>
    %get3A_1737 = arith.constant 5 : i32
    %get3A_1738 = arith.index_cast %get3A_1737 : i32 to index
    %get3A_1739 = arith.constant 32 : index
    %get3A_1740 = tpu.vector_load %arg11[%get3A_1738, %get3A_1739] {strides = array<i32>} : memref<16x64xf32, #tpu.memory_space<vmem>>, vector<16xf32>,
    %add3A_1741 = arith.addf %add3A_1736, %get3A_1740 : vector<16xf32>
    %get3A_1742 = arith.constant 6 : i32
    %get3A_1743 = arith.index_cast %get3A_1742 : i32 to index
    %get3A_1744 = arith.constant 32 : index
    %get3A_1745 = tpu.vector_load %arg11[%get3A_1743, %get3A_1744] {strides = array<i32>} : memref<16x64xf32, #tpu.memory_space<vmem>>, vector<16xf32>,
    %add3A_1746 = arith.addf %add3A_1741, %get3A_1745 : vector<16xf32>
    %get3A_1747 = arith.constant 7 : i32
    %get3A_1748 = arith.index_cast %get3A_1747 : i32 to index
    %get3A_1749 = arith.constant 32 : index
    %get3A_1750 = tpu.vector_load %arg11[%get3A_1748, %get3A_1749] {strides = array<i32>} : memref<16x64xf32, #tpu.memory_space<vmem>>, vector<16xf32>,
    %add3A_1751 = arith.addf %add3A_1746, %get3A_1750 : vector<16xf32>
    %get3A_1752 = arith.constant 8 : i32
    %get3A_1753 = arith.index_cast %get3A_1752 : i32 to index
    %get3A_1754 = arith.constant 32 : index
    %get3A_1755 = tpu.vector_load %arg11[%get3A_1753, %get3A_1754] {strides = array<i32>} : memref<16x64xf32, #tpu.memory_space<vmem>>, vector<16xf32>,
    %add3A_1756 = arith.addf %add3A_1751, %get3A_1755 : vector<16xf32>
    %get3A_1757 = arith.constant 9 : i32
    %get3A_1758 = arith.index_cast %get3A_1757 : i32 to index
    %get3A_1759 = arith.constant 32 : index
    %get3A_1760 = tpu.vector_load %arg11[%get3A_1758, %get3A_1759] {strides = array<i32>} : memref<16x64xf32, #tpu.memory_space<vmem>>, vector<16xf32>,
    %add3A_1761 = arith.addf %add3A_1756, %get3A_1760 : vector<16xf32>
    %get3A_1762 = arith.constant 10 : i32
    %get3A_1763 = arith.index_cast %get3A_1762 : i32 to index
    %get3A_1764 = arith.constant 32 : index
    %get3A_1765 = tpu.vector_load %arg11[%get3A_1763, %get3A_1764] {strides = array<i32>} : memref<16x64xf32, #tpu.memory_space<vmem>>, vector<16xf32>,
    %add3A_1766 = arith.addf %add3A_1761, %get3A_1765 : vector<16xf32>
    %get3A_1767 = arith.constant 11 : i32
    %get3A_1768 = arith.index_cast %get3A_1767 : i32 to index
    %get3A_1769 = arith.constant 32 : index
    %get3A_1770 = tpu.vector_load %arg11[%get3A_1768, %get3A_1769] {strides = array<i32>} : memref<16x64xf32, #tpu.memory_space<vmem>>, vector<16xf32>,
    %add3A_1771 = arith.addf %add3A_1766, %get3A_1770 : vector<16xf32>
    %get3A_1772 = arith.constant 12 : i32
    %get3A_1773 = arith.index_cast %get3A_1772 : i32 to index
    %get3A_1774 = arith.constant 32 : index
    %get3A_1775 = tpu.vector_load %arg11[%get3A_1773, %get3A_1774] {strides = array<i32>} : memref<16x64xf32, #tpu.memory_space<vmem>>, vector<16xf32>,
    %add3A_1776 = arith.addf %add3A_1771, %get3A_1775 : vector<16xf32>
    %get3A_1777 = arith.constant 13 : i32
    %get3A_1778 = arith.index_cast %get3A_1777 : i32 to index
    %get3A_1779 = arith.constant 32 : index
    %get3A_1780 = tpu.vector_load %arg11[%get3A_1778, %get3A_1779] {strides = array<i32>} : memref<16x64xf32, #tpu.memory_space<vmem>>, vector<16xf32>,
    %add3A_1781 = arith.addf %add3A_1776, %get3A_1780 : vector<16xf32>
    %get3A_1782 = arith.constant 14 : i32
    %get3A_1783 = arith.index_cast %get3A_1782 : i32 to index
    %get3A_1784 = arith.constant 32 : index
    %get3A_1785 = tpu.vector_load %arg11[%get3A_1783, %get3A_1784] {strides = array<i32>} : memref<16x64xf32, #tpu.memory_space<vmem>>, vector<16xf32>,
    %add3A_1786 = arith.addf %add3A_1781, %get3A_1785 : vector<16xf32>
    %get3A_1787 = arith.constant 15 : i32
    %get3A_1788 = arith.index_cast %get3A_1787 : i32 to index
    %get3A_1789 = arith.constant 32 : index
    %get3A_1790 = tpu.vector_load %arg11[%get3A_1788, %get3A_1789] {strides = array<i32>} : memref<16x64xf32, #tpu.memory_space<vmem>>, vector<16xf32>,
    %add3A_1791 = arith.addf %add3A_1786, %get3A_1790 : vector<16xf32>
    %swap3A_1792 = arith.constant 0 : i32
    %swap3A_1793 = arith.index_cast %swap3A_1792 : i32 to index
    %swap3A_1794 = arith.constant 32 : index
    %swap3A_1795 = tpu.vector_load %arg17[%swap3A_1793, %swap3A_1794] {strides = array<i32>} : memref<6x64xf32, #tpu.memory_space<vmem>>, vector<16xf32>,
    tpu.vector_store %arg17[%swap3A_1793, %swap3A_1794], %add3A_1791 {strides = array<i32>} : memref<6x64xf32, #tpu.memory_space<vmem>>, vector<16xf32>,
    %get3A_1796 = arith.constant 0 : i32
    %get3A_1797 = arith.index_cast %get3A_1796 : i32 to index
    %get3A_1798 = arith.constant 48 : index
    %get3A_1799 = tpu.vector_load %arg11[%get3A_1797, %get3A_1798] {strides = array<i32>} : memref<16x64xf32, #tpu.memory_space<vmem>>, vector<16xf32>,
    %get3A_1800 = arith.constant 1 : i32
    %get3A_1801 = arith.index_cast %get3A_1800 : i32 to index
    %get3A_1802 = arith.constant 48 : index
    %get3A_1803 = tpu.vector_load %arg11[%get3A_1801, %get3A_1802] {strides = array<i32>} : memref<16x64xf32, #tpu.memory_space<vmem>>, vector<16xf32>,
    %add3A_1804 = arith.addf %get3A_1799, %get3A_1803 : vector<16xf32>
    %get3A_1805 = arith.constant 2 : i32
    %get3A_1806 = arith.index_cast %get3A_1805 : i32 to index
    %get3A_1807 = arith.constant 48 : index
    %get3A_1808 = tpu.vector_load %arg11[%get3A_1806, %get3A_1807] {strides = array<i32>} : memref<16x64xf32, #tpu.memory_space<vmem>>, vector<16xf32>,
    %add3A_1809 = arith.addf %add3A_1804, %get3A_1808 : vector<16xf32>
    %get3A_1810 = arith.constant 3 : i32
    %get3A_1811 = arith.index_cast %get3A_1810 : i32 to index
    %get3A_1812 = arith.constant 48 : index
    %get3A_1813 = tpu.vector_load %arg11[%get3A_1811, %get3A_1812] {strides = array<i32>} : memref<16x64xf32, #tpu.memory_space<vmem>>, vector<16xf32>,
    %add3A_1814 = arith.addf %add3A_1809, %get3A_1813 : vector<16xf32>
    %get3A_1815 = arith.constant 4 : i32
    %get3A_1816 = arith.index_cast %get3A_1815 : i32 to index
    %get3A_1817 = arith.constant 48 : index
    %get3A_1818 = tpu.vector_load %arg11[%get3A_1816, %get3A_1817] {strides = array<i32>} : memref<16x64xf32, #tpu.memory_space<vmem>>, vector<16xf32>,
    %add3A_1819 = arith.addf %add3A_1814, %get3A_1818 : vector<16xf32>
    %get3A_1820 = arith.constant 5 : i32
    %get3A_1821 = arith.index_cast %get3A_1820 : i32 to index
    %get3A_1822 = arith.constant 48 : index
    %get3A_1823 = tpu.vector_load %arg11[%get3A_1821, %get3A_1822] {strides = array<i32>} : memref<16x64xf32, #tpu.memory_space<vmem>>, vector<16xf32>,
    %add3A_1824 = arith.addf %add3A_1819, %get3A_1823 : vector<16xf32>
    %get3A_1825 = arith.constant 6 : i32
    %get3A_1826 = arith.index_cast %get3A_1825 : i32 to index
    %get3A_1827 = arith.constant 48 : index
    %get3A_1828 = tpu.vector_load %arg11[%get3A_1826, %get3A_1827] {strides = array<i32>} : memref<16x64xf32, #tpu.memory_space<vmem>>, vector<16xf32>,
    %add3A_1829 = arith.addf %add3A_1824, %get3A_1828 : vector<16xf32>
    %get3A_1830 = arith.constant 7 : i32
    %get3A_1831 = arith.index_cast %get3A_1830 : i32 to index
    %get3A_1832 = arith.constant 48 : index
    %get3A_1833 = tpu.vector_load %arg11[%get3A_1831, %get3A_1832] {strides = array<i32>} : memref<16x64xf32, #tpu.memory_space<vmem>>, vector<16xf32>,
    %add3A_1834 = arith.addf %add3A_1829, %get3A_1833 : vector<16xf32>
    %get3A_1835 = arith.constant 8 : i32
    %get3A_1836 = arith.index_cast %get3A_1835 : i32 to index
    %get3A_1837 = arith.constant 48 : index
    %get3A_1838 = tpu.vector_load %arg11[%get3A_1836, %get3A_1837] {strides = array<i32>} : memref<16x64xf32, #tpu.memory_space<vmem>>, vector<16xf32>,
    %add3A_1839 = arith.addf %add3A_1834, %get3A_1838 : vector<16xf32>
    %get3A_1840 = arith.constant 9 : i32
    %get3A_1841 = arith.index_cast %get3A_1840 : i32 to index
    %get3A_1842 = arith.constant 48 : index
    %get3A_1843 = tpu.vector_load %arg11[%get3A_1841, %get3A_1842] {strides = array<i32>} : memref<16x64xf32, #tpu.memory_space<vmem>>, vector<16xf32>,
    %add3A_1844 = arith.addf %add3A_1839, %get3A_1843 : vector<16xf32>
    %get3A_1845 = arith.constant 10 : i32
    %get3A_1846 = arith.index_cast %get3A_1845 : i32 to index
    %get3A_1847 = arith.constant 48 : index
    %get3A_1848 = tpu.vector_load %arg11[%get3A_1846, %get3A_1847] {strides = array<i32>} : memref<16x64xf32, #tpu.memory_space<vmem>>, vector<16xf32>,
    %add3A_1849 = arith.addf %add3A_1844, %get3A_1848 : vector<16xf32>
    %get3A_1850 = arith.constant 11 : i32
    %get3A_1851 = arith.index_cast %get3A_1850 : i32 to index
    %get3A_1852 = arith.constant 48 : index
    %get3A_1853 = tpu.vector_load %arg11[%get3A_1851, %get3A_1852] {strides = array<i32>} : memref<16x64xf32, #tpu.memory_space<vmem>>, vector<16xf32>,
    %add3A_1854 = arith.addf %add3A_1849, %get3A_1853 : vector<16xf32>
    %get3A_1855 = arith.constant 12 : i32
    %get3A_1856 = arith.index_cast %get3A_1855 : i32 to index
    %get3A_1857 = arith.constant 48 : index
    %get3A_1858 = tpu.vector_load %arg11[%get3A_1856, %get3A_1857] {strides = array<i32>} : memref<16x64xf32, #tpu.memory_space<vmem>>, vector<16xf32>,
    %add3A_1859 = arith.addf %add3A_1854, %get3A_1858 : vector<16xf32>
    %get3A_1860 = arith.constant 13 : i32
    %get3A_1861 = arith.index_cast %get3A_1860 : i32 to index
    %get3A_1862 = arith.constant 48 : index
    %get3A_1863 = tpu.vector_load %arg11[%get3A_1861, %get3A_1862] {strides = array<i32>} : memref<16x64xf32, #tpu.memory_space<vmem>>, vector<16xf32>,
    %add3A_1864 = arith.addf %add3A_1859, %get3A_1863 : vector<16xf32>
    %get3A_1865 = arith.constant 14 : i32
    %get3A_1866 = arith.index_cast %get3A_1865 : i32 to index
    %get3A_1867 = arith.constant 48 : index
    %get3A_1868 = tpu.vector_load %arg11[%get3A_1866, %get3A_1867] {strides = array<i32>} : memref<16x64xf32, #tpu.memory_space<vmem>>, vector<16xf32>,
    %add3A_1869 = arith.addf %add3A_1864, %get3A_1868 : vector<16xf32>
    %get3A_1870 = arith.constant 15 : i32
    %get3A_1871 = arith.index_cast %get3A_1870 : i32 to index
    %get3A_1872 = arith.constant 48 : index
    %get3A_1873 = tpu.vector_load %arg11[%get3A_1871, %get3A_1872] {strides = array<i32>} : memref<16x64xf32, #tpu.memory_space<vmem>>, vector<16xf32>,
    %add3A_1874 = arith.addf %add3A_1869, %get3A_1873 : vector<16xf32>
    %swap3A_1875 = arith.constant 0 : i32
    %swap3A_1876 = arith.index_cast %swap3A_1875 : i32 to index
    %swap3A_1877 = arith.constant 48 : index
    %swap3A_1878 = tpu.vector_load %arg17[%swap3A_1876, %swap3A_1877] {strides = array<i32>} : memref<6x64xf32, #tpu.memory_space<vmem>>, vector<16xf32>,
    tpu.vector_store %arg17[%swap3A_1876, %swap3A_1877], %add3A_1874 {strides = array<i32>} : memref<6x64xf32, #tpu.memory_space<vmem>>, vector<16xf32>,
    %get3A_1879 = arith.constant 0 : i32
    %get3A_1880 = arith.index_cast %get3A_1879 : i32 to index
    %get3A_1881 = arith.constant 0 : index
    %get3A_1882 = tpu.vector_load %arg12[%get3A_1880, %get3A_1881] {strides = array<i32>} : memref<16x64xf32, #tpu.memory_space<vmem>>, vector<16xf32>,
    %get3A_1883 = arith.constant 1 : i32
    %get3A_1884 = arith.index_cast %get3A_1883 : i32 to index
    %get3A_1885 = arith.constant 0 : index
    %get3A_1886 = tpu.vector_load %arg12[%get3A_1884, %get3A_1885] {strides = array<i32>} : memref<16x64xf32, #tpu.memory_space<vmem>>, vector<16xf32>,
    %add3A_1887 = arith.addf %get3A_1882, %get3A_1886 : vector<16xf32>
    %get3A_1888 = arith.constant 2 : i32
    %get3A_1889 = arith.index_cast %get3A_1888 : i32 to index
    %get3A_1890 = arith.constant 0 : index
    %get3A_1891 = tpu.vector_load %arg12[%get3A_1889, %get3A_1890] {strides = array<i32>} : memref<16x64xf32, #tpu.memory_space<vmem>>, vector<16xf32>,
    %add3A_1892 = arith.addf %add3A_1887, %get3A_1891 : vector<16xf32>
    %get3A_1893 = arith.constant 3 : i32
    %get3A_1894 = arith.index_cast %get3A_1893 : i32 to index
    %get3A_1895 = arith.constant 0 : index
    %get3A_1896 = tpu.vector_load %arg12[%get3A_1894, %get3A_1895] {strides = array<i32>} : memref<16x64xf32, #tpu.memory_space<vmem>>, vector<16xf32>,
    %add3A_1897 = arith.addf %add3A_1892, %get3A_1896 : vector<16xf32>
    %get3A_1898 = arith.constant 4 : i32
    %get3A_1899 = arith.index_cast %get3A_1898 : i32 to index
    %get3A_1900 = arith.constant 0 : index
    %get3A_1901 = tpu.vector_load %arg12[%get3A_1899, %get3A_1900] {strides = array<i32>} : memref<16x64xf32, #tpu.memory_space<vmem>>, vector<16xf32>,
    %add3A_1902 = arith.addf %add3A_1897, %get3A_1901 : vector<16xf32>
    %get3A_1903 = arith.constant 5 : i32
    %get3A_1904 = arith.index_cast %get3A_1903 : i32 to index
    %get3A_1905 = arith.constant 0 : index
    %get3A_1906 = tpu.vector_load %arg12[%get3A_1904, %get3A_1905] {strides = array<i32>} : memref<16x64xf32, #tpu.memory_space<vmem>>, vector<16xf32>,
    %add3A_1907 = arith.addf %add3A_1902, %get3A_1906 : vector<16xf32>
    %get3A_1908 = arith.constant 6 : i32
    %get3A_1909 = arith.index_cast %get3A_1908 : i32 to index
    %get3A_1910 = arith.constant 0 : index
    %get3A_1911 = tpu.vector_load %arg12[%get3A_1909, %get3A_1910] {strides = array<i32>} : memref<16x64xf32, #tpu.memory_space<vmem>>, vector<16xf32>,
    %add3A_1912 = arith.addf %add3A_1907, %get3A_1911 : vector<16xf32>
    %get3A_1913 = arith.constant 7 : i32
    %get3A_1914 = arith.index_cast %get3A_1913 : i32 to index
    %get3A_1915 = arith.constant 0 : index
    %get3A_1916 = tpu.vector_load %arg12[%get3A_1914, %get3A_1915] {strides = array<i32>} : memref<16x64xf32, #tpu.memory_space<vmem>>, vector<16xf32>,
    %add3A_1917 = arith.addf %add3A_1912, %get3A_1916 : vector<16xf32>
    %get3A_1918 = arith.constant 8 : i32
    %get3A_1919 = arith.index_cast %get3A_1918 : i32 to index
    %get3A_1920 = arith.constant 0 : index
    %get3A_1921 = tpu.vector_load %arg12[%get3A_1919, %get3A_1920] {strides = array<i32>} : memref<16x64xf32, #tpu.memory_space<vmem>>, vector<16xf32>,
    %add3A_1922 = arith.addf %add3A_1917, %get3A_1921 : vector<16xf32>
    %get3A_1923 = arith.constant 9 : i32
    %get3A_1924 = arith.index_cast %get3A_1923 : i32 to index
    %get3A_1925 = arith.constant 0 : index
    %get3A_1926 = tpu.vector_load %arg12[%get3A_1924, %get3A_1925] {strides = array<i32>} : memref<16x64xf32, #tpu.memory_space<vmem>>, vector<16xf32>,
    %add3A_1927 = arith.addf %add3A_1922, %get3A_1926 : vector<16xf32>
    %get3A_1928 = arith.constant 10 : i32
    %get3A_1929 = arith.index_cast %get3A_1928 : i32 to index
    %get3A_1930 = arith.constant 0 : index
    %get3A_1931 = tpu.vector_load %arg12[%get3A_1929, %get3A_1930] {strides = array<i32>} : memref<16x64xf32, #tpu.memory_space<vmem>>, vector<16xf32>,
    %add3A_1932 = arith.addf %add3A_1927, %get3A_1931 : vector<16xf32>
    %get3A_1933 = arith.constant 11 : i32
    %get3A_1934 = arith.index_cast %get3A_1933 : i32 to index
    %get3A_1935 = arith.constant 0 : index
    %get3A_1936 = tpu.vector_load %arg12[%get3A_1934, %get3A_1935] {strides = array<i32>} : memref<16x64xf32, #tpu.memory_space<vmem>>, vector<16xf32>,
    %add3A_1937 = arith.addf %add3A_1932, %get3A_1936 : vector<16xf32>
    %get3A_1938 = arith.constant 12 : i32
    %get3A_1939 = arith.index_cast %get3A_1938 : i32 to index
    %get3A_1940 = arith.constant 0 : index
    %get3A_1941 = tpu.vector_load %arg12[%get3A_1939, %get3A_1940] {strides = array<i32>} : memref<16x64xf32, #tpu.memory_space<vmem>>, vector<16xf32>,
    %add3A_1942 = arith.addf %add3A_1937, %get3A_1941 : vector<16xf32>
    %get3A_1943 = arith.constant 13 : i32
    %get3A_1944 = arith.index_cast %get3A_1943 : i32 to index
    %get3A_1945 = arith.constant 0 : index
    %get3A_1946 = tpu.vector_load %arg12[%get3A_1944, %get3A_1945] {strides = array<i32>} : memref<16x64xf32, #tpu.memory_space<vmem>>, vector<16xf32>,
    %add3A_1947 = arith.addf %add3A_1942, %get3A_1946 : vector<16xf32>
    %get3A_1948 = arith.constant 14 : i32
    %get3A_1949 = arith.index_cast %get3A_1948 : i32 to index
    %get3A_1950 = arith.constant 0 : index
    %get3A_1951 = tpu.vector_load %arg12[%get3A_1949, %get3A_1950] {strides = array<i32>} : memref<16x64xf32, #tpu.memory_space<vmem>>, vector<16xf32>,
    %add3A_1952 = arith.addf %add3A_1947, %get3A_1951 : vector<16xf32>
    %get3A_1953 = arith.constant 15 : i32
    %get3A_1954 = arith.index_cast %get3A_1953 : i32 to index
    %get3A_1955 = arith.constant 0 : index
    %get3A_1956 = tpu.vector_load %arg12[%get3A_1954, %get3A_1955] {strides = array<i32>} : memref<16x64xf32, #tpu.memory_space<vmem>>, vector<16xf32>,
    %add3A_1957 = arith.addf %add3A_1952, %get3A_1956 : vector<16xf32>
    %swap3A_1958 = arith.constant 1 : i32
    %swap3A_1959 = arith.index_cast %swap3A_1958 : i32 to index
    %swap3A_1960 = arith.constant 0 : index
    %swap3A_1961 = tpu.vector_load %arg17[%swap3A_1959, %swap3A_1960] {strides = array<i32>} : memref<6x64xf32, #tpu.memory_space<vmem>>, vector<16xf32>,
    tpu.vector_store %arg17[%swap3A_1959, %swap3A_1960], %add3A_1957 {strides = array<i32>} : memref<6x64xf32, #tpu.memory_space<vmem>>, vector<16xf32>,
    %get3A_1962 = arith.constant 0 : i32
    %get3A_1963 = arith.index_cast %get3A_1962 : i32 to index
    %get3A_1964 = arith.constant 16 : index
    %get3A_1965 = tpu.vector_load %arg12[%get3A_1963, %get3A_1964] {strides = array<i32>} : memref<16x64xf32, #tpu.memory_space<vmem>>, vector<16xf32>,
    %get3A_1966 = arith.constant 1 : i32
    %get3A_1967 = arith.index_cast %get3A_1966 : i32 to index
    %get3A_1968 = arith.constant 16 : index
    %get3A_1969 = tpu.vector_load %arg12[%get3A_1967, %get3A_1968] {strides = array<i32>} : memref<16x64xf32, #tpu.memory_space<vmem>>, vector<16xf32>,
    %add3A_1970 = arith.addf %get3A_1965, %get3A_1969 : vector<16xf32>
    %get3A_1971 = arith.constant 2 : i32
    %get3A_1972 = arith.index_cast %get3A_1971 : i32 to index
    %get3A_1973 = arith.constant 16 : index
    %get3A_1974 = tpu.vector_load %arg12[%get3A_1972, %get3A_1973] {strides = array<i32>} : memref<16x64xf32, #tpu.memory_space<vmem>>, vector<16xf32>,
    %add3A_1975 = arith.addf %add3A_1970, %get3A_1974 : vector<16xf32>
    %get3A_1976 = arith.constant 3 : i32
    %get3A_1977 = arith.index_cast %get3A_1976 : i32 to index
    %get3A_1978 = arith.constant 16 : index
    %get3A_1979 = tpu.vector_load %arg12[%get3A_1977, %get3A_1978] {strides = array<i32>} : memref<16x64xf32, #tpu.memory_space<vmem>>, vector<16xf32>,
    %add3A_1980 = arith.addf %add3A_1975, %get3A_1979 : vector<16xf32>
    %get3A_1981 = arith.constant 4 : i32
    %get3A_1982 = arith.index_cast %get3A_1981 : i32 to index
    %get3A_1983 = arith.constant 16 : index
    %get3A_1984 = tpu.vector_load %arg12[%get3A_1982, %get3A_1983] {strides = array<i32>} : memref<16x64xf32, #tpu.memory_space<vmem>>, vector<16xf32>,
    %add3A_1985 = arith.addf %add3A_1980, %get3A_1984 : vector<16xf32>
    %get3A_1986 = arith.constant 5 : i32
    %get3A_1987 = arith.index_cast %get3A_1986 : i32 to index
    %get3A_1988 = arith.constant 16 : index
    %get3A_1989 = tpu.vector_load %arg12[%get3A_1987, %get3A_1988] {strides = array<i32>} : memref<16x64xf32, #tpu.memory_space<vmem>>, vector<16xf32>,
    %add3A_1990 = arith.addf %add3A_1985, %get3A_1989 : vector<16xf32>
    %get3A_1991 = arith.constant 6 : i32
    %get3A_1992 = arith.index_cast %get3A_1991 : i32 to index
    %get3A_1993 = arith.constant 16 : index
    %get3A_1994 = tpu.vector_load %arg12[%get3A_1992, %get3A_1993] {strides = array<i32>} : memref<16x64xf32, #tpu.memory_space<vmem>>, vector<16xf32>,
    %add3A_1995 = arith.addf %add3A_1990, %get3A_1994 : vector<16xf32>
    %get3A_1996 = arith.constant 7 : i32
    %get3A_1997 = arith.index_cast %get3A_1996 : i32 to index
    %get3A_1998 = arith.constant 16 : index
    %get3A_1999 = tpu.vector_load %arg12[%get3A_1997, %get3A_1998] {strides = array<i32>} : memref<16x64xf32, #tpu.memory_space<vmem>>, vector<16xf32>,
    %add3A_2000 = arith.addf %add3A_1995, %get3A_1999 : vector<16xf32>
    %get3A_2001 = arith.constant 8 : i32
    %get3A_2002 = arith.index_cast %get3A_2001 : i32 to index
    %get3A_2003 = arith.constant 16 : index
    %get3A_2004 = tpu.vector_load %arg12[%get3A_2002, %get3A_2003] {strides = array<i32>} : memref<16x64xf32, #tpu.memory_space<vmem>>, vector<16xf32>,
    %add3A_2005 = arith.addf %add3A_2000, %get3A_2004 : vector<16xf32>
    %get3A_2006 = arith.constant 9 : i32
    %get3A_2007 = arith.index_cast %get3A_2006 : i32 to index
    %get3A_2008 = arith.constant 16 : index
    %get3A_2009 = tpu.vector_load %arg12[%get3A_2007, %get3A_2008] {strides = array<i32>} : memref<16x64xf32, #tpu.memory_space<vmem>>, vector<16xf32>,
    %add3A_2010 = arith.addf %add3A_2005, %get3A_2009 : vector<16xf32>
    %get3A_2011 = arith.constant 10 : i32
    %get3A_2012 = arith.index_cast %get3A_2011 : i32 to index
    %get3A_2013 = arith.constant 16 : index
    %get3A_2014 = tpu.vector_load %arg12[%get3A_2012, %get3A_2013] {strides = array<i32>} : memref<16x64xf32, #tpu.memory_space<vmem>>, vector<16xf32>,
    %add3A_2015 = arith.addf %add3A_2010, %get3A_2014 : vector<16xf32>
    %get3A_2016 = arith.constant 11 : i32
    %get3A_2017 = arith.index_cast %get3A_2016 : i32 to index
    %get3A_2018 = arith.constant 16 : index
    %get3A_2019 = tpu.vector_load %arg12[%get3A_2017, %get3A_2018] {strides = array<i32>} : memref<16x64xf32, #tpu.memory_space<vmem>>, vector<16xf32>,
    %add3A_2020 = arith.addf %add3A_2015, %get3A_2019 : vector<16xf32>
    %get3A_2021 = arith.constant 12 : i32
    %get3A_2022 = arith.index_cast %get3A_2021 : i32 to index
    %get3A_2023 = arith.constant 16 : index
    %get3A_2024 = tpu.vector_load %arg12[%get3A_2022, %get3A_2023] {strides = array<i32>} : memref<16x64xf32, #tpu.memory_space<vmem>>, vector<16xf32>,
    %add3A_2025 = arith.addf %add3A_2020, %get3A_2024 : vector<16xf32>
    %get3A_2026 = arith.constant 13 : i32
    %get3A_2027 = arith.index_cast %get3A_2026 : i32 to index
    %get3A_2028 = arith.constant 16 : index
    %get3A_2029 = tpu.vector_load %arg12[%get3A_2027, %get3A_2028] {strides = array<i32>} : memref<16x64xf32, #tpu.memory_space<vmem>>, vector<16xf32>,
    %add3A_2030 = arith.addf %add3A_2025, %get3A_2029 : vector<16xf32>
    %get3A_2031 = arith.constant 14 : i32
    %get3A_2032 = arith.index_cast %get3A_2031 : i32 to index
    %get3A_2033 = arith.constant 16 : index
    %get3A_2034 = tpu.vector_load %arg12[%get3A_2032, %get3A_2033] {strides = array<i32>} : memref<16x64xf32, #tpu.memory_space<vmem>>, vector<16xf32>,
    %add3A_2035 = arith.addf %add3A_2030, %get3A_2034 : vector<16xf32>
    %get3A_2036 = arith.constant 15 : i32
    %get3A_2037 = arith.index_cast %get3A_2036 : i32 to index
    %get3A_2038 = arith.constant 16 : index
    %get3A_2039 = tpu.vector_load %arg12[%get3A_2037, %get3A_2038] {strides = array<i32>} : memref<16x64xf32, #tpu.memory_space<vmem>>, vector<16xf32>,
    %add3A_2040 = arith.addf %add3A_2035, %get3A_2039 : vector<16xf32>
    %swap3A_2041 = arith.constant 1 : i32
    %swap3A_2042 = arith.index_cast %swap3A_2041 : i32 to index
    %swap3A_2043 = arith.constant 16 : index
    %swap3A_2044 = tpu.vector_load %arg17[%swap3A_2042, %swap3A_2043] {strides = array<i32>} : memref<6x64xf32, #tpu.memory_space<vmem>>, vector<16xf32>,
    tpu.vector_store %arg17[%swap3A_2042, %swap3A_2043], %add3A_2040 {strides = array<i32>} : memref<6x64xf32, #tpu.memory_space<vmem>>, vector<16xf32>,
    %get3A_2045 = arith.constant 0 : i32
    %get3A_2046 = arith.index_cast %get3A_2045 : i32 to index
    %get3A_2047 = arith.constant 32 : index
    %get3A_2048 = tpu.vector_load %arg12[%get3A_2046, %get3A_2047] {strides = array<i32>} : memref<16x64xf32, #tpu.memory_space<vmem>>, vector<16xf32>,
    %get3A_2049 = arith.constant 1 : i32
    %get3A_2050 = arith.index_cast %get3A_2049 : i32 to index
    %get3A_2051 = arith.constant 32 : index
    %get3A_2052 = tpu.vector_load %arg12[%get3A_2050, %get3A_2051] {strides = array<i32>} : memref<16x64xf32, #tpu.memory_space<vmem>>, vector<16xf32>,
    %add3A_2053 = arith.addf %get3A_2048, %get3A_2052 : vector<16xf32>
    %get3A_2054 = arith.constant 2 : i32
    %get3A_2055 = arith.index_cast %get3A_2054 : i32 to index
    %get3A_2056 = arith.constant 32 : index
    %get3A_2057 = tpu.vector_load %arg12[%get3A_2055, %get3A_2056] {strides = array<i32>} : memref<16x64xf32, #tpu.memory_space<vmem>>, vector<16xf32>,
    %add3A_2058 = arith.addf %add3A_2053, %get3A_2057 : vector<16xf32>
    %get3A_2059 = arith.constant 3 : i32
    %get3A_2060 = arith.index_cast %get3A_2059 : i32 to index
    %get3A_2061 = arith.constant 32 : index
    %get3A_2062 = tpu.vector_load %arg12[%get3A_2060, %get3A_2061] {strides = array<i32>} : memref<16x64xf32, #tpu.memory_space<vmem>>, vector<16xf32>,
    %add3A_2063 = arith.addf %add3A_2058, %get3A_2062 : vector<16xf32>
    %get3A_2064 = arith.constant 4 : i32
    %get3A_2065 = arith.index_cast %get3A_2064 : i32 to index
    %get3A_2066 = arith.constant 32 : index
    %get3A_2067 = tpu.vector_load %arg12[%get3A_2065, %get3A_2066] {strides = array<i32>} : memref<16x64xf32, #tpu.memory_space<vmem>>, vector<16xf32>,
    %add3A_2068 = arith.addf %add3A_2063, %get3A_2067 : vector<16xf32>
    %get3A_2069 = arith.constant 5 : i32
    %get3A_2070 = arith.index_cast %get3A_2069 : i32 to index
    %get3A_2071 = arith.constant 32 : index
    %get3A_2072 = tpu.vector_load %arg12[%get3A_2070, %get3A_2071] {strides = array<i32>} : memref<16x64xf32, #tpu.memory_space<vmem>>, vector<16xf32>,
    %add3A_2073 = arith.addf %add3A_2068, %get3A_2072 : vector<16xf32>
    %get3A_2074 = arith.constant 6 : i32
    %get3A_2075 = arith.index_cast %get3A_2074 : i32 to index
    %get3A_2076 = arith.constant 32 : index
    %get3A_2077 = tpu.vector_load %arg12[%get3A_2075, %get3A_2076] {strides = array<i32>} : memref<16x64xf32, #tpu.memory_space<vmem>>, vector<16xf32>,
    %add3A_2078 = arith.addf %add3A_2073, %get3A_2077 : vector<16xf32>
    %get3A_2079 = arith.constant 7 : i32
    %get3A_2080 = arith.index_cast %get3A_2079 : i32 to index
    %get3A_2081 = arith.constant 32 : index
    %get3A_2082 = tpu.vector_load %arg12[%get3A_2080, %get3A_2081] {strides = array<i32>} : memref<16x64xf32, #tpu.memory_space<vmem>>, vector<16xf32>,
    %add3A_2083 = arith.addf %add3A_2078, %get3A_2082 : vector<16xf32>
    %get3A_2084 = arith.constant 8 : i32
    %get3A_2085 = arith.index_cast %get3A_2084 : i32 to index
    %get3A_2086 = arith.constant 32 : index
    %get3A_2087 = tpu.vector_load %arg12[%get3A_2085, %get3A_2086] {strides = array<i32>} : memref<16x64xf32, #tpu.memory_space<vmem>>, vector<16xf32>,
    %add3A_2088 = arith.addf %add3A_2083, %get3A_2087 : vector<16xf32>
    %get3A_2089 = arith.constant 9 : i32
    %get3A_2090 = arith.index_cast %get3A_2089 : i32 to index
    %get3A_2091 = arith.constant 32 : index
    %get3A_2092 = tpu.vector_load %arg12[%get3A_2090, %get3A_2091] {strides = array<i32>} : memref<16x64xf32, #tpu.memory_space<vmem>>, vector<16xf32>,
    %add3A_2093 = arith.addf %add3A_2088, %get3A_2092 : vector<16xf32>
    %get3A_2094 = arith.constant 10 : i32
    %get3A_2095 = arith.index_cast %get3A_2094 : i32 to index
    %get3A_2096 = arith.constant 32 : index
    %get3A_2097 = tpu.vector_load %arg12[%get3A_2095, %get3A_2096] {strides = array<i32>} : memref<16x64xf32, #tpu.memory_space<vmem>>, vector<16xf32>,
    %add3A_2098 = arith.addf %add3A_2093, %get3A_2097 : vector<16xf32>
    %get3A_2099 = arith.constant 11 : i32
    %get3A_2100 = arith.index_cast %get3A_2099 : i32 to index
    %get3A_2101 = arith.constant 32 : index
    %get3A_2102 = tpu.vector_load %arg12[%get3A_2100, %get3A_2101] {strides = array<i32>} : memref<16x64xf32, #tpu.memory_space<vmem>>, vector<16xf32>,
    %add3A_2103 = arith.addf %add3A_2098, %get3A_2102 : vector<16xf32>
    %get3A_2104 = arith.constant 12 : i32
    %get3A_2105 = arith.index_cast %get3A_2104 : i32 to index
    %get3A_2106 = arith.constant 32 : index
    %get3A_2107 = tpu.vector_load %arg12[%get3A_2105, %get3A_2106] {strides = array<i32>} : memref<16x64xf32, #tpu.memory_space<vmem>>, vector<16xf32>,
    %add3A_2108 = arith.addf %add3A_2103, %get3A_2107 : vector<16xf32>
    %get3A_2109 = arith.constant 13 : i32
    %get3A_2110 = arith.index_cast %get3A_2109 : i32 to index
    %get3A_2111 = arith.constant 32 : index
    %get3A_2112 = tpu.vector_load %arg12[%get3A_2110, %get3A_2111] {strides = array<i32>} : memref<16x64xf32, #tpu.memory_space<vmem>>, vector<16xf32>,
    %add3A_2113 = arith.addf %add3A_2108, %get3A_2112 : vector<16xf32>
    %get3A_2114 = arith.constant 14 : i32
    %get3A_2115 = arith.index_cast %get3A_2114 : i32 to index
    %get3A_2116 = arith.constant 32 : index
    %get3A_2117 = tpu.vector_load %arg12[%get3A_2115, %get3A_2116] {strides = array<i32>} : memref<16x64xf32, #tpu.memory_space<vmem>>, vector<16xf32>,
    %add3A_2118 = arith.addf %add3A_2113, %get3A_2117 : vector<16xf32>
    %get3A_2119 = arith.constant 15 : i32
    %get3A_2120 = arith.index_cast %get3A_2119 : i32 to index
    %get3A_2121 = arith.constant 32 : index
    %get3A_2122 = tpu.vector_load %arg12[%get3A_2120, %get3A_2121] {strides = array<i32>} : memref<16x64xf32, #tpu.memory_space<vmem>>, vector<16xf32>,
    %add3A_2123 = arith.addf %add3A_2118, %get3A_2122 : vector<16xf32>
    %swap3A_2124 = arith.constant 1 : i32
    %swap3A_2125 = arith.index_cast %swap3A_2124 : i32 to index
    %swap3A_2126 = arith.constant 32 : index
    %swap3A_2127 = tpu.vector_load %arg17[%swap3A_2125, %swap3A_2126] {strides = array<i32>} : memref<6x64xf32, #tpu.memory_space<vmem>>, vector<16xf32>,
    tpu.vector_store %arg17[%swap3A_2125, %swap3A_2126], %add3A_2123 {strides = array<i32>} : memref<6x64xf32, #tpu.memory_space<vmem>>, vector<16xf32>,
    %get3A_2128 = arith.constant 0 : i32
    %get3A_2129 = arith.index_cast %get3A_2128 : i32 to index
    %get3A_2130 = arith.constant 48 : index
    %get3A_2131 = tpu.vector_load %arg12[%get3A_2129, %get3A_2130] {strides = array<i32>} : memref<16x64xf32, #tpu.memory_space<vmem>>, vector<16xf32>,
    %get3A_2132 = arith.constant 1 : i32
    %get3A_2133 = arith.index_cast %get3A_2132 : i32 to index
    %get3A_2134 = arith.constant 48 : index
    %get3A_2135 = tpu.vector_load %arg12[%get3A_2133, %get3A_2134] {strides = array<i32>} : memref<16x64xf32, #tpu.memory_space<vmem>>, vector<16xf32>,
    %add3A_2136 = arith.addf %get3A_2131, %get3A_2135 : vector<16xf32>
    %get3A_2137 = arith.constant 2 : i32
    %get3A_2138 = arith.index_cast %get3A_2137 : i32 to index
    %get3A_2139 = arith.constant 48 : index
    %get3A_2140 = tpu.vector_load %arg12[%get3A_2138, %get3A_2139] {strides = array<i32>} : memref<16x64xf32, #tpu.memory_space<vmem>>, vector<16xf32>,
    %add3A_2141 = arith.addf %add3A_2136, %get3A_2140 : vector<16xf32>
    %get3A_2142 = arith.constant 3 : i32
    %get3A_2143 = arith.index_cast %get3A_2142 : i32 to index
    %get3A_2144 = arith.constant 48 : index
    %get3A_2145 = tpu.vector_load %arg12[%get3A_2143, %get3A_2144] {strides = array<i32>} : memref<16x64xf32, #tpu.memory_space<vmem>>, vector<16xf32>,
    %add3A_2146 = arith.addf %add3A_2141, %get3A_2145 : vector<16xf32>
    %get3A_2147 = arith.constant 4 : i32
    %get3A_2148 = arith.index_cast %get3A_2147 : i32 to index
    %get3A_2149 = arith.constant 48 : index
    %get3A_2150 = tpu.vector_load %arg12[%get3A_2148, %get3A_2149] {strides = array<i32>} : memref<16x64xf32, #tpu.memory_space<vmem>>, vector<16xf32>,
    %add3A_2151 = arith.addf %add3A_2146, %get3A_2150 : vector<16xf32>
    %get3A_2152 = arith.constant 5 : i32
    %get3A_2153 = arith.index_cast %get3A_2152 : i32 to index
    %get3A_2154 = arith.constant 48 : index
    %get3A_2155 = tpu.vector_load %arg12[%get3A_2153, %get3A_2154] {strides = array<i32>} : memref<16x64xf32, #tpu.memory_space<vmem>>, vector<16xf32>,
    %add3A_2156 = arith.addf %add3A_2151, %get3A_2155 : vector<16xf32>
    %get3A_2157 = arith.constant 6 : i32
    %get3A_2158 = arith.index_cast %get3A_2157 : i32 to index
    %get3A_2159 = arith.constant 48 : index
    %get3A_2160 = tpu.vector_load %arg12[%get3A_2158, %get3A_2159] {strides = array<i32>} : memref<16x64xf32, #tpu.memory_space<vmem>>, vector<16xf32>,
    %add3A_2161 = arith.addf %add3A_2156, %get3A_2160 : vector<16xf32>
    %get3A_2162 = arith.constant 7 : i32
    %get3A_2163 = arith.index_cast %get3A_2162 : i32 to index
    %get3A_2164 = arith.constant 48 : index
    %get3A_2165 = tpu.vector_load %arg12[%get3A_2163, %get3A_2164] {strides = array<i32>} : memref<16x64xf32, #tpu.memory_space<vmem>>, vector<16xf32>,
    %add3A_2166 = arith.addf %add3A_2161, %get3A_2165 : vector<16xf32>
    %get3A_2167 = arith.constant 8 : i32
    %get3A_2168 = arith.index_cast %get3A_2167 : i32 to index
    %get3A_2169 = arith.constant 48 : index
    %get3A_2170 = tpu.vector_load %arg12[%get3A_2168, %get3A_2169] {strides = array<i32>} : memref<16x64xf32, #tpu.memory_space<vmem>>, vector<16xf32>,
    %add3A_2171 = arith.addf %add3A_2166, %get3A_2170 : vector<16xf32>
    %get3A_2172 = arith.constant 9 : i32
    %get3A_2173 = arith.index_cast %get3A_2172 : i32 to index
    %get3A_2174 = arith.constant 48 : index
    %get3A_2175 = tpu.vector_load %arg12[%get3A_2173, %get3A_2174] {strides = array<i32>} : memref<16x64xf32, #tpu.memory_space<vmem>>, vector<16xf32>,
    %add3A_2176 = arith.addf %add3A_2171, %get3A_2175 : vector<16xf32>
    %get3A_2177 = arith.constant 10 : i32
    %get3A_2178 = arith.index_cast %get3A_2177 : i32 to index
    %get3A_2179 = arith.constant 48 : index
    %get3A_2180 = tpu.vector_load %arg12[%get3A_2178, %get3A_2179] {strides = array<i32>} : memref<16x64xf32, #tpu.memory_space<vmem>>, vector<16xf32>,
    %add3A_2181 = arith.addf %add3A_2176, %get3A_2180 : vector<16xf32>
    %get3A_2182 = arith.constant 11 : i32
    %get3A_2183 = arith.index_cast %get3A_2182 : i32 to index
    %get3A_2184 = arith.constant 48 : index
    %get3A_2185 = tpu.vector_load %arg12[%get3A_2183, %get3A_2184] {strides = array<i32>} : memref<16x64xf32, #tpu.memory_space<vmem>>, vector<16xf32>,
    %add3A_2186 = arith.addf %add3A_2181, %get3A_2185 : vector<16xf32>
    %get3A_2187 = arith.constant 12 : i32
    %get3A_2188 = arith.index_cast %get3A_2187 : i32 to index
    %get3A_2189 = arith.constant 48 : index
    %get3A_2190 = tpu.vector_load %arg12[%get3A_2188, %get3A_2189] {strides = array<i32>} : memref<16x64xf32, #tpu.memory_space<vmem>>, vector<16xf32>,
    %add3A_2191 = arith.addf %add3A_2186, %get3A_2190 : vector<16xf32>
    %get3A_2192 = arith.constant 13 : i32
    %get3A_2193 = arith.index_cast %get3A_2192 : i32 to index
    %get3A_2194 = arith.constant 48 : index
    %get3A_2195 = tpu.vector_load %arg12[%get3A_2193, %get3A_2194] {strides = array<i32>} : memref<16x64xf32, #tpu.memory_space<vmem>>, vector<16xf32>,
    %add3A_2196 = arith.addf %add3A_2191, %get3A_2195 : vector<16xf32>
    %get3A_2197 = arith.constant 14 : i32
    %get3A_2198 = arith.index_cast %get3A_2197 : i32 to index
    %get3A_2199 = arith.constant 48 : index
    %get3A_2200 = tpu.vector_load %arg12[%get3A_2198, %get3A_2199] {strides = array<i32>} : memref<16x64xf32, #tpu.memory_space<vmem>>, vector<16xf32>,
    %add3A_2201 = arith.addf %add3A_2196, %get3A_2200 : vector<16xf32>
    %get3A_2202 = arith.constant 15 : i32
    %get3A_2203 = arith.index_cast %get3A_2202 : i32 to index
    %get3A_2204 = arith.constant 48 : index
    %get3A_2205 = tpu.vector_load %arg12[%get3A_2203, %get3A_2204] {strides = array<i32>} : memref<16x64xf32, #tpu.memory_space<vmem>>, vector<16xf32>,
    %add3A_2206 = arith.addf %add3A_2201, %get3A_2205 : vector<16xf32>
    %swap3A_2207 = arith.constant 1 : i32
    %swap3A_2208 = arith.index_cast %swap3A_2207 : i32 to index
    %swap3A_2209 = arith.constant 48 : index
    %swap3A_2210 = tpu.vector_load %arg17[%swap3A_2208, %swap3A_2209] {strides = array<i32>} : memref<6x64xf32, #tpu.memory_space<vmem>>, vector<16xf32>,
    tpu.vector_store %arg17[%swap3A_2208, %swap3A_2209], %add3A_2206 {strides = array<i32>} : memref<6x64xf32, #tpu.memory_space<vmem>>, vector<16xf32>,
    %get3A_2211 = arith.constant 0 : i32
    %get3A_2212 = arith.index_cast %get3A_2211 : i32 to index
    %get3A_2213 = arith.constant 0 : index
    %get3A_2214 = tpu.vector_load %arg13[%get3A_2212, %get3A_2213] {strides = array<i32>} : memref<16x64xf32, #tpu.memory_space<vmem>>, vector<16xf32>,
    %get3A_2215 = arith.constant 1 : i32
    %get3A_2216 = arith.index_cast %get3A_2215 : i32 to index
    %get3A_2217 = arith.constant 0 : index
    %get3A_2218 = tpu.vector_load %arg13[%get3A_2216, %get3A_2217] {strides = array<i32>} : memref<16x64xf32, #tpu.memory_space<vmem>>, vector<16xf32>,
    %add3A_2219 = arith.addf %get3A_2214, %get3A_2218 : vector<16xf32>
    %get3A_2220 = arith.constant 2 : i32
    %get3A_2221 = arith.index_cast %get3A_2220 : i32 to index
    %get3A_2222 = arith.constant 0 : index
    %get3A_2223 = tpu.vector_load %arg13[%get3A_2221, %get3A_2222] {strides = array<i32>} : memref<16x64xf32, #tpu.memory_space<vmem>>, vector<16xf32>,
    %add3A_2224 = arith.addf %add3A_2219, %get3A_2223 : vector<16xf32>
    %get3A_2225 = arith.constant 3 : i32
    %get3A_2226 = arith.index_cast %get3A_2225 : i32 to index
    %get3A_2227 = arith.constant 0 : index
    %get3A_2228 = tpu.vector_load %arg13[%get3A_2226, %get3A_2227] {strides = array<i32>} : memref<16x64xf32, #tpu.memory_space<vmem>>, vector<16xf32>,
    %add3A_2229 = arith.addf %add3A_2224, %get3A_2228 : vector<16xf32>
    %get3A_2230 = arith.constant 4 : i32
    %get3A_2231 = arith.index_cast %get3A_2230 : i32 to index
    %get3A_2232 = arith.constant 0 : index
    %get3A_2233 = tpu.vector_load %arg13[%get3A_2231, %get3A_2232] {strides = array<i32>} : memref<16x64xf32, #tpu.memory_space<vmem>>, vector<16xf32>,
    %add3A_2234 = arith.addf %add3A_2229, %get3A_2233 : vector<16xf32>
    %get3A_2235 = arith.constant 5 : i32
    %get3A_2236 = arith.index_cast %get3A_2235 : i32 to index
    %get3A_2237 = arith.constant 0 : index
    %get3A_2238 = tpu.vector_load %arg13[%get3A_2236, %get3A_2237] {strides = array<i32>} : memref<16x64xf32, #tpu.memory_space<vmem>>, vector<16xf32>,
    %add3A_2239 = arith.addf %add3A_2234, %get3A_2238 : vector<16xf32>
    %get3A_2240 = arith.constant 6 : i32
    %get3A_2241 = arith.index_cast %get3A_2240 : i32 to index
    %get3A_2242 = arith.constant 0 : index
    %get3A_2243 = tpu.vector_load %arg13[%get3A_2241, %get3A_2242] {strides = array<i32>} : memref<16x64xf32, #tpu.memory_space<vmem>>, vector<16xf32>,
    %add3A_2244 = arith.addf %add3A_2239, %get3A_2243 : vector<16xf32>
    %get3A_2245 = arith.constant 7 : i32
    %get3A_2246 = arith.index_cast %get3A_2245 : i32 to index
    %get3A_2247 = arith.constant 0 : index
    %get3A_2248 = tpu.vector_load %arg13[%get3A_2246, %get3A_2247] {strides = array<i32>} : memref<16x64xf32, #tpu.memory_space<vmem>>, vector<16xf32>,
    %add3A_2249 = arith.addf %add3A_2244, %get3A_2248 : vector<16xf32>
    %get3A_2250 = arith.constant 8 : i32
    %get3A_2251 = arith.index_cast %get3A_2250 : i32 to index
    %get3A_2252 = arith.constant 0 : index
    %get3A_2253 = tpu.vector_load %arg13[%get3A_2251, %get3A_2252] {strides = array<i32>} : memref<16x64xf32, #tpu.memory_space<vmem>>, vector<16xf32>,
    %add3A_2254 = arith.addf %add3A_2249, %get3A_2253 : vector<16xf32>
    %get3A_2255 = arith.constant 9 : i32
    %get3A_2256 = arith.index_cast %get3A_2255 : i32 to index
    %get3A_2257 = arith.constant 0 : index
    %get3A_2258 = tpu.vector_load %arg13[%get3A_2256, %get3A_2257] {strides = array<i32>} : memref<16x64xf32, #tpu.memory_space<vmem>>, vector<16xf32>,
    %add3A_2259 = arith.addf %add3A_2254, %get3A_2258 : vector<16xf32>
    %get3A_2260 = arith.constant 10 : i32
    %get3A_2261 = arith.index_cast %get3A_2260 : i32 to index
    %get3A_2262 = arith.constant 0 : index
    %get3A_2263 = tpu.vector_load %arg13[%get3A_2261, %get3A_2262] {strides = array<i32>} : memref<16x64xf32, #tpu.memory_space<vmem>>, vector<16xf32>,
    %add3A_2264 = arith.addf %add3A_2259, %get3A_2263 : vector<16xf32>
    %get3A_2265 = arith.constant 11 : i32
    %get3A_2266 = arith.index_cast %get3A_2265 : i32 to index
    %get3A_2267 = arith.constant 0 : index
    %get3A_2268 = tpu.vector_load %arg13[%get3A_2266, %get3A_2267] {strides = array<i32>} : memref<16x64xf32, #tpu.memory_space<vmem>>, vector<16xf32>,
    %add3A_2269 = arith.addf %add3A_2264, %get3A_2268 : vector<16xf32>
    %get3A_2270 = arith.constant 12 : i32
    %get3A_2271 = arith.index_cast %get3A_2270 : i32 to index
    %get3A_2272 = arith.constant 0 : index
    %get3A_2273 = tpu.vector_load %arg13[%get3A_2271, %get3A_2272] {strides = array<i32>} : memref<16x64xf32, #tpu.memory_space<vmem>>, vector<16xf32>,
    %add3A_2274 = arith.addf %add3A_2269, %get3A_2273 : vector<16xf32>
    %get3A_2275 = arith.constant 13 : i32
    %get3A_2276 = arith.index_cast %get3A_2275 : i32 to index
    %get3A_2277 = arith.constant 0 : index
    %get3A_2278 = tpu.vector_load %arg13[%get3A_2276, %get3A_2277] {strides = array<i32>} : memref<16x64xf32, #tpu.memory_space<vmem>>, vector<16xf32>,
    %add3A_2279 = arith.addf %add3A_2274, %get3A_2278 : vector<16xf32>
    %get3A_2280 = arith.constant 14 : i32
    %get3A_2281 = arith.index_cast %get3A_2280 : i32 to index
    %get3A_2282 = arith.constant 0 : index
    %get3A_2283 = tpu.vector_load %arg13[%get3A_2281, %get3A_2282] {strides = array<i32>} : memref<16x64xf32, #tpu.memory_space<vmem>>, vector<16xf32>,
    %add3A_2284 = arith.addf %add3A_2279, %get3A_2283 : vector<16xf32>
    %get3A_2285 = arith.constant 15 : i32
    %get3A_2286 = arith.index_cast %get3A_2285 : i32 to index
    %get3A_2287 = arith.constant 0 : index
    %get3A_2288 = tpu.vector_load %arg13[%get3A_2286, %get3A_2287] {strides = array<i32>} : memref<16x64xf32, #tpu.memory_space<vmem>>, vector<16xf32>,
    %add3A_2289 = arith.addf %add3A_2284, %get3A_2288 : vector<16xf32>
    %swap3A_2290 = arith.constant 2 : i32
    %swap3A_2291 = arith.index_cast %swap3A_2290 : i32 to index
    %swap3A_2292 = arith.constant 0 : index
    %swap3A_2293 = tpu.vector_load %arg17[%swap3A_2291, %swap3A_2292] {strides = array<i32>} : memref<6x64xf32, #tpu.memory_space<vmem>>, vector<16xf32>,
    tpu.vector_store %arg17[%swap3A_2291, %swap3A_2292], %add3A_2289 {strides = array<i32>} : memref<6x64xf32, #tpu.memory_space<vmem>>, vector<16xf32>,
    %get3A_2294 = arith.constant 0 : i32
    %get3A_2295 = arith.index_cast %get3A_2294 : i32 to index
    %get3A_2296 = arith.constant 16 : index
    %get3A_2297 = tpu.vector_load %arg13[%get3A_2295, %get3A_2296] {strides = array<i32>} : memref<16x64xf32, #tpu.memory_space<vmem>>, vector<16xf32>,
    %get3A_2298 = arith.constant 1 : i32
    %get3A_2299 = arith.index_cast %get3A_2298 : i32 to index
    %get3A_2300 = arith.constant 16 : index
    %get3A_2301 = tpu.vector_load %arg13[%get3A_2299, %get3A_2300] {strides = array<i32>} : memref<16x64xf32, #tpu.memory_space<vmem>>, vector<16xf32>,
    %add3A_2302 = arith.addf %get3A_2297, %get3A_2301 : vector<16xf32>
    %get3A_2303 = arith.constant 2 : i32
    %get3A_2304 = arith.index_cast %get3A_2303 : i32 to index
    %get3A_2305 = arith.constant 16 : index
    %get3A_2306 = tpu.vector_load %arg13[%get3A_2304, %get3A_2305] {strides = array<i32>} : memref<16x64xf32, #tpu.memory_space<vmem>>, vector<16xf32>,
    %add3A_2307 = arith.addf %add3A_2302, %get3A_2306 : vector<16xf32>
    %get3A_2308 = arith.constant 3 : i32
    %get3A_2309 = arith.index_cast %get3A_2308 : i32 to index
    %get3A_2310 = arith.constant 16 : index
    %get3A_2311 = tpu.vector_load %arg13[%get3A_2309, %get3A_2310] {strides = array<i32>} : memref<16x64xf32, #tpu.memory_space<vmem>>, vector<16xf32>,
    %add3A_2312 = arith.addf %add3A_2307, %get3A_2311 : vector<16xf32>
    %get3A_2313 = arith.constant 4 : i32
    %get3A_2314 = arith.index_cast %get3A_2313 : i32 to index
    %get3A_2315 = arith.constant 16 : index
    %get3A_2316 = tpu.vector_load %arg13[%get3A_2314, %get3A_2315] {strides = array<i32>} : memref<16x64xf32, #tpu.memory_space<vmem>>, vector<16xf32>,
    %add3A_2317 = arith.addf %add3A_2312, %get3A_2316 : vector<16xf32>
    %get3A_2318 = arith.constant 5 : i32
    %get3A_2319 = arith.index_cast %get3A_2318 : i32 to index
    %get3A_2320 = arith.constant 16 : index
    %get3A_2321 = tpu.vector_load %arg13[%get3A_2319, %get3A_2320] {strides = array<i32>} : memref<16x64xf32, #tpu.memory_space<vmem>>, vector<16xf32>,
    %add3A_2322 = arith.addf %add3A_2317, %get3A_2321 : vector<16xf32>
    %get3A_2323 = arith.constant 6 : i32
    %get3A_2324 = arith.index_cast %get3A_2323 : i32 to index
    %get3A_2325 = arith.constant 16 : index
    %get3A_2326 = tpu.vector_load %arg13[%get3A_2324, %get3A_2325] {strides = array<i32>} : memref<16x64xf32, #tpu.memory_space<vmem>>, vector<16xf32>,
    %add3A_2327 = arith.addf %add3A_2322, %get3A_2326 : vector<16xf32>
    %get3A_2328 = arith.constant 7 : i32
    %get3A_2329 = arith.index_cast %get3A_2328 : i32 to index
    %get3A_2330 = arith.constant 16 : index
    %get3A_2331 = tpu.vector_load %arg13[%get3A_2329, %get3A_2330] {strides = array<i32>} : memref<16x64xf32, #tpu.memory_space<vmem>>, vector<16xf32>,
    %add3A_2332 = arith.addf %add3A_2327, %get3A_2331 : vector<16xf32>
    %get3A_2333 = arith.constant 8 : i32
    %get3A_2334 = arith.index_cast %get3A_2333 : i32 to index
    %get3A_2335 = arith.constant 16 : index
    %get3A_2336 = tpu.vector_load %arg13[%get3A_2334, %get3A_2335] {strides = array<i32>} : memref<16x64xf32, #tpu.memory_space<vmem>>, vector<16xf32>,
    %add3A_2337 = arith.addf %add3A_2332, %get3A_2336 : vector<16xf32>
    %get3A_2338 = arith.constant 9 : i32
    %get3A_2339 = arith.index_cast %get3A_2338 : i32 to index
    %get3A_2340 = arith.constant 16 : index
    %get3A_2341 = tpu.vector_load %arg13[%get3A_2339, %get3A_2340] {strides = array<i32>} : memref<16x64xf32, #tpu.memory_space<vmem>>, vector<16xf32>,
    %add3A_2342 = arith.addf %add3A_2337, %get3A_2341 : vector<16xf32>
    %get3A_2343 = arith.constant 10 : i32
    %get3A_2344 = arith.index_cast %get3A_2343 : i32 to index
    %get3A_2345 = arith.constant 16 : index
    %get3A_2346 = tpu.vector_load %arg13[%get3A_2344, %get3A_2345] {strides = array<i32>} : memref<16x64xf32, #tpu.memory_space<vmem>>, vector<16xf32>,
    %add3A_2347 = arith.addf %add3A_2342, %get3A_2346 : vector<16xf32>
    %get3A_2348 = arith.constant 11 : i32
    %get3A_2349 = arith.index_cast %get3A_2348 : i32 to index
    %get3A_2350 = arith.constant 16 : index
    %get3A_2351 = tpu.vector_load %arg13[%get3A_2349, %get3A_2350] {strides = array<i32>} : memref<16x64xf32, #tpu.memory_space<vmem>>, vector<16xf32>,
    %add3A_2352 = arith.addf %add3A_2347, %get3A_2351 : vector<16xf32>
    %get3A_2353 = arith.constant 12 : i32
    %get3A_2354 = arith.index_cast %get3A_2353 : i32 to index
    %get3A_2355 = arith.constant 16 : index
    %get3A_2356 = tpu.vector_load %arg13[%get3A_2354, %get3A_2355] {strides = array<i32>} : memref<16x64xf32, #tpu.memory_space<vmem>>, vector<16xf32>,
    %add3A_2357 = arith.addf %add3A_2352, %get3A_2356 : vector<16xf32>
    %get3A_2358 = arith.constant 13 : i32
    %get3A_2359 = arith.index_cast %get3A_2358 : i32 to index
    %get3A_2360 = arith.constant 16 : index
    %get3A_2361 = tpu.vector_load %arg13[%get3A_2359, %get3A_2360] {strides = array<i32>} : memref<16x64xf32, #tpu.memory_space<vmem>>, vector<16xf32>,
    %add3A_2362 = arith.addf %add3A_2357, %get3A_2361 : vector<16xf32>
    %get3A_2363 = arith.constant 14 : i32
    %get3A_2364 = arith.index_cast %get3A_2363 : i32 to index
    %get3A_2365 = arith.constant 16 : index
    %get3A_2366 = tpu.vector_load %arg13[%get3A_2364, %get3A_2365] {strides = array<i32>} : memref<16x64xf32, #tpu.memory_space<vmem>>, vector<16xf32>,
    %add3A_2367 = arith.addf %add3A_2362, %get3A_2366 : vector<16xf32>
    %get3A_2368 = arith.constant 15 : i32
    %get3A_2369 = arith.index_cast %get3A_2368 : i32 to index
    %get3A_2370 = arith.constant 16 : index
    %get3A_2371 = tpu.vector_load %arg13[%get3A_2369, %get3A_2370] {strides = array<i32>} : memref<16x64xf32, #tpu.memory_space<vmem>>, vector<16xf32>,
    %add3A_2372 = arith.addf %add3A_2367, %get3A_2371 : vector<16xf32>
    %swap3A_2373 = arith.constant 2 : i32
    %swap3A_2374 = arith.index_cast %swap3A_2373 : i32 to index
    %swap3A_2375 = arith.constant 16 : index
    %swap3A_2376 = tpu.vector_load %arg17[%swap3A_2374, %swap3A_2375] {strides = array<i32>} : memref<6x64xf32, #tpu.memory_space<vmem>>, vector<16xf32>,
    tpu.vector_store %arg17[%swap3A_2374, %swap3A_2375], %add3A_2372 {strides = array<i32>} : memref<6x64xf32, #tpu.memory_space<vmem>>, vector<16xf32>,
    %get3A_2377 = arith.constant 0 : i32
    %get3A_2378 = arith.index_cast %get3A_2377 : i32 to index
    %get3A_2379 = arith.constant 32 : index
    %get3A_2380 = tpu.vector_load %arg13[%get3A_2378, %get3A_2379] {strides = array<i32>} : memref<16x64xf32, #tpu.memory_space<vmem>>, vector<16xf32>,
    %get3A_2381 = arith.constant 1 : i32
    %get3A_2382 = arith.index_cast %get3A_2381 : i32 to index
    %get3A_2383 = arith.constant 32 : index
    %get3A_2384 = tpu.vector_load %arg13[%get3A_2382, %get3A_2383] {strides = array<i32>} : memref<16x64xf32, #tpu.memory_space<vmem>>, vector<16xf32>,
    %add3A_2385 = arith.addf %get3A_2380, %get3A_2384 : vector<16xf32>
    %get3A_2386 = arith.constant 2 : i32
    %get3A_2387 = arith.index_cast %get3A_2386 : i32 to index
    %get3A_2388 = arith.constant 32 : index
    %get3A_2389 = tpu.vector_load %arg13[%get3A_2387, %get3A_2388] {strides = array<i32>} : memref<16x64xf32, #tpu.memory_space<vmem>>, vector<16xf32>,
    %add3A_2390 = arith.addf %add3A_2385, %get3A_2389 : vector<16xf32>
    %get3A_2391 = arith.constant 3 : i32
    %get3A_2392 = arith.index_cast %get3A_2391 : i32 to index
    %get3A_2393 = arith.constant 32 : index
    %get3A_2394 = tpu.vector_load %arg13[%get3A_2392, %get3A_2393] {strides = array<i32>} : memref<16x64xf32, #tpu.memory_space<vmem>>, vector<16xf32>,
    %add3A_2395 = arith.addf %add3A_2390, %get3A_2394 : vector<16xf32>
    %get3A_2396 = arith.constant 4 : i32
    %get3A_2397 = arith.index_cast %get3A_2396 : i32 to index
    %get3A_2398 = arith.constant 32 : index
    %get3A_2399 = tpu.vector_load %arg13[%get3A_2397, %get3A_2398] {strides = array<i32>} : memref<16x64xf32, #tpu.memory_space<vmem>>, vector<16xf32>,
    %add3A_2400 = arith.addf %add3A_2395, %get3A_2399 : vector<16xf32>
    %get3A_2401 = arith.constant 5 : i32
    %get3A_2402 = arith.index_cast %get3A_2401 : i32 to index
    %get3A_2403 = arith.constant 32 : index
    %get3A_2404 = tpu.vector_load %arg13[%get3A_2402, %get3A_2403] {strides = array<i32>} : memref<16x64xf32, #tpu.memory_space<vmem>>, vector<16xf32>,
    %add3A_2405 = arith.addf %add3A_2400, %get3A_2404 : vector<16xf32>
    %get3A_2406 = arith.constant 6 : i32
    %get3A_2407 = arith.index_cast %get3A_2406 : i32 to index
    %get3A_2408 = arith.constant 32 : index
    %get3A_2409 = tpu.vector_load %arg13[%get3A_2407, %get3A_2408] {strides = array<i32>} : memref<16x64xf32, #tpu.memory_space<vmem>>, vector<16xf32>,
    %add3A_2410 = arith.addf %add3A_2405, %get3A_2409 : vector<16xf32>
    %get3A_2411 = arith.constant 7 : i32
    %get3A_2412 = arith.index_cast %get3A_2411 : i32 to index
    %get3A_2413 = arith.constant 32 : index
    %get3A_2414 = tpu.vector_load %arg13[%get3A_2412, %get3A_2413] {strides = array<i32>} : memref<16x64xf32, #tpu.memory_space<vmem>>, vector<16xf32>,
    %add3A_2415 = arith.addf %add3A_2410, %get3A_2414 : vector<16xf32>
    %get3A_2416 = arith.constant 8 : i32
    %get3A_2417 = arith.index_cast %get3A_2416 : i32 to index
    %get3A_2418 = arith.constant 32 : index
    %get3A_2419 = tpu.vector_load %arg13[%get3A_2417, %get3A_2418] {strides = array<i32>} : memref<16x64xf32, #tpu.memory_space<vmem>>, vector<16xf32>,
    %add3A_2420 = arith.addf %add3A_2415, %get3A_2419 : vector<16xf32>
    %get3A_2421 = arith.constant 9 : i32
    %get3A_2422 = arith.index_cast %get3A_2421 : i32 to index
    %get3A_2423 = arith.constant 32 : index
    %get3A_2424 = tpu.vector_load %arg13[%get3A_2422, %get3A_2423] {strides = array<i32>} : memref<16x64xf32, #tpu.memory_space<vmem>>, vector<16xf32>,
    %add3A_2425 = arith.addf %add3A_2420, %get3A_2424 : vector<16xf32>
    %get3A_2426 = arith.constant 10 : i32
    %get3A_2427 = arith.index_cast %get3A_2426 : i32 to index
    %get3A_2428 = arith.constant 32 : index
    %get3A_2429 = tpu.vector_load %arg13[%get3A_2427, %get3A_2428] {strides = array<i32>} : memref<16x64xf32, #tpu.memory_space<vmem>>, vector<16xf32>,
    %add3A_2430 = arith.addf %add3A_2425, %get3A_2429 : vector<16xf32>
    %get3A_2431 = arith.constant 11 : i32
    %get3A_2432 = arith.index_cast %get3A_2431 : i32 to index
    %get3A_2433 = arith.constant 32 : index
    %get3A_2434 = tpu.vector_load %arg13[%get3A_2432, %get3A_2433] {strides = array<i32>} : memref<16x64xf32, #tpu.memory_space<vmem>>, vector<16xf32>,
    %add3A_2435 = arith.addf %add3A_2430, %get3A_2434 : vector<16xf32>
    %get3A_2436 = arith.constant 12 : i32
    %get3A_2437 = arith.index_cast %get3A_2436 : i32 to index
    %get3A_2438 = arith.constant 32 : index
    %get3A_2439 = tpu.vector_load %arg13[%get3A_2437, %get3A_2438] {strides = array<i32>} : memref<16x64xf32, #tpu.memory_space<vmem>>, vector<16xf32>,
    %add3A_2440 = arith.addf %add3A_2435, %get3A_2439 : vector<16xf32>
    %get3A_2441 = arith.constant 13 : i32
    %get3A_2442 = arith.index_cast %get3A_2441 : i32 to index
    %get3A_2443 = arith.constant 32 : index
    %get3A_2444 = tpu.vector_load %arg13[%get3A_2442, %get3A_2443] {strides = array<i32>} : memref<16x64xf32, #tpu.memory_space<vmem>>, vector<16xf32>,
    %add3A_2445 = arith.addf %add3A_2440, %get3A_2444 : vector<16xf32>
    %get3A_2446 = arith.constant 14 : i32
    %get3A_2447 = arith.index_cast %get3A_2446 : i32 to index
    %get3A_2448 = arith.constant 32 : index
    %get3A_2449 = tpu.vector_load %arg13[%get3A_2447, %get3A_2448] {strides = array<i32>} : memref<16x64xf32, #tpu.memory_space<vmem>>, vector<16xf32>,
    %add3A_2450 = arith.addf %add3A_2445, %get3A_2449 : vector<16xf32>
    %get3A_2451 = arith.constant 15 : i32
    %get3A_2452 = arith.index_cast %get3A_2451 : i32 to index
    %get3A_2453 = arith.constant 32 : index
    %get3A_2454 = tpu.vector_load %arg13[%get3A_2452, %get3A_2453] {strides = array<i32>} : memref<16x64xf32, #tpu.memory_space<vmem>>, vector<16xf32>,
    %add3A_2455 = arith.addf %add3A_2450, %get3A_2454 : vector<16xf32>
    %swap3A_2456 = arith.constant 2 : i32
    %swap3A_2457 = arith.index_cast %swap3A_2456 : i32 to index
    %swap3A_2458 = arith.constant 32 : index
    %swap3A_2459 = tpu.vector_load %arg17[%swap3A_2457, %swap3A_2458] {strides = array<i32>} : memref<6x64xf32, #tpu.memory_space<vmem>>, vector<16xf32>,
    tpu.vector_store %arg17[%swap3A_2457, %swap3A_2458], %add3A_2455 {strides = array<i32>} : memref<6x64xf32, #tpu.memory_space<vmem>>, vector<16xf32>,
    %get3A_2460 = arith.constant 0 : i32
    %get3A_2461 = arith.index_cast %get3A_2460 : i32 to index
    %get3A_2462 = arith.constant 48 : index
    %get3A_2463 = tpu.vector_load %arg13[%get3A_2461, %get3A_2462] {strides = array<i32>} : memref<16x64xf32, #tpu.memory_space<vmem>>, vector<16xf32>,
    %get3A_2464 = arith.constant 1 : i32
    %get3A_2465 = arith.index_cast %get3A_2464 : i32 to index
    %get3A_2466 = arith.constant 48 : index
    %get3A_2467 = tpu.vector_load %arg13[%get3A_2465, %get3A_2466] {strides = array<i32>} : memref<16x64xf32, #tpu.memory_space<vmem>>, vector<16xf32>,
    %add3A_2468 = arith.addf %get3A_2463, %get3A_2467 : vector<16xf32>
    %get3A_2469 = arith.constant 2 : i32
    %get3A_2470 = arith.index_cast %get3A_2469 : i32 to index
    %get3A_2471 = arith.constant 48 : index
    %get3A_2472 = tpu.vector_load %arg13[%get3A_2470, %get3A_2471] {strides = array<i32>} : memref<16x64xf32, #tpu.memory_space<vmem>>, vector<16xf32>,
    %add3A_2473 = arith.addf %add3A_2468, %get3A_2472 : vector<16xf32>
    %get3A_2474 = arith.constant 3 : i32
    %get3A_2475 = arith.index_cast %get3A_2474 : i32 to index
    %get3A_2476 = arith.constant 48 : index
    %get3A_2477 = tpu.vector_load %arg13[%get3A_2475, %get3A_2476] {strides = array<i32>} : memref<16x64xf32, #tpu.memory_space<vmem>>, vector<16xf32>,
    %add3A_2478 = arith.addf %add3A_2473, %get3A_2477 : vector<16xf32>
    %get3A_2479 = arith.constant 4 : i32
    %get3A_2480 = arith.index_cast %get3A_2479 : i32 to index
    %get3A_2481 = arith.constant 48 : index
    %get3A_2482 = tpu.vector_load %arg13[%get3A_2480, %get3A_2481] {strides = array<i32>} : memref<16x64xf32, #tpu.memory_space<vmem>>, vector<16xf32>,
    %add3A_2483 = arith.addf %add3A_2478, %get3A_2482 : vector<16xf32>
    %get3A_2484 = arith.constant 5 : i32
    %get3A_2485 = arith.index_cast %get3A_2484 : i32 to index
    %get3A_2486 = arith.constant 48 : index
    %get3A_2487 = tpu.vector_load %arg13[%get3A_2485, %get3A_2486] {strides = array<i32>} : memref<16x64xf32, #tpu.memory_space<vmem>>, vector<16xf32>,
    %add3A_2488 = arith.addf %add3A_2483, %get3A_2487 : vector<16xf32>
    %get3A_2489 = arith.constant 6 : i32
    %get3A_2490 = arith.index_cast %get3A_2489 : i32 to index
    %get3A_2491 = arith.constant 48 : index
    %get3A_2492 = tpu.vector_load %arg13[%get3A_2490, %get3A_2491] {strides = array<i32>} : memref<16x64xf32, #tpu.memory_space<vmem>>, vector<16xf32>,
    %add3A_2493 = arith.addf %add3A_2488, %get3A_2492 : vector<16xf32>
    %get3A_2494 = arith.constant 7 : i32
    %get3A_2495 = arith.index_cast %get3A_2494 : i32 to index
    %get3A_2496 = arith.constant 48 : index
    %get3A_2497 = tpu.vector_load %arg13[%get3A_2495, %get3A_2496] {strides = array<i32>} : memref<16x64xf32, #tpu.memory_space<vmem>>, vector<16xf32>,
    %add3A_2498 = arith.addf %add3A_2493, %get3A_2497 : vector<16xf32>
    %get3A_2499 = arith.constant 8 : i32
    %get3A_2500 = arith.index_cast %get3A_2499 : i32 to index
    %get3A_2501 = arith.constant 48 : index
    %get3A_2502 = tpu.vector_load %arg13[%get3A_2500, %get3A_2501] {strides = array<i32>} : memref<16x64xf32, #tpu.memory_space<vmem>>, vector<16xf32>,
    %add3A_2503 = arith.addf %add3A_2498, %get3A_2502 : vector<16xf32>
    %get3A_2504 = arith.constant 9 : i32
    %get3A_2505 = arith.index_cast %get3A_2504 : i32 to index
    %get3A_2506 = arith.constant 48 : index
    %get3A_2507 = tpu.vector_load %arg13[%get3A_2505, %get3A_2506] {strides = array<i32>} : memref<16x64xf32, #tpu.memory_space<vmem>>, vector<16xf32>,
    %add3A_2508 = arith.addf %add3A_2503, %get3A_2507 : vector<16xf32>
    %get3A_2509 = arith.constant 10 : i32
    %get3A_2510 = arith.index_cast %get3A_2509 : i32 to index
    %get3A_2511 = arith.constant 48 : index
    %get3A_2512 = tpu.vector_load %arg13[%get3A_2510, %get3A_2511] {strides = array<i32>} : memref<16x64xf32, #tpu.memory_space<vmem>>, vector<16xf32>,
    %add3A_2513 = arith.addf %add3A_2508, %get3A_2512 : vector<16xf32>
    %get3A_2514 = arith.constant 11 : i32
    %get3A_2515 = arith.index_cast %get3A_2514 : i32 to index
    %get3A_2516 = arith.constant 48 : index
    %get3A_2517 = tpu.vector_load %arg13[%get3A_2515, %get3A_2516] {strides = array<i32>} : memref<16x64xf32, #tpu.memory_space<vmem>>, vector<16xf32>,
    %add3A_2518 = arith.addf %add3A_2513, %get3A_2517 : vector<16xf32>
    %get3A_2519 = arith.constant 12 : i32
    %get3A_2520 = arith.index_cast %get3A_2519 : i32 to index
    %get3A_2521 = arith.constant 48 : index
    %get3A_2522 = tpu.vector_load %arg13[%get3A_2520, %get3A_2521] {strides = array<i32>} : memref<16x64xf32, #tpu.memory_space<vmem>>, vector<16xf32>,
    %add3A_2523 = arith.addf %add3A_2518, %get3A_2522 : vector<16xf32>
    %get3A_2524 = arith.constant 13 : i32
    %get3A_2525 = arith.index_cast %get3A_2524 : i32 to index
    %get3A_2526 = arith.constant 48 : index
    %get3A_2527 = tpu.vector_load %arg13[%get3A_2525, %get3A_2526] {strides = array<i32>} : memref<16x64xf32, #tpu.memory_space<vmem>>, vector<16xf32>,
    %add3A_2528 = arith.addf %add3A_2523, %get3A_2527 : vector<16xf32>
    %get3A_2529 = arith.constant 14 : i32
    %get3A_2530 = arith.index_cast %get3A_2529 : i32 to index
    %get3A_2531 = arith.constant 48 : index
    %get3A_2532 = tpu.vector_load %arg13[%get3A_2530, %get3A_2531] {strides = array<i32>} : memref<16x64xf32, #tpu.memory_space<vmem>>, vector<16xf32>,
    %add3A_2533 = arith.addf %add3A_2528, %get3A_2532 : vector<16xf32>
    %get3A_2534 = arith.constant 15 : i32
    %get3A_2535 = arith.index_cast %get3A_2534 : i32 to index
    %get3A_2536 = arith.constant 48 : index
    %get3A_2537 = tpu.vector_load %arg13[%get3A_2535, %get3A_2536] {strides = array<i32>} : memref<16x64xf32, #tpu.memory_space<vmem>>, vector<16xf32>,
    %add3A_2538 = arith.addf %add3A_2533, %get3A_2537 : vector<16xf32>
    %swap3A_2539 = arith.constant 2 : i32
    %swap3A_2540 = arith.index_cast %swap3A_2539 : i32 to index
    %swap3A_2541 = arith.constant 48 : index
    %swap3A_2542 = tpu.vector_load %arg17[%swap3A_2540, %swap3A_2541] {strides = array<i32>} : memref<6x64xf32, #tpu.memory_space<vmem>>, vector<16xf32>,
    tpu.vector_store %arg17[%swap3A_2540, %swap3A_2541], %add3A_2538 {strides = array<i32>} : memref<6x64xf32, #tpu.memory_space<vmem>>, vector<16xf32>,
    %get3A_2543 = arith.constant 0 : i32
    %get3A_2544 = arith.index_cast %get3A_2543 : i32 to index
    %get3A_2545 = arith.constant 0 : index
    %get3A_2546 = tpu.vector_load %arg14[%get3A_2544, %get3A_2545] {strides = array<i32>} : memref<16x64xf32, #tpu.memory_space<vmem>>, vector<16xf32>,
    %get3A_2547 = arith.constant 1 : i32
    %get3A_2548 = arith.index_cast %get3A_2547 : i32 to index
    %get3A_2549 = arith.constant 0 : index
    %get3A_2550 = tpu.vector_load %arg14[%get3A_2548, %get3A_2549] {strides = array<i32>} : memref<16x64xf32, #tpu.memory_space<vmem>>, vector<16xf32>,
    %add3A_2551 = arith.addf %get3A_2546, %get3A_2550 : vector<16xf32>
    %get3A_2552 = arith.constant 2 : i32
    %get3A_2553 = arith.index_cast %get3A_2552 : i32 to index
    %get3A_2554 = arith.constant 0 : index
    %get3A_2555 = tpu.vector_load %arg14[%get3A_2553, %get3A_2554] {strides = array<i32>} : memref<16x64xf32, #tpu.memory_space<vmem>>, vector<16xf32>,
    %add3A_2556 = arith.addf %add3A_2551, %get3A_2555 : vector<16xf32>
    %get3A_2557 = arith.constant 3 : i32
    %get3A_2558 = arith.index_cast %get3A_2557 : i32 to index
    %get3A_2559 = arith.constant 0 : index
    %get3A_2560 = tpu.vector_load %arg14[%get3A_2558, %get3A_2559] {strides = array<i32>} : memref<16x64xf32, #tpu.memory_space<vmem>>, vector<16xf32>,
    %add3A_2561 = arith.addf %add3A_2556, %get3A_2560 : vector<16xf32>
    %get3A_2562 = arith.constant 4 : i32
    %get3A_2563 = arith.index_cast %get3A_2562 : i32 to index
    %get3A_2564 = arith.constant 0 : index
    %get3A_2565 = tpu.vector_load %arg14[%get3A_2563, %get3A_2564] {strides = array<i32>} : memref<16x64xf32, #tpu.memory_space<vmem>>, vector<16xf32>,
    %add3A_2566 = arith.addf %add3A_2561, %get3A_2565 : vector<16xf32>
    %get3A_2567 = arith.constant 5 : i32
    %get3A_2568 = arith.index_cast %get3A_2567 : i32 to index
    %get3A_2569 = arith.constant 0 : index
    %get3A_2570 = tpu.vector_load %arg14[%get3A_2568, %get3A_2569] {strides = array<i32>} : memref<16x64xf32, #tpu.memory_space<vmem>>, vector<16xf32>,
    %add3A_2571 = arith.addf %add3A_2566, %get3A_2570 : vector<16xf32>
    %get3A_2572 = arith.constant 6 : i32
    %get3A_2573 = arith.index_cast %get3A_2572 : i32 to index
    %get3A_2574 = arith.constant 0 : index
    %get3A_2575 = tpu.vector_load %arg14[%get3A_2573, %get3A_2574] {strides = array<i32>} : memref<16x64xf32, #tpu.memory_space<vmem>>, vector<16xf32>,
    %add3A_2576 = arith.addf %add3A_2571, %get3A_2575 : vector<16xf32>
    %get3A_2577 = arith.constant 7 : i32
    %get3A_2578 = arith.index_cast %get3A_2577 : i32 to index
    %get3A_2579 = arith.constant 0 : index
    %get3A_2580 = tpu.vector_load %arg14[%get3A_2578, %get3A_2579] {strides = array<i32>} : memref<16x64xf32, #tpu.memory_space<vmem>>, vector<16xf32>,
    %add3A_2581 = arith.addf %add3A_2576, %get3A_2580 : vector<16xf32>
    %get3A_2582 = arith.constant 8 : i32
    %get3A_2583 = arith.index_cast %get3A_2582 : i32 to index
    %get3A_2584 = arith.constant 0 : index
    %get3A_2585 = tpu.vector_load %arg14[%get3A_2583, %get3A_2584] {strides = array<i32>} : memref<16x64xf32, #tpu.memory_space<vmem>>, vector<16xf32>,
    %add3A_2586 = arith.addf %add3A_2581, %get3A_2585 : vector<16xf32>
    %get3A_2587 = arith.constant 9 : i32
    %get3A_2588 = arith.index_cast %get3A_2587 : i32 to index
    %get3A_2589 = arith.constant 0 : index
    %get3A_2590 = tpu.vector_load %arg14[%get3A_2588, %get3A_2589] {strides = array<i32>} : memref<16x64xf32, #tpu.memory_space<vmem>>, vector<16xf32>,
    %add3A_2591 = arith.addf %add3A_2586, %get3A_2590 : vector<16xf32>
    %get3A_2592 = arith.constant 10 : i32
    %get3A_2593 = arith.index_cast %get3A_2592 : i32 to index
    %get3A_2594 = arith.constant 0 : index
    %get3A_2595 = tpu.vector_load %arg14[%get3A_2593, %get3A_2594] {strides = array<i32>} : memref<16x64xf32, #tpu.memory_space<vmem>>, vector<16xf32>,
    %add3A_2596 = arith.addf %add3A_2591, %get3A_2595 : vector<16xf32>
    %get3A_2597 = arith.constant 11 : i32
    %get3A_2598 = arith.index_cast %get3A_2597 : i32 to index
    %get3A_2599 = arith.constant 0 : index
    %get3A_2600 = tpu.vector_load %arg14[%get3A_2598, %get3A_2599] {strides = array<i32>} : memref<16x64xf32, #tpu.memory_space<vmem>>, vector<16xf32>,
    %add3A_2601 = arith.addf %add3A_2596, %get3A_2600 : vector<16xf32>
    %get3A_2602 = arith.constant 12 : i32
    %get3A_2603 = arith.index_cast %get3A_2602 : i32 to index
    %get3A_2604 = arith.constant 0 : index
    %get3A_2605 = tpu.vector_load %arg14[%get3A_2603, %get3A_2604] {strides = array<i32>} : memref<16x64xf32, #tpu.memory_space<vmem>>, vector<16xf32>,
    %add3A_2606 = arith.addf %add3A_2601, %get3A_2605 : vector<16xf32>
    %get3A_2607 = arith.constant 13 : i32
    %get3A_2608 = arith.index_cast %get3A_2607 : i32 to index
    %get3A_2609 = arith.constant 0 : index
    %get3A_2610 = tpu.vector_load %arg14[%get3A_2608, %get3A_2609] {strides = array<i32>} : memref<16x64xf32, #tpu.memory_space<vmem>>, vector<16xf32>,
    %add3A_2611 = arith.addf %add3A_2606, %get3A_2610 : vector<16xf32>
    %get3A_2612 = arith.constant 14 : i32
    %get3A_2613 = arith.index_cast %get3A_2612 : i32 to index
    %get3A_2614 = arith.constant 0 : index
    %get3A_2615 = tpu.vector_load %arg14[%get3A_2613, %get3A_2614] {strides = array<i32>} : memref<16x64xf32, #tpu.memory_space<vmem>>, vector<16xf32>,
    %add3A_2616 = arith.addf %add3A_2611, %get3A_2615 : vector<16xf32>
    %get3A_2617 = arith.constant 15 : i32
    %get3A_2618 = arith.index_cast %get3A_2617 : i32 to index
    %get3A_2619 = arith.constant 0 : index
    %get3A_2620 = tpu.vector_load %arg14[%get3A_2618, %get3A_2619] {strides = array<i32>} : memref<16x64xf32, #tpu.memory_space<vmem>>, vector<16xf32>,
    %add3A_2621 = arith.addf %add3A_2616, %get3A_2620 : vector<16xf32>
    %swap3A_2622 = arith.constant 3 : i32
    %swap3A_2623 = arith.index_cast %swap3A_2622 : i32 to index
    %swap3A_2624 = arith.constant 0 : index
    %swap3A_2625 = tpu.vector_load %arg17[%swap3A_2623, %swap3A_2624] {strides = array<i32>} : memref<6x64xf32, #tpu.memory_space<vmem>>, vector<16xf32>,
    tpu.vector_store %arg17[%swap3A_2623, %swap3A_2624], %add3A_2621 {strides = array<i32>} : memref<6x64xf32, #tpu.memory_space<vmem>>, vector<16xf32>,
    %get3A_2626 = arith.constant 0 : i32
    %get3A_2627 = arith.index_cast %get3A_2626 : i32 to index
    %get3A_2628 = arith.constant 16 : index
    %get3A_2629 = tpu.vector_load %arg14[%get3A_2627, %get3A_2628] {strides = array<i32>} : memref<16x64xf32, #tpu.memory_space<vmem>>, vector<16xf32>,
    %get3A_2630 = arith.constant 1 : i32
    %get3A_2631 = arith.index_cast %get3A_2630 : i32 to index
    %get3A_2632 = arith.constant 16 : index
    %get3A_2633 = tpu.vector_load %arg14[%get3A_2631, %get3A_2632] {strides = array<i32>} : memref<16x64xf32, #tpu.memory_space<vmem>>, vector<16xf32>,
    %add3A_2634 = arith.addf %get3A_2629, %get3A_2633 : vector<16xf32>
    %get3A_2635 = arith.constant 2 : i32
    %get3A_2636 = arith.index_cast %get3A_2635 : i32 to index
    %get3A_2637 = arith.constant 16 : index
    %get3A_2638 = tpu.vector_load %arg14[%get3A_2636, %get3A_2637] {strides = array<i32>} : memref<16x64xf32, #tpu.memory_space<vmem>>, vector<16xf32>,
    %add3A_2639 = arith.addf %add3A_2634, %get3A_2638 : vector<16xf32>
    %get3A_2640 = arith.constant 3 : i32
    %get3A_2641 = arith.index_cast %get3A_2640 : i32 to index
    %get3A_2642 = arith.constant 16 : index
    %get3A_2643 = tpu.vector_load %arg14[%get3A_2641, %get3A_2642] {strides = array<i32>} : memref<16x64xf32, #tpu.memory_space<vmem>>, vector<16xf32>,
    %add3A_2644 = arith.addf %add3A_2639, %get3A_2643 : vector<16xf32>
    %get3A_2645 = arith.constant 4 : i32
    %get3A_2646 = arith.index_cast %get3A_2645 : i32 to index
    %get3A_2647 = arith.constant 16 : index
    %get3A_2648 = tpu.vector_load %arg14[%get3A_2646, %get3A_2647] {strides = array<i32>} : memref<16x64xf32, #tpu.memory_space<vmem>>, vector<16xf32>,
    %add3A_2649 = arith.addf %add3A_2644, %get3A_2648 : vector<16xf32>
    %get3A_2650 = arith.constant 5 : i32
    %get3A_2651 = arith.index_cast %get3A_2650 : i32 to index
    %get3A_2652 = arith.constant 16 : index
    %get3A_2653 = tpu.vector_load %arg14[%get3A_2651, %get3A_2652] {strides = array<i32>} : memref<16x64xf32, #tpu.memory_space<vmem>>, vector<16xf32>,
    %add3A_2654 = arith.addf %add3A_2649, %get3A_2653 : vector<16xf32>
    %get3A_2655 = arith.constant 6 : i32
    %get3A_2656 = arith.index_cast %get3A_2655 : i32 to index
    %get3A_2657 = arith.constant 16 : index
    %get3A_2658 = tpu.vector_load %arg14[%get3A_2656, %get3A_2657] {strides = array<i32>} : memref<16x64xf32, #tpu.memory_space<vmem>>, vector<16xf32>,
    %add3A_2659 = arith.addf %add3A_2654, %get3A_2658 : vector<16xf32>
    %get3A_2660 = arith.constant 7 : i32
    %get3A_2661 = arith.index_cast %get3A_2660 : i32 to index
    %get3A_2662 = arith.constant 16 : index
    %get3A_2663 = tpu.vector_load %arg14[%get3A_2661, %get3A_2662] {strides = array<i32>} : memref<16x64xf32, #tpu.memory_space<vmem>>, vector<16xf32>,
    %add3A_2664 = arith.addf %add3A_2659, %get3A_2663 : vector<16xf32>
    %get3A_2665 = arith.constant 8 : i32
    %get3A_2666 = arith.index_cast %get3A_2665 : i32 to index
    %get3A_2667 = arith.constant 16 : index
    %get3A_2668 = tpu.vector_load %arg14[%get3A_2666, %get3A_2667] {strides = array<i32>} : memref<16x64xf32, #tpu.memory_space<vmem>>, vector<16xf32>,
    %add3A_2669 = arith.addf %add3A_2664, %get3A_2668 : vector<16xf32>
    %get3A_2670 = arith.constant 9 : i32
    %get3A_2671 = arith.index_cast %get3A_2670 : i32 to index
    %get3A_2672 = arith.constant 16 : index
    %get3A_2673 = tpu.vector_load %arg14[%get3A_2671, %get3A_2672] {strides = array<i32>} : memref<16x64xf32, #tpu.memory_space<vmem>>, vector<16xf32>,
    %add3A_2674 = arith.addf %add3A_2669, %get3A_2673 : vector<16xf32>
    %get3A_2675 = arith.constant 10 : i32
    %get3A_2676 = arith.index_cast %get3A_2675 : i32 to index
    %get3A_2677 = arith.constant 16 : index
    %get3A_2678 = tpu.vector_load %arg14[%get3A_2676, %get3A_2677] {strides = array<i32>} : memref<16x64xf32, #tpu.memory_space<vmem>>, vector<16xf32>,
    %add3A_2679 = arith.addf %add3A_2674, %get3A_2678 : vector<16xf32>
    %get3A_2680 = arith.constant 11 : i32
    %get3A_2681 = arith.index_cast %get3A_2680 : i32 to index
    %get3A_2682 = arith.constant 16 : index
    %get3A_2683 = tpu.vector_load %arg14[%get3A_2681, %get3A_2682] {strides = array<i32>} : memref<16x64xf32, #tpu.memory_space<vmem>>, vector<16xf32>,
    %add3A_2684 = arith.addf %add3A_2679, %get3A_2683 : vector<16xf32>
    %get3A_2685 = arith.constant 12 : i32
    %get3A_2686 = arith.index_cast %get3A_2685 : i32 to index
    %get3A_2687 = arith.constant 16 : index
    %get3A_2688 = tpu.vector_load %arg14[%get3A_2686, %get3A_2687] {strides = array<i32>} : memref<16x64xf32, #tpu.memory_space<vmem>>, vector<16xf32>,
    %add3A_2689 = arith.addf %add3A_2684, %get3A_2688 : vector<16xf32>
    %get3A_2690 = arith.constant 13 : i32
    %get3A_2691 = arith.index_cast %get3A_2690 : i32 to index
    %get3A_2692 = arith.constant 16 : index
    %get3A_2693 = tpu.vector_load %arg14[%get3A_2691, %get3A_2692] {strides = array<i32>} : memref<16x64xf32, #tpu.memory_space<vmem>>, vector<16xf32>,
    %add3A_2694 = arith.addf %add3A_2689, %get3A_2693 : vector<16xf32>
    %get3A_2695 = arith.constant 14 : i32
    %get3A_2696 = arith.index_cast %get3A_2695 : i32 to index
    %get3A_2697 = arith.constant 16 : index
    %get3A_2698 = tpu.vector_load %arg14[%get3A_2696, %get3A_2697] {strides = array<i32>} : memref<16x64xf32, #tpu.memory_space<vmem>>, vector<16xf32>,
    %add3A_2699 = arith.addf %add3A_2694, %get3A_2698 : vector<16xf32>
    %get3A_2700 = arith.constant 15 : i32
    %get3A_2701 = arith.index_cast %get3A_2700 : i32 to index
    %get3A_2702 = arith.constant 16 : index
    %get3A_2703 = tpu.vector_load %arg14[%get3A_2701, %get3A_2702] {strides = array<i32>} : memref<16x64xf32, #tpu.memory_space<vmem>>, vector<16xf32>,
    %add3A_2704 = arith.addf %add3A_2699, %get3A_2703 : vector<16xf32>
    %swap3A_2705 = arith.constant 3 : i32
    %swap3A_2706 = arith.index_cast %swap3A_2705 : i32 to index
    %swap3A_2707 = arith.constant 16 : index
    %swap3A_2708 = tpu.vector_load %arg17[%swap3A_2706, %swap3A_2707] {strides = array<i32>} : memref<6x64xf32, #tpu.memory_space<vmem>>, vector<16xf32>,
    tpu.vector_store %arg17[%swap3A_2706, %swap3A_2707], %add3A_2704 {strides = array<i32>} : memref<6x64xf32, #tpu.memory_space<vmem>>, vector<16xf32>,
    %get3A_2709 = arith.constant 0 : i32
    %get3A_2710 = arith.index_cast %get3A_2709 : i32 to index
    %get3A_2711 = arith.constant 32 : index
    %get3A_2712 = tpu.vector_load %arg14[%get3A_2710, %get3A_2711] {strides = array<i32>} : memref<16x64xf32, #tpu.memory_space<vmem>>, vector<16xf32>,
    %get3A_2713 = arith.constant 1 : i32
    %get3A_2714 = arith.index_cast %get3A_2713 : i32 to index
    %get3A_2715 = arith.constant 32 : index
    %get3A_2716 = tpu.vector_load %arg14[%get3A_2714, %get3A_2715] {strides = array<i32>} : memref<16x64xf32, #tpu.memory_space<vmem>>, vector<16xf32>,
    %add3A_2717 = arith.addf %get3A_2712, %get3A_2716 : vector<16xf32>
    %get3A_2718 = arith.constant 2 : i32
    %get3A_2719 = arith.index_cast %get3A_2718 : i32 to index
    %get3A_2720 = arith.constant 32 : index
    %get3A_2721 = tpu.vector_load %arg14[%get3A_2719, %get3A_2720] {strides = array<i32>} : memref<16x64xf32, #tpu.memory_space<vmem>>, vector<16xf32>,
    %add3A_2722 = arith.addf %add3A_2717, %get3A_2721 : vector<16xf32>
    %get3A_2723 = arith.constant 3 : i32
    %get3A_2724 = arith.index_cast %get3A_2723 : i32 to index
    %get3A_2725 = arith.constant 32 : index
    %get3A_2726 = tpu.vector_load %arg14[%get3A_2724, %get3A_2725] {strides = array<i32>} : memref<16x64xf32, #tpu.memory_space<vmem>>, vector<16xf32>,
    %add3A_2727 = arith.addf %add3A_2722, %get3A_2726 : vector<16xf32>
    %get3A_2728 = arith.constant 4 : i32
    %get3A_2729 = arith.index_cast %get3A_2728 : i32 to index
    %get3A_2730 = arith.constant 32 : index
    %get3A_2731 = tpu.vector_load %arg14[%get3A_2729, %get3A_2730] {strides = array<i32>} : memref<16x64xf32, #tpu.memory_space<vmem>>, vector<16xf32>,
    %add3A_2732 = arith.addf %add3A_2727, %get3A_2731 : vector<16xf32>
    %get3A_2733 = arith.constant 5 : i32
    %get3A_2734 = arith.index_cast %get3A_2733 : i32 to index
    %get3A_2735 = arith.constant 32 : index
    %get3A_2736 = tpu.vector_load %arg14[%get3A_2734, %get3A_2735] {strides = array<i32>} : memref<16x64xf32, #tpu.memory_space<vmem>>, vector<16xf32>,
    %add3A_2737 = arith.addf %add3A_2732, %get3A_2736 : vector<16xf32>
    %get3A_2738 = arith.constant 6 : i32
    %get3A_2739 = arith.index_cast %get3A_2738 : i32 to index
    %get3A_2740 = arith.constant 32 : index
    %get3A_2741 = tpu.vector_load %arg14[%get3A_2739, %get3A_2740] {strides = array<i32>} : memref<16x64xf32, #tpu.memory_space<vmem>>, vector<16xf32>,
    %add3A_2742 = arith.addf %add3A_2737, %get3A_2741 : vector<16xf32>
    %get3A_2743 = arith.constant 7 : i32
    %get3A_2744 = arith.index_cast %get3A_2743 : i32 to index
    %get3A_2745 = arith.constant 32 : index
    %get3A_2746 = tpu.vector_load %arg14[%get3A_2744, %get3A_2745] {strides = array<i32>} : memref<16x64xf32, #tpu.memory_space<vmem>>, vector<16xf32>,
    %add3A_2747 = arith.addf %add3A_2742, %get3A_2746 : vector<16xf32>
    %get3A_2748 = arith.constant 8 : i32
    %get3A_2749 = arith.index_cast %get3A_2748 : i32 to index
    %get3A_2750 = arith.constant 32 : index
    %get3A_2751 = tpu.vector_load %arg14[%get3A_2749, %get3A_2750] {strides = array<i32>} : memref<16x64xf32, #tpu.memory_space<vmem>>, vector<16xf32>,
    %add3A_2752 = arith.addf %add3A_2747, %get3A_2751 : vector<16xf32>
    %get3A_2753 = arith.constant 9 : i32
    %get3A_2754 = arith.index_cast %get3A_2753 : i32 to index
    %get3A_2755 = arith.constant 32 : index
    %get3A_2756 = tpu.vector_load %arg14[%get3A_2754, %get3A_2755] {strides = array<i32>} : memref<16x64xf32, #tpu.memory_space<vmem>>, vector<16xf32>,
    %add3A_2757 = arith.addf %add3A_2752, %get3A_2756 : vector<16xf32>
    %get3A_2758 = arith.constant 10 : i32
    %get3A_2759 = arith.index_cast %get3A_2758 : i32 to index
    %get3A_2760 = arith.constant 32 : index
    %get3A_2761 = tpu.vector_load %arg14[%get3A_2759, %get3A_2760] {strides = array<i32>} : memref<16x64xf32, #tpu.memory_space<vmem>>, vector<16xf32>,
    %add3A_2762 = arith.addf %add3A_2757, %get3A_2761 : vector<16xf32>
    %get3A_2763 = arith.constant 11 : i32
    %get3A_2764 = arith.index_cast %get3A_2763 : i32 to index
    %get3A_2765 = arith.constant 32 : index
    %get3A_2766 = tpu.vector_load %arg14[%get3A_2764, %get3A_2765] {strides = array<i32>} : memref<16x64xf32, #tpu.memory_space<vmem>>, vector<16xf32>,
    %add3A_2767 = arith.addf %add3A_2762, %get3A_2766 : vector<16xf32>
    %get3A_2768 = arith.constant 12 : i32
    %get3A_2769 = arith.index_cast %get3A_2768 : i32 to index
    %get3A_2770 = arith.constant 32 : index
    %get3A_2771 = tpu.vector_load %arg14[%get3A_2769, %get3A_2770] {strides = array<i32>} : memref<16x64xf32, #tpu.memory_space<vmem>>, vector<16xf32>,
    %add3A_2772 = arith.addf %add3A_2767, %get3A_2771 : vector<16xf32>
    %get3A_2773 = arith.constant 13 : i32
    %get3A_2774 = arith.index_cast %get3A_2773 : i32 to index
    %get3A_2775 = arith.constant 32 : index
    %get3A_2776 = tpu.vector_load %arg14[%get3A_2774, %get3A_2775] {strides = array<i32>} : memref<16x64xf32, #tpu.memory_space<vmem>>, vector<16xf32>,
    %add3A_2777 = arith.addf %add3A_2772, %get3A_2776 : vector<16xf32>
    %get3A_2778 = arith.constant 14 : i32
    %get3A_2779 = arith.index_cast %get3A_2778 : i32 to index
    %get3A_2780 = arith.constant 32 : index
    %get3A_2781 = tpu.vector_load %arg14[%get3A_2779, %get3A_2780] {strides = array<i32>} : memref<16x64xf32, #tpu.memory_space<vmem>>, vector<16xf32>,
    %add3A_2782 = arith.addf %add3A_2777, %get3A_2781 : vector<16xf32>
    %get3A_2783 = arith.constant 15 : i32
    %get3A_2784 = arith.index_cast %get3A_2783 : i32 to index
    %get3A_2785 = arith.constant 32 : index
    %get3A_2786 = tpu.vector_load %arg14[%get3A_2784, %get3A_2785] {strides = array<i32>} : memref<16x64xf32, #tpu.memory_space<vmem>>, vector<16xf32>,
    %add3A_2787 = arith.addf %add3A_2782, %get3A_2786 : vector<16xf32>
    %swap3A_2788 = arith.constant 3 : i32
    %swap3A_2789 = arith.index_cast %swap3A_2788 : i32 to index
    %swap3A_2790 = arith.constant 32 : index
    %swap3A_2791 = tpu.vector_load %arg17[%swap3A_2789, %swap3A_2790] {strides = array<i32>} : memref<6x64xf32, #tpu.memory_space<vmem>>, vector<16xf32>,
    tpu.vector_store %arg17[%swap3A_2789, %swap3A_2790], %add3A_2787 {strides = array<i32>} : memref<6x64xf32, #tpu.memory_space<vmem>>, vector<16xf32>,
    %get3A_2792 = arith.constant 0 : i32
    %get3A_2793 = arith.index_cast %get3A_2792 : i32 to index
    %get3A_2794 = arith.constant 48 : index
    %get3A_2795 = tpu.vector_load %arg14[%get3A_2793, %get3A_2794] {strides = array<i32>} : memref<16x64xf32, #tpu.memory_space<vmem>>, vector<16xf32>,
    %get3A_2796 = arith.constant 1 : i32
    %get3A_2797 = arith.index_cast %get3A_2796 : i32 to index
    %get3A_2798 = arith.constant 48 : index
    %get3A_2799 = tpu.vector_load %arg14[%get3A_2797, %get3A_2798] {strides = array<i32>} : memref<16x64xf32, #tpu.memory_space<vmem>>, vector<16xf32>,
    %add3A_2800 = arith.addf %get3A_2795, %get3A_2799 : vector<16xf32>
    %get3A_2801 = arith.constant 2 : i32
    %get3A_2802 = arith.index_cast %get3A_2801 : i32 to index
    %get3A_2803 = arith.constant 48 : index
    %get3A_2804 = tpu.vector_load %arg14[%get3A_2802, %get3A_2803] {strides = array<i32>} : memref<16x64xf32, #tpu.memory_space<vmem>>, vector<16xf32>,
    %add3A_2805 = arith.addf %add3A_2800, %get3A_2804 : vector<16xf32>
    %get3A_2806 = arith.constant 3 : i32
    %get3A_2807 = arith.index_cast %get3A_2806 : i32 to index
    %get3A_2808 = arith.constant 48 : index
    %get3A_2809 = tpu.vector_load %arg14[%get3A_2807, %get3A_2808] {strides = array<i32>} : memref<16x64xf32, #tpu.memory_space<vmem>>, vector<16xf32>,
    %add3A_2810 = arith.addf %add3A_2805, %get3A_2809 : vector<16xf32>
    %get3A_2811 = arith.constant 4 : i32
    %get3A_2812 = arith.index_cast %get3A_2811 : i32 to index
    %get3A_2813 = arith.constant 48 : index
    %get3A_2814 = tpu.vector_load %arg14[%get3A_2812, %get3A_2813] {strides = array<i32>} : memref<16x64xf32, #tpu.memory_space<vmem>>, vector<16xf32>,
    %add3A_2815 = arith.addf %add3A_2810, %get3A_2814 : vector<16xf32>
    %get3A_2816 = arith.constant 5 : i32
    %get3A_2817 = arith.index_cast %get3A_2816 : i32 to index
    %get3A_2818 = arith.constant 48 : index
    %get3A_2819 = tpu.vector_load %arg14[%get3A_2817, %get3A_2818] {strides = array<i32>} : memref<16x64xf32, #tpu.memory_space<vmem>>, vector<16xf32>,
    %add3A_2820 = arith.addf %add3A_2815, %get3A_2819 : vector<16xf32>
    %get3A_2821 = arith.constant 6 : i32
    %get3A_2822 = arith.index_cast %get3A_2821 : i32 to index
    %get3A_2823 = arith.constant 48 : index
    %get3A_2824 = tpu.vector_load %arg14[%get3A_2822, %get3A_2823] {strides = array<i32>} : memref<16x64xf32, #tpu.memory_space<vmem>>, vector<16xf32>,
    %add3A_2825 = arith.addf %add3A_2820, %get3A_2824 : vector<16xf32>
    %get3A_2826 = arith.constant 7 : i32
    %get3A_2827 = arith.index_cast %get3A_2826 : i32 to index
    %get3A_2828 = arith.constant 48 : index
    %get3A_2829 = tpu.vector_load %arg14[%get3A_2827, %get3A_2828] {strides = array<i32>} : memref<16x64xf32, #tpu.memory_space<vmem>>, vector<16xf32>,
    %add3A_2830 = arith.addf %add3A_2825, %get3A_2829 : vector<16xf32>
    %get3A_2831 = arith.constant 8 : i32
    %get3A_2832 = arith.index_cast %get3A_2831 : i32 to index
    %get3A_2833 = arith.constant 48 : index
    %get3A_2834 = tpu.vector_load %arg14[%get3A_2832, %get3A_2833] {strides = array<i32>} : memref<16x64xf32, #tpu.memory_space<vmem>>, vector<16xf32>,
    %add3A_2835 = arith.addf %add3A_2830, %get3A_2834 : vector<16xf32>
    %get3A_2836 = arith.constant 9 : i32
    %get3A_2837 = arith.index_cast %get3A_2836 : i32 to index
    %get3A_2838 = arith.constant 48 : index
    %get3A_2839 = tpu.vector_load %arg14[%get3A_2837, %get3A_2838] {strides = array<i32>} : memref<16x64xf32, #tpu.memory_space<vmem>>, vector<16xf32>,
    %add3A_2840 = arith.addf %add3A_2835, %get3A_2839 : vector<16xf32>
    %get3A_2841 = arith.constant 10 : i32
    %get3A_2842 = arith.index_cast %get3A_2841 : i32 to index
    %get3A_2843 = arith.constant 48 : index
    %get3A_2844 = tpu.vector_load %arg14[%get3A_2842, %get3A_2843] {strides = array<i32>} : memref<16x64xf32, #tpu.memory_space<vmem>>, vector<16xf32>,
    %add3A_2845 = arith.addf %add3A_2840, %get3A_2844 : vector<16xf32>
    %get3A_2846 = arith.constant 11 : i32
    %get3A_2847 = arith.index_cast %get3A_2846 : i32 to index
    %get3A_2848 = arith.constant 48 : index
    %get3A_2849 = tpu.vector_load %arg14[%get3A_2847, %get3A_2848] {strides = array<i32>} : memref<16x64xf32, #tpu.memory_space<vmem>>, vector<16xf32>,
    %add3A_2850 = arith.addf %add3A_2845, %get3A_2849 : vector<16xf32>
    %get3A_2851 = arith.constant 12 : i32
    %get3A_2852 = arith.index_cast %get3A_2851 : i32 to index
    %get3A_2853 = arith.constant 48 : index
    %get3A_2854 = tpu.vector_load %arg14[%get3A_2852, %get3A_2853] {strides = array<i32>} : memref<16x64xf32, #tpu.memory_space<vmem>>, vector<16xf32>,
    %add3A_2855 = arith.addf %add3A_2850, %get3A_2854 : vector<16xf32>
    %get3A_2856 = arith.constant 13 : i32
    %get3A_2857 = arith.index_cast %get3A_2856 : i32 to index
    %get3A_2858 = arith.constant 48 : index
    %get3A_2859 = tpu.vector_load %arg14[%get3A_2857, %get3A_2858] {strides = array<i32>} : memref<16x64xf32, #tpu.memory_space<vmem>>, vector<16xf32>,
    %add3A_2860 = arith.addf %add3A_2855, %get3A_2859 : vector<16xf32>
    %get3A_2861 = arith.constant 14 : i32
    %get3A_2862 = arith.index_cast %get3A_2861 : i32 to index
    %get3A_2863 = arith.constant 48 : index
    %get3A_2864 = tpu.vector_load %arg14[%get3A_2862, %get3A_2863] {strides = array<i32>} : memref<16x64xf32, #tpu.memory_space<vmem>>, vector<16xf32>,
    %add3A_2865 = arith.addf %add3A_2860, %get3A_2864 : vector<16xf32>
    %get3A_2866 = arith.constant 15 : i32
    %get3A_2867 = arith.index_cast %get3A_2866 : i32 to index
    %get3A_2868 = arith.constant 48 : index
    %get3A_2869 = tpu.vector_load %arg14[%get3A_2867, %get3A_2868] {strides = array<i32>} : memref<16x64xf32, #tpu.memory_space<vmem>>, vector<16xf32>,
    %add3A_2870 = arith.addf %add3A_2865, %get3A_2869 : vector<16xf32>
    %swap3A_2871 = arith.constant 3 : i32
    %swap3A_2872 = arith.index_cast %swap3A_2871 : i32 to index
    %swap3A_2873 = arith.constant 48 : index
    %swap3A_2874 = tpu.vector_load %arg17[%swap3A_2872, %swap3A_2873] {strides = array<i32>} : memref<6x64xf32, #tpu.memory_space<vmem>>, vector<16xf32>,
    tpu.vector_store %arg17[%swap3A_2872, %swap3A_2873], %add3A_2870 {strides = array<i32>} : memref<6x64xf32, #tpu.memory_space<vmem>>, vector<16xf32>,
    %get3A_2875 = arith.constant 0 : i32
    %get3A_2876 = arith.index_cast %get3A_2875 : i32 to index
    %get3A_2877 = arith.constant 0 : index
    %get3A_2878 = tpu.vector_load %arg15[%get3A_2876, %get3A_2877] {strides = array<i32>} : memref<16x64xf32, #tpu.memory_space<vmem>>, vector<16xf32>,
    %get3A_2879 = arith.constant 1 : i32
    %get3A_2880 = arith.index_cast %get3A_2879 : i32 to index
    %get3A_2881 = arith.constant 0 : index
    %get3A_2882 = tpu.vector_load %arg15[%get3A_2880, %get3A_2881] {strides = array<i32>} : memref<16x64xf32, #tpu.memory_space<vmem>>, vector<16xf32>,
    %add3A_2883 = arith.addf %get3A_2878, %get3A_2882 : vector<16xf32>
    %get3A_2884 = arith.constant 2 : i32
    %get3A_2885 = arith.index_cast %get3A_2884 : i32 to index
    %get3A_2886 = arith.constant 0 : index
    %get3A_2887 = tpu.vector_load %arg15[%get3A_2885, %get3A_2886] {strides = array<i32>} : memref<16x64xf32, #tpu.memory_space<vmem>>, vector<16xf32>,
    %add3A_2888 = arith.addf %add3A_2883, %get3A_2887 : vector<16xf32>
    %get3A_2889 = arith.constant 3 : i32
    %get3A_2890 = arith.index_cast %get3A_2889 : i32 to index
    %get3A_2891 = arith.constant 0 : index
    %get3A_2892 = tpu.vector_load %arg15[%get3A_2890, %get3A_2891] {strides = array<i32>} : memref<16x64xf32, #tpu.memory_space<vmem>>, vector<16xf32>,
    %add3A_2893 = arith.addf %add3A_2888, %get3A_2892 : vector<16xf32>
    %get3A_2894 = arith.constant 4 : i32
    %get3A_2895 = arith.index_cast %get3A_2894 : i32 to index
    %get3A_2896 = arith.constant 0 : index
    %get3A_2897 = tpu.vector_load %arg15[%get3A_2895, %get3A_2896] {strides = array<i32>} : memref<16x64xf32, #tpu.memory_space<vmem>>, vector<16xf32>,
    %add3A_2898 = arith.addf %add3A_2893, %get3A_2897 : vector<16xf32>
    %get3A_2899 = arith.constant 5 : i32
    %get3A_2900 = arith.index_cast %get3A_2899 : i32 to index
    %get3A_2901 = arith.constant 0 : index
    %get3A_2902 = tpu.vector_load %arg15[%get3A_2900, %get3A_2901] {strides = array<i32>} : memref<16x64xf32, #tpu.memory_space<vmem>>, vector<16xf32>,
    %add3A_2903 = arith.addf %add3A_2898, %get3A_2902 : vector<16xf32>
    %get3A_2904 = arith.constant 6 : i32
    %get3A_2905 = arith.index_cast %get3A_2904 : i32 to index
    %get3A_2906 = arith.constant 0 : index
    %get3A_2907 = tpu.vector_load %arg15[%get3A_2905, %get3A_2906] {strides = array<i32>} : memref<16x64xf32, #tpu.memory_space<vmem>>, vector<16xf32>,
    %add3A_2908 = arith.addf %add3A_2903, %get3A_2907 : vector<16xf32>
    %get3A_2909 = arith.constant 7 : i32
    %get3A_2910 = arith.index_cast %get3A_2909 : i32 to index
    %get3A_2911 = arith.constant 0 : index
    %get3A_2912 = tpu.vector_load %arg15[%get3A_2910, %get3A_2911] {strides = array<i32>} : memref<16x64xf32, #tpu.memory_space<vmem>>, vector<16xf32>,
    %add3A_2913 = arith.addf %add3A_2908, %get3A_2912 : vector<16xf32>
    %get3A_2914 = arith.constant 8 : i32
    %get3A_2915 = arith.index_cast %get3A_2914 : i32 to index
    %get3A_2916 = arith.constant 0 : index
    %get3A_2917 = tpu.vector_load %arg15[%get3A_2915, %get3A_2916] {strides = array<i32>} : memref<16x64xf32, #tpu.memory_space<vmem>>, vector<16xf32>,
    %add3A_2918 = arith.addf %add3A_2913, %get3A_2917 : vector<16xf32>
    %get3A_2919 = arith.constant 9 : i32
    %get3A_2920 = arith.index_cast %get3A_2919 : i32 to index
    %get3A_2921 = arith.constant 0 : index
    %get3A_2922 = tpu.vector_load %arg15[%get3A_2920, %get3A_2921] {strides = array<i32>} : memref<16x64xf32, #tpu.memory_space<vmem>>, vector<16xf32>,
    %add3A_2923 = arith.addf %add3A_2918, %get3A_2922 : vector<16xf32>
    %get3A_2924 = arith.constant 10 : i32
    %get3A_2925 = arith.index_cast %get3A_2924 : i32 to index
    %get3A_2926 = arith.constant 0 : index
    %get3A_2927 = tpu.vector_load %arg15[%get3A_2925, %get3A_2926] {strides = array<i32>} : memref<16x64xf32, #tpu.memory_space<vmem>>, vector<16xf32>,
    %add3A_2928 = arith.addf %add3A_2923, %get3A_2927 : vector<16xf32>
    %get3A_2929 = arith.constant 11 : i32
    %get3A_2930 = arith.index_cast %get3A_2929 : i32 to index
    %get3A_2931 = arith.constant 0 : index
    %get3A_2932 = tpu.vector_load %arg15[%get3A_2930, %get3A_2931] {strides = array<i32>} : memref<16x64xf32, #tpu.memory_space<vmem>>, vector<16xf32>,
    %add3A_2933 = arith.addf %add3A_2928, %get3A_2932 : vector<16xf32>
    %get3A_2934 = arith.constant 12 : i32
    %get3A_2935 = arith.index_cast %get3A_2934 : i32 to index
    %get3A_2936 = arith.constant 0 : index
    %get3A_2937 = tpu.vector_load %arg15[%get3A_2935, %get3A_2936] {strides = array<i32>} : memref<16x64xf32, #tpu.memory_space<vmem>>, vector<16xf32>,
    %add3A_2938 = arith.addf %add3A_2933, %get3A_2937 : vector<16xf32>
    %get3A_2939 = arith.constant 13 : i32
    %get3A_2940 = arith.index_cast %get3A_2939 : i32 to index
    %get3A_2941 = arith.constant 0 : index
    %get3A_2942 = tpu.vector_load %arg15[%get3A_2940, %get3A_2941] {strides = array<i32>} : memref<16x64xf32, #tpu.memory_space<vmem>>, vector<16xf32>,
    %add3A_2943 = arith.addf %add3A_2938, %get3A_2942 : vector<16xf32>
    %get3A_2944 = arith.constant 14 : i32
    %get3A_2945 = arith.index_cast %get3A_2944 : i32 to index
    %get3A_2946 = arith.constant 0 : index
    %get3A_2947 = tpu.vector_load %arg15[%get3A_2945, %get3A_2946] {strides = array<i32>} : memref<16x64xf32, #tpu.memory_space<vmem>>, vector<16xf32>,
    %add3A_2948 = arith.addf %add3A_2943, %get3A_2947 : vector<16xf32>
    %get3A_2949 = arith.constant 15 : i32
    %get3A_2950 = arith.index_cast %get3A_2949 : i32 to index
    %get3A_2951 = arith.constant 0 : index
    %get3A_2952 = tpu.vector_load %arg15[%get3A_2950, %get3A_2951] {strides = array<i32>} : memref<16x64xf32, #tpu.memory_space<vmem>>, vector<16xf32>,
    %add3A_2953 = arith.addf %add3A_2948, %get3A_2952 : vector<16xf32>
    %swap3A_2954 = arith.constant 4 : i32
    %swap3A_2955 = arith.index_cast %swap3A_2954 : i32 to index
    %swap3A_2956 = arith.constant 0 : index
    %swap3A_2957 = tpu.vector_load %arg17[%swap3A_2955, %swap3A_2956] {strides = array<i32>} : memref<6x64xf32, #tpu.memory_space<vmem>>, vector<16xf32>,
    tpu.vector_store %arg17[%swap3A_2955, %swap3A_2956], %add3A_2953 {strides = array<i32>} : memref<6x64xf32, #tpu.memory_space<vmem>>, vector<16xf32>,
    %get3A_2958 = arith.constant 0 : i32
    %get3A_2959 = arith.index_cast %get3A_2958 : i32 to index
    %get3A_2960 = arith.constant 16 : index
    %get3A_2961 = tpu.vector_load %arg15[%get3A_2959, %get3A_2960] {strides = array<i32>} : memref<16x64xf32, #tpu.memory_space<vmem>>, vector<16xf32>,
    %get3A_2962 = arith.constant 1 : i32
    %get3A_2963 = arith.index_cast %get3A_2962 : i32 to index
    %get3A_2964 = arith.constant 16 : index
    %get3A_2965 = tpu.vector_load %arg15[%get3A_2963, %get3A_2964] {strides = array<i32>} : memref<16x64xf32, #tpu.memory_space<vmem>>, vector<16xf32>,
    %add3A_2966 = arith.addf %get3A_2961, %get3A_2965 : vector<16xf32>
    %get3A_2967 = arith.constant 2 : i32
    %get3A_2968 = arith.index_cast %get3A_2967 : i32 to index
    %get3A_2969 = arith.constant 16 : index
    %get3A_2970 = tpu.vector_load %arg15[%get3A_2968, %get3A_2969] {strides = array<i32>} : memref<16x64xf32, #tpu.memory_space<vmem>>, vector<16xf32>,
    %add3A_2971 = arith.addf %add3A_2966, %get3A_2970 : vector<16xf32>
    %get3A_2972 = arith.constant 3 : i32
    %get3A_2973 = arith.index_cast %get3A_2972 : i32 to index
    %get3A_2974 = arith.constant 16 : index
    %get3A_2975 = tpu.vector_load %arg15[%get3A_2973, %get3A_2974] {strides = array<i32>} : memref<16x64xf32, #tpu.memory_space<vmem>>, vector<16xf32>,
    %add3A_2976 = arith.addf %add3A_2971, %get3A_2975 : vector<16xf32>
    %get3A_2977 = arith.constant 4 : i32
    %get3A_2978 = arith.index_cast %get3A_2977 : i32 to index
    %get3A_2979 = arith.constant 16 : index
    %get3A_2980 = tpu.vector_load %arg15[%get3A_2978, %get3A_2979] {strides = array<i32>} : memref<16x64xf32, #tpu.memory_space<vmem>>, vector<16xf32>,
    %add3A_2981 = arith.addf %add3A_2976, %get3A_2980 : vector<16xf32>
    %get3A_2982 = arith.constant 5 : i32
    %get3A_2983 = arith.index_cast %get3A_2982 : i32 to index
    %get3A_2984 = arith.constant 16 : index
    %get3A_2985 = tpu.vector_load %arg15[%get3A_2983, %get3A_2984] {strides = array<i32>} : memref<16x64xf32, #tpu.memory_space<vmem>>, vector<16xf32>,
    %add3A_2986 = arith.addf %add3A_2981, %get3A_2985 : vector<16xf32>
    %get3A_2987 = arith.constant 6 : i32
    %get3A_2988 = arith.index_cast %get3A_2987 : i32 to index
    %get3A_2989 = arith.constant 16 : index
    %get3A_2990 = tpu.vector_load %arg15[%get3A_2988, %get3A_2989] {strides = array<i32>} : memref<16x64xf32, #tpu.memory_space<vmem>>, vector<16xf32>,
    %add3A_2991 = arith.addf %add3A_2986, %get3A_2990 : vector<16xf32>
    %get3A_2992 = arith.constant 7 : i32
    %get3A_2993 = arith.index_cast %get3A_2992 : i32 to index
    %get3A_2994 = arith.constant 16 : index
    %get3A_2995 = tpu.vector_load %arg15[%get3A_2993, %get3A_2994] {strides = array<i32>} : memref<16x64xf32, #tpu.memory_space<vmem>>, vector<16xf32>,
    %add3A_2996 = arith.addf %add3A_2991, %get3A_2995 : vector<16xf32>
    %get3A_2997 = arith.constant 8 : i32
    %get3A_2998 = arith.index_cast %get3A_2997 : i32 to index
    %get3A_2999 = arith.constant 16 : index
    %get3A_3000 = tpu.vector_load %arg15[%get3A_2998, %get3A_2999] {strides = array<i32>} : memref<16x64xf32, #tpu.memory_space<vmem>>, vector<16xf32>,
    %add3A_3001 = arith.addf %add3A_2996, %get3A_3000 : vector<16xf32>
    %get3A_3002 = arith.constant 9 : i32
    %get3A_3003 = arith.index_cast %get3A_3002 : i32 to index
    %get3A_3004 = arith.constant 16 : index
    %get3A_3005 = tpu.vector_load %arg15[%get3A_3003, %get3A_3004] {strides = array<i32>} : memref<16x64xf32, #tpu.memory_space<vmem>>, vector<16xf32>,
    %add3A_3006 = arith.addf %add3A_3001, %get3A_3005 : vector<16xf32>
    %get3A_3007 = arith.constant 10 : i32
    %get3A_3008 = arith.index_cast %get3A_3007 : i32 to index
    %get3A_3009 = arith.constant 16 : index
    %get3A_3010 = tpu.vector_load %arg15[%get3A_3008, %get3A_3009] {strides = array<i32>} : memref<16x64xf32, #tpu.memory_space<vmem>>, vector<16xf32>,
    %add3A_3011 = arith.addf %add3A_3006, %get3A_3010 : vector<16xf32>
    %get3A_3012 = arith.constant 11 : i32
    %get3A_3013 = arith.index_cast %get3A_3012 : i32 to index
    %get3A_3014 = arith.constant 16 : index
    %get3A_3015 = tpu.vector_load %arg15[%get3A_3013, %get3A_3014] {strides = array<i32>} : memref<16x64xf32, #tpu.memory_space<vmem>>, vector<16xf32>,
    %add3A_3016 = arith.addf %add3A_3011, %get3A_3015 : vector<16xf32>
    %get3A_3017 = arith.constant 12 : i32
    %get3A_3018 = arith.index_cast %get3A_3017 : i32 to index
    %get3A_3019 = arith.constant 16 : index
    %get3A_3020 = tpu.vector_load %arg15[%get3A_3018, %get3A_3019] {strides = array<i32>} : memref<16x64xf32, #tpu.memory_space<vmem>>, vector<16xf32>,
    %add3A_3021 = arith.addf %add3A_3016, %get3A_3020 : vector<16xf32>
    %get3A_3022 = arith.constant 13 : i32
    %get3A_3023 = arith.index_cast %get3A_3022 : i32 to index
    %get3A_3024 = arith.constant 16 : index
    %get3A_3025 = tpu.vector_load %arg15[%get3A_3023, %get3A_3024] {strides = array<i32>} : memref<16x64xf32, #tpu.memory_space<vmem>>, vector<16xf32>,
    %add3A_3026 = arith.addf %add3A_3021, %get3A_3025 : vector<16xf32>
    %get3A_3027 = arith.constant 14 : i32
    %get3A_3028 = arith.index_cast %get3A_3027 : i32 to index
    %get3A_3029 = arith.constant 16 : index
    %get3A_3030 = tpu.vector_load %arg15[%get3A_3028, %get3A_3029] {strides = array<i32>} : memref<16x64xf32, #tpu.memory_space<vmem>>, vector<16xf32>,
    %add3A_3031 = arith.addf %add3A_3026, %get3A_3030 : vector<16xf32>
    %get3A_3032 = arith.constant 15 : i32
    %get3A_3033 = arith.index_cast %get3A_3032 : i32 to index
    %get3A_3034 = arith.constant 16 : index
    %get3A_3035 = tpu.vector_load %arg15[%get3A_3033, %get3A_3034] {strides = array<i32>} : memref<16x64xf32, #tpu.memory_space<vmem>>, vector<16xf32>,
    %add3A_3036 = arith.addf %add3A_3031, %get3A_3035 : vector<16xf32>
    %swap3A_3037 = arith.constant 4 : i32
    %swap3A_3038 = arith.index_cast %swap3A_3037 : i32 to index
    %swap3A_3039 = arith.constant 16 : index
    %swap3A_3040 = tpu.vector_load %arg17[%swap3A_3038, %swap3A_3039] {strides = array<i32>} : memref<6x64xf32, #tpu.memory_space<vmem>>, vector<16xf32>,
    tpu.vector_store %arg17[%swap3A_3038, %swap3A_3039], %add3A_3036 {strides = array<i32>} : memref<6x64xf32, #tpu.memory_space<vmem>>, vector<16xf32>,
    %get3A_3041 = arith.constant 0 : i32
    %get3A_3042 = arith.index_cast %get3A_3041 : i32 to index
    %get3A_3043 = arith.constant 32 : index
    %get3A_3044 = tpu.vector_load %arg15[%get3A_3042, %get3A_3043] {strides = array<i32>} : memref<16x64xf32, #tpu.memory_space<vmem>>, vector<16xf32>,
    %get3A_3045 = arith.constant 1 : i32
    %get3A_3046 = arith.index_cast %get3A_3045 : i32 to index
    %get3A_3047 = arith.constant 32 : index
    %get3A_3048 = tpu.vector_load %arg15[%get3A_3046, %get3A_3047] {strides = array<i32>} : memref<16x64xf32, #tpu.memory_space<vmem>>, vector<16xf32>,
    %add3A_3049 = arith.addf %get3A_3044, %get3A_3048 : vector<16xf32>
    %get3A_3050 = arith.constant 2 : i32
    %get3A_3051 = arith.index_cast %get3A_3050 : i32 to index
    %get3A_3052 = arith.constant 32 : index
    %get3A_3053 = tpu.vector_load %arg15[%get3A_3051, %get3A_3052] {strides = array<i32>} : memref<16x64xf32, #tpu.memory_space<vmem>>, vector<16xf32>,
    %add3A_3054 = arith.addf %add3A_3049, %get3A_3053 : vector<16xf32>
    %get3A_3055 = arith.constant 3 : i32
    %get3A_3056 = arith.index_cast %get3A_3055 : i32 to index
    %get3A_3057 = arith.constant 32 : index
    %get3A_3058 = tpu.vector_load %arg15[%get3A_3056, %get3A_3057] {strides = array<i32>} : memref<16x64xf32, #tpu.memory_space<vmem>>, vector<16xf32>,
    %add3A_3059 = arith.addf %add3A_3054, %get3A_3058 : vector<16xf32>
    %get3A_3060 = arith.constant 4 : i32
    %get3A_3061 = arith.index_cast %get3A_3060 : i32 to index
    %get3A_3062 = arith.constant 32 : index
    %get3A_3063 = tpu.vector_load %arg15[%get3A_3061, %get3A_3062] {strides = array<i32>} : memref<16x64xf32, #tpu.memory_space<vmem>>, vector<16xf32>,
    %add3A_3064 = arith.addf %add3A_3059, %get3A_3063 : vector<16xf32>
    %get3A_3065 = arith.constant 5 : i32
    %get3A_3066 = arith.index_cast %get3A_3065 : i32 to index
    %get3A_3067 = arith.constant 32 : index
    %get3A_3068 = tpu.vector_load %arg15[%get3A_3066, %get3A_3067] {strides = array<i32>} : memref<16x64xf32, #tpu.memory_space<vmem>>, vector<16xf32>,
    %add3A_3069 = arith.addf %add3A_3064, %get3A_3068 : vector<16xf32>
    %get3A_3070 = arith.constant 6 : i32
    %get3A_3071 = arith.index_cast %get3A_3070 : i32 to index
    %get3A_3072 = arith.constant 32 : index
    %get3A_3073 = tpu.vector_load %arg15[%get3A_3071, %get3A_3072] {strides = array<i32>} : memref<16x64xf32, #tpu.memory_space<vmem>>, vector<16xf32>,
    %add3A_3074 = arith.addf %add3A_3069, %get3A_3073 : vector<16xf32>
    %get3A_3075 = arith.constant 7 : i32
    %get3A_3076 = arith.index_cast %get3A_3075 : i32 to index
    %get3A_3077 = arith.constant 32 : index
    %get3A_3078 = tpu.vector_load %arg15[%get3A_3076, %get3A_3077] {strides = array<i32>} : memref<16x64xf32, #tpu.memory_space<vmem>>, vector<16xf32>,
    %add3A_3079 = arith.addf %add3A_3074, %get3A_3078 : vector<16xf32>
    %get3A_3080 = arith.constant 8 : i32
    %get3A_3081 = arith.index_cast %get3A_3080 : i32 to index
    %get3A_3082 = arith.constant 32 : index
    %get3A_3083 = tpu.vector_load %arg15[%get3A_3081, %get3A_3082] {strides = array<i32>} : memref<16x64xf32, #tpu.memory_space<vmem>>, vector<16xf32>,
    %add3A_3084 = arith.addf %add3A_3079, %get3A_3083 : vector<16xf32>
    %get3A_3085 = arith.constant 9 : i32
    %get3A_3086 = arith.index_cast %get3A_3085 : i32 to index
    %get3A_3087 = arith.constant 32 : index
    %get3A_3088 = tpu.vector_load %arg15[%get3A_3086, %get3A_3087] {strides = array<i32>} : memref<16x64xf32, #tpu.memory_space<vmem>>, vector<16xf32>,
    %add3A_3089 = arith.addf %add3A_3084, %get3A_3088 : vector<16xf32>
    %get3A_3090 = arith.constant 10 : i32
    %get3A_3091 = arith.index_cast %get3A_3090 : i32 to index
    %get3A_3092 = arith.constant 32 : index
    %get3A_3093 = tpu.vector_load %arg15[%get3A_3091, %get3A_3092] {strides = array<i32>} : memref<16x64xf32, #tpu.memory_space<vmem>>, vector<16xf32>,
    %add3A_3094 = arith.addf %add3A_3089, %get3A_3093 : vector<16xf32>
    %get3A_3095 = arith.constant 11 : i32
    %get3A_3096 = arith.index_cast %get3A_3095 : i32 to index
    %get3A_3097 = arith.constant 32 : index
    %get3A_3098 = tpu.vector_load %arg15[%get3A_3096, %get3A_3097] {strides = array<i32>} : memref<16x64xf32, #tpu.memory_space<vmem>>, vector<16xf32>,
    %add3A_3099 = arith.addf %add3A_3094, %get3A_3098 : vector<16xf32>
    %get3A_3100 = arith.constant 12 : i32
    %get3A_3101 = arith.index_cast %get3A_3100 : i32 to index
    %get3A_3102 = arith.constant 32 : index
    %get3A_3103 = tpu.vector_load %arg15[%get3A_3101, %get3A_3102] {strides = array<i32>} : memref<16x64xf32, #tpu.memory_space<vmem>>, vector<16xf32>,
    %add3A_3104 = arith.addf %add3A_3099, %get3A_3103 : vector<16xf32>
    %get3A_3105 = arith.constant 13 : i32
    %get3A_3106 = arith.index_cast %get3A_3105 : i32 to index
    %get3A_3107 = arith.constant 32 : index
    %get3A_3108 = tpu.vector_load %arg15[%get3A_3106, %get3A_3107] {strides = array<i32>} : memref<16x64xf32, #tpu.memory_space<vmem>>, vector<16xf32>,
    %add3A_3109 = arith.addf %add3A_3104, %get3A_3108 : vector<16xf32>
    %get3A_3110 = arith.constant 14 : i32
    %get3A_3111 = arith.index_cast %get3A_3110 : i32 to index
    %get3A_3112 = arith.constant 32 : index
    %get3A_3113 = tpu.vector_load %arg15[%get3A_3111, %get3A_3112] {strides = array<i32>} : memref<16x64xf32, #tpu.memory_space<vmem>>, vector<16xf32>,
    %add3A_3114 = arith.addf %add3A_3109, %get3A_3113 : vector<16xf32>
    %get3A_3115 = arith.constant 15 : i32
    %get3A_3116 = arith.index_cast %get3A_3115 : i32 to index
    %get3A_3117 = arith.constant 32 : index
    %get3A_3118 = tpu.vector_load %arg15[%get3A_3116, %get3A_3117] {strides = array<i32>} : memref<16x64xf32, #tpu.memory_space<vmem>>, vector<16xf32>,
    %add3A_3119 = arith.addf %add3A_3114, %get3A_3118 : vector<16xf32>
    %swap3A_3120 = arith.constant 4 : i32
    %swap3A_3121 = arith.index_cast %swap3A_3120 : i32 to index
    %swap3A_3122 = arith.constant 32 : index
    %swap3A_3123 = tpu.vector_load %arg17[%swap3A_3121, %swap3A_3122] {strides = array<i32>} : memref<6x64xf32, #tpu.memory_space<vmem>>, vector<16xf32>,
    tpu.vector_store %arg17[%swap3A_3121, %swap3A_3122], %add3A_3119 {strides = array<i32>} : memref<6x64xf32, #tpu.memory_space<vmem>>, vector<16xf32>,
    %get3A_3124 = arith.constant 0 : i32
    %get3A_3125 = arith.index_cast %get3A_3124 : i32 to index
    %get3A_3126 = arith.constant 48 : index
    %get3A_3127 = tpu.vector_load %arg15[%get3A_3125, %get3A_3126] {strides = array<i32>} : memref<16x64xf32, #tpu.memory_space<vmem>>, vector<16xf32>,
    %get3A_3128 = arith.constant 1 : i32
    %get3A_3129 = arith.index_cast %get3A_3128 : i32 to index
    %get3A_3130 = arith.constant 48 : index
    %get3A_3131 = tpu.vector_load %arg15[%get3A_3129, %get3A_3130] {strides = array<i32>} : memref<16x64xf32, #tpu.memory_space<vmem>>, vector<16xf32>,
    %add3A_3132 = arith.addf %get3A_3127, %get3A_3131 : vector<16xf32>
    %get3A_3133 = arith.constant 2 : i32
    %get3A_3134 = arith.index_cast %get3A_3133 : i32 to index
    %get3A_3135 = arith.constant 48 : index
    %get3A_3136 = tpu.vector_load %arg15[%get3A_3134, %get3A_3135] {strides = array<i32>} : memref<16x64xf32, #tpu.memory_space<vmem>>, vector<16xf32>,
    %add3A_3137 = arith.addf %add3A_3132, %get3A_3136 : vector<16xf32>
    %get3A_3138 = arith.constant 3 : i32
    %get3A_3139 = arith.index_cast %get3A_3138 : i32 to index
    %get3A_3140 = arith.constant 48 : index
    %get3A_3141 = tpu.vector_load %arg15[%get3A_3139, %get3A_3140] {strides = array<i32>} : memref<16x64xf32, #tpu.memory_space<vmem>>, vector<16xf32>,
    %add3A_3142 = arith.addf %add3A_3137, %get3A_3141 : vector<16xf32>
    %get3A_3143 = arith.constant 4 : i32
    %get3A_3144 = arith.index_cast %get3A_3143 : i32 to index
    %get3A_3145 = arith.constant 48 : index
    %get3A_3146 = tpu.vector_load %arg15[%get3A_3144, %get3A_3145] {strides = array<i32>} : memref<16x64xf32, #tpu.memory_space<vmem>>, vector<16xf32>,
    %add3A_3147 = arith.addf %add3A_3142, %get3A_3146 : vector<16xf32>
    %get3A_3148 = arith.constant 5 : i32
    %get3A_3149 = arith.index_cast %get3A_3148 : i32 to index
    %get3A_3150 = arith.constant 48 : index
    %get3A_3151 = tpu.vector_load %arg15[%get3A_3149, %get3A_3150] {strides = array<i32>} : memref<16x64xf32, #tpu.memory_space<vmem>>, vector<16xf32>,
    %add3A_3152 = arith.addf %add3A_3147, %get3A_3151 : vector<16xf32>
    %get3A_3153 = arith.constant 6 : i32
    %get3A_3154 = arith.index_cast %get3A_3153 : i32 to index
    %get3A_3155 = arith.constant 48 : index
    %get3A_3156 = tpu.vector_load %arg15[%get3A_3154, %get3A_3155] {strides = array<i32>} : memref<16x64xf32, #tpu.memory_space<vmem>>, vector<16xf32>,
    %add3A_3157 = arith.addf %add3A_3152, %get3A_3156 : vector<16xf32>
    %get3A_3158 = arith.constant 7 : i32
    %get3A_3159 = arith.index_cast %get3A_3158 : i32 to index
    %get3A_3160 = arith.constant 48 : index
    %get3A_3161 = tpu.vector_load %arg15[%get3A_3159, %get3A_3160] {strides = array<i32>} : memref<16x64xf32, #tpu.memory_space<vmem>>, vector<16xf32>,
    %add3A_3162 = arith.addf %add3A_3157, %get3A_3161 : vector<16xf32>
    %get3A_3163 = arith.constant 8 : i32
    %get3A_3164 = arith.index_cast %get3A_3163 : i32 to index
    %get3A_3165 = arith.constant 48 : index
    %get3A_3166 = tpu.vector_load %arg15[%get3A_3164, %get3A_3165] {strides = array<i32>} : memref<16x64xf32, #tpu.memory_space<vmem>>, vector<16xf32>,
    %add3A_3167 = arith.addf %add3A_3162, %get3A_3166 : vector<16xf32>
    %get3A_3168 = arith.constant 9 : i32
    %get3A_3169 = arith.index_cast %get3A_3168 : i32 to index
    %get3A_3170 = arith.constant 48 : index
    %get3A_3171 = tpu.vector_load %arg15[%get3A_3169, %get3A_3170] {strides = array<i32>} : memref<16x64xf32, #tpu.memory_space<vmem>>, vector<16xf32>,
    %add3A_3172 = arith.addf %add3A_3167, %get3A_3171 : vector<16xf32>
    %get3A_3173 = arith.constant 10 : i32
    %get3A_3174 = arith.index_cast %get3A_3173 : i32 to index
    %get3A_3175 = arith.constant 48 : index
    %get3A_3176 = tpu.vector_load %arg15[%get3A_3174, %get3A_3175] {strides = array<i32>} : memref<16x64xf32, #tpu.memory_space<vmem>>, vector<16xf32>,
    %add3A_3177 = arith.addf %add3A_3172, %get3A_3176 : vector<16xf32>
    %get3A_3178 = arith.constant 11 : i32
    %get3A_3179 = arith.index_cast %get3A_3178 : i32 to index
    %get3A_3180 = arith.constant 48 : index
    %get3A_3181 = tpu.vector_load %arg15[%get3A_3179, %get3A_3180] {strides = array<i32>} : memref<16x64xf32, #tpu.memory_space<vmem>>, vector<16xf32>,
    %add3A_3182 = arith.addf %add3A_3177, %get3A_3181 : vector<16xf32>
    %get3A_3183 = arith.constant 12 : i32
    %get3A_3184 = arith.index_cast %get3A_3183 : i32 to index
    %get3A_3185 = arith.constant 48 : index
    %get3A_3186 = tpu.vector_load %arg15[%get3A_3184, %get3A_3185] {strides = array<i32>} : memref<16x64xf32, #tpu.memory_space<vmem>>, vector<16xf32>,
    %add3A_3187 = arith.addf %add3A_3182, %get3A_3186 : vector<16xf32>
    %get3A_3188 = arith.constant 13 : i32
    %get3A_3189 = arith.index_cast %get3A_3188 : i32 to index
    %get3A_3190 = arith.constant 48 : index
    %get3A_3191 = tpu.vector_load %arg15[%get3A_3189, %get3A_3190] {strides = array<i32>} : memref<16x64xf32, #tpu.memory_space<vmem>>, vector<16xf32>,
    %add3A_3192 = arith.addf %add3A_3187, %get3A_3191 : vector<16xf32>
    %get3A_3193 = arith.constant 14 : i32
    %get3A_3194 = arith.index_cast %get3A_3193 : i32 to index
    %get3A_3195 = arith.constant 48 : index
    %get3A_3196 = tpu.vector_load %arg15[%get3A_3194, %get3A_3195] {strides = array<i32>} : memref<16x64xf32, #tpu.memory_space<vmem>>, vector<16xf32>,
    %add3A_3197 = arith.addf %add3A_3192, %get3A_3196 : vector<16xf32>
    %get3A_3198 = arith.constant 15 : i32
    %get3A_3199 = arith.index_cast %get3A_3198 : i32 to index
    %get3A_3200 = arith.constant 48 : index
    %get3A_3201 = tpu.vector_load %arg15[%get3A_3199, %get3A_3200] {strides = array<i32>} : memref<16x64xf32, #tpu.memory_space<vmem>>, vector<16xf32>,
    %add3A_3202 = arith.addf %add3A_3197, %get3A_3201 : vector<16xf32>
    %swap3A_3203 = arith.constant 4 : i32
    %swap3A_3204 = arith.index_cast %swap3A_3203 : i32 to index
    %swap3A_3205 = arith.constant 48 : index
    %swap3A_3206 = tpu.vector_load %arg17[%swap3A_3204, %swap3A_3205] {strides = array<i32>} : memref<6x64xf32, #tpu.memory_space<vmem>>, vector<16xf32>,
    tpu.vector_store %arg17[%swap3A_3204, %swap3A_3205], %add3A_3202 {strides = array<i32>} : memref<6x64xf32, #tpu.memory_space<vmem>>, vector<16xf32>,
    %get3A_3207 = arith.constant 0 : i32
    %get3A_3208 = arith.index_cast %get3A_3207 : i32 to index
    %get3A_3209 = arith.constant 0 : index
    %get3A_3210 = tpu.vector_load %arg16[%get3A_3208, %get3A_3209] {strides = array<i32>} : memref<16x64xf32, #tpu.memory_space<vmem>>, vector<16xf32>,
    %get3A_3211 = arith.constant 1 : i32
    %get3A_3212 = arith.index_cast %get3A_3211 : i32 to index
    %get3A_3213 = arith.constant 0 : index
    %get3A_3214 = tpu.vector_load %arg16[%get3A_3212, %get3A_3213] {strides = array<i32>} : memref<16x64xf32, #tpu.memory_space<vmem>>, vector<16xf32>,
    %add3A_3215 = arith.addf %get3A_3210, %get3A_3214 : vector<16xf32>
    %get3A_3216 = arith.constant 2 : i32
    %get3A_3217 = arith.index_cast %get3A_3216 : i32 to index
    %get3A_3218 = arith.constant 0 : index
    %get3A_3219 = tpu.vector_load %arg16[%get3A_3217, %get3A_3218] {strides = array<i32>} : memref<16x64xf32, #tpu.memory_space<vmem>>, vector<16xf32>,
    %add3A_3220 = arith.addf %add3A_3215, %get3A_3219 : vector<16xf32>
    %get3A_3221 = arith.constant 3 : i32
    %get3A_3222 = arith.index_cast %get3A_3221 : i32 to index
    %get3A_3223 = arith.constant 0 : index
    %get3A_3224 = tpu.vector_load %arg16[%get3A_3222, %get3A_3223] {strides = array<i32>} : memref<16x64xf32, #tpu.memory_space<vmem>>, vector<16xf32>,
    %add3A_3225 = arith.addf %add3A_3220, %get3A_3224 : vector<16xf32>
    %get3A_3226 = arith.constant 4 : i32
    %get3A_3227 = arith.index_cast %get3A_3226 : i32 to index
    %get3A_3228 = arith.constant 0 : index
    %get3A_3229 = tpu.vector_load %arg16[%get3A_3227, %get3A_3228] {strides = array<i32>} : memref<16x64xf32, #tpu.memory_space<vmem>>, vector<16xf32>,
    %add3A_3230 = arith.addf %add3A_3225, %get3A_3229 : vector<16xf32>
    %get3A_3231 = arith.constant 5 : i32
    %get3A_3232 = arith.index_cast %get3A_3231 : i32 to index
    %get3A_3233 = arith.constant 0 : index
    %get3A_3234 = tpu.vector_load %arg16[%get3A_3232, %get3A_3233] {strides = array<i32>} : memref<16x64xf32, #tpu.memory_space<vmem>>, vector<16xf32>,
    %add3A_3235 = arith.addf %add3A_3230, %get3A_3234 : vector<16xf32>
    %get3A_3236 = arith.constant 6 : i32
    %get3A_3237 = arith.index_cast %get3A_3236 : i32 to index
    %get3A_3238 = arith.constant 0 : index
    %get3A_3239 = tpu.vector_load %arg16[%get3A_3237, %get3A_3238] {strides = array<i32>} : memref<16x64xf32, #tpu.memory_space<vmem>>, vector<16xf32>,
    %add3A_3240 = arith.addf %add3A_3235, %get3A_3239 : vector<16xf32>
    %get3A_3241 = arith.constant 7 : i32
    %get3A_3242 = arith.index_cast %get3A_3241 : i32 to index
    %get3A_3243 = arith.constant 0 : index
    %get3A_3244 = tpu.vector_load %arg16[%get3A_3242, %get3A_3243] {strides = array<i32>} : memref<16x64xf32, #tpu.memory_space<vmem>>, vector<16xf32>,
    %add3A_3245 = arith.addf %add3A_3240, %get3A_3244 : vector<16xf32>
    %get3A_3246 = arith.constant 8 : i32
    %get3A_3247 = arith.index_cast %get3A_3246 : i32 to index
    %get3A_3248 = arith.constant 0 : index
    %get3A_3249 = tpu.vector_load %arg16[%get3A_3247, %get3A_3248] {strides = array<i32>} : memref<16x64xf32, #tpu.memory_space<vmem>>, vector<16xf32>,
    %add3A_3250 = arith.addf %add3A_3245, %get3A_3249 : vector<16xf32>
    %get3A_3251 = arith.constant 9 : i32
    %get3A_3252 = arith.index_cast %get3A_3251 : i32 to index
    %get3A_3253 = arith.constant 0 : index
    %get3A_3254 = tpu.vector_load %arg16[%get3A_3252, %get3A_3253] {strides = array<i32>} : memref<16x64xf32, #tpu.memory_space<vmem>>, vector<16xf32>,
    %add3A_3255 = arith.addf %add3A_3250, %get3A_3254 : vector<16xf32>
    %get3A_3256 = arith.constant 10 : i32
    %get3A_3257 = arith.index_cast %get3A_3256 : i32 to index
    %get3A_3258 = arith.constant 0 : index
    %get3A_3259 = tpu.vector_load %arg16[%get3A_3257, %get3A_3258] {strides = array<i32>} : memref<16x64xf32, #tpu.memory_space<vmem>>, vector<16xf32>,
    %add3A_3260 = arith.addf %add3A_3255, %get3A_3259 : vector<16xf32>
    %get3A_3261 = arith.constant 11 : i32
    %get3A_3262 = arith.index_cast %get3A_3261 : i32 to index
    %get3A_3263 = arith.constant 0 : index
    %get3A_3264 = tpu.vector_load %arg16[%get3A_3262, %get3A_3263] {strides = array<i32>} : memref<16x64xf32, #tpu.memory_space<vmem>>, vector<16xf32>,
    %add3A_3265 = arith.addf %add3A_3260, %get3A_3264 : vector<16xf32>
    %get3A_3266 = arith.constant 12 : i32
    %get3A_3267 = arith.index_cast %get3A_3266 : i32 to index
    %get3A_3268 = arith.constant 0 : index
    %get3A_3269 = tpu.vector_load %arg16[%get3A_3267, %get3A_3268] {strides = array<i32>} : memref<16x64xf32, #tpu.memory_space<vmem>>, vector<16xf32>,
    %add3A_3270 = arith.addf %add3A_3265, %get3A_3269 : vector<16xf32>
    %get3A_3271 = arith.constant 13 : i32
    %get3A_3272 = arith.index_cast %get3A_3271 : i32 to index
    %get3A_3273 = arith.constant 0 : index
    %get3A_3274 = tpu.vector_load %arg16[%get3A_3272, %get3A_3273] {strides = array<i32>} : memref<16x64xf32, #tpu.memory_space<vmem>>, vector<16xf32>,
    %add3A_3275 = arith.addf %add3A_3270, %get3A_3274 : vector<16xf32>
    %get3A_3276 = arith.constant 14 : i32
    %get3A_3277 = arith.index_cast %get3A_3276 : i32 to index
    %get3A_3278 = arith.constant 0 : index
    %get3A_3279 = tpu.vector_load %arg16[%get3A_3277, %get3A_3278] {strides = array<i32>} : memref<16x64xf32, #tpu.memory_space<vmem>>, vector<16xf32>,
    %add3A_3280 = arith.addf %add3A_3275, %get3A_3279 : vector<16xf32>
    %get3A_3281 = arith.constant 15 : i32
    %get3A_3282 = arith.index_cast %get3A_3281 : i32 to index
    %get3A_3283 = arith.constant 0 : index
    %get3A_3284 = tpu.vector_load %arg16[%get3A_3282, %get3A_3283] {strides = array<i32>} : memref<16x64xf32, #tpu.memory_space<vmem>>, vector<16xf32>,
    %add3A_3285 = arith.addf %add3A_3280, %get3A_3284 : vector<16xf32>
    %swap3A_3286 = arith.constant 5 : i32
    %swap3A_3287 = arith.index_cast %swap3A_3286 : i32 to index
    %swap3A_3288 = arith.constant 0 : index
    %swap3A_3289 = tpu.vector_load %arg17[%swap3A_3287, %swap3A_3288] {strides = array<i32>} : memref<6x64xf32, #tpu.memory_space<vmem>>, vector<16xf32>,
    tpu.vector_store %arg17[%swap3A_3287, %swap3A_3288], %add3A_3285 {strides = array<i32>} : memref<6x64xf32, #tpu.memory_space<vmem>>, vector<16xf32>,
    %get3A_3290 = arith.constant 0 : i32
    %get3A_3291 = arith.index_cast %get3A_3290 : i32 to index
    %get3A_3292 = arith.constant 16 : index
    %get3A_3293 = tpu.vector_load %arg16[%get3A_3291, %get3A_3292] {strides = array<i32>} : memref<16x64xf32, #tpu.memory_space<vmem>>, vector<16xf32>,
    %get3A_3294 = arith.constant 1 : i32
    %get3A_3295 = arith.index_cast %get3A_3294 : i32 to index
    %get3A_3296 = arith.constant 16 : index
    %get3A_3297 = tpu.vector_load %arg16[%get3A_3295, %get3A_3296] {strides = array<i32>} : memref<16x64xf32, #tpu.memory_space<vmem>>, vector<16xf32>,
    %add3A_3298 = arith.addf %get3A_3293, %get3A_3297 : vector<16xf32>
    %get3A_3299 = arith.constant 2 : i32
    %get3A_3300 = arith.index_cast %get3A_3299 : i32 to index
    %get3A_3301 = arith.constant 16 : index
    %get3A_3302 = tpu.vector_load %arg16[%get3A_3300, %get3A_3301] {strides = array<i32>} : memref<16x64xf32, #tpu.memory_space<vmem>>, vector<16xf32>,
    %add3A_3303 = arith.addf %add3A_3298, %get3A_3302 : vector<16xf32>
    %get3A_3304 = arith.constant 3 : i32
    %get3A_3305 = arith.index_cast %get3A_3304 : i32 to index
    %get3A_3306 = arith.constant 16 : index
    %get3A_3307 = tpu.vector_load %arg16[%get3A_3305, %get3A_3306] {strides = array<i32>} : memref<16x64xf32, #tpu.memory_space<vmem>>, vector<16xf32>,
    %add3A_3308 = arith.addf %add3A_3303, %get3A_3307 : vector<16xf32>
    %get3A_3309 = arith.constant 4 : i32
    %get3A_3310 = arith.index_cast %get3A_3309 : i32 to index
    %get3A_3311 = arith.constant 16 : index
    %get3A_3312 = tpu.vector_load %arg16[%get3A_3310, %get3A_3311] {strides = array<i32>} : memref<16x64xf32, #tpu.memory_space<vmem>>, vector<16xf32>,
    %add3A_3313 = arith.addf %add3A_3308, %get3A_3312 : vector<16xf32>
    %get3A_3314 = arith.constant 5 : i32
    %get3A_3315 = arith.index_cast %get3A_3314 : i32 to index
    %get3A_3316 = arith.constant 16 : index
    %get3A_3317 = tpu.vector_load %arg16[%get3A_3315, %get3A_3316] {strides = array<i32>} : memref<16x64xf32, #tpu.memory_space<vmem>>, vector<16xf32>,
    %add3A_3318 = arith.addf %add3A_3313, %get3A_3317 : vector<16xf32>
    %get3A_3319 = arith.constant 6 : i32
    %get3A_3320 = arith.index_cast %get3A_3319 : i32 to index
    %get3A_3321 = arith.constant 16 : index
    %get3A_3322 = tpu.vector_load %arg16[%get3A_3320, %get3A_3321] {strides = array<i32>} : memref<16x64xf32, #tpu.memory_space<vmem>>, vector<16xf32>,
    %add3A_3323 = arith.addf %add3A_3318, %get3A_3322 : vector<16xf32>
    %get3A_3324 = arith.constant 7 : i32
    %get3A_3325 = arith.index_cast %get3A_3324 : i32 to index
    %get3A_3326 = arith.constant 16 : index
    %get3A_3327 = tpu.vector_load %arg16[%get3A_3325, %get3A_3326] {strides = array<i32>} : memref<16x64xf32, #tpu.memory_space<vmem>>, vector<16xf32>,
    %add3A_3328 = arith.addf %add3A_3323, %get3A_3327 : vector<16xf32>
    %get3A_3329 = arith.constant 8 : i32
    %get3A_3330 = arith.index_cast %get3A_3329 : i32 to index
    %get3A_3331 = arith.constant 16 : index
    %get3A_3332 = tpu.vector_load %arg16[%get3A_3330, %get3A_3331] {strides = array<i32>} : memref<16x64xf32, #tpu.memory_space<vmem>>, vector<16xf32>,
    %add3A_3333 = arith.addf %add3A_3328, %get3A_3332 : vector<16xf32>
    %get3A_3334 = arith.constant 9 : i32
    %get3A_3335 = arith.index_cast %get3A_3334 : i32 to index
    %get3A_3336 = arith.constant 16 : index
    %get3A_3337 = tpu.vector_load %arg16[%get3A_3335, %get3A_3336] {strides = array<i32>} : memref<16x64xf32, #tpu.memory_space<vmem>>, vector<16xf32>,
    %add3A_3338 = arith.addf %add3A_3333, %get3A_3337 : vector<16xf32>
    %get3A_3339 = arith.constant 10 : i32
    %get3A_3340 = arith.index_cast %get3A_3339 : i32 to index
    %get3A_3341 = arith.constant 16 : index
    %get3A_3342 = tpu.vector_load %arg16[%get3A_3340, %get3A_3341] {strides = array<i32>} : memref<16x64xf32, #tpu.memory_space<vmem>>, vector<16xf32>,
    %add3A_3343 = arith.addf %add3A_3338, %get3A_3342 : vector<16xf32>
    %get3A_3344 = arith.constant 11 : i32
    %get3A_3345 = arith.index_cast %get3A_3344 : i32 to index
    %get3A_3346 = arith.constant 16 : index
    %get3A_3347 = tpu.vector_load %arg16[%get3A_3345, %get3A_3346] {strides = array<i32>} : memref<16x64xf32, #tpu.memory_space<vmem>>, vector<16xf32>,
    %add3A_3348 = arith.addf %add3A_3343, %get3A_3347 : vector<16xf32>
    %get3A_3349 = arith.constant 12 : i32
    %get3A_3350 = arith.index_cast %get3A_3349 : i32 to index
    %get3A_3351 = arith.constant 16 : index
    %get3A_3352 = tpu.vector_load %arg16[%get3A_3350, %get3A_3351] {strides = array<i32>} : memref<16x64xf32, #tpu.memory_space<vmem>>, vector<16xf32>,
    %add3A_3353 = arith.addf %add3A_3348, %get3A_3352 : vector<16xf32>
    %get3A_3354 = arith.constant 13 : i32
    %get3A_3355 = arith.index_cast %get3A_3354 : i32 to index
    %get3A_3356 = arith.constant 16 : index
    %get3A_3357 = tpu.vector_load %arg16[%get3A_3355, %get3A_3356] {strides = array<i32>} : memref<16x64xf32, #tpu.memory_space<vmem>>, vector<16xf32>,
    %add3A_3358 = arith.addf %add3A_3353, %get3A_3357 : vector<16xf32>
    %get3A_3359 = arith.constant 14 : i32
    %get3A_3360 = arith.index_cast %get3A_3359 : i32 to index
    %get3A_3361 = arith.constant 16 : index
    %get3A_3362 = tpu.vector_load %arg16[%get3A_3360, %get3A_3361] {strides = array<i32>} : memref<16x64xf32, #tpu.memory_space<vmem>>, vector<16xf32>,
    %add3A_3363 = arith.addf %add3A_3358, %get3A_3362 : vector<16xf32>
    %get3A_3364 = arith.constant 15 : i32
    %get3A_3365 = arith.index_cast %get3A_3364 : i32 to index
    %get3A_3366 = arith.constant 16 : index
    %get3A_3367 = tpu.vector_load %arg16[%get3A_3365, %get3A_3366] {strides = array<i32>} : memref<16x64xf32, #tpu.memory_space<vmem>>, vector<16xf32>,
    %add3A_3368 = arith.addf %add3A_3363, %get3A_3367 : vector<16xf32>
    %swap3A_3369 = arith.constant 5 : i32
    %swap3A_3370 = arith.index_cast %swap3A_3369 : i32 to index
    %swap3A_3371 = arith.constant 16 : index
    %swap3A_3372 = tpu.vector_load %arg17[%swap3A_3370, %swap3A_3371] {strides = array<i32>} : memref<6x64xf32, #tpu.memory_space<vmem>>, vector<16xf32>,
    tpu.vector_store %arg17[%swap3A_3370, %swap3A_3371], %add3A_3368 {strides = array<i32>} : memref<6x64xf32, #tpu.memory_space<vmem>>, vector<16xf32>,
    %get3A_3373 = arith.constant 0 : i32
    %get3A_3374 = arith.index_cast %get3A_3373 : i32 to index
    %get3A_3375 = arith.constant 32 : index
    %get3A_3376 = tpu.vector_load %arg16[%get3A_3374, %get3A_3375] {strides = array<i32>} : memref<16x64xf32, #tpu.memory_space<vmem>>, vector<16xf32>,
    %get3A_3377 = arith.constant 1 : i32
    %get3A_3378 = arith.index_cast %get3A_3377 : i32 to index
    %get3A_3379 = arith.constant 32 : index
    %get3A_3380 = tpu.vector_load %arg16[%get3A_3378, %get3A_3379] {strides = array<i32>} : memref<16x64xf32, #tpu.memory_space<vmem>>, vector<16xf32>,
    %add3A_3381 = arith.addf %get3A_3376, %get3A_3380 : vector<16xf32>
    %get3A_3382 = arith.constant 2 : i32
    %get3A_3383 = arith.index_cast %get3A_3382 : i32 to index
    %get3A_3384 = arith.constant 32 : index
    %get3A_3385 = tpu.vector_load %arg16[%get3A_3383, %get3A_3384] {strides = array<i32>} : memref<16x64xf32, #tpu.memory_space<vmem>>, vector<16xf32>,
    %add3A_3386 = arith.addf %add3A_3381, %get3A_3385 : vector<16xf32>
    %get3A_3387 = arith.constant 3 : i32
    %get3A_3388 = arith.index_cast %get3A_3387 : i32 to index
    %get3A_3389 = arith.constant 32 : index
    %get3A_3390 = tpu.vector_load %arg16[%get3A_3388, %get3A_3389] {strides = array<i32>} : memref<16x64xf32, #tpu.memory_space<vmem>>, vector<16xf32>,
    %add3A_3391 = arith.addf %add3A_3386, %get3A_3390 : vector<16xf32>
    %get3A_3392 = arith.constant 4 : i32
    %get3A_3393 = arith.index_cast %get3A_3392 : i32 to index
    %get3A_3394 = arith.constant 32 : index
    %get3A_3395 = tpu.vector_load %arg16[%get3A_3393, %get3A_3394] {strides = array<i32>} : memref<16x64xf32, #tpu.memory_space<vmem>>, vector<16xf32>,
    %add3A_3396 = arith.addf %add3A_3391, %get3A_3395 : vector<16xf32>
    %get3A_3397 = arith.constant 5 : i32
    %get3A_3398 = arith.index_cast %get3A_3397 : i32 to index
    %get3A_3399 = arith.constant 32 : index
    %get3A_3400 = tpu.vector_load %arg16[%get3A_3398, %get3A_3399] {strides = array<i32>} : memref<16x64xf32, #tpu.memory_space<vmem>>, vector<16xf32>,
    %add3A_3401 = arith.addf %add3A_3396, %get3A_3400 : vector<16xf32>
    %get3A_3402 = arith.constant 6 : i32
    %get3A_3403 = arith.index_cast %get3A_3402 : i32 to index
    %get3A_3404 = arith.constant 32 : index
    %get3A_3405 = tpu.vector_load %arg16[%get3A_3403, %get3A_3404] {strides = array<i32>} : memref<16x64xf32, #tpu.memory_space<vmem>>, vector<16xf32>,
    %add3A_3406 = arith.addf %add3A_3401, %get3A_3405 : vector<16xf32>
    %get3A_3407 = arith.constant 7 : i32
    %get3A_3408 = arith.index_cast %get3A_3407 : i32 to index
    %get3A_3409 = arith.constant 32 : index
    %get3A_3410 = tpu.vector_load %arg16[%get3A_3408, %get3A_3409] {strides = array<i32>} : memref<16x64xf32, #tpu.memory_space<vmem>>, vector<16xf32>,
    %add3A_3411 = arith.addf %add3A_3406, %get3A_3410 : vector<16xf32>
    %get3A_3412 = arith.constant 8 : i32
    %get3A_3413 = arith.index_cast %get3A_3412 : i32 to index
    %get3A_3414 = arith.constant 32 : index
    %get3A_3415 = tpu.vector_load %arg16[%get3A_3413, %get3A_3414] {strides = array<i32>} : memref<16x64xf32, #tpu.memory_space<vmem>>, vector<16xf32>,
    %add3A_3416 = arith.addf %add3A_3411, %get3A_3415 : vector<16xf32>
    %get3A_3417 = arith.constant 9 : i32
    %get3A_3418 = arith.index_cast %get3A_3417 : i32 to index
    %get3A_3419 = arith.constant 32 : index
    %get3A_3420 = tpu.vector_load %arg16[%get3A_3418, %get3A_3419] {strides = array<i32>} : memref<16x64xf32, #tpu.memory_space<vmem>>, vector<16xf32>,
    %add3A_3421 = arith.addf %add3A_3416, %get3A_3420 : vector<16xf32>
    %get3A_3422 = arith.constant 10 : i32
    %get3A_3423 = arith.index_cast %get3A_3422 : i32 to index
    %get3A_3424 = arith.constant 32 : index
    %get3A_3425 = tpu.vector_load %arg16[%get3A_3423, %get3A_3424] {strides = array<i32>} : memref<16x64xf32, #tpu.memory_space<vmem>>, vector<16xf32>,
    %add3A_3426 = arith.addf %add3A_3421, %get3A_3425 : vector<16xf32>
    %get3A_3427 = arith.constant 11 : i32
    %get3A_3428 = arith.index_cast %get3A_3427 : i32 to index
    %get3A_3429 = arith.constant 32 : index
    %get3A_3430 = tpu.vector_load %arg16[%get3A_3428, %get3A_3429] {strides = array<i32>} : memref<16x64xf32, #tpu.memory_space<vmem>>, vector<16xf32>,
    %add3A_3431 = arith.addf %add3A_3426, %get3A_3430 : vector<16xf32>
    %get3A_3432 = arith.constant 12 : i32
    %get3A_3433 = arith.index_cast %get3A_3432 : i32 to index
    %get3A_3434 = arith.constant 32 : index
    %get3A_3435 = tpu.vector_load %arg16[%get3A_3433, %get3A_3434] {strides = array<i32>} : memref<16x64xf32, #tpu.memory_space<vmem>>, vector<16xf32>,
    %add3A_3436 = arith.addf %add3A_3431, %get3A_3435 : vector<16xf32>
    %get3A_3437 = arith.constant 13 : i32
    %get3A_3438 = arith.index_cast %get3A_3437 : i32 to index
    %get3A_3439 = arith.constant 32 : index
    %get3A_3440 = tpu.vector_load %arg16[%get3A_3438, %get3A_3439] {strides = array<i32>} : memref<16x64xf32, #tpu.memory_space<vmem>>, vector<16xf32>,
    %add3A_3441 = arith.addf %add3A_3436, %get3A_3440 : vector<16xf32>
    %get3A_3442 = arith.constant 14 : i32
    %get3A_3443 = arith.index_cast %get3A_3442 : i32 to index
    %get3A_3444 = arith.constant 32 : index
    %get3A_3445 = tpu.vector_load %arg16[%get3A_3443, %get3A_3444] {strides = array<i32>} : memref<16x64xf32, #tpu.memory_space<vmem>>, vector<16xf32>,
    %add3A_3446 = arith.addf %add3A_3441, %get3A_3445 : vector<16xf32>
    %get3A_3447 = arith.constant 15 : i32
    %get3A_3448 = arith.index_cast %get3A_3447 : i32 to index
    %get3A_3449 = arith.constant 32 : index
    %get3A_3450 = tpu.vector_load %arg16[%get3A_3448, %get3A_3449] {strides = array<i32>} : memref<16x64xf32, #tpu.memory_space<vmem>>, vector<16xf32>,
    %add3A_3451 = arith.addf %add3A_3446, %get3A_3450 : vector<16xf32>
    %swap3A_3452 = arith.constant 5 : i32
    %swap3A_3453 = arith.index_cast %swap3A_3452 : i32 to index
    %swap3A_3454 = arith.constant 32 : index
    %swap3A_3455 = tpu.vector_load %arg17[%swap3A_3453, %swap3A_3454] {strides = array<i32>} : memref<6x64xf32, #tpu.memory_space<vmem>>, vector<16xf32>,
    tpu.vector_store %arg17[%swap3A_3453, %swap3A_3454], %add3A_3451 {strides = array<i32>} : memref<6x64xf32, #tpu.memory_space<vmem>>, vector<16xf32>,
    %get3A_3456 = arith.constant 0 : i32
    %get3A_3457 = arith.index_cast %get3A_3456 : i32 to index
    %get3A_3458 = arith.constant 48 : index
    %get3A_3459 = tpu.vector_load %arg16[%get3A_3457, %get3A_3458] {strides = array<i32>} : memref<16x64xf32, #tpu.memory_space<vmem>>, vector<16xf32>,
    %get3A_3460 = arith.constant 1 : i32
    %get3A_3461 = arith.index_cast %get3A_3460 : i32 to index
    %get3A_3462 = arith.constant 48 : index
    %get3A_3463 = tpu.vector_load %arg16[%get3A_3461, %get3A_3462] {strides = array<i32>} : memref<16x64xf32, #tpu.memory_space<vmem>>, vector<16xf32>,
    %add3A_3464 = arith.addf %get3A_3459, %get3A_3463 : vector<16xf32>
    %get3A_3465 = arith.constant 2 : i32
    %get3A_3466 = arith.index_cast %get3A_3465 : i32 to index
    %get3A_3467 = arith.constant 48 : index
    %get3A_3468 = tpu.vector_load %arg16[%get3A_3466, %get3A_3467] {strides = array<i32>} : memref<16x64xf32, #tpu.memory_space<vmem>>, vector<16xf32>,
    %add3A_3469 = arith.addf %add3A_3464, %get3A_3468 : vector<16xf32>
    %get3A_3470 = arith.constant 3 : i32
    %get3A_3471 = arith.index_cast %get3A_3470 : i32 to index
    %get3A_3472 = arith.constant 48 : index
    %get3A_3473 = tpu.vector_load %arg16[%get3A_3471, %get3A_3472] {strides = array<i32>} : memref<16x64xf32, #tpu.memory_space<vmem>>, vector<16xf32>,
    %add3A_3474 = arith.addf %add3A_3469, %get3A_3473 : vector<16xf32>
    %get3A_3475 = arith.constant 4 : i32
    %get3A_3476 = arith.index_cast %get3A_3475 : i32 to index
    %get3A_3477 = arith.constant 48 : index
    %get3A_3478 = tpu.vector_load %arg16[%get3A_3476, %get3A_3477] {strides = array<i32>} : memref<16x64xf32, #tpu.memory_space<vmem>>, vector<16xf32>,
    %add3A_3479 = arith.addf %add3A_3474, %get3A_3478 : vector<16xf32>
    %get3A_3480 = arith.constant 5 : i32
    %get3A_3481 = arith.index_cast %get3A_3480 : i32 to index
    %get3A_3482 = arith.constant 48 : index
    %get3A_3483 = tpu.vector_load %arg16[%get3A_3481, %get3A_3482] {strides = array<i32>} : memref<16x64xf32, #tpu.memory_space<vmem>>, vector<16xf32>,
    %add3A_3484 = arith.addf %add3A_3479, %get3A_3483 : vector<16xf32>
    %get3A_3485 = arith.constant 6 : i32
    %get3A_3486 = arith.index_cast %get3A_3485 : i32 to index
    %get3A_3487 = arith.constant 48 : index
    %get3A_3488 = tpu.vector_load %arg16[%get3A_3486, %get3A_3487] {strides = array<i32>} : memref<16x64xf32, #tpu.memory_space<vmem>>, vector<16xf32>,
    %add3A_3489 = arith.addf %add3A_3484, %get3A_3488 : vector<16xf32>
    %get3A_3490 = arith.constant 7 : i32
    %get3A_3491 = arith.index_cast %get3A_3490 : i32 to index
    %get3A_3492 = arith.constant 48 : index
    %get3A_3493 = tpu.vector_load %arg16[%get3A_3491, %get3A_3492] {strides = array<i32>} : memref<16x64xf32, #tpu.memory_space<vmem>>, vector<16xf32>,
    %add3A_3494 = arith.addf %add3A_3489, %get3A_3493 : vector<16xf32>
    %get3A_3495 = arith.constant 8 : i32
    %get3A_3496 = arith.index_cast %get3A_3495 : i32 to index
    %get3A_3497 = arith.constant 48 : index
    %get3A_3498 = tpu.vector_load %arg16[%get3A_3496, %get3A_3497] {strides = array<i32>} : memref<16x64xf32, #tpu.memory_space<vmem>>, vector<16xf32>,
    %add3A_3499 = arith.addf %add3A_3494, %get3A_3498 : vector<16xf32>
    %get3A_3500 = arith.constant 9 : i32
    %get3A_3501 = arith.index_cast %get3A_3500 : i32 to index
    %get3A_3502 = arith.constant 48 : index
    %get3A_3503 = tpu.vector_load %arg16[%get3A_3501, %get3A_3502] {strides = array<i32>} : memref<16x64xf32, #tpu.memory_space<vmem>>, vector<16xf32>,
    %add3A_3504 = arith.addf %add3A_3499, %get3A_3503 : vector<16xf32>
    %get3A_3505 = arith.constant 10 : i32
    %get3A_3506 = arith.index_cast %get3A_3505 : i32 to index
    %get3A_3507 = arith.constant 48 : index
    %get3A_3508 = tpu.vector_load %arg16[%get3A_3506, %get3A_3507] {strides = array<i32>} : memref<16x64xf32, #tpu.memory_space<vmem>>, vector<16xf32>,
    %add3A_3509 = arith.addf %add3A_3504, %get3A_3508 : vector<16xf32>
    %get3A_3510 = arith.constant 11 : i32
    %get3A_3511 = arith.index_cast %get3A_3510 : i32 to index
    %get3A_3512 = arith.constant 48 : index
    %get3A_3513 = tpu.vector_load %arg16[%get3A_3511, %get3A_3512] {strides = array<i32>} : memref<16x64xf32, #tpu.memory_space<vmem>>, vector<16xf32>,
    %add3A_3514 = arith.addf %add3A_3509, %get3A_3513 : vector<16xf32>
    %get3A_3515 = arith.constant 12 : i32
    %get3A_3516 = arith.index_cast %get3A_3515 : i32 to index
    %get3A_3517 = arith.constant 48 : index
    %get3A_3518 = tpu.vector_load %arg16[%get3A_3516, %get3A_3517] {strides = array<i32>} : memref<16x64xf32, #tpu.memory_space<vmem>>, vector<16xf32>,
    %add3A_3519 = arith.addf %add3A_3514, %get3A_3518 : vector<16xf32>
    %get3A_3520 = arith.constant 13 : i32
    %get3A_3521 = arith.index_cast %get3A_3520 : i32 to index
    %get3A_3522 = arith.constant 48 : index
    %get3A_3523 = tpu.vector_load %arg16[%get3A_3521, %get3A_3522] {strides = array<i32>} : memref<16x64xf32, #tpu.memory_space<vmem>>, vector<16xf32>,
    %add3A_3524 = arith.addf %add3A_3519, %get3A_3523 : vector<16xf32>
    %get3A_3525 = arith.constant 14 : i32
    %get3A_3526 = arith.index_cast %get3A_3525 : i32 to index
    %get3A_3527 = arith.constant 48 : index
    %get3A_3528 = tpu.vector_load %arg16[%get3A_3526, %get3A_3527] {strides = array<i32>} : memref<16x64xf32, #tpu.memory_space<vmem>>, vector<16xf32>,
    %add3A_3529 = arith.addf %add3A_3524, %get3A_3528 : vector<16xf32>
    %get3A_3530 = arith.constant 15 : i32
    %get3A_3531 = arith.index_cast %get3A_3530 : i32 to index
    %get3A_3532 = arith.constant 48 : index
    %get3A_3533 = tpu.vector_load %arg16[%get3A_3531, %get3A_3532] {strides = array<i32>} : memref<16x64xf32, #tpu.memory_space<vmem>>, vector<16xf32>,
    %add3A_3534 = arith.addf %add3A_3529, %get3A_3533 : vector<16xf32>
    %swap3A_3535 = arith.constant 5 : i32
    %swap3A_3536 = arith.index_cast %swap3A_3535 : i32 to index
    %swap3A_3537 = arith.constant 48 : index
    %swap3A_3538 = tpu.vector_load %arg17[%swap3A_3536, %swap3A_3537] {strides = array<i32>} : memref<6x64xf32, #tpu.memory_space<vmem>>, vector<16xf32>,
    tpu.vector_store %arg17[%swap3A_3536, %swap3A_3537], %add3A_3534 {strides = array<i32>} : memref<6x64xf32, #tpu.memory_space<vmem>>, vector<16xf32>,
    "tpu.region"() ({
      %run_scoped3A = tpu.sem_alloc : memref<!tpu.dma_semaphore, #tpu.memory_space<semaphore_mem>>
      %dma_start3A = arith.constant 0 : i32
      %dma_start3A_3539 = arith.constant 0 : i32
      %dma_start3A_3540 = tpu.memref_slice %arg6[%add3A, %dma_start3A, %dma_start3A_3539] : memref<32x6x64xf32, #tpu.memory_space<hbm>> -> memref<1x6x64xf32, #tpu.memory_space<hbm>>
      %dma_start3A_3541 = tpu.memref_squeeze %dma_start3A_3540 : memref<1x6x64xf32, #tpu.memory_space<hbm>> -> memref<6x64xf32, #tpu.memory_space<hbm>>
      %dma_start3A_3542 = arith.constant 0 : i32
      %dma_start3A_3543 = arith.constant 0 : i32
      %dma_start3A_3544 = tpu.memref_slice %arg6[%add3A, %dma_start3A_3542, %dma_start3A_3543] : memref<32x6x64xf32, #tpu.memory_space<hbm>> -> memref<1x6x64xf32, #tpu.memory_space<hbm>>
      %dma_start3A_3545 = tpu.memref_squeeze %dma_start3A_3544 : memref<1x6x64xf32, #tpu.memory_space<hbm>> -> memref<6x64xf32, #tpu.memory_space<hbm>>
      tpu.enqueue_dma source(%arg17 : memref<6x64xf32, #tpu.memory_space<vmem>>) target(%dma_start3A_3545 : memref<6x64xf32, #tpu.memory_space<hbm>>) target_semaphore(%run_scoped3A : memref<!tpu.dma_semaphore, #tpu.memory_space<semaphore_mem>>)
      %dma_wait3A = arith.constant 0 : i32
      %dma_wait3A_3546 = arith.constant 0 : i32
      %dma_wait3A_3547 = tpu.memref_slice %arg6[%add3A, %dma_wait3A, %dma_wait3A_3546] : memref<32x6x64xf32, #tpu.memory_space<hbm>> -> memref<1x6x64xf32, #tpu.memory_space<hbm>>
      %dma_wait3A_3548 = tpu.memref_squeeze %dma_wait3A_3547 : memref<1x6x64xf32, #tpu.memory_space<hbm>> -> memref<6x64xf32, #tpu.memory_space<hbm>>
      %dma_wait3A_3549 = arith.constant 0 : i32
      %dma_wait3A_3550 = arith.constant 0 : i32
      %dma_wait3A_3551 = tpu.memref_slice %arg6[%add3A, %dma_wait3A_3549, %dma_wait3A_3550] : memref<32x6x64xf32, #tpu.memory_space<hbm>> -> memref<1x6x64xf32, #tpu.memory_space<hbm>>
      %dma_wait3A_3552 = tpu.memref_squeeze %dma_wait3A_3551 : memref<1x6x64xf32, #tpu.memory_space<hbm>> -> memref<6x64xf32, #tpu.memory_space<hbm>>
      tpu.wait_dma2 semaphore(%run_scoped3A : memref<!tpu.dma_semaphore, #tpu.memory_space<semaphore_mem>>) src(%arg17 : memref<6x64xf32, #tpu.memory_space<vmem>>) dst(%dma_wait3A_3552 : memref<6x64xf32, #tpu.memory_space<hbm>>)
      tpu.yield
    }) : () -> ()
    return
  }
}

module attributes {stable_mosaic.version = 14 : i64} {
  func.func @_combine_body(%arg0: memref<32x6x64xf32, #tpu.memory_space<vmem>>, %arg1: memref<2x64xf32, #tpu.memory_space<vmem>>) attributes {dimension_semantics = [], scalar_prefetch = 0 : i64, scratch_operands = 0 : i64, tpu.core_type = #tpu.core_type<tc>} {
    %get3A = arith.constant 0 : index
    %get3A_0 = arith.constant 0 : index
    %get3A_1 = arith.constant 0 : index
    %get3A_2 = vector.load %arg0[%get3A, %get3A_0, %get3A_1] : memref<32x6x64xf32, #tpu.memory_space<vmem>>, vector<32x6x64xf32>
    %reduce_sum3A = arith.constant dense<0.000000e+00> : vector<6x64xf32>
    %reduce_sum3A_3 = vector.multi_reduction <add>, %get3A_2, %reduce_sum3A [0] : vector<32x6x64xf32> to vector<6x64xf32>
    %slice3A = vector.extract_strided_slice %reduce_sum3A_3 {offsets = [0, 0], sizes = [1, 64], strides = [1, 1]} : vector<6x64xf32> to vector<1x64xf32>
    %slice3A_4 = vector.extract_strided_slice %reduce_sum3A_3 {offsets = [1, 0], sizes = [1, 64], strides = [1, 1]} : vector<6x64xf32> to vector<1x64xf32>
    %slice3A_5 = vector.extract_strided_slice %reduce_sum3A_3 {offsets = [2, 0], sizes = [1, 64], strides = [1, 1]} : vector<6x64xf32> to vector<1x64xf32>
    %slice3A_6 = vector.extract_strided_slice %reduce_sum3A_3 {offsets = [3, 0], sizes = [1, 64], strides = [1, 1]} : vector<6x64xf32> to vector<1x64xf32>
    %slice3A_7 = vector.extract_strided_slice %reduce_sum3A_3 {offsets = [4, 0], sizes = [1, 64], strides = [1, 1]} : vector<6x64xf32> to vector<1x64xf32>
    %slice3A_8 = vector.extract_strided_slice %reduce_sum3A_3 {offsets = [5, 0], sizes = [1, 64], strides = [1, 1]} : vector<6x64xf32> to vector<1x64xf32>
    %div3A = arith.divf %slice3A_5, %slice3A_6 : vector<1x64xf32>
    %lt3A = arith.constant 6.000000e+00 : f32
    %lt3A_9 = vector.broadcast %lt3A : f32 to vector<1x64xf32>
    %lt3A_10 = arith.cmpf olt, %slice3A_6, %lt3A_9 : vector<1x64xf32>
    %jit3A = arith.constant 0.000000e+00 : f32
    %broadcast_in_dim3A = vector.broadcast %jit3A : f32 to vector<1x64xf32>
    %select_n3A = arith.select %lt3A_10, %slice3A_7, %broadcast_in_dim3A : vector<1x64xi1>, vector<1x64xf32>
    %jit3A_11 = arith.constant 0.000000e+00 : f32
    %broadcast_in_dim3A_12 = vector.broadcast %jit3A_11 : f32 to vector<1x64xf32>
    %select_n3A_13 = arith.select %lt3A_10, %slice3A_8, %broadcast_in_dim3A_12 : vector<1x64xi1>, vector<1x64xf32>
    %mul3A = arith.mulf %select_n3A_13, %div3A : vector<1x64xf32>
    %add3A = arith.addf %slice3A, %mul3A : vector<1x64xf32>
    %mul3A_14 = arith.constant 5.000000e+00 : f32
    %mul3A_15 = vector.broadcast %mul3A_14 : f32 to vector<1x64xf32>
    %mul3A_16 = arith.mulf %mul3A_15, %div3A : vector<1x64xf32>
    %sub3A = arith.subf %add3A, %mul3A_16 : vector<1x64xf32>
    %mul3A_17 = arith.constant 5.000000e+00 : f32
    %mul3A_18 = vector.broadcast %mul3A_17 : f32 to vector<1x64xf32>
    %mul3A_19 = arith.mulf %mul3A_18, %sub3A : vector<1x64xf32>
    %logistic3A = arith.negf %mul3A_19 : vector<1x64xf32>
    %logistic3A_20 = math.exp %logistic3A : vector<1x64xf32>
    %logistic3A_21 = arith.constant 1.000000e+00 : f32
    %logistic3A_22 = vector.broadcast %logistic3A_21 : f32 to vector<1x64xf32>
    %logistic3A_23 = arith.addf %logistic3A_22, %logistic3A_20 : vector<1x64xf32>
    %logistic3A_24 = arith.divf %logistic3A_22, %logistic3A_23 : vector<1x64xf32>
    %mul3A_25 = arith.mulf %select_n3A, %div3A : vector<1x64xf32>
    %add3A_26 = arith.addf %slice3A_4, %mul3A_25 : vector<1x64xf32>
    %mul3A_27 = arith.constant 1.000000e+00 : f32
    %mul3A_28 = vector.broadcast %mul3A_27 : f32 to vector<1x64xf32>
    %mul3A_29 = arith.mulf %mul3A_28, %div3A : vector<1x64xf32>
    %sub3A_30 = arith.subf %add3A_26, %mul3A_29 : vector<1x64xf32>
    %mul3A_31 = arith.constant 5.000000e+00 : f32
    %mul3A_32 = vector.broadcast %mul3A_31 : f32 to vector<1x64xf32>
    %mul3A_33 = arith.mulf %mul3A_32, %sub3A_30 : vector<1x64xf32>
    %logistic3A_34 = arith.negf %mul3A_33 : vector<1x64xf32>
    %logistic3A_35 = math.exp %logistic3A_34 : vector<1x64xf32>
    %logistic3A_36 = arith.constant 1.000000e+00 : f32
    %logistic3A_37 = vector.broadcast %logistic3A_36 : f32 to vector<1x64xf32>
    %logistic3A_38 = arith.addf %logistic3A_37, %logistic3A_35 : vector<1x64xf32>
    %logistic3A_39 = arith.divf %logistic3A_37, %logistic3A_38 : vector<1x64xf32>
    %concatenate3A = tpu.concatenate %logistic3A_24, %logistic3A_39 in 0 : vector<1x64xf32>, vector<1x64xf32> -> vector<2x64xf32>
    %swap3A = arith.constant 0 : index
    %swap3A_40 = arith.constant 0 : index
    %swap3A_41 = vector.load %arg1[%swap3A, %swap3A_40] : memref<2x64xf32, #tpu.memory_space<vmem>>, vector<2x64xf32>
    tpu.vector_store %arg1[%swap3A, %swap3A_40], %concatenate3A {strides = array<i32>} : memref<2x64xf32, #tpu.memory_space<vmem>>, vector<2x64xf32>,
    return
  }
}

</mosaic_0001>

<sc_bundles>
// kernel: kernel.4.cloned.1.call-start
scs
__scs_entry_jumppad:
0x0: {  	(pc) =	sbr.rel $0x88, $3  }
0x1: {  	(tag) =	ssettag $0x0;
	lr =	simm.s32 $0x1  }
0x2: {  	[smem:$0x3F9D] =	sst lr;
	_ =	strace $0xD0000000  }
0x3: {  	_ = 	snop  }
0x4: {  	_ = 	snop  }
0x5: {  	_ = 	snop  }
0x6: {  	_ = 	snop  }
0x7: {  	_ = 	snop  }
__scs_overlays_trampoline_lowered:
0x8: {  	[smem:$0x3FAC] =	sst s0  }
0x9: {  	[smem:$0x3FAD] =	sst s1  }
0xa: {  	[smem:$0x3FAE] =	sst s2  }
0xb: {  	[smem:$0x3FAF] =	sst s3  }
0xc: {  	[smem:$0x3FB0] =	sst s4  }
0xd: {  	[smem:$0x3FB1] =	sst s5  }
0xe: {  	[smem:$0x3FB2] =	sst s6  }
0xf: {  	[smem:$0x3FB3] =	sst s7  }
0x10: {  	[smem:$0x3FB4] =	sst s8  }
0x11: {  	[smem:$0x3FB5] =	sst s9;
	s0 =	simm.s32 @!p0 $0x0  }
0x12: {  	s1 =	sld [smem:$0x3F9B];
	s0 =	simm.s32 @p0 $0x1  }
0x13: {  	[smem:$0x3FB6] =	sst s0;
	s0 =	simm.s32 @!p1 $0x0  }
0x14: {  	s2 =	sld [smem:$0x3F9A];
	s0 =	simm.s32 @p1 $0x1  }
0x15: {  	[smem:$0x3FB7] =	sst s0;
	s0 =	simm.s32 @!p2 $0x0  }
0x16: {  	s3 =	sld [smem:$0x3FDB];
	s0 =	simm.s32 @p2 $0x1  }
0x17: {  	s4 =	simm.s32 $0x1BF5;
	[smem:$0x3FB9] =	sst s0  }
0x18: {  	s0 =	sld [smem:$0x3F9C];
	_ =	swait.ge [sflag:s4], $0x0  }
0x19: {  	s7 =	sld [smem:$0x3F9D]  }
0x1a: {  	s8 =	sadd.s32 $0xFFFFE003, lr  }
0x1b: {  	s9 =	sadd.s32 $0xFFFFFEF7, lr;
	s5 =	simm.s32 $0xFFFFFFFF;
	p2 =	slt.u32 s8, $0xFFFFF086  }
0x1c: {  	p1 =	slt.u32 s9, $0xF7A;
	s5 =	simm.s32 @!p2 $0x0  }
0x1d: {  	s5 =	simm.s32 @p1 $0x1;
	p0 =	seq.s32 s7, s2  }
0x1e: {  	s7 =	smul.u32 @!p0 $0xF7A, s2;
	p2 =	seq.s32 @!p0 s5, $0x0  }
0x1f: {  	s9 =	smul.u32 $0xF7A, s1;
	s8 =	simm.s32 @!p0 $0x1BF5;
	p2 =	por !p2, p0  }
0x20: {  	[sflag:s8] =	ssyncset.s32 @!p0 $0xFFFFF086;
	s6 =	sadd.s32 @!p0 s3, s7;
	s7 =	simm.s32 @!p0 $0x108  }
0x21: {  	s3 =	sadd.s32 s3, s9;
	s6 =	sadd.s32 @!p0 $0x88, s6;
	s7 =	simm.s32 @p2 $0x1082  }
0x22: {  	[simem:s7], [sflag:s8] =	dma.local @!p0 [hbm:s6], $0xF7A  }
0x23: {  	s9 =	sor.u32 $0xD0000000, s2;
	s6 =	simm.s32 $0x108;
	_ =	swait.ge @!p0 [sflag:s8], $0x0  }
0x24: {  	s3 =	sadd.s32 $0x88, s3;
	s6 =	simm.s32 @!p1 $0x1082;
	[sflag:s4] =	ssyncset.s32 $0xFFFFF086  }
0x25: {  	[simem:s6], [sflag:s4] =	dma.local [hbm:s3], $0xF7A  }
0x26: {  	[smem:$0x3F9D] =	sst s1;
	(tag) =	ssettag s2;
	_ =	strace s9  }
0x27: {  	s1 =	sld [smem:$0x3FAD]  }
0x28: {  	s2 =	sld [smem:$0x3FAE]  }
0x29: {  	s4 =	sld [smem:$0x3FB0]  }
0x2a: {  	p0 =	seq.s32 s5, $0x0;
	s5 =	sld [smem:$0x3FB1]  }
0x2b: {  	s6 =	sld [smem:$0x3FB2]  }
0x2c: {  	s7 =	sld [smem:$0x3FB3]  }
0x2d: {  	s3 =	simm.s32 $0x108;
	s8 =	sld [smem:$0x3FB4]  }
0x2e: {  	s3 =	simm.s32 @!p0 $0x1082;
	s9 =	sld [smem:$0x3FB5]  }
0x2f: {  	lr =	sadd.s32 s0, s3;
	s0 =	sld [smem:$0x3FAC]  }
0x30: {  	s3 =	sld [smem:$0x3FAF]  }
0x31: {  	[smem:$0x3FB8] =	sst s10  }
0x32: {  	s10 =	sld [smem:$0x3FB6];
	_ =	sdelay $0x3  }
0x33: {  	p0 =	seq.s32 s10, $0x1;
	s10 =	sld [smem:$0x3FB8];
	_ =	sdelay $0x3  }
0x34: {  	[smem:$0x3FB8] =	sst s10  }
0x35: {  	s10 =	sld [smem:$0x3FB7];
	_ =	sdelay $0x3  }
0x36: {  	p1 =	seq.s32 s10, $0x1;
	s10 =	sld [smem:$0x3FB8];
	_ =	sdelay $0x3  }
0x37: {  	[smem:$0x3FB8] =	sst s10  }
0x38: {  	s10 =	sld [smem:$0x3FB9]  }
0x39: {  	_ = 	snop;
	(pc) =	sbr.ind lr, $3  }
0x3a: {  	_ = 	snop  }
0x3b: {  	_ = 	snop  }
0x3c: {  	p2 =	seq.s32 s10, $0x1;
	s10 =	sld [smem:$0x3FB8]  }
0x3d: {  	_ =	shalt  }
0x3e: {  	_ =	shalt  }
0x3f: {  	_ =	shalt  }
0x40: {  	_ =	shalt  }
0x41: {  	_ =	shalt  }
0x42: {  	_ =	shalt  }
0x43: {  	_ =	shalt  }
0x44: {  	_ =	shalt  }
0x45: {  	_ =	shalt  }
0x46: {  	_ =	shalt  }
0x47: {  	_ =	shalt  }
0x48: {  	_ =	shalt  }
0x49: {  	_ =	shalt  }
0x4a: {  	_ =	shalt  }
0x4b: {  	_ =	shalt  }
0x4c: {  	_ =	shalt  }
0x4d: {  	_ =	shalt  }
0x4e: {  	_ =	shalt  }
0x4f: {  	_ =	shalt  }
0x50: {  	_ =	shalt  }
0x51: {  	_ =	shalt  }
0x52: {  	_ =	shalt  }
0x53: {  	_ =	shalt  }
0x54: {  	_ =	shalt  }
0x55: {  	_ =	shalt  }
0x56: {  	_ =	shalt  }
0x57: {  	_ =	shalt  }
0x58: {  	_ =	shalt  }
0x59: {  	_ =	shalt  }
0x5a: {  	_ =	shalt  }
0x5b: {  	_ =	shalt  }
0x5c: {  	_ =	shalt  }
0x5d: {  	_ =	shalt  }
0x5e: {  	_ =	shalt  }
0x5f: {  	_ =	shalt  }
0x60: {  	_ =	shalt  }
0x61: {  	_ =	shalt  }
0x62: {  	_ =	shalt  }
0x63: {  	_ =	shalt  }
0x64: {  	_ =	shalt  }
0x65: {  	_ =	shalt  }
0x66: {  	_ =	shalt  }
0x67: {  	_ =	shalt  }
0x68: {  	_ =	shalt  }
0x69: {  	_ =	shalt  }
0x6a: {  	_ =	shalt  }
0x6b: {  	_ =	shalt  }
0x6c: {  	_ =	shalt  }
0x6d: {  	_ =	shalt  }
0x6e: {  	_ =	shalt  }
0x6f: {  	_ =	shalt  }
0x70: {  	_ =	shalt  }
0x71: {  	_ =	shalt  }
0x72: {  	_ =	shalt  }
0x73: {  	_ =	shalt  }
0x74: {  	_ =	shalt  }
0x75: {  	_ =	shalt  }
0x76: {  	_ =	shalt  }
0x77: {  	_ =	shalt  }
0x78: {  	_ =	shalt  }
0x79: {  	_ =	shalt  }
0x7a: {  	_ =	shalt  }
0x7b: {  	_ =	shalt  }
0x7c: {  	_ =	shalt  }
0x7d: {  	_ =	shalt  }
0x7e: {  	_ =	shalt  }
0x7f: {  	_ =	shalt  }
0x80: {  	_ =	shalt  }
0x81: {  	_ =	shalt  }
0x82: {  	_ =	shalt  }
0x83: {  	_ =	shalt  }
0x84: {  	_ =	shalt  }
0x85: {  	_ =	shalt  }
0x86: {  	_ =	shalt  }
0x87: {  	_ =	shalt  }
.Lfunc_end0:
.L_simem_size_0:
called_computation_lowered:
.L_overlay_start_0:
0x88: {  	s2 =	sld [smem:$0x3FD9]  }
0x89: {  	s3 =	sld [smem:$0x3FFE];
	_ =	sdelay $0x1  }
0x8a: {  	s1 =	srdreg.scid  }
0x8b: {  	s0 =	sand.u32 $0x1, s1  }
0x8c: {  	s17 =	sshll.u32 s0, $0xA;
	s2 =	sadd.s32 s3, s2  }
0x8d: {  	s2 =	sadd.s32 s2, s17  }
0x8e: {  	[smem:$0x3FC4] =	sst s2  }
0x8f: {  	_ = 	snop  }
0x90: {  	s2 =	sld [smem:$0x3FC8]  }
0x91: {  	s18 =	sld [smem:$0x3FC7]  }
0x92: {  	s4 =	sld [smem:$0x3FC6];
	(tm) =	ssettm $0x1  }
0x93: {  	s5 =	sld [smem:$0x3FFB];
	_ =	sdelay $0x3  }
0x94: {  	_ =	strace s5  }
0x95: {  	s5 =	sld [smem:$0x3FFC];
	_ =	sdelay $0x3  }
0x96: {  	_ =	strace s5  }
0x97: {  	s5 =	sld [smem:$0x3FFD];
	_ =	sdelay $0x3  }
0x98: {  	_ =	strace s5  }
0x99: {  	_ =	strace $0x8FFFFFFF  }
0x9a: {  	s19 =	sld [smem:$0x3FDB];
	_ =	sdelay $0x1  }
0x9b: {  	s6 =	simm.s32 $_scs_section_size  }
0x9c: {  	s7 =	simm.s32 $_size__tile_overlayer_lowered;
	s8 =	simm.s32 $_tile_overlayer_lowered  }
0x9d: {  	s22 =	simm.s32 $0x1BFF;
	s21 =	sshll.u32 s8, $0x1;
	s5 =	sadd.s32 s6, s19  }
0x9e: {  	s9 =	simm.s32 $0x0;
	s20 =	sshll.u32 s7, $0x1;
	s7 =	sadd.s32 s21, s5  }
0x9f: {  	[timem:s9], [sflag:s22] =	dma.local [hbm:s7], s20  }
0xa0: {  	_ =	swait.ge [sflag:s22], s20  }
0xa1: {  	s6 =	ssub.s32 $0x0, s20;
	[sflag:s22] =	ssyncset.done $0x0  }
0xa2: {  	[sflag:s22] =	ssyncadd.s32 s6;
	_ =	sdelay $0x1  }
0xa3: {  	s23 =	simm.s32 $0x1B8B  }
0xa4: {  	_ =	swait.ge [sflag:s23], $0x1  }
0xa5: {  	[sflag:s23] =	ssyncset.done $0x0  }
0xa6: {  	s25 =	simm.s32 $0x1B8E;
	s24 =	sld [smem:$0x3FFE];
	[sflag:s23] =	ssyncadd.s32 $0xFFFFFFFF  }
0xa7: {  	s26 =	simm.s32 $execute0_lowered;
	[smem:$0x3FD2] =	sst s25  }
0xa8: {  	s7 =	sshll.u32 s26, $0x1;
	_ =	strace $0x80000046;
	[dreg:$0x1] =	wrdreg $0xFFFFFFFF  }
0xa9: {  	s28 =	simm.s32 $_size_execute0_lowered;
	s5 =	sadd.s32 s5, s7;
	[dreg:$0x0] =	wrdreg $0x0  }
0xaa: {  	s7 =	sshll.u32 s28, $0x1;
	[dreg:$0x2] =	wrdreg s5  }
0xab: {  	[dreg:$0x3] =	wrdreg s7  }
0xac: {  	[dreg:$0x4] =	wrdreg $0xC0  }
0xad: {  	_ =	task [dreg:s9], $0x5FFFF  }
0xae: {  	[dreg:$0x1] =	wrdreg $0xFFFFFFFF  }
0xaf: {  	[dreg:$0x0] =	wrdreg $0x60  }
0xb0: {  	[dreg:$0x2] =	wrdreg s24  }
0xb1: {  	[dreg:$0x3] =	wrdreg s2  }
0xb2: {  	[dreg:$0x4] =	wrdreg s18  }
0xb3: {  	[dreg:$0x5] =	wrdreg s4  }
0xb4: {  	[dreg:$0x6] =	wrdreg $0x9  }
0xb5: {  	_ =	task.clear_ibuf [dreg:s9], $0x7FFFF;
	_ =	strace $0x90000046  }
0xb6: {  	s29 =	simm.s32 $0x9;
	_ =	strace $0x80000048  }
0xb7: {  	_ =	swait.ge [sflag:s29], $0x1  }
0xb8: {  	[sflag:s29] =	ssyncadd.s32 $0xFFFFFFFF  }
0xb9: {  	_ =	strace $0x90000048  }
0xba: {  	_ =	sfence  }
0xbb: {  	s30 =	sld [smem:$0x0];
	_ =	sdelay $0x2  }
0xbc: {  	s31 =	sshll.u32 s1, $0xD;
	s1 =	sshrl.u32 s1, $0x2  }
0xbd: {  	s3 =	sand.u32 $0x4000, s31;
	s1 =	sadd.s32 s1, s30  }
0xbe: {  	s0 =	sor.u32 s3, s0;
	s1 =	sshll.u32 s1, $0x11  }
0xbf: {  	s0 =	sor.u32 s1, s0  }
0xc0: {  	s0 =	sadd.s32 $0x8F2B, s0  }
0xc1: {  	[sflag:s0] =	ssyncadd.remote.s32 $0x1  }
0xc2: {  	_ =	sfence.sel $0xFFFF  }
0xc3: {  	[dreg:$0x0] =	wrdreg $0xFFFFFFFF;
	(pc) =	sbr.abs _section_cstart, $3  }
0xc4: {  	[dreg:$0x1] =	wrdreg $0xFFFFFFFF  }
0xc5: {  	_ =	task.clear_ibuf [dreg:s9], $0x2FFFF;
	_ =	strace $0x9FFFFFFF  }
0xc6: {  	(tm) =	ssettm $0x7FFFFFFF  }
0xc7: {  	_ =	shalt  }
tec
execute0_lowered:
.L_overlay_start_1:
0x0: {  	(tag) =	ssettag $0x1  }
0x1: {  	s7 =	rddreg [dreg:$0x0]  }
0x2: {  	s1 =	rddreg [dreg:$0x1]  }
0x3: {  	s3 =	rddreg [dreg:$0x2]  }
0x4: {  	s4 =	rddreg [dreg:$0x3]  }
0x5: {  	s0 =	rddreg [dreg:$0x4]  }
0x6: {  	s6 =	srdreg.scid;
	s2 =	stileid.u32  }
0x7: {  	s5 =	simm.s32 $0x0;
	s12 =	simm.s32 $0xC800;
	s13 =	simm.s32 $0xD000  }
0x8: {  	s14 =	simm.s32 $0xD800;
	s15 =	simm.s32 $0xE000;
	s16 =	simm.s32 $0xE800  }
0x9: {  	s17 =	simm.s32 $0xF000;
	s6 =	sand.u32 $0x1, s6;
	s8 =	sshll.u32 s2, $0x1  }
0xa: {  	s18 =	simm.s32 $0x0;
	[smem:$0x7FF] =	sst s5;
	s8 =	sor.u32 s6, s8  }
0xb: {  	v4 =	vlaneseq.u32;
	s9 =	ssub.s32 $0x2, s6;
	_ =	strace $0x80000047;
	s10 =	sshll.u32 s8, $0x7  }
0xc: {  	v0 =	vmul.u32 $0x3, v4;
	s6 =	sadd.s32 $0x2000600, s7;
	s11 =	sshrl.u32 s9, $0x1;
	s10 =	sadd.s32 s10, s7  }
0xd: {  	v1 =	vimm.f32 $0.0e+00;
	v5 =	vimm.f32 $1.000000000e+00;
	s9 =	ssub.s32 s9, s11;
	s7 =	sshll.u32 s8, $0x10;
	s11 =	simm.s32 $0xC000  }
0xe: {  	v4 =	vmul.u32 $0x80, v4;
	v2 =	vadd.s32 $0x1, v0;
	v3 =	vadd.s32 $0x2, v0;
	s8 =	sadd.s32 $0x600, s10;
	s9 =	smax.u32 s9, $0x1;
	s10 =	simm.s32 $0x1  }
.LBB2_1:
0xf: {  	[tilespmem:$0xC000] =	vst v1  }
0x10: {  	[tilespmem:$0xC010] =	vst v1  }
0x11: {  	[tilespmem:$0xC020] =	vst v1  }
0x12: {  	[tilespmem:$0xC030] =	vst v1  }
0x13: {  	[tilespmem:$0xC080] =	vst v1  }
0x14: {  	[tilespmem:$0xC090] =	vst v1  }
0x15: {  	[tilespmem:$0xC0A0] =	vst v1  }
0x16: {  	[tilespmem:$0xC0B0] =	vst v1  }
0x17: {  	[tilespmem:$0xC100] =	vst v1  }
0x18: {  	[tilespmem:$0xC110] =	vst v1  }
0x19: {  	[tilespmem:$0xC120] =	vst v1  }
0x1a: {  	[tilespmem:$0xC130] =	vst v1  }
0x1b: {  	[tilespmem:$0xC180] =	vst v1  }
0x1c: {  	[tilespmem:$0xC190] =	vst v1  }
0x1d: {  	[tilespmem:$0xC1A0] =	vst v1  }
0x1e: {  	[tilespmem:$0xC1B0] =	vst v1  }
0x1f: {  	[tilespmem:$0xC200] =	vst v1  }
0x20: {  	[tilespmem:$0xC210] =	vst v1  }
0x21: {  	[tilespmem:$0xC220] =	vst v1  }
0x22: {  	[tilespmem:$0xC230] =	vst v1  }
0x23: {  	[tilespmem:$0xC280] =	vst v1  }
0x24: {  	[tilespmem:$0xC290] =	vst v1  }
0x25: {  	[tilespmem:$0xC2A0] =	vst v1  }
0x26: {  	[tilespmem:$0xC2B0] =	vst v1  }
0x27: {  	[tilespmem:$0xC300] =	vst v1  }
0x28: {  	[tilespmem:$0xC310] =	vst v1  }
0x29: {  	[tilespmem:$0xC320] =	vst v1  }
0x2a: {  	[tilespmem:$0xC330] =	vst v1  }
0x2b: {  	[tilespmem:$0xC380] =	vst v1  }
0x2c: {  	[tilespmem:$0xC390] =	vst v1  }
0x2d: {  	[tilespmem:$0xC3A0] =	vst v1  }
0x2e: {  	[tilespmem:$0xC3B0] =	vst v1  }
0x2f: {  	[tilespmem:$0xC400] =	vst v1  }
0x30: {  	[tilespmem:$0xC410] =	vst v1  }
0x31: {  	[tilespmem:$0xC420] =	vst v1  }
0x32: {  	[tilespmem:$0xC430] =	vst v1  }
0x33: {  	[tilespmem:$0xC480] =	vst v1  }
0x34: {  	[tilespmem:$0xC490] =	vst v1  }
0x35: {  	[tilespmem:$0xC4A0] =	vst v1  }
0x36: {  	[tilespmem:$0xC4B0] =	vst v1  }
0x37: {  	[tilespmem:$0xC500] =	vst v1  }
0x38: {  	[tilespmem:$0xC510] =	vst v1  }
0x39: {  	[tilespmem:$0xC520] =	vst v1  }
0x3a: {  	[tilespmem:$0xC530] =	vst v1  }
0x3b: {  	[tilespmem:$0xC580] =	vst v1  }
0x3c: {  	[tilespmem:$0xC590] =	vst v1  }
0x3d: {  	[tilespmem:$0xC5A0] =	vst v1  }
0x3e: {  	[tilespmem:$0xC5B0] =	vst v1  }
0x3f: {  	[tilespmem:$0xC600] =	vst v1  }
0x40: {  	[tilespmem:$0xC610] =	vst v1  }
0x41: {  	[tilespmem:$0xC620] =	vst v1  }
0x42: {  	[tilespmem:$0xC630] =	vst v1  }
0x43: {  	[tilespmem:$0xC680] =	vst v1  }
0x44: {  	[tilespmem:$0xC690] =	vst v1  }
0x45: {  	[tilespmem:$0xC6A0] =	vst v1  }
0x46: {  	[tilespmem:$0xC6B0] =	vst v1  }
0x47: {  	[tilespmem:$0xC700] =	vst v1  }
0x48: {  	[tilespmem:$0xC710] =	vst v1  }
0x49: {  	[tilespmem:$0xC720] =	vst v1  }
0x4a: {  	[tilespmem:$0xC730] =	vst v1  }
0x4b: {  	[tilespmem:$0xC780] =	vst v1  }
0x4c: {  	[tilespmem:$0xC790] =	vst v1  }
0x4d: {  	[tilespmem:$0xC7A0] =	vst v1  }
0x4e: {  	[tilespmem:$0xC7B0] =	vst v1  }
0x4f: {  	[tilespmem:$0xC800] =	vst v1  }
0x50: {  	[tilespmem:$0xC810] =	vst v1  }
0x51: {  	[tilespmem:$0xC820] =	vst v1  }
0x52: {  	[tilespmem:$0xC830] =	vst v1  }
0x53: {  	[tilespmem:$0xC880] =	vst v1  }
0x54: {  	[tilespmem:$0xC890] =	vst v1  }
0x55: {  	[tilespmem:$0xC8A0] =	vst v1  }
0x56: {  	[tilespmem:$0xC8B0] =	vst v1  }
0x57: {  	[tilespmem:$0xC900] =	vst v1  }
0x58: {  	[tilespmem:$0xC910] =	vst v1  }
0x59: {  	[tilespmem:$0xC920] =	vst v1  }
0x5a: {  	[tilespmem:$0xC930] =	vst v1  }
0x5b: {  	[tilespmem:$0xC980] =	vst v1  }
0x5c: {  	[tilespmem:$0xC990] =	vst v1  }
0x5d: {  	[tilespmem:$0xC9A0] =	vst v1  }
0x5e: {  	[tilespmem:$0xC9B0] =	vst v1  }
0x5f: {  	[tilespmem:$0xCA00] =	vst v1  }
0x60: {  	[tilespmem:$0xCA10] =	vst v1  }
0x61: {  	[tilespmem:$0xCA20] =	vst v1  }
0x62: {  	[tilespmem:$0xCA30] =	vst v1  }
0x63: {  	[tilespmem:$0xCA80] =	vst v1  }
0x64: {  	[tilespmem:$0xCA90] =	vst v1  }
0x65: {  	[tilespmem:$0xCAA0] =	vst v1  }
0x66: {  	[tilespmem:$0xCAB0] =	vst v1  }
0x67: {  	[tilespmem:$0xCB00] =	vst v1  }
0x68: {  	[tilespmem:$0xCB10] =	vst v1  }
0x69: {  	[tilespmem:$0xCB20] =	vst v1  }
0x6a: {  	[tilespmem:$0xCB30] =	vst v1  }
0x6b: {  	[tilespmem:$0xCB80] =	vst v1  }
0x6c: {  	[tilespmem:$0xCB90] =	vst v1  }
0x6d: {  	[tilespmem:$0xCBA0] =	vst v1  }
0x6e: {  	[tilespmem:$0xCBB0] =	vst v1  }
0x6f: {  	[tilespmem:$0xCC00] =	vst v1  }
0x70: {  	[tilespmem:$0xCC10] =	vst v1  }
0x71: {  	[tilespmem:$0xCC20] =	vst v1  }
0x72: {  	[tilespmem:$0xCC30] =	vst v1  }
0x73: {  	[tilespmem:$0xCC80] =	vst v1  }
0x74: {  	[tilespmem:$0xCC90] =	vst v1  }
0x75: {  	[tilespmem:$0xCCA0] =	vst v1  }
0x76: {  	[tilespmem:$0xCCB0] =	vst v1  }
0x77: {  	[tilespmem:$0xCD00] =	vst v1  }
0x78: {  	[tilespmem:$0xCD10] =	vst v1  }
0x79: {  	[tilespmem:$0xCD20] =	vst v1  }
0x7a: {  	[tilespmem:$0xCD30] =	vst v1  }
0x7b: {  	[tilespmem:$0xCD80] =	vst v1  }
0x7c: {  	[tilespmem:$0xCD90] =	vst v1  }
0x7d: {  	[tilespmem:$0xCDA0] =	vst v1  }
0x7e: {  	[tilespmem:$0xCDB0] =	vst v1  }
0x7f: {  	[tilespmem:$0xCE00] =	vst v1  }
0x80: {  	[tilespmem:$0xCE10] =	vst v1  }
0x81: {  	[tilespmem:$0xCE20] =	vst v1  }
0x82: {  	[tilespmem:$0xCE30] =	vst v1  }
0x83: {  	[tilespmem:$0xCE80] =	vst v1  }
0x84: {  	[tilespmem:$0xCE90] =	vst v1  }
0x85: {  	[tilespmem:$0xCEA0] =	vst v1  }
0x86: {  	[tilespmem:$0xCEB0] =	vst v1  }
0x87: {  	[tilespmem:$0xCF00] =	vst v1  }
0x88: {  	[tilespmem:$0xCF10] =	vst v1  }
0x89: {  	[tilespmem:$0xCF20] =	vst v1  }
0x8a: {  	[tilespmem:$0xCF30] =	vst v1  }
0x8b: {  	[tilespmem:$0xCF80] =	vst v1  }
0x8c: {  	[tilespmem:$0xCF90] =	vst v1  }
0x8d: {  	[tilespmem:$0xCFA0] =	vst v1  }
0x8e: {  	[tilespmem:$0xCFB0] =	vst v1  }
0x8f: {  	[tilespmem:$0xD000] =	vst v1  }
0x90: {  	[tilespmem:$0xD010] =	vst v1  }
0x91: {  	[tilespmem:$0xD020] =	vst v1  }
0x92: {  	[tilespmem:$0xD030] =	vst v1  }
0x93: {  	[tilespmem:$0xD080] =	vst v1  }
0x94: {  	[tilespmem:$0xD090] =	vst v1  }
0x95: {  	[tilespmem:$0xD0A0] =	vst v1  }
0x96: {  	[tilespmem:$0xD0B0] =	vst v1  }
0x97: {  	[tilespmem:$0xD100] =	vst v1  }
0x98: {  	[tilespmem:$0xD110] =	vst v1  }
0x99: {  	[tilespmem:$0xD120] =	vst v1  }
0x9a: {  	[tilespmem:$0xD130] =	vst v1  }
0x9b: {  	[tilespmem:$0xD180] =	vst v1  }
0x9c: {  	[tilespmem:$0xD190] =	vst v1  }
0x9d: {  	[tilespmem:$0xD1A0] =	vst v1  }
0x9e: {  	[tilespmem:$0xD1B0] =	vst v1  }
0x9f: {  	[tilespmem:$0xD200] =	vst v1  }
0xa0: {  	[tilespmem:$0xD210] =	vst v1  }
0xa1: {  	[tilespmem:$0xD220] =	vst v1  }
0xa2: {  	[tilespmem:$0xD230] =	vst v1  }
0xa3: {  	[tilespmem:$0xD280] =	vst v1  }
0xa4: {  	[tilespmem:$0xD290] =	vst v1  }
0xa5: {  	[tilespmem:$0xD2A0] =	vst v1  }
0xa6: {  	[tilespmem:$0xD2B0] =	vst v1  }
0xa7: {  	[tilespmem:$0xD300] =	vst v1  }
0xa8: {  	[tilespmem:$0xD310] =	vst v1  }
0xa9: {  	[tilespmem:$0xD320] =	vst v1  }
0xaa: {  	[tilespmem:$0xD330] =	vst v1  }
0xab: {  	[tilespmem:$0xD380] =	vst v1  }
0xac: {  	[tilespmem:$0xD390] =	vst v1  }
0xad: {  	[tilespmem:$0xD3A0] =	vst v1  }
0xae: {  	[tilespmem:$0xD3B0] =	vst v1  }
0xaf: {  	[tilespmem:$0xD400] =	vst v1  }
0xb0: {  	[tilespmem:$0xD410] =	vst v1  }
0xb1: {  	[tilespmem:$0xD420] =	vst v1  }
0xb2: {  	[tilespmem:$0xD430] =	vst v1  }
0xb3: {  	[tilespmem:$0xD480] =	vst v1  }
0xb4: {  	[tilespmem:$0xD490] =	vst v1  }
0xb5: {  	[tilespmem:$0xD4A0] =	vst v1  }
0xb6: {  	[tilespmem:$0xD4B0] =	vst v1  }
0xb7: {  	[tilespmem:$0xD500] =	vst v1  }
0xb8: {  	[tilespmem:$0xD510] =	vst v1  }
0xb9: {  	[tilespmem:$0xD520] =	vst v1  }
0xba: {  	[tilespmem:$0xD530] =	vst v1  }
0xbb: {  	[tilespmem:$0xD580] =	vst v1  }
0xbc: {  	[tilespmem:$0xD590] =	vst v1  }
0xbd: {  	[tilespmem:$0xD5A0] =	vst v1  }
0xbe: {  	[tilespmem:$0xD5B0] =	vst v1  }
0xbf: {  	[tilespmem:$0xD600] =	vst v1  }
0xc0: {  	[tilespmem:$0xD610] =	vst v1  }
0xc1: {  	[tilespmem:$0xD620] =	vst v1  }
0xc2: {  	[tilespmem:$0xD630] =	vst v1  }
0xc3: {  	[tilespmem:$0xD680] =	vst v1  }
0xc4: {  	[tilespmem:$0xD690] =	vst v1  }
0xc5: {  	[tilespmem:$0xD6A0] =	vst v1  }
0xc6: {  	[tilespmem:$0xD6B0] =	vst v1  }
0xc7: {  	[tilespmem:$0xD700] =	vst v1  }
0xc8: {  	[tilespmem:$0xD710] =	vst v1  }
0xc9: {  	[tilespmem:$0xD720] =	vst v1  }
0xca: {  	[tilespmem:$0xD730] =	vst v1  }
0xcb: {  	[tilespmem:$0xD780] =	vst v1  }
0xcc: {  	[tilespmem:$0xD790] =	vst v1  }
0xcd: {  	[tilespmem:$0xD7A0] =	vst v1  }
0xce: {  	[tilespmem:$0xD7B0] =	vst v1  }
0xcf: {  	[tilespmem:$0xD800] =	vst v1  }
0xd0: {  	[tilespmem:$0xD810] =	vst v1  }
0xd1: {  	[tilespmem:$0xD820] =	vst v1  }
0xd2: {  	[tilespmem:$0xD830] =	vst v1  }
0xd3: {  	[tilespmem:$0xD880] =	vst v1  }
0xd4: {  	[tilespmem:$0xD890] =	vst v1  }
0xd5: {  	[tilespmem:$0xD8A0] =	vst v1  }
0xd6: {  	[tilespmem:$0xD8B0] =	vst v1  }
0xd7: {  	[tilespmem:$0xD900] =	vst v1  }
0xd8: {  	[tilespmem:$0xD910] =	vst v1  }
0xd9: {  	[tilespmem:$0xD920] =	vst v1  }
0xda: {  	[tilespmem:$0xD930] =	vst v1  }
0xdb: {  	[tilespmem:$0xD980] =	vst v1  }
0xdc: {  	[tilespmem:$0xD990] =	vst v1  }
0xdd: {  	[tilespmem:$0xD9A0] =	vst v1  }
0xde: {  	[tilespmem:$0xD9B0] =	vst v1  }
0xdf: {  	[tilespmem:$0xDA00] =	vst v1  }
0xe0: {  	[tilespmem:$0xDA10] =	vst v1  }
0xe1: {  	[tilespmem:$0xDA20] =	vst v1  }
0xe2: {  	[tilespmem:$0xDA30] =	vst v1  }
0xe3: {  	[tilespmem:$0xDA80] =	vst v1  }
0xe4: {  	[tilespmem:$0xDA90] =	vst v1  }
0xe5: {  	[tilespmem:$0xDAA0] =	vst v1  }
0xe6: {  	[tilespmem:$0xDAB0] =	vst v1  }
0xe7: {  	[tilespmem:$0xDB00] =	vst v1  }
0xe8: {  	[tilespmem:$0xDB10] =	vst v1  }
0xe9: {  	[tilespmem:$0xDB20] =	vst v1  }
0xea: {  	[tilespmem:$0xDB30] =	vst v1  }
0xeb: {  	[tilespmem:$0xDB80] =	vst v1  }
0xec: {  	[tilespmem:$0xDB90] =	vst v1  }
0xed: {  	[tilespmem:$0xDBA0] =	vst v1  }
0xee: {  	[tilespmem:$0xDBB0] =	vst v1  }
0xef: {  	[tilespmem:$0xDC00] =	vst v1  }
0xf0: {  	[tilespmem:$0xDC10] =	vst v1  }
0xf1: {  	[tilespmem:$0xDC20] =	vst v1  }
0xf2: {  	[tilespmem:$0xDC30] =	vst v1  }
0xf3: {  	[tilespmem:$0xDC80] =	vst v1  }
0xf4: {  	[tilespmem:$0xDC90] =	vst v1  }
0xf5: {  	[tilespmem:$0xDCA0] =	vst v1  }
0xf6: {  	[tilespmem:$0xDCB0] =	vst v1  }
0xf7: {  	[tilespmem:$0xDD00] =	vst v1  }
0xf8: {  	[tilespmem:$0xDD10] =	vst v1  }
0xf9: {  	[tilespmem:$0xDD20] =	vst v1  }
0xfa: {  	[tilespmem:$0xDD30] =	vst v1  }
0xfb: {  	[tilespmem:$0xDD80] =	vst v1  }
0xfc: {  	[tilespmem:$0xDD90] =	vst v1  }
0xfd: {  	[tilespmem:$0xDDA0] =	vst v1  }
0xfe: {  	[tilespmem:$0xDDB0] =	vst v1  }
0xff: {  	[tilespmem:$0xDE00] =	vst v1  }
0x100: {  	[tilespmem:$0xDE10] =	vst v1  }
0x101: {  	[tilespmem:$0xDE20] =	vst v1  }
0x102: {  	[tilespmem:$0xDE30] =	vst v1  }
0x103: {  	[tilespmem:$0xDE80] =	vst v1  }
0x104: {  	[tilespmem:$0xDE90] =	vst v1  }
0x105: {  	[tilespmem:$0xDEA0] =	vst v1  }
0x106: {  	[tilespmem:$0xDEB0] =	vst v1  }
0x107: {  	[tilespmem:$0xDF00] =	vst v1  }
0x108: {  	[tilespmem:$0xDF10] =	vst v1  }
0x109: {  	[tilespmem:$0xDF20] =	vst v1  }
0x10a: {  	[tilespmem:$0xDF30] =	vst v1  }
0x10b: {  	[tilespmem:$0xDF80] =	vst v1  }
0x10c: {  	[tilespmem:$0xDF90] =	vst v1  }
0x10d: {  	[tilespmem:$0xDFA0] =	vst v1  }
0x10e: {  	[tilespmem:$0xDFB0] =	vst v1  }
0x10f: {  	[tilespmem:$0xE000] =	vst v1  }
0x110: {  	[tilespmem:$0xE010] =	vst v1  }
0x111: {  	[tilespmem:$0xE020] =	vst v1  }
0x112: {  	[tilespmem:$0xE030] =	vst v1  }
0x113: {  	[tilespmem:$0xE080] =	vst v1  }
0x114: {  	[tilespmem:$0xE090] =	vst v1  }
0x115: {  	[tilespmem:$0xE0A0] =	vst v1  }
0x116: {  	[tilespmem:$0xE0B0] =	vst v1  }
0x117: {  	[tilespmem:$0xE100] =	vst v1  }
0x118: {  	[tilespmem:$0xE110] =	vst v1  }
0x119: {  	[tilespmem:$0xE120] =	vst v1  }
0x11a: {  	[tilespmem:$0xE130] =	vst v1  }
0x11b: {  	[tilespmem:$0xE180] =	vst v1  }
0x11c: {  	[tilespmem:$0xE190] =	vst v1  }
0x11d: {  	[tilespmem:$0xE1A0] =	vst v1  }
0x11e: {  	[tilespmem:$0xE1B0] =	vst v1  }
0x11f: {  	[tilespmem:$0xE200] =	vst v1  }
0x120: {  	[tilespmem:$0xE210] =	vst v1  }
0x121: {  	[tilespmem:$0xE220] =	vst v1  }
0x122: {  	[tilespmem:$0xE230] =	vst v1  }
0x123: {  	[tilespmem:$0xE280] =	vst v1  }
0x124: {  	[tilespmem:$0xE290] =	vst v1  }
0x125: {  	[tilespmem:$0xE2A0] =	vst v1  }
0x126: {  	[tilespmem:$0xE2B0] =	vst v1  }
0x127: {  	[tilespmem:$0xE300] =	vst v1  }
0x128: {  	[tilespmem:$0xE310] =	vst v1  }
0x129: {  	[tilespmem:$0xE320] =	vst v1  }
0x12a: {  	[tilespmem:$0xE330] =	vst v1  }
0x12b: {  	[tilespmem:$0xE380] =	vst v1  }
0x12c: {  	[tilespmem:$0xE390] =	vst v1  }
0x12d: {  	[tilespmem:$0xE3A0] =	vst v1  }
0x12e: {  	[tilespmem:$0xE3B0] =	vst v1  }
0x12f: {  	[tilespmem:$0xE400] =	vst v1  }
0x130: {  	[tilespmem:$0xE410] =	vst v1  }
0x131: {  	[tilespmem:$0xE420] =	vst v1  }
0x132: {  	[tilespmem:$0xE430] =	vst v1  }
0x133: {  	[tilespmem:$0xE480] =	vst v1  }
0x134: {  	[tilespmem:$0xE490] =	vst v1  }
0x135: {  	[tilespmem:$0xE4A0] =	vst v1  }
0x136: {  	[tilespmem:$0xE4B0] =	vst v1  }
0x137: {  	[tilespmem:$0xE500] =	vst v1  }
0x138: {  	[tilespmem:$0xE510] =	vst v1  }
0x139: {  	[tilespmem:$0xE520] =	vst v1  }
0x13a: {  	[tilespmem:$0xE530] =	vst v1  }
0x13b: {  	[tilespmem:$0xE580] =	vst v1  }
0x13c: {  	[tilespmem:$0xE590] =	vst v1  }
0x13d: {  	[tilespmem:$0xE5A0] =	vst v1  }
0x13e: {  	[tilespmem:$0xE5B0] =	vst v1  }
0x13f: {  	[tilespmem:$0xE600] =	vst v1  }
0x140: {  	[tilespmem:$0xE610] =	vst v1  }
0x141: {  	[tilespmem:$0xE620] =	vst v1  }
0x142: {  	[tilespmem:$0xE630] =	vst v1  }
0x143: {  	[tilespmem:$0xE680] =	vst v1  }
0x144: {  	[tilespmem:$0xE690] =	vst v1  }
0x145: {  	[tilespmem:$0xE6A0] =	vst v1  }
0x146: {  	[tilespmem:$0xE6B0] =	vst v1  }
0x147: {  	[tilespmem:$0xE700] =	vst v1  }
0x148: {  	[tilespmem:$0xE710] =	vst v1  }
0x149: {  	[tilespmem:$0xE720] =	vst v1  }
0x14a: {  	[tilespmem:$0xE730] =	vst v1  }
0x14b: {  	[tilespmem:$0xE780] =	vst v1  }
0x14c: {  	[tilespmem:$0xE790] =	vst v1  }
0x14d: {  	[tilespmem:$0xE7A0] =	vst v1  }
0x14e: {  	[tilespmem:$0xE7B0] =	vst v1  }
0x14f: {  	[tilespmem:$0xE800] =	vst v1  }
0x150: {  	[tilespmem:$0xE810] =	vst v1  }
0x151: {  	[tilespmem:$0xE820] =	vst v1  }
0x152: {  	[tilespmem:$0xE830] =	vst v1  }
0x153: {  	[tilespmem:$0xE880] =	vst v1  }
0x154: {  	[tilespmem:$0xE890] =	vst v1  }
0x155: {  	[tilespmem:$0xE8A0] =	vst v1  }
0x156: {  	[tilespmem:$0xE8B0] =	vst v1  }
0x157: {  	[tilespmem:$0xE900] =	vst v1  }
0x158: {  	[tilespmem:$0xE910] =	vst v1  }
0x159: {  	[tilespmem:$0xE920] =	vst v1  }
0x15a: {  	[tilespmem:$0xE930] =	vst v1  }
0x15b: {  	[tilespmem:$0xE980] =	vst v1  }
0x15c: {  	[tilespmem:$0xE990] =	vst v1  }
0x15d: {  	[tilespmem:$0xE9A0] =	vst v1  }
0x15e: {  	[tilespmem:$0xE9B0] =	vst v1  }
0x15f: {  	[tilespmem:$0xEA00] =	vst v1  }
0x160: {  	[tilespmem:$0xEA10] =	vst v1  }
0x161: {  	[tilespmem:$0xEA20] =	vst v1  }
0x162: {  	[tilespmem:$0xEA30] =	vst v1  }
0x163: {  	[tilespmem:$0xEA80] =	vst v1  }
0x164: {  	[tilespmem:$0xEA90] =	vst v1  }
0x165: {  	[tilespmem:$0xEAA0] =	vst v1  }
0x166: {  	[tilespmem:$0xEAB0] =	vst v1  }
0x167: {  	[tilespmem:$0xEB00] =	vst v1  }
0x168: {  	[tilespmem:$0xEB10] =	vst v1  }
0x169: {  	[tilespmem:$0xEB20] =	vst v1  }
0x16a: {  	[tilespmem:$0xEB30] =	vst v1  }
0x16b: {  	[tilespmem:$0xEB80] =	vst v1  }
0x16c: {  	[tilespmem:$0xEB90] =	vst v1  }
0x16d: {  	[tilespmem:$0xEBA0] =	vst v1  }
0x16e: {  	[tilespmem:$0xEBB0] =	vst v1  }
0x16f: {  	[tilespmem:$0xEC00] =	vst v1  }
0x170: {  	[tilespmem:$0xEC10] =	vst v1  }
0x171: {  	[tilespmem:$0xEC20] =	vst v1  }
0x172: {  	[tilespmem:$0xEC30] =	vst v1  }
0x173: {  	[tilespmem:$0xEC80] =	vst v1  }
0x174: {  	[tilespmem:$0xEC90] =	vst v1  }
0x175: {  	[tilespmem:$0xECA0] =	vst v1  }
0x176: {  	[tilespmem:$0xECB0] =	vst v1  }
0x177: {  	[tilespmem:$0xED00] =	vst v1  }
0x178: {  	[tilespmem:$0xED10] =	vst v1  }
0x179: {  	[tilespmem:$0xED20] =	vst v1  }
0x17a: {  	[tilespmem:$0xED30] =	vst v1  }
0x17b: {  	[tilespmem:$0xED80] =	vst v1  }
0x17c: {  	[tilespmem:$0xED90] =	vst v1  }
0x17d: {  	[tilespmem:$0xEDA0] =	vst v1  }
0x17e: {  	[tilespmem:$0xEDB0] =	vst v1  }
0x17f: {  	[tilespmem:$0xEE00] =	vst v1  }
0x180: {  	[tilespmem:$0xEE10] =	vst v1  }
0x181: {  	[tilespmem:$0xEE20] =	vst v1  }
0x182: {  	[tilespmem:$0xEE30] =	vst v1  }
0x183: {  	[tilespmem:$0xEE80] =	vst v1  }
0x184: {  	[tilespmem:$0xEE90] =	vst v1  }
0x185: {  	[tilespmem:$0xEEA0] =	vst v1  }
0x186: {  	[tilespmem:$0xEEB0] =	vst v1  }
0x187: {  	[tilespmem:$0xEF00] =	vst v1  }
0x188: {  	[tilespmem:$0xEF10] =	vst v1  }
0x189: {  	[tilespmem:$0xEF20] =	vst v1  }
0x18a: {  	[tilespmem:$0xEF30] =	vst v1  }
0x18b: {  	[tilespmem:$0xEF80] =	vst v1  }
0x18c: {  	[tilespmem:$0xEF90] =	vst v1  }
0x18d: {  	[tilespmem:$0xEFA0] =	vst v1  }
0x18e: {  	[tilespmem:$0xEFB0] =	vst v1;
	s19 =	simm.s32 $0x0  }
.LBB2_2:
0x18f: {  	s20 =	sshll.u32 s19, $0xD  }
0x190: {  	s20 =	sadd.s32 s7, s20  }
0x191: {  	s21 =	smul.u32 $0x3, s20;
	_ =	sdelay $0x1  }
0x192: {  	s21 =	sshrl.u32 s21, $0x3  }
0x193: {  	s22 =	simm.s32 $0x0;
	s21 =	sadd.s32 s6, s21  }
0x194: {  	[tilespmem:s22], [sflag:$0x1] =	stream.linear.gather [hbm4b:s21+s22], $0x6000, $0x38;
	[tilespmem:$0xF400] =	vst v63  }
0x195: {  	_ =	swait.ge [sflag:s10], $0x6000  }
0x196: {  	s20 =	sshrl.u32 s20, $0x3;
	[sflag:s10] =	ssyncset.done $0x0  }
0x197: {  	s23 =	sadd.s32 s1, s20;
	s21 =	simm.s32 $0x6000;
	[sflag:s10] =	ssyncadd.s32 $0xFFFFA000  }
0x198: {  	[tilespmem:s21], [sflag:$0x1] =	stream.linear.gather [hbm4b:s23+s22], $0x2000, $0x38;
	[tilespmem:$0xF400] =	vst v63  }
0x199: {  	_ =	swait.ge [sflag:s10], $0x2000  }
0x19a: {  	[sflag:s10] =	ssyncset.done $0x0  }
0x19b: {  	s24 =	simm.s32 $0x8000;
	s29 =	sadd.s32 s3, s20;
	[sflag:s10] =	ssyncadd.s32 $0xFFFFE000  }
0x19c: {  	[tilespmem:s24], [sflag:$0x1] =	stream.linear.gather [hbm4b:s29+s22], $0x2000, $0x38;
	[tilespmem:$0xF400] =	vst v63  }
0x19d: {  	_ =	swait.ge [sflag:s10], $0x2000  }
0x19e: {  	[sflag:s10] =	ssyncset.done $0x0  }
0x19f: {  	s30 =	sadd.s32 s4, s20;
	s20 =	simm.s32 $0xA000;
	[sflag:s10] =	ssyncadd.s32 $0xFFFFE000  }
0x1a0: {  	[tilespmem:s20], [sflag:$0x1] =	stream.linear.gather [hbm4b:s30+s22], $0x2000, $0x38;
	[tilespmem:$0xF400] =	vst v63  }
0x1a1: {  	_ =	swait.ge [sflag:s10], $0x2000  }
0x1a2: {  	v6 =	vadd.s32 s22, v2;
	[sflag:s10] =	ssyncset.done $0x0  }
0x1a3: {  	v7 =	vadd.s32 s22, v3;
	[sflag:s10] =	ssyncadd.s32 $0xFFFFE000  }
0x1a4: {  	v8 =	vadd.s32 s22, v0;
	v9 =	vld [tilespmem:s21+$0x0];
	_ =	sdelay $0x2  }
0x1a5: {  	v6 =	vld.idx.msk [tilespmem:v6+s5+$0x0], $0xffff  }
0x1a6: {  	v7 =	vld.idx.msk [tilespmem:v7+s5+$0x0], $0xffff  }
0x1a7: {  	v8 =	vld.idx.msk [tilespmem:v8+s5+$0x0], $0xffff;
	v9 =	vadd.s32 v4, v9;
	_ =	sdelay $0x3  }
0x1a8: {  	v10 =	vadd.f32 v7, v6  }
0x1a9: {  	v6 =	vmax.f32 v8, v6;
	[tilespmem:v9+s11+$0x0] =	vst.idx.add.f32.msk $0xffff, v8  }
0x1aa: {  	v6 =	vmax.f32 v6, v7;
	[tilespmem:v9+s12+$0x0] =	vst.idx.add.f32.msk $0xffff, v10  }
0x1ab: {  	[tilespmem:v9+s13+$0x0] =	vst.idx.add.f32.msk $0xffff, v6  }
0x1ac: {  	[tilespmem:v9+s14+$0x0] =	vst.idx.add.f32.msk $0xffff, v5  }
0x1ad: {  	v6 =	vld [tilespmem:s20+$0x0];
	_ =	sdelay $0x1  }
0x1ae: {  	v7 =	vld [tilespmem:s24+$0x0];
	_ =	sdelay $0x2  }
0x1af: {  	s31 =	simm.s32 $0x30;
	v6 =	vadd.s32 v4, v6  }
0x1b0: {  	v8 =	vadd.s32 s31, v3  }
0x1b1: {  	v9 =	vadd.s32 s31, v2;
	vm0 =	veq.s32 v7, $0x4;
	vm1 =	veq.s32 v7, $0x1  }
0x1b2: {  	s23 =	simm.s32 $0x60;
	s22 =	simm.s32 $0x8010;
	v7 =	vadd.s32 s31, v0;
	v11 =	vsel vm0, $0x3F800000, v1;
	v10 =	vsel vm1, $0x3F800000, v1  }
.LBB2_3:
0x1b3: {  	s21 =	sadd.s32 $0x10, s21  }
0x1b4: {  	[tilespmem:v6+s15+$0x0] =	vst.idx.add.f32.msk $0xffff, v11;
	s20 =	sadd.s32 $0x10, s20;
	s24 =	smov.u32 s23;
	s25 =	sadd.s32 $0x30, s23  }
0x1b5: {  	p0 =	sne.s32 s23, $0x5FD0;
	[tilespmem:v6+s16+$0x0] =	vst.idx.add.f32.msk $0xffff, v10  }
0x1b6: {  	v6 =	vld [tilespmem:s21+$0x0]  }
0x1b7: {  	v7 =	vld.idx.msk [tilespmem:v7+s5+$0x0], $0xffff  }
0x1b8: {  	v9 =	vld.idx.msk [tilespmem:v9+s5+$0x0], $0xffff  }
0x1b9: {  	v8 =	vld.idx.msk [tilespmem:v8+s5+$0x0], $0xffff;
	_ =	sdelay $0x1  }
0x1ba: {  	v6 =	vadd.s32 v4, v6;
	_ =	sdelay $0x2  }
0x1bb: {  	v10 =	vmax.f32 v7, v9  }
0x1bc: {  	v9 =	vadd.f32 v8, v9;
	v8 =	vmax.f32 v10, v8  }
0x1bd: {  	[tilespmem:v6+s11+$0x0] =	vst.idx.add.f32.msk $0xffff, v7  }
0x1be: {  	[tilespmem:v6+s12+$0x0] =	vst.idx.add.f32.msk $0xffff, v9  }
0x1bf: {  	[tilespmem:v6+s13+$0x0] =	vst.idx.add.f32.msk $0xffff, v8  }
0x1c0: {  	[tilespmem:v6+s14+$0x0] =	vst.idx.add.f32.msk $0xffff, v5  }
0x1c1: {  	v6 =	vld [tilespmem:s20+$0x0]  }
0x1c2: {  	v7 =	vld [tilespmem:s22+$0x0];
	_ =	sdelay $0x3  }
.Ltmp0:
0x1c3: {  	v6 =	vadd.s32 v4, v6;
	(pc) =	sbr.rel @p0 .LBB2_3-.Ltmp0, $3  }
0x1c4: {  	vm0 =	veq.s32 v7, $0x4;
	vm1 =	veq.s32 v7, $0x1;
	_ =	sdelay $0x1  }
0x1c5: {  	v7 =	vadd.s32 s24, v0;
	v11 =	vsel vm0, $0x3F800000, v1  }
0x1c6: {  	s23 =	smov.u32 s25;
	v9 =	vadd.s32 s24, v2;
	v8 =	vadd.s32 s24, v3;
	s22 =	sadd.s32 $0x10, s22;
	v10 =	vsel vm1, $0x3F800000, v1  }
0x1c7: {  	_ =	sdelay $0x3  }
0x1c8: {  	[tilespmem:v6+s15+$0x0] =	vst.idx.add.f32.msk $0xffff, v11  }
0x1c9: {  	s21 =	sadd.s32 $0x10, s21;
	[tilespmem:v6+s16+$0x0] =	vst.idx.add.f32.msk $0xffff, v10  }
0x1ca: {  	v6 =	vld [tilespmem:s21+$0x0];
	_ =	sdelay $0x2  }
0x1cb: {  	v9 =	vld.idx.msk [tilespmem:v9+s5+$0x0], $0xffff  }
0x1cc: {  	v8 =	vld.idx.msk [tilespmem:v8+s5+$0x0], $0xffff  }
0x1cd: {  	v7 =	vld.idx.msk [tilespmem:v7+s5+$0x0], $0xffff;
	v6 =	vadd.s32 v4, v6;
	_ =	sdelay $0x3  }
0x1ce: {  	v62 =	vadd.f32 v8, v9  }
0x1cf: {  	v9 =	vmax.f32 v7, v9;
	[tilespmem:v6+s11+$0x0] =	vst.idx.add.f32.msk $0xffff, v7  }
0x1d0: {  	v7 =	vmax.f32 v9, v8;
	[tilespmem:v6+s12+$0x0] =	vst.idx.add.f32.msk $0xffff, v62  }
0x1d1: {  	[tilespmem:v6+s13+$0x0] =	vst.idx.add.f32.msk $0xffff, v7  }
0x1d2: {  	s20 =	sadd.s32 $0x10, s20;
	[tilespmem:v6+s14+$0x0] =	vst.idx.add.f32.msk $0xffff, v5  }
0x1d3: {  	v6 =	vld [tilespmem:s20+$0x0];
	_ =	sdelay $0x2  }
0x1d4: {  	v7 =	vld [tilespmem:s22+$0x0];
	_ =	sdelay $0x1  }
0x1d5: {  	s19 =	sadd.s32 $0x1, s19;
	v6 =	vadd.s32 v4, v6  }
0x1d6: {  	p0 =	sne.s32 s19, $0x8  }
.Ltmp1:
0x1d7: {  	_ = 	snop;
	(pc) =	sbr.rel @p0 .LBB2_2-.Ltmp1, $4  }
0x1d8: {  	vm0 =	veq.s32 v7, $0x4  }
0x1d9: {  	vm1 =	veq.s32 v7, $0x1;
	v7 =	vsel vm0, $0x3F800000, v1  }
0x1da: {  	v63 =	vsel vm1, $0x3F800000, v1;
	[tilespmem:v6+s15+$0x0] =	vst.idx.add.f32.msk $0xffff, v7  }
0x1db: {  	[tilespmem:v6+s16+$0x0] =	vst.idx.add.f32.msk $0xffff, v63  }
0x1dc: {  	v36 =	vld [tilespmem:$0xC000]  }
0x1dd: {  	v34 =	vld [tilespmem:$0xC080]  }
0x1de: {  	v38 =	vld [tilespmem:$0xC100]  }
0x1df: {  	v44 =	vld [tilespmem:$0xC180]  }
0x1e0: {  	v51 =	vld [tilespmem:$0xC200]  }
0x1e1: {  	v61 =	vld [tilespmem:$0xC280]  }
0x1e2: {  	v6 =	vld [tilespmem:$0xC300]  }
0x1e3: {  	v20 =	vld [tilespmem:$0xC010]  }
0x1e4: {  	v18 =	vld [tilespmem:$0xC090]  }
0x1e5: {  	v22 =	vld [tilespmem:$0xC110]  }
0x1e6: {  	v26 =	vld [tilespmem:$0xC190]  }
0x1e7: {  	v31 =	vld [tilespmem:$0xC210]  }
0x1e8: {  	v40 =	vld [tilespmem:$0xC290]  }
0x1e9: {  	v47 =	vld [tilespmem:$0xC310]  }
0x1ea: {  	v54 =	vld [tilespmem:$0xC390]  }
0x1eb: {  	v11 =	vld [tilespmem:$0xC020]  }
0x1ec: {  	v10 =	vld [tilespmem:$0xC0A0]  }
0x1ed: {  	v13 =	vld [tilespmem:$0xC120]  }
0x1ee: {  	v15 =	vld [tilespmem:$0xC1A0]  }
0x1ef: {  	v21 =	vld [tilespmem:$0xC220]  }
0x1f0: {  	v25 =	vld [tilespmem:$0xC2A0]  }
0x1f1: {  	v62 =	vld [tilespmem:$0xC880]  }
0x1f2: {  	v29 =	vld [tilespmem:$0xC320]  }
0x1f3: {  	v37 =	vld [tilespmem:$0xC3A0]  }
0x1f4: {  	v43 =	vld [tilespmem:$0xC420]  }
0x1f5: {  	v52 =	vld [tilespmem:$0xC4A0]  }
0x1f6: {  	[tilespmem:$0x1F4A0] =	vst v62;
	v62 =	vld [tilespmem:$0xCA90]  }
0x1f7: {  	v59 =	vld [tilespmem:$0xC520]  }
0x1f8: {  	v7 =	vld [tilespmem:$0xC030]  }
0x1f9: {  	v8 =	vld [tilespmem:$0xC130]  }
0x1fa: {  	v9 =	vld [tilespmem:$0xC1B0]  }
0x1fb: {  	[tilespmem:$0x1F520] =	vst v62;
	v62 =	vld [tilespmem:$0xCC20]  }
0x1fc: {  	v12 =	vld [tilespmem:$0xC230]  }
0x1fd: {  	v14 =	vld [tilespmem:$0xC2B0]  }
0x1fe: {  	v16 =	vld [tilespmem:$0xC330]  }
0x1ff: {  	v23 =	vld [tilespmem:$0xC3B0]  }
0x200: {  	[tilespmem:$0x1F5D0] =	vst v62;
	v62 =	vld [tilespmem:$0xCD30]  }
0x201: {  	v27 =	vld [tilespmem:$0xC430]  }
0x202: {  	v32 =	vld [tilespmem:$0xC4B0]  }
0x203: {  	v41 =	vld [tilespmem:$0xC530]  }
0x204: {  	v46 =	vld [tilespmem:$0xC5B0]  }
0x205: {  	[tilespmem:$0x1F670] =	vst v62;
	v62 =	vld [tilespmem:$0xCEB0]  }
0x206: {  	v55 =	vld [tilespmem:$0xC630]  }
0x207: {  	v17 =	vld [tilespmem:$0xC6B0]  }
0x208: {  	v57 =	vld [tilespmem:$0xC730]  }
0x209: {  	v58 =	vld [tilespmem:$0xC7B0]  }
0x20a: {  	[tilespmem:$0x1F730] =	vst v62;
	v62 =	vld [tilespmem:$0xD000]  }
0x20b: {  	v60 =	vld [tilespmem:$0xC800]  }
0x20c: {  	v63 =	vld [tilespmem:$0xC900]  }
0x20d: {  	v24 =	vld [tilespmem:$0xC980]  }
0x20e: {  	v28 =	vld [tilespmem:$0xCA00]  }
0x20f: {  	[tilespmem:$0x1F790] =	vst v62;
	v62 =	vld [tilespmem:$0xD180]  }
0x210: {  	v30 =	vld [tilespmem:$0xCA80]  }
0x211: {  	v33 =	vld [tilespmem:$0xCB00]  }
0x212: {  	v35 =	vld [tilespmem:$0xCB80]  }
0x213: {  	v39 =	vld [tilespmem:$0xCC00]  }
0x214: {  	[tilespmem:$0x1F820] =	vst v62;
	v62 =	vld [tilespmem:$0xD300]  }
0x215: {  	v42 =	vld [tilespmem:$0xCC80]  }
0x216: {  	v45 =	vld [tilespmem:$0xCD00]  }
0x217: {  	v48 =	vld [tilespmem:$0xCD80]  }
0x218: {  	v49 =	vld [tilespmem:$0xCE00]  }
0x219: {  	[tilespmem:$0x1F8D0] =	vst v62;
	v62 =	vld [tilespmem:$0xD480]  }
0x21a: {  	v50 =	vld [tilespmem:$0xCE80]  }
0x21b: {  	v53 =	vld [tilespmem:$0xCF00]  }
0x21c: {  	v56 =	vld [tilespmem:$0xCF80]  }
0x21d: {  	v19 =	vld [tilespmem:$0xC830];
	[tilespmem:$0x1F300] =	vst v6  }
0x21e: {  	[tilespmem:$0x1F990] =	vst v62;
	v62 =	vld [tilespmem:$0xD600]  }
0x21f: {  	v6 =	vld [tilespmem:$0xC380];
	[tilespmem:$0x1F430] =	vst v17  }
0x220: {  	[tilespmem:$0x1F700] =	vst v53;
	v53 =	vld [tilespmem:$0xC810]  }
0x221: {  	[tilespmem:$0x1F6C0] =	vst v50;
	v50 =	vld [tilespmem:$0xC890]  }
0x222: {  	[tilespmem:$0x1F4B0] =	vst v58;
	v58 =	vld [tilespmem:$0xC910]  }
0x223: {  	[tilespmem:$0x1FA50] =	vst v62;
	v62 =	vld [tilespmem:$0xD780]  }
0x224: {  	[tilespmem:$0x1F470] =	vst v57;
	v57 =	vld [tilespmem:$0xC990]  }
0x225: {  	[tilespmem:$0x1F490] =	vst v60;
	v60 =	vld [tilespmem:$0xCA10]  }
0x226: {  	[tilespmem:$0x1F4C0] =	vst v63;
	v63 =	vld [tilespmem:$0xCB10]  }
0x227: {  	[tilespmem:$0x1F4D0] =	vst v24;
	v24 =	vld [tilespmem:$0xCB90]  }
0x228: {  	[tilespmem:$0x1FB10] =	vst v62;
	v62 =	vld [tilespmem:$0xD110]  }
0x229: {  	[tilespmem:$0x1F4F0] =	vst v28;
	v28 =	vld [tilespmem:$0xCC10]  }
0x22a: {  	[tilespmem:$0x1F510] =	vst v30;
	v30 =	vld [tilespmem:$0xCC90]  }
0x22b: {  	[tilespmem:$0x1F530] =	vst v33;
	v33 =	vld [tilespmem:$0xCD10]  }
0x22c: {  	[tilespmem:$0x1F310] =	vst v6;
	v6 =	vld [tilespmem:$0xC400]  }
0x22d: {  	[tilespmem:$0x1F810] =	vst v62;
	v62 =	vld [tilespmem:$0xD290]  }
0x22e: {  	[tilespmem:$0x1F560] =	vst v35;
	v35 =	vld [tilespmem:$0xCD90]  }
0x22f: {  	[tilespmem:$0x1F590] =	vst v39;
	v39 =	vld [tilespmem:$0xCE10]  }
0x230: {  	[tilespmem:$0x1F5C0] =	vst v42;
	v42 =	vld [tilespmem:$0xCE90]  }
0x231: {  	[tilespmem:$0x1F320] =	vst v6;
	v6 =	vld [tilespmem:$0xC480]  }
0x232: {  	[tilespmem:$0x1F8B0] =	vst v62;
	v62 =	vld [tilespmem:$0xD410]  }
0x233: {  	[tilespmem:$0x1F600] =	vst v45;
	v45 =	vld [tilespmem:$0xCF10]  }
0x234: {  	[tilespmem:$0x1F640] =	vst v48;
	v48 =	vld [tilespmem:$0xCF90]  }
0x235: {  	[tilespmem:$0x1F4E0] =	vst v57;
	v57 =	vld [tilespmem:$0xCB20]  }
0x236: {  	[tilespmem:$0x1F340] =	vst v6;
	v6 =	vld [tilespmem:$0xC500]  }
0x237: {  	[tilespmem:$0x1F970] =	vst v62;
	v62 =	vld [tilespmem:$0xD590]  }
0x238: {  	[tilespmem:$0x1F740] =	vst v56;
	v56 =	vld [tilespmem:$0xCA20]  }
0x239: {  	[tilespmem:$0x1F550] =	vst v63;
	v63 =	vld [tilespmem:$0xCCA0]  }
0x23a: {  	[tilespmem:$0x1F570] =	vst v57;
	v57 =	vld [tilespmem:$0xCCB0]  }
0x23b: {  	[tilespmem:$0x1F360] =	vst v6;
	v6 =	vld [tilespmem:$0xC580]  }
0x23c: {  	[tilespmem:$0x1FA30] =	vst v62;
	v62 =	vld [tilespmem:$0xD710]  }
0x23d: {  	[tilespmem:$0x1F680] =	vst v49;
	v49 =	vld [tilespmem:$0xCAA0]  }
0x23e: {  	[tilespmem:$0x1F610] =	vst v63;
	v63 =	vld [tilespmem:$0xCDB0]  }
0x23f: {  	[tilespmem:$0x1F630] =	vst v57;
	v57 =	vld [tilespmem:$0xCE30]  }
0x240: {  	[tilespmem:$0x1F380] =	vst v6;
	v6 =	vld [tilespmem:$0xC600]  }
0x241: {  	[tilespmem:$0x1FAF0] =	vst v62;
	v62 =	vld [tilespmem:$0xD0A0]  }
0x242: {  	v17 =	vld [tilespmem:$0xC8B0];
	[tilespmem:$0x1F500] =	vst v60  }
0x243: {  	[tilespmem:$0x1F6B0] =	vst v63;
	v63 =	vld [tilespmem:$0xCF30]  }
0x244: {  	[tilespmem:$0x1F6F0] =	vst v57;
	v57 =	vld [tilespmem:$0xCFB0]  }
0x245: {  	[tilespmem:$0x1F3A0] =	vst v6;
	v6 =	vld [tilespmem:$0xC680]  }
0x246: {  	[tilespmem:$0x1F800] =	vst v62;
	v62 =	vld [tilespmem:$0xD220]  }
0x247: {  	[tilespmem:$0x1F620] =	vst v33;
	v33 =	vld [tilespmem:$0xC820]  }
0x248: {  	[tilespmem:$0x1F770] =	vst v63;
	v63 =	vld [tilespmem:$0xD080]  }
0x249: {  	[tilespmem:$0x1F7B0] =	vst v57;
	v57 =	vld [tilespmem:$0xD100]  }
0x24a: {  	[tilespmem:$0x1F3D0] =	vst v6;
	v6 =	vld [tilespmem:$0xC700]  }
0x24b: {  	[tilespmem:$0x1F8A0] =	vst v62;
	v62 =	vld [tilespmem:$0xD3A0]  }
0x24c: {  	[tilespmem:$0x1F5E0] =	vst v30;
	v30 =	vld [tilespmem:$0xC8A0]  }
0x24d: {  	[tilespmem:$0x1F7A0] =	vst v63;
	v63 =	vld [tilespmem:$0xD200]  }
0x24e: {  	[tilespmem:$0x1F7E0] =	vst v57;
	v57 =	vld [tilespmem:$0xD280]  }
0x24f: {  	[tilespmem:$0x1F400] =	vst v6;
	v6 =	vld [tilespmem:$0xC780]  }
0x250: {  	[tilespmem:$0x1F960] =	vst v62;
	v62 =	vld [tilespmem:$0xD520]  }
0x251: {  	[tilespmem:$0x1F6A0] =	vst v39;
	v39 =	vld [tilespmem:$0xC920]  }
0x252: {  	[tilespmem:$0x1F850] =	vst v63;
	v63 =	vld [tilespmem:$0xD380]  }
0x253: {  	[tilespmem:$0x1F890] =	vst v57;
	v57 =	vld [tilespmem:$0xD400]  }
0x254: {  	[tilespmem:$0x1F440] =	vst v6;
	v6 =	vld [tilespmem:$0xC410]  }
0x255: {  	[tilespmem:$0x1FA20] =	vst v62;
	v62 =	vld [tilespmem:$0xD6A0]  }
0x256: {  	[tilespmem:$0x1F720] =	vst v45;
	v45 =	vld [tilespmem:$0xC9A0]  }
0x257: {  	[tilespmem:$0x1F910] =	vst v63;
	v63 =	vld [tilespmem:$0xD500]  }
0x258: {  	[tilespmem:$0x1F950] =	vst v57;
	v57 =	vld [tilespmem:$0xD580]  }
0x259: {  	[tilespmem:$0x1F330] =	vst v6;
	v6 =	vld [tilespmem:$0xC490]  }
0x25a: {  	[tilespmem:$0x1FAE0] =	vst v62;
	v62 =	vld [tilespmem:$0xD1B0]  }
0x25b: {  	[tilespmem:$0x1F580] =	vst v24;
	v60 =	vld [tilespmem:$0xCBA0]  }
0x25c: {  	[tilespmem:$0x1F9D0] =	vst v63;
	v63 =	vld [tilespmem:$0xD680]  }
0x25d: {  	[tilespmem:$0x1FA10] =	vst v57;
	v57 =	vld [tilespmem:$0xD700]  }
0x25e: {  	[tilespmem:$0x1F350] =	vst v6;
	v6 =	vld [tilespmem:$0xC510]  }
0x25f: {  	[tilespmem:$0x1F880] =	vst v62;
	v62 =	vld [tilespmem:$0xD230]  }
0x260: {  	[tilespmem:$0x1F5B0] =	vst v28;
	v24 =	vld [tilespmem:$0xCD20]  }
0x261: {  	[tilespmem:$0x1FA90] =	vst v63;
	v63 =	vld [tilespmem:$0xD010]  }
0x262: {  	[tilespmem:$0x1FAD0] =	vst v57;
	v57 =	vld [tilespmem:$0xD090]  }
0x263: {  	[tilespmem:$0x1F370] =	vst v6;
	v6 =	vld [tilespmem:$0xC590]  }
0x264: {  	[tilespmem:$0x1F8C0] =	vst v62;
	v62 =	vld [tilespmem:$0xD2B0]  }
0x265: {  	[tilespmem:$0x1F660] =	vst v35;
	v28 =	vld [tilespmem:$0xCDA0]  }
0x266: {  	[tilespmem:$0x1F7C0] =	vst v63;
	v63 =	vld [tilespmem:$0xD190]  }
0x267: {  	[tilespmem:$0x1F7D0] =	vst v57;
	v57 =	vld [tilespmem:$0xD210]  }
0x268: {  	[tilespmem:$0x1F390] =	vst v6;
	v6 =	vld [tilespmem:$0xC610]  }
0x269: {  	[tilespmem:$0x1F900] =	vst v62;
	v62 =	vld [tilespmem:$0xD330]  }
0x26a: {  	[tilespmem:$0x1F6E0] =	vst v42;
	v35 =	vld [tilespmem:$0xCE20]  }
0x26b: {  	[tilespmem:$0x1F840] =	vst v63;
	v63 =	vld [tilespmem:$0xD310]  }
0x26c: {  	[tilespmem:$0x1F870] =	vst v57;
	v57 =	vld [tilespmem:$0xD390]  }
0x26d: {  	[tilespmem:$0x1F3C0] =	vst v6;
	v6 =	vld [tilespmem:$0xC690]  }
0x26e: {  	[tilespmem:$0x1F940] =	vst v62;
	v62 =	vld [tilespmem:$0xD3B0]  }
0x26f: {  	[tilespmem:$0x1F760] =	vst v48;
	v42 =	vld [tilespmem:$0xCEA0]  }
0x270: {  	[tilespmem:$0x1F8F0] =	vst v63;
	v63 =	vld [tilespmem:$0xD490]  }
0x271: {  	[tilespmem:$0x1F930] =	vst v57;
	v57 =	vld [tilespmem:$0xD510]  }
0x272: {  	[tilespmem:$0x1F3F0] =	vst v6;
	v6 =	vld [tilespmem:$0xC710]  }
0x273: {  	[tilespmem:$0x1F980] =	vst v62;
	v62 =	vld [tilespmem:$0xD430]  }
0x274: {  	[tilespmem:$0x1F540] =	vst v49;
	v48 =	vld [tilespmem:$0xCF20]  }
0x275: {  	[tilespmem:$0x1F9B0] =	vst v63;
	v63 =	vld [tilespmem:$0xD610]  }
0x276: {  	[tilespmem:$0x1F9F0] =	vst v57;
	v57 =	vld [tilespmem:$0xD690]  }
0x277: {  	[tilespmem:$0x1F420] =	vst v6;
	v6 =	vld [tilespmem:$0xC790]  }
0x278: {  	[tilespmem:$0x1F9C0] =	vst v62;
	v62 =	vld [tilespmem:$0xD4B0]  }
0x279: {  	v49 =	vld [tilespmem:$0xCFA0];
	[tilespmem:$0x1F5A0] =	vst v60  }
0x27a: {  	[tilespmem:$0x1FA70] =	vst v63;
	v63 =	vld [tilespmem:$0xD790]  }
0x27b: {  	[tilespmem:$0x1FAB0] =	vst v57;
	v57 =	vld [tilespmem:$0xD020]  }
0x27c: {  	[tilespmem:$0x1F460] =	vst v6;
	v6 =	vld [tilespmem:$0xC5A0]  }
0x27d: {  	[tilespmem:$0x1FA00] =	vst v62;
	v62 =	vld [tilespmem:$0xD530]  }
0x27e: {  	[tilespmem:$0x1F650] =	vst v24;
	v24 =	vld [tilespmem:$0xC930]  }
0x27f: {  	[tilespmem:$0x1FB30] =	vst v63;
	v63 =	vld [tilespmem:$0xD120]  }
0x280: {  	[tilespmem:$0x1F7F0] =	vst v57;
	v57 =	vld [tilespmem:$0xD1A0]  }
0x281: {  	[tilespmem:$0x1F3B0] =	vst v6;
	v6 =	vld [tilespmem:$0xC620]  }
0x282: {  	[tilespmem:$0x1FA40] =	vst v62;
	v62 =	vld [tilespmem:$0xD5B0]  }
0x283: {  	[tilespmem:$0x1F690] =	vst v28;
	v28 =	vld [tilespmem:$0xC9B0]  }
0x284: {  	[tilespmem:$0x1F830] =	vst v63;
	v63 =	vld [tilespmem:$0xD2A0]  }
0x285: {  	[tilespmem:$0x1F860] =	vst v57;
	v57 =	vld [tilespmem:$0xD320]  }
0x286: {  	[tilespmem:$0x1F3E0] =	vst v6;
	v6 =	vld [tilespmem:$0xC6A0]  }
0x287: {  	[tilespmem:$0x1FA80] =	vst v62;
	v62 =	vld [tilespmem:$0xD630]  }
0x288: {  	[tilespmem:$0x1F6D0] =	vst v35;
	v35 =	vld [tilespmem:$0xCA30]  }
0x289: {  	[tilespmem:$0x1F8E0] =	vst v63;
	v63 =	vld [tilespmem:$0xD420]  }
0x28a: {  	[tilespmem:$0x1F920] =	vst v57;
	v57 =	vld [tilespmem:$0xD4A0]  }
0x28b: {  	[tilespmem:$0x1F410] =	vst v6;
	v6 =	vld [tilespmem:$0xC720]  }
0x28c: {  	[tilespmem:$0x1FAC0] =	vst v62;
	v62 =	vld [tilespmem:$0xD6B0]  }
0x28d: {  	[tilespmem:$0x1F710] =	vst v42;
	v42 =	vld [tilespmem:$0xCAB0]  }
0x28e: {  	[tilespmem:$0x1F9A0] =	vst v63;
	v63 =	vld [tilespmem:$0xD5A0]  }
0x28f: {  	[tilespmem:$0x1F9E0] =	vst v57;
	v57 =	vld [tilespmem:$0xD620]  }
0x290: {  	[tilespmem:$0x1F450] =	vst v6;
	v6 =	vld [tilespmem:$0xC7A0]  }
0x291: {  	[tilespmem:$0x1FB00] =	vst v62;
	v62 =	vld [tilespmem:$0xD730]  }
0x292: {  	[tilespmem:$0x1F780] =	vst v49;
	v49 =	vld [tilespmem:$0xCC30]  }
0x293: {  	[tilespmem:$0x1FA60] =	vst v63;
	v63 =	vld [tilespmem:$0xD720]  }
0x294: {  	[tilespmem:$0x1FAA0] =	vst v57;
	v57 =	vld [tilespmem:$0xD7A0]  }
0x295: {  	[tilespmem:$0x1F480] =	vst v6;
	v6 =	vld [tilespmem:$0xC0B0]  }
0x296: {  	[tilespmem:$0x1FB40] =	vst v62;
	v62 =	vld [tilespmem:$0xD7B0]  }
0x297: {  	[tilespmem:$0x1F750] =	vst v48;
	v48 =	vld [tilespmem:$0xCB30]  }
0x298: {  	v60 =	vld [tilespmem:$0xCBB0];
	[tilespmem:$0x1F5F0] =	vst v49  }
0x299: {  	v49 =	vld [tilespmem:$0xD0B0];
	[tilespmem:$0x1FB20] =	vst v63  }
0x29a: {  	v34 =	vadd.f32 v34, v36;
	v18 =	vadd.f32 v18, v20;
	v63 =	vld [tilespmem:$0xD130];
	[tilespmem:$0x1FB50] =	vst v57  }
0x29b: {  	v57 =	vld [tilespmem:$0xD030];
	v6 =	vadd.f32 v6, v7;
	[tilespmem:$0x1FB80] =	vst v62  }
0x29c: {  	v38 =	vadd.f32 v38, v34;
	v34 =	vadd.f32 v22, v18;
	v62 =	vld [tilespmem:$0xD800]  }
0x29d: {  	v6 =	vadd.f32 v8, v6;
	v36 =	vld [tilespmem:$0xD810]  }
0x29e: {  	v10 =	vadd.f32 v10, v11;
	v11 =	vadd.f32 v26, v34;
	v7 =	vld [tilespmem:$0xD910]  }
0x29f: {  	v6 =	vadd.f32 v9, v6;
	v18 =	vld [tilespmem:$0xDB90]  }
0x2a0: {  	v10 =	vadd.f32 v13, v10;
	v13 =	vadd.f32 v31, v11;
	v22 =	vld [tilespmem:$0x1F300]  }
0x2a1: {  	v6 =	vadd.f32 v12, v6;
	v12 =	vld [tilespmem:$0xDC90]  }
0x2a2: {  	v20 =	vadd.f32 v40, v13;
	v13 =	vld [tilespmem:$0xDD10]  }
0x2a3: {  	v26 =	vld [tilespmem:$0xDD90]  }
0x2a4: {  	[tilespmem:$0x1FB60] =	vst v62;
	v62 =	vld [tilespmem:$0xD880]  }
0x2a5: {  	v31 =	vld [tilespmem:$0x1F320]  }
0x2a6: {  	v34 =	vld [tilespmem:$0xDE90]  }
0x2a7: {  	v9 =	vadd.f32 v47, v20;
	v6 =	vadd.f32 v14, v6;
	v47 =	vld [tilespmem:$0xDF90]  }
0x2a8: {  	v40 =	vld [tilespmem:$0x1F350]  }
0x2a9: {  	v6 =	vadd.f32 v16, v6;
	[tilespmem:$0x1FB70] =	vst v62;
	v62 =	vld [tilespmem:$0xD900]  }
0x2aa: {  	v9 =	vadd.f32 v54, v9;
	v54 =	vld [tilespmem:$0xD9A0]  }
0x2ab: {  	v6 =	vadd.f32 v23, v6;
	v14 =	vld [tilespmem:$0x1F3B0]  }
0x2ac: {  	v16 =	vld [tilespmem:$0x1F3C0]  }
0x2ad: {  	v6 =	vadd.f32 v27, v6;
	v20 =	vld [tilespmem:$0x1F3D0]  }
0x2ae: {  	[tilespmem:$0x1FBA0] =	vst v62;
	v62 =	vld [tilespmem:$0xD980]  }
0x2af: {  	v6 =	vadd.f32 v32, v6;
	v23 =	vld [tilespmem:$0xDBA0]  }
0x2b0: {  	v27 =	vld [tilespmem:$0x1F400]  }
0x2b1: {  	v6 =	vadd.f32 v41, v6;
	v32 =	vld [tilespmem:$0x1F420]  }
0x2b2: {  	v41 =	vld [tilespmem:$0x1F460]  }
0x2b3: {  	v6 =	vadd.f32 v46, v6;
	[tilespmem:$0x1FBD0] =	vst v62;
	v62 =	vld [tilespmem:$0xDA00]  }
0x2b4: {  	v46 =	vld [tilespmem:$0xDE20]  }
0x2b5: {  	v6 =	vadd.f32 v55, v6;
	v55 =	vld [tilespmem:$0x1F4B0]  }
0x2b6: {  	[tilespmem:$0x1FBC0] =	vst v7;
	v7 =	vadd.f32 v44, v38;
	v38 =	vld [tilespmem:$0xD990]  }
0x2b7: {  	v44 =	vld [tilespmem:$0xDA10]  }
0x2b8: {  	[tilespmem:$0x1FBF0] =	vst v62;
	v62 =	vld [tilespmem:$0xDA80]  }
0x2b9: {  	[tilespmem:$0x1FCA0] =	vst v18;
	v18 =	vld [tilespmem:$0xDB20]  }
0x2ba: {  	[tilespmem:$0x1FD40] =	vst v26;
	v26 =	vld [tilespmem:$0xDC20]  }
0x2bb: {  	[tilespmem:$0x1FDA0] =	vst v34;
	v34 =	vld [tilespmem:$0x1F430]  }
0x2bc: {  	[tilespmem:$0x1FC00] =	vst v54;
	v54 =	vld [tilespmem:$0xDEA0]  }
0x2bd: {  	[tilespmem:$0x1FC20] =	vst v62;
	v62 =	vld [tilespmem:$0xDB00]  }
0x2be: {  	[tilespmem:$0x1FD90] =	vst v46;
	v46 =	vld [tilespmem:$0xDFA0]  }
0x2bf: {  	[tilespmem:$0x1FCC0] =	vst v23;
	v23 =	vld [tilespmem:$0x1F550]  }
0x2c0: {  	v7 =	vadd.f32 v51, v7;
	v51 =	vadd.f32 v15, v10;
	v15 =	vld [tilespmem:$0xDB10]  }
0x2c1: {  	v10 =	vld [tilespmem:$0xD8A0]  }
0x2c2: {  	[tilespmem:$0x1FC50] =	vst v62;
	v62 =	vld [tilespmem:$0xDB80]  }
0x2c3: {  	v8 =	vadd.f32 v21, v51;
	v21 =	vld [tilespmem:$0xDC10]  }
0x2c4: {  	v51 =	vld [tilespmem:$0x1F370]  }
0x2c5: {  	v7 =	vadd.f32 v61, v7;
	v61 =	vld [tilespmem:$0xDA20]  }
0x2c6: {  	[tilespmem:$0x1FBE0] =	vst v38;
	v38 =	vld [tilespmem:$0x1F340]  }
0x2c7: {  	[tilespmem:$0x1FC80] =	vst v62;
	v62 =	vld [tilespmem:$0xDC00]  }
0x2c8: {  	[tilespmem:$0x1FC10] =	vst v44;
	v44 =	vld [tilespmem:$0x1F360]  }
0x2c9: {  	[tilespmem:$0x1FC90] =	vst v18;
	v18 =	vld [tilespmem:$0x1F510]  }
0x2ca: {  	[tilespmem:$0x1FCF0] =	vst v26;
	v26 =	vld [tilespmem:$0x1F580]  }
0x2cb: {  	v6 =	vadd.f32 v34, v6;
	v34 =	vld [tilespmem:$0x1F5F0]  }
0x2cc: {  	[tilespmem:$0x1FCB0] =	vst v62;
	v62 =	vld [tilespmem:$0xDC80]  }
0x2cd: {  	[tilespmem:$0x1FDC0] =	vst v54;
	v54 =	vld [tilespmem:$0x1F640]  }
0x2ce: {  	v8 =	vadd.f32 v25, v8;
	v25 =	vld [tilespmem:$0x1F310]  }
0x2cf: {  	v7 =	vadd.f32 v22, v7;
	v22 =	vld [tilespmem:$0xDF10]  }
0x2d0: {  	[tilespmem:$0x1FC70] =	vst v15;
	v15 =	vld [tilespmem:$0xDAA0]  }
0x2d1: {  	[tilespmem:$0x1FCE0] =	vst v62;
	v62 =	vld [tilespmem:$0xDD00]  }
0x2d2: {  	v8 =	vadd.f32 v29, v8;
	v29 =	vld [tilespmem:$0xDE10]  }
0x2d3: {  	[tilespmem:$0x1FCD0] =	vst v21;
	v21 =	vld [tilespmem:$0x1F3E0]  }
0x2d4: {  	[tilespmem:$0x1FC30] =	vst v61;
	v61 =	vadd.f32 v30, v33;
	v30 =	vld [tilespmem:$0x1F5B0]  }
0x2d5: {  	v33 =	vld [tilespmem:$0x1F5E0]  }
0x2d6: {  	[tilespmem:$0x1FD00] =	vst v62;
	v62 =	vld [tilespmem:$0xDD80]  }
0x2d7: {  	v8 =	vadd.f32 v37, v8;
	v37 =	vld [tilespmem:$0x1F330]  }
0x2d8: {  	v7 =	vadd.f32 v25, v7;
	v25 =	vld [tilespmem:$0x1F3F0]  }
0x2d9: {  	v8 =	vadd.f32 v43, v8;
	v43 =	vld [tilespmem:$0xD820]  }
0x2da: {  	[tilespmem:$0x1FC60] =	vst v15;
	v15 =	vld [tilespmem:$0x1F4E0]  }
0x2db: {  	[tilespmem:$0x1FD20] =	vst v62;
	v62 =	vld [tilespmem:$0xDE00]  }
0x2dc: {  	[tilespmem:$0x1FD70] =	vst v29;
	v29 =	vld [tilespmem:$0x1F410]  }
0x2dd: {  	v7 =	vadd.f32 v31, v7;
	v31 =	vld [tilespmem:$0xDCA0]  }
0x2de: {  	v8 =	vadd.f32 v52, v8;
	v52 =	vld [tilespmem:$0x1F380]  }
0x2df: {  	v9 =	vadd.f32 v37, v9;
	v37 =	vld [tilespmem:$0xDD20]  }
0x2e0: {  	[tilespmem:$0x1FD50] =	vst v62;
	v62 =	vld [tilespmem:$0xDE80]  }
0x2e1: {  	v7 =	vadd.f32 v38, v7;
	v38 =	vld [tilespmem:$0x1F440]  }
0x2e2: {  	v8 =	vadd.f32 v59, v8;
	v59 =	vld [tilespmem:$0x1F390]  }
0x2e3: {  	[tilespmem:$0x1FBB0] =	vst v43;
	v43 =	vld [tilespmem:$0xD920]  }
0x2e4: {  	v9 =	vadd.f32 v40, v9;
	v40 =	vld [tilespmem:$0xDDA0]  }
0x2e5: {  	[tilespmem:$0x1FD80] =	vst v62;
	v62 =	vld [tilespmem:$0xDF00]  }
0x2e6: {  	v7 =	vadd.f32 v44, v7;
	v44 =	vld [tilespmem:$0x1F470]  }
0x2e7: {  	v8 =	vadd.f32 v14, v8;
	v14 =	vld [tilespmem:$0x1F4D0]  }
0x2e8: {  	[tilespmem:$0x1FD10] =	vst v31;
	v31 =	vld [tilespmem:$0x1F5C0]  }
0x2e9: {  	v9 =	vadd.f32 v51, v9;
	v51 =	vld [tilespmem:$0x1F480]  }
0x2ea: {  	[tilespmem:$0x1FDB0] =	vst v62;
	v62 =	vld [tilespmem:$0xDF80]  }
0x2eb: {  	v7 =	vadd.f32 v52, v7;
	v52 =	vld [tilespmem:$0x1F4A0]  }
0x2ec: {  	v8 =	vadd.f32 v21, v8;
	v21 =	vld [tilespmem:$0x1F540]  }
0x2ed: {  	[tilespmem:$0x1FD30] =	vst v37;
	v37 =	vld [tilespmem:$0xDF30]  }
0x2ee: {  	v9 =	vadd.f32 v59, v9;
	v59 =	vld [tilespmem:$0x1F4C0]  }
0x2ef: {  	[tilespmem:$0x1FDD0] =	vst v62;
	v62 =	vld [tilespmem:$0xD890]  }
0x2f0: {  	v6 =	vadd.f32 v44, v6;
	v44 =	vld [tilespmem:$0xD8B0]  }
0x2f1: {  	[tilespmem:$0x1FD60] =	vst v40;
	v40 =	vld [tilespmem:$0xDC30]  }
0x2f2: {  	v8 =	vadd.f32 v29, v8;
	v29 =	vld [tilespmem:$0x1F5A0]  }
0x2f3: {  	v9 =	vadd.f32 v16, v9;
	v16 =	vld [tilespmem:$0x1F4F0]  }
0x2f4: {  	[tilespmem:$0x1FB90] =	vst v62;
	v62 =	vld [tilespmem:$0xDA90]  }
0x2f5: {  	v6 =	vadd.f32 v55, v6;
	v55 =	vld [tilespmem:$0xD830]  }
0x2f6: {  	v9 =	vadd.f32 v25, v9;
	v25 =	vld [tilespmem:$0x1F570]  }
0x2f7: {  	[tilespmem:$0x1FDE0] =	vst v37;
	v37 =	vld [tilespmem:$0x1F720]  }
0x2f8: {  	[tilespmem:$0x1FF70] =	vst v6;
	v6 =	vadd.f32 v50, v53;
	v53 =	vld [tilespmem:$0xE000]  }
0x2f9: {  	[tilespmem:$0x1FC40] =	vst v62;
	v62 =	vld [tilespmem:$0x1F3A0]  }
0x2fa: {  	v50 =	vld [tilespmem:$0x1F620]  }
0x2fb: {  	v9 =	vadd.f32 v32, v9;
	v32 =	vld [tilespmem:$0x1F5D0]  }
0x2fc: {  	v6 =	vadd.f32 v58, v6;
	v58 =	vld [tilespmem:$0xD9B0]  }
0x2fd: {  	[tilespmem:$0x1FDF0] =	vst v53;
	v53 =	vld [tilespmem:$0xE500]  }
0x2fe: {  	v44 =	vadd.f32 v44, v55;
	v55 =	vld [tilespmem:$0xE6A0];
	v7 =	vadd.f32 v62, v7  }
0x2ff: {  	v62 =	vadd.f32 v17, v19;
	v17 =	vld [tilespmem:$0x1F500]  }
0x300: {  	v6 =	vadd.f32 v15, v6;
	v15 =	vld [tilespmem:$0x1F670];
	v7 =	vadd.f32 v20, v7  }
0x301: {  	v19 =	vld [tilespmem:$0x1F520]  }
0x302: {  	[tilespmem:$0x1FE90] =	vst v53;
	v53 =	vld [tilespmem:$0x1F8D0];
	v7 =	vadd.f32 v27, v7  }
0x303: {  	v20 =	vld [tilespmem:$0x1F530]  }
0x304: {  	v27 =	vld [tilespmem:$0xDBB0];
	v6 =	vadd.f32 v17, v6;
	v7 =	vadd.f32 v38, v7  }
0x305: {  	v17 =	vld [tilespmem:$0x1F680]  }
0x306: {  	v6 =	vadd.f32 v19, v6;
	[tilespmem:$0x1FF40] =	vst v7;
	v7 =	vld [tilespmem:$0x1F450]  }
0x307: {  	v38 =	vld [tilespmem:$0x1F600]  }
0x308: {  	v19 =	vld [tilespmem:$0x1F690];
	v6 =	vadd.f32 v23, v6  }
0x309: {  	v23 =	vld [tilespmem:$0x1F6B0]  }
0x30a: {  	v6 =	vadd.f32 v26, v6;
	v26 =	vld [tilespmem:$0x1F6D0]  }
0x30b: {  	v7 =	vadd.f32 v7, v8;
	v8 =	vadd.f32 v41, v9;
	v41 =	vld [tilespmem:$0xDF20]  }
0x30c: {  	v9 =	vadd.f32 v24, v62;
	v62 =	vld [tilespmem:$0xDA30]  }
0x30d: {  	v24 =	vld [tilespmem:$0x1F560]  }
0x30e: {  	v6 =	vadd.f32 v30, v6;
	v30 =	vld [tilespmem:$0x1F6F0]  }
0x30f: {  	[tilespmem:$0x1FF50] =	vst v8;
	v8 =	vadd.f32 v39, v61;
	v61 =	vld [tilespmem:$0xD930]  }
0x310: {  	v7 =	vadd.f32 v51, v7;
	v51 =	vld [tilespmem:$0xDCB0]  }
0x311: {  	v9 =	vadd.f32 v28, v9;
	v28 =	vld [tilespmem:$0x1F590]  }
0x312: {  	v39 =	vld [tilespmem:$0x1F610]  }
0x313: {  	v6 =	vadd.f32 v33, v6;
	v33 =	vld [tilespmem:$0x1F710]  }
0x314: {  	[tilespmem:$0x1FF60] =	vst v7;
	v7 =	vld [tilespmem:$0x1F490];
	v8 =	vadd.f32 v45, v8  }
0x315: {  	v9 =	vadd.f32 v35, v9;
	v6 =	vadd.f32 v50, v6;
	v50 =	vld [tilespmem:$0xE480]  }
0x316: {  	v35 =	vld [tilespmem:$0xDD30];
	v8 =	vadd.f32 v56, v8  }
0x317: {  	v9 =	vadd.f32 v42, v9;
	v42 =	vld [tilespmem:$0xDFB0]  }
0x318: {  	v8 =	vadd.f32 v21, v8;
	v21 =	vld [tilespmem:$0x1F6A0]  }
0x319: {  	v9 =	vadd.f32 v48, v9;
	v7 =	vadd.f32 v52, v7;
	v52 =	vld [tilespmem:$0x1F630]  }
0x31a: {  	[tilespmem:$0x1FE80] =	vst v50;
	v50 =	vld [tilespmem:$0x1F8B0]  }
0x31b: {  	v9 =	vadd.f32 v60, v9;
	v60 =	vld [tilespmem:$0x1F650]  }
0x31c: {  	v8 =	vadd.f32 v25, v8;
	v25 =	vld [tilespmem:$0x1F6C0]  }
0x31d: {  	v7 =	vadd.f32 v59, v7;
	[tilespmem:$0x1FE00] =	vst v42;
	v42 =	vld [tilespmem:$0x1F740]  }
0x31e: {  	v8 =	vadd.f32 v29, v8;
	v29 =	vld [tilespmem:$0x1F6E0]  }
0x31f: {  	v9 =	vadd.f32 v34, v9;
	v7 =	vadd.f32 v14, v7;
	v14 =	vld [tilespmem:$0x1F660]  }
0x320: {  	v8 =	vadd.f32 v32, v8;
	v32 =	vld [tilespmem:$0x1F700]  }
0x321: {  	v9 =	vadd.f32 v52, v9;
	v52 =	vld [tilespmem:$0x1F760]  }
0x322: {  	v7 =	vadd.f32 v16, v7;
	v16 =	vld [tilespmem:$0xE100]  }
0x323: {  	v8 =	vadd.f32 v39, v8;
	v39 =	vld [tilespmem:$0xE400]  }
0x324: {  	v9 =	vadd.f32 v15, v9;
	v15 =	vld [tilespmem:$0xE580]  }
0x325: {  	v8 =	vadd.f32 v60, v8;
	v60 =	vld [tilespmem:$0x1F780]  }
0x326: {  	v7 =	vadd.f32 v18, v7;
	v6 =	vadd.f32 v14, v6;
	v14 =	vld [tilespmem:$0x1F7A0]  }
0x327: {  	v9 =	vadd.f32 v23, v9;
	v23 =	vld [tilespmem:$0x1F800]  }
0x328: {  	v7 =	vadd.f32 v20, v7;
	v20 =	vld [tilespmem:$0xE180]  }
0x329: {  	[tilespmem:$0x1FE10] =	vst v16;
	v16 =	vld [tilespmem:$0x1F7B0]  }
0x32a: {  	v8 =	vadd.f32 v19, v8;
	v19 =	vld [tilespmem:$0xE600]  }
0x32b: {  	v6 =	vadd.f32 v21, v6;
	v21 =	vld [tilespmem:$0x1F7F0]  }
0x32c: {  	v9 =	vadd.f32 v30, v9;
	v30 =	vld [tilespmem:$0x1F830]  }
0x32d: {  	v7 =	vadd.f32 v24, v7;
	v24 =	vld [tilespmem:$0xE200]  }
0x32e: {  	[tilespmem:$0x1FE70] =	vst v39;
	v39 =	vld [tilespmem:$0x1F880]  }
0x32f: {  	[tilespmem:$0x1FEA0] =	vst v15;
	v15 =	vld [tilespmem:$0x1F910];
	v7 =	vadd.f32 v28, v7  }
0x330: {  	v8 =	vadd.f32 v26, v8;
	v6 =	vadd.f32 v29, v6;
	v29 =	vld [tilespmem:$0x1F820]  }
0x331: {  	v26 =	vadd.f32 v49, v57;
	v49 =	vld [tilespmem:$0x1F8A0];
	v7 =	vadd.f32 v31, v7  }
0x332: {  	v57 =	vld [tilespmem:$0x1F8E0]  }
0x333: {  	v28 =	vld [tilespmem:$0xE280];
	v7 =	vadd.f32 v38, v7  }
0x334: {  	[tilespmem:$0x1FE20] =	vst v20;
	v8 =	vadd.f32 v33, v8;
	v20 =	vld [tilespmem:$0x1F7E0]  }
0x335: {  	v6 =	vadd.f32 v37, v6;
	v33 =	vld [tilespmem:$0x1F850];
	v7 =	vadd.f32 v54, v7  }
0x336: {  	v37 =	vld [tilespmem:$0x1F860]  }
0x337: {  	v6 =	vadd.f32 v52, v6;
	v38 =	vld [tilespmem:$0x1F730];
	v7 =	vadd.f32 v17, v7  }
0x338: {  	v31 =	vld [tilespmem:$0xE300]  }
0x339: {  	[tilespmem:$0x1FF90] =	vst v6;
	v6 =	vld [tilespmem:$0x1F770];
	v7 =	vadd.f32 v25, v7  }
0x33a: {  	[tilespmem:$0x1FEC0] =	vst v19;
	v19 =	vld [tilespmem:$0x1F940]  }
0x33b: {  	[tilespmem:$0x1FE30] =	vst v24;
	v24 =	vld [tilespmem:$0xE680];
	v7 =	vadd.f32 v32, v7  }
0x33c: {  	v52 =	vld [tilespmem:$0x1F8C0];
	v9 =	vadd.f32 v38, v9  }
0x33d: {  	[tilespmem:$0x1FE40] =	vst v28;
	v28 =	vld [tilespmem:$0xE700];
	v7 =	vadd.f32 v42, v7  }
0x33e: {  	[tilespmem:$0x1FE50] =	vst v31;
	v31 =	vld [tilespmem:$0xE780];
	v6 =	vadd.f32 v6, v9  }
0x33f: {  	[tilespmem:$0x1FF80] =	vst v7;
	v7 =	vld [tilespmem:$0x1F750]  }
0x340: {  	v17 =	vld [tilespmem:$0x1F7D0];
	v6 =	vadd.f32 v16, v6  }
0x341: {  	[tilespmem:$0x1FEE0] =	vst v24;
	v24 =	vld [tilespmem:$0x1F980]  }
0x342: {  	[tilespmem:$0x1FFB0] =	vst v6;
	v6 =	vld [tilespmem:$0x1F7C0]  }
0x343: {  	v38 =	vld [tilespmem:$0x1F870]  }
0x344: {  	v25 =	vld [tilespmem:$0x1F810];
	v7 =	vadd.f32 v7, v8  }
0x345: {  	[tilespmem:$0x1FF00] =	vst v28;
	v28 =	vld [tilespmem:$0xE590]  }
0x346: {  	v32 =	vld [tilespmem:$0x1F840];
	v7 =	vadd.f32 v60, v7  }
0x347: {  	[tilespmem:$0x1FF20] =	vst v31;
	v31 =	vld [tilespmem:$0xE610];
	v6 =	vadd.f32 v17, v6  }
0x348: {  	[tilespmem:$0x1FFA0] =	vst v7;
	v7 =	vld [tilespmem:$0x1F790]  }
0x349: {  	v9 =	vadd.f32 v63, v26;
	v26 =	vld [tilespmem:$0x1F9A0];
	v6 =	vadd.f32 v25, v6  }
0x34a: {  	v16 =	vld [tilespmem:$0x1F920];
	v8 =	vadd.f32 v23, v21  }
0x34b: {  	v42 =	vld [tilespmem:$0x1F890];
	v6 =	vadd.f32 v32, v6  }
0x34c: {  	v8 =	vadd.f32 v30, v8;
	v60 =	vld [tilespmem:$0x1F8F0]  }
0x34d: {  	[tilespmem:$0x1FED0] =	vst v31;
	v31 =	vld [tilespmem:$0x1FAB0];
	v6 =	vadd.f32 v38, v6;
	v7 =	vadd.f32 v14, v7  }
0x34e: {  	v17 =	vld [tilespmem:$0x1F930];
	v8 =	vadd.f32 v37, v8  }
0x34f: {  	v6 =	vadd.f32 v50, v6;
	v14 =	vld [tilespmem:$0x1F900];
	v7 =	vadd.f32 v20, v7  }
0x350: {  	v9 =	vadd.f32 v39, v9;
	v23 =	vld [tilespmem:$0x1F970];
	v8 =	vadd.f32 v49, v8  }
0x351: {  	v21 =	vld [tilespmem:$0x1F960];
	v6 =	vadd.f32 v60, v6;
	v7 =	vadd.f32 v29, v7  }
0x352: {  	v9 =	vadd.f32 v52, v9;
	v8 =	vadd.f32 v57, v8;
	v29 =	vld [tilespmem:$0x1F9B0]  }
0x353: {  	v25 =	vld [tilespmem:$0x1F990];
	v6 =	vadd.f32 v17, v6;
	v7 =	vadd.f32 v33, v7  }
0x354: {  	v8 =	vadd.f32 v16, v8;
	v9 =	vadd.f32 v14, v9;
	v14 =	vld [tilespmem:$0x1F9F0]  }
0x355: {  	v20 =	vld [tilespmem:$0x1F950];
	v6 =	vadd.f32 v23, v6;
	v7 =	vadd.f32 v42, v7  }
0x356: {  	v8 =	vadd.f32 v21, v8;
	v21 =	vld [tilespmem:$0x1FA30]  }
0x357: {  	v30 =	vld [tilespmem:$0x1F9C0];
	v6 =	vadd.f32 v29, v6;
	v7 =	vadd.f32 v53, v7  }
0x358: {  	v8 =	vadd.f32 v26, v8;
	v26 =	vld [tilespmem:$0x1FA70];
	v9 =	vadd.f32 v19, v9  }
0x359: {  	v6 =	vadd.f32 v14, v6;
	v7 =	vadd.f32 v15, v7;
	v15 =	vld [tilespmem:$0x1FA00]  }
0x35a: {  	v33 =	vld [tilespmem:$0x1F9D0];
	v9 =	vadd.f32 v24, v9  }
0x35b: {  	v23 =	vld [tilespmem:$0x1FA40];
	v6 =	vadd.f32 v21, v6;
	v7 =	vadd.f32 v20, v7  }
0x35c: {  	v45 =	vld [tilespmem:$0xDDB0];
	v9 =	vadd.f32 v30, v9  }
0x35d: {  	[tilespmem:$0x1FEB0] =	vst v28;
	v28 =	vld [tilespmem:$0x1FA80];
	v6 =	vadd.f32 v26, v6;
	v7 =	vadd.f32 v25, v7  }
0x35e: {  	v17 =	vld [tilespmem:$0x1FA10];
	v9 =	vadd.f32 v15, v9  }
0x35f: {  	v7 =	vadd.f32 v33, v7;
	v33 =	vadd.f32 v31, v6;
	v6 =	vld [tilespmem:$0x1FAC0]  }
0x360: {  	v24 =	vld [tilespmem:$0x1FA50];
	v9 =	vadd.f32 v23, v9  }
0x361: {  	v56 =	vld [tilespmem:$0xDB30]  }
0x362: {  	v29 =	vld [tilespmem:$0x1FA90];
	v9 =	vadd.f32 v28, v9  }
0x363: {  	v39 =	vld [tilespmem:$0x1F9E0];
	v7 =	vadd.f32 v17, v7  }
0x364: {  	v9 =	vadd.f32 v6, v9;
	v6 =	vld [tilespmem:$0x1FAD0]  }
0x365: {  	v61 =	vadd.f32 v61, v44;
	v44 =	vld [tilespmem:$0xE720];
	v7 =	vadd.f32 v24, v7  }
0x366: {  	v48 =	vld [tilespmem:$0xDE30]  }
0x367: {  	v58 =	vadd.f32 v58, v61;
	v61 =	vld [tilespmem:$0xE030];
	v7 =	vadd.f32 v29, v7  }
0x368: {  	v19 =	vld [tilespmem:$0x1FA20]  }
0x369: {  	v8 =	vadd.f32 v39, v8;
	v39 =	vadd.f32 v6, v7;
	v7 =	vld [tilespmem:$0x1FB10]  }
0x36a: {  	v25 =	vld [tilespmem:$0x1FA60]  }
0x36b: {  	v59 =	vld [tilespmem:$0xDAB0]  }
0x36c: {  	v30 =	vld [tilespmem:$0x1FAA0]  }
0x36d: {  	v57 =	vld [tilespmem:$0xE690];
	v8 =	vadd.f32 v19, v8  }
0x36e: {  	v6 =	vld [tilespmem:$0x1FAE0];
	v7 =	vadd.f32 v7, v39  }
0x36f: {  	v34 =	vld [tilespmem:$0xE380];
	v8 =	vadd.f32 v25, v8  }
0x370: {  	[tilespmem:$0x1FFC0] =	vst v7;
	v7 =	vld [tilespmem:$0x1FB20]  }
0x371: {  	v58 =	vadd.f32 v62, v58;
	v62 =	vld [tilespmem:$0xE130];
	v8 =	vadd.f32 v30, v8  }
0x372: {  	v18 =	vld [tilespmem:$0xDEB0]  }
0x373: {  	[tilespmem:$0x1FEF0] =	vst v57;
	v57 =	vadd.f32 v6, v8;
	v6 =	vld [tilespmem:$0x1FAF0]  }
0x374: {  	[tilespmem:$0x1FE60] =	vst v34;
	v34 =	vld [tilespmem:$0xE010]  }
0x375: {  	v11 =	vadd.f32 v7, v57;
	v7 =	vld [tilespmem:$0x1FB30]  }
0x376: {  	v54 =	vld [tilespmem:$0xE080]  }
0x377: {  	v63 =	vld [tilespmem:$0xE110]  }
0x378: {  	v52 =	vld [tilespmem:$0xE490];
	v14 =	vadd.f32 v6, v33  }
0x379: {  	v32 =	vld [tilespmem:$0xE090]  }
0x37a: {  	v6 =	vld [tilespmem:$0x1FB00];
	v7 =	vadd.f32 v7, v14  }
0x37b: {  	v37 =	vld [tilespmem:$0xE190]  }
0x37c: {  	[tilespmem:$0x1FFD0] =	vst v7;
	v7 =	vld [tilespmem:$0x1FB40]  }
0x37d: {  	v38 =	vld [tilespmem:$0xE210]  }
0x37e: {  	v49 =	vld [tilespmem:$0xE310]  }
0x37f: {  	v50 =	vld [tilespmem:$0xE390];
	v6 =	vadd.f32 v6, v9  }
0x380: {  	v60 =	vld [tilespmem:$0xE510]  }
0x381: {  	v6 =	vadd.f32 v7, v6;
	v7 =	vld [tilespmem:$0x1FB50]  }
0x382: {  	v16 =	vld [tilespmem:$0xE710]  }
0x383: {  	v42 =	vld [tilespmem:$0xE290]  }
0x384: {  	v53 =	vld [tilespmem:$0xE410]  }
0x385: {  	v19 =	vld [tilespmem:$0xE0A0]  }
0x386: {  	v20 =	vld [tilespmem:$0xE790];
	v7 =	vadd.f32 v7, v11  }
0x387: {  	v31 =	vld [tilespmem:$0x1FB70]  }
0x388: {  	[tilespmem:$0x1FFE0] =	vst v7;
	v7 =	vld [tilespmem:$0x1FB60]  }
0x389: {  	v21 =	vld [tilespmem:$0xE120]  }
0x38a: {  	v26 =	vld [tilespmem:$0xE320]  }
0x38b: {  	v15 =	vld [tilespmem:$0x1FC10]  }
0x38c: {  	[tilespmem:$0x1FF30] =	vst v20;
	v20 =	vld [tilespmem:$0xE020]  }
0x38d: {  	v33 =	vadd.f32 v31, v7;
	v7 =	vld [tilespmem:$0x1FB80]  }
0x38e: {  	v23 =	vld [tilespmem:$0xE1A0]  }
0x38f: {  	v17 =	vld [tilespmem:$0x1FC20]  }
0x390: {  	v25 =	vld [tilespmem:$0xE2A0]  }
0x391: {  	v24 =	vld [tilespmem:$0xE220];
	v19 =	vadd.f32 v19, v20  }
0x392: {  	v6 =	vadd.f32 v7, v6;
	v7 =	vld [tilespmem:$0x1FBA0]  }
0x393: {  	v28 =	vld [tilespmem:$0xE3A0];
	v19 =	vadd.f32 v21, v19  }
0x394: {  	v30 =	vld [tilespmem:$0xE4A0]  }
0x395: {  	v29 =	vld [tilespmem:$0xE420];
	v23 =	vadd.f32 v23, v19  }
0x396: {  	[tilespmem:$0x1FFF0] =	vst v6;
	v6 =	vld [tilespmem:$0x1FB90]  }
0x397: {  	[tilespmem:$0x1FF10] =	vst v16;
	v23 =	vadd.f32 v24, v23;
	v16 =	vadd.f32 v7, v33;
	v7 =	vld [tilespmem:$0x1FBB0]  }
0x398: {  	v19 =	vld [tilespmem:$0xEF00]  }
0x399: {  	v23 =	vadd.f32 v25, v23;
	v25 =	vld [tilespmem:$0xE890]  }
0x39a: {  	v39 =	vld [tilespmem:$0x1FBD0]  }
0x39b: {  	v8 =	vld [tilespmem:$0xE0B0]  }
0x39c: {  	v6 =	vadd.f32 v6, v36;
	v36 =	vld [tilespmem:$0x1FBC0];
	v7 =	vadd.f32 v10, v7  }
0x39d: {  	v23 =	vadd.f32 v26, v23;
	v26 =	vld [tilespmem:$0xE990]  }
0x39e: {  	v7 =	vadd.f32 v43, v7;
	v43 =	vld [tilespmem:$0x1FBE0]  }
0x39f: {  	v14 =	vld [tilespmem:$0x1FC00]  }
0x3a0: {  	v57 =	vld [tilespmem:$0x1FBF0]  }
0x3a1: {  	v23 =	vadd.f32 v28, v23;
	v28 =	vld [tilespmem:$0xEA90];
	v6 =	vadd.f32 v36, v6  }
0x3a2: {  	v16 =	vadd.f32 v39, v16;
	v39 =	vld [tilespmem:$0x1FC30]  }
0x3a3: {  	v23 =	vadd.f32 v29, v23;
	v29 =	vld [tilespmem:$0xEB90];
	v6 =	vadd.f32 v43, v6  }
0x3a4: {  	v7 =	vadd.f32 v14, v7;
	v14 =	vld [tilespmem:$0x1FC50]  }
0x3a5: {  	v16 =	vadd.f32 v57, v16;
	v6 =	vadd.f32 v15, v6;
	v15 =	vld [tilespmem:$0x1FC60]  }
0x3a6: {  	v57 =	vld [tilespmem:$0x1FC40]  }
0x3a7: {  	v16 =	vadd.f32 v17, v16;
	v7 =	vadd.f32 v39, v7;
	v39 =	vld [tilespmem:$0x1FC80]  }
0x3a8: {  	v17 =	vld [tilespmem:$0x1FC70]  }
0x3a9: {  	v16 =	vadd.f32 v14, v16;
	v14 =	vld [tilespmem:$0x1FCA0]  }
0x3aa: {  	v7 =	vadd.f32 v15, v7;
	v15 =	vld [tilespmem:$0x1FCB0]  }
0x3ab: {  	v6 =	vadd.f32 v57, v6;
	v57 =	vadd.f32 v59, v58;
	v59 =	vld [tilespmem:$0x1FC90]  }
0x3ac: {  	v8 =	vadd.f32 v8, v61;
	v16 =	vadd.f32 v39, v16;
	v39 =	vld [tilespmem:$0x1FCD0]  }
0x3ad: {  	v6 =	vadd.f32 v17, v6;
	v17 =	vld [tilespmem:$0x1FCC0]  }
0x3ae: {  	v62 =	vadd.f32 v62, v8;
	v8 =	vld [tilespmem:$0xEE00]  }
0x3af: {  	v6 =	vadd.f32 v14, v6;
	v16 =	vadd.f32 v15, v16;
	v15 =	vld [tilespmem:$0x1FCF0]  }
0x3b0: {  	v23 =	vadd.f32 v30, v23;
	v30 =	vld [tilespmem:$0xEC90];
	v7 =	vadd.f32 v59, v7  }
0x3b1: {  	v6 =	vadd.f32 v39, v6;
	v39 =	vld [tilespmem:$0x1FD10]  }
0x3b2: {  	v14 =	vld [tilespmem:$0x1FCE0];
	v7 =	vadd.f32 v17, v7  }
0x3b3: {  	v9 =	vld [tilespmem:$0xE1B0]  }
0x3b4: {  	v17 =	vld [tilespmem:$0x1FD00];
	v7 =	vadd.f32 v15, v7  }
0x3b5: {  	v31 =	vld [tilespmem:$0xE520]  }
0x3b6: {  	v7 =	vadd.f32 v39, v7;
	v39 =	vld [tilespmem:$0x1FD30]  }
0x3b7: {  	v11 =	vld [tilespmem:$0xE4B0];
	v16 =	vadd.f32 v14, v16  }
0x3b8: {  	v33 =	vld [tilespmem:$0xE5A0]  }
0x3b9: {  	v16 =	vadd.f32 v17, v16;
	v17 =	vld [tilespmem:$0x1FD20]  }
0x3ba: {  	v23 =	vadd.f32 v31, v23;
	v31 =	vld [tilespmem:$0xED90]  }
0x3bb: {  	v56 =	vadd.f32 v56, v57;
	v7 =	vadd.f32 v39, v7;
	v39 =	vld [tilespmem:$0x1FD50]  }
0x3bc: {  	v10 =	vld [tilespmem:$0xE3B0]  }
0x3bd: {  	v36 =	vld [tilespmem:$0xE620];
	v27 =	vadd.f32 v27, v56  }
0x3be: {  	v23 =	vadd.f32 v33, v23;
	v33 =	vld [tilespmem:$0xEE90];
	v16 =	vadd.f32 v17, v16  }
0x3bf: {  	v43 =	vld [tilespmem:$0xE7A0];
	v27 =	vadd.f32 v40, v27  }
0x3c0: {  	v16 =	vadd.f32 v39, v16;
	v39 =	vld [tilespmem:$0x1FD80]  }
0x3c1: {  	v27 =	vadd.f32 v51, v27;
	v17 =	vld [tilespmem:$0x1FD40]  }
0x3c2: {  	v23 =	vadd.f32 v36, v23;
	v36 =	vld [tilespmem:$0xEF90];
	v6 =	vadd.f32 v12, v6  }
0x3c3: {  	v27 =	vadd.f32 v35, v27;
	v35 =	vld [tilespmem:$0x1FD70]  }
0x3c4: {  	v23 =	vadd.f32 v55, v23;
	v55 =	vld [tilespmem:$0xEBB0];
	v6 =	vadd.f32 v13, v6  }
0x3c5: {  	v16 =	vadd.f32 v39, v16;
	v39 =	vld [tilespmem:$0x1FDA0]  }
0x3c6: {  	v58 =	vld [tilespmem:$0xE230];
	v6 =	vadd.f32 v17, v6  }
0x3c7: {  	v23 =	vadd.f32 v44, v23;
	v44 =	vld [tilespmem:$0xEAA0]  }
0x3c8: {  	v57 =	vld [tilespmem:$0xE330];
	v6 =	vadd.f32 v35, v6  }
0x3c9: {  	v23 =	vadd.f32 v43, v23;
	v43 =	vld [tilespmem:$0x1FFB0]  }
0x3ca: {  	v6 =	vadd.f32 v39, v6;
	v39 =	vld [tilespmem:$0x1FDB0]  }
0x3cb: {  	v17 =	vld [tilespmem:$0x1FD60]  }
0x3cc: {  	v56 =	vld [tilespmem:$0xE430]  }
0x3cd: {  	v35 =	vld [tilespmem:$0x1FD90]  }
0x3ce: {  	v59 =	vld [tilespmem:$0xE2B0]  }
0x3cf: {  	v16 =	vadd.f32 v39, v16;
	v39 =	vld [tilespmem:$0x1FDC0]  }
0x3d0: {  	v40 =	vld [tilespmem:$0xE530];
	v7 =	vadd.f32 v17, v7  }
0x3d1: {  	v12 =	vld [tilespmem:$0xE5B0]  }
0x3d2: {  	v51 =	vld [tilespmem:$0xE630];
	v7 =	vadd.f32 v35, v7  }
0x3d3: {  	v13 =	vld [tilespmem:$0xE6B0]  }
0x3d4: {  	v14 =	vld [tilespmem:$0xE980];
	v6 =	vadd.f32 v22, v6;
	v7 =	vadd.f32 v39, v7  }
0x3d5: {  	v27 =	vadd.f32 v45, v27;
	v45 =	vld [tilespmem:$0xE800]  }
0x3d6: {  	v7 =	vadd.f32 v41, v7;
	v41 =	vadd.f32 v47, v6;
	v6 =	vld [tilespmem:$0x1FDE0]  }
0x3d7: {  	v15 =	vld [tilespmem:$0xE730];
	v27 =	vadd.f32 v48, v27  }
0x3d8: {  	v35 =	vld [tilespmem:$0xE880]  }
0x3d9: {  	v48 =	vld [tilespmem:$0xE900];
	v27 =	vadd.f32 v18, v27  }
0x3da: {  	v18 =	vld [tilespmem:$0xEA00]  }
0x3db: {  	v27 =	vadd.f32 v6, v27;
	v6 =	vld [tilespmem:$0x1FDF0]  }
0x3dc: {  	v17 =	vld [tilespmem:$0xE7B0]  }
0x3dd: {  	v35 =	vadd.f32 v35, v45;
	v45 =	vld [tilespmem:$0x1FFC0]  }
0x3de: {  	v39 =	vld [tilespmem:$0x1FDD0]  }
0x3df: {  	v35 =	vadd.f32 v48, v35;
	v48 =	vld [tilespmem:$0xEAB0]  }
0x3e0: {  	v6 =	vadd.f32 v54, v6;
	v54 =	vld [tilespmem:$0x1FE00]  }
0x3e1: {  	v22 =	vld [tilespmem:$0xEB00]  }
0x3e2: {  	v14 =	vadd.f32 v14, v35;
	v35 =	vld [tilespmem:$0x1FF90]  }
0x3e3: {  	v39 =	vadd.f32 v39, v16;
	v16 =	vld [tilespmem:$0xEA80]  }
0x3e4: {  	v46 =	vadd.f32 v46, v7;
	v7 =	vld [tilespmem:$0xEB80]  }
0x3e5: {  	v47 =	vadd.f32 v54, v27;
	v54 =	vld [tilespmem:$0xEC00]  }
0x3e6: {  	v14 =	vadd.f32 v18, v14;
	v27 =	vadd.f32 v32, v34;
	v32 =	vld [tilespmem:$0x1FE10]  }
0x3e7: {  	v34 =	vld [tilespmem:$0xED00]  }
0x3e8: {  	v14 =	vadd.f32 v16, v14;
	v20 =	vadd.f32 v63, v27;
	v63 =	vld [tilespmem:$0x1FE20]  }
0x3e9: {  	v27 =	vld [tilespmem:$0xED80]  }
0x3ea: {  	v14 =	vadd.f32 v22, v14;
	v61 =	vadd.f32 v37, v20;
	v20 =	vld [tilespmem:$0xEE80]  }
0x3eb: {  	v37 =	vadd.f32 v9, v62;
	v9 =	vld [tilespmem:$0xEF80]  }
0x3ec: {  	v7 =	vadd.f32 v7, v14;
	v62 =	vld [tilespmem:$0x1FE80]  }
0x3ed: {  	v6 =	vadd.f32 v32, v6;
	v32 =	vld [tilespmem:$0xEC80]  }
0x3ee: {  	v7 =	vadd.f32 v54, v7;
	v54 =	vld [tilespmem:$0xEEA0]  }
0x3ef: {  	v21 =	vadd.f32 v38, v61;
	v38 =	vld [tilespmem:$0x1FE40]  }
0x3f0: {  	v61 =	vld [tilespmem:$0x1FE70]  }
0x3f1: {  	v6 =	vadd.f32 v63, v6;
	v63 =	vld [tilespmem:$0x1FE30]  }
0x3f2: {  	v21 =	vadd.f32 v42, v21;
	v42 =	vadd.f32 v58, v37;
	v37 =	vld [tilespmem:$0xE810]  }
0x3f3: {  	v58 =	vld [tilespmem:$0x1FE50]  }
0x3f4: {  	v24 =	vadd.f32 v59, v42;
	v59 =	vld [tilespmem:$0x1FE60]  }
0x3f5: {  	v42 =	vld [tilespmem:$0xEA10]  }
0x3f6: {  	v21 =	vadd.f32 v49, v21;
	v49 =	vld [tilespmem:$0xEC10]  }
0x3f7: {  	v6 =	vadd.f32 v63, v6;
	v63 =	vld [tilespmem:$0x1FE90]  }
0x3f8: {  	v24 =	vadd.f32 v57, v24;
	v57 =	vld [tilespmem:$0x1FED0]  }
0x3f9: {  	v21 =	vadd.f32 v50, v21;
	v50 =	vld [tilespmem:$0xE820]  }
0x3fa: {  	v6 =	vadd.f32 v38, v6;
	v38 =	vld [tilespmem:$0xE910]  }
0x3fb: {  	v21 =	vadd.f32 v53, v21;
	v10 =	vadd.f32 v10, v24;
	v24 =	vld [tilespmem:$0xEB10]  }
0x3fc: {  	v53 =	vld [tilespmem:$0x1FEB0]  }
0x3fd: {  	v21 =	vadd.f32 v52, v21;
	v52 =	vld [tilespmem:$0x1FEA0]  }
0x3fe: {  	v10 =	vadd.f32 v56, v10;
	v56 =	vld [tilespmem:$0x1FEC0]  }
0x3ff: {  	v6 =	vadd.f32 v58, v6;
	v58 =	vld [tilespmem:$0x1FEE0]  }
0x400: {  	v10 =	vadd.f32 v11, v10;
	v11 =	vld [tilespmem:$0xED10]  }
0x401: {  	v6 =	vadd.f32 v59, v6;
	v59 =	vld [tilespmem:$0x1FEF0]  }
0x402: {  	v21 =	vadd.f32 v60, v21;
	v60 =	vld [tilespmem:$0x1FF00]  }
0x403: {  	v10 =	vadd.f32 v40, v10;
	v40 =	vld [tilespmem:$0xEE10]  }
0x404: {  	v6 =	vadd.f32 v61, v6;
	v61 =	vld [tilespmem:$0x1FF10]  }
0x405: {  	v21 =	vadd.f32 v53, v21;
	v53 =	vld [tilespmem:$0x1FF40]  }
0x406: {  	v10 =	vadd.f32 v12, v10;
	v12 =	vld [tilespmem:$0xEF10]  }
0x407: {  	v6 =	vadd.f32 v62, v6;
	v62 =	vld [tilespmem:$0x1FF20]  }
0x408: {  	v21 =	vadd.f32 v57, v21;
	v57 =	vld [tilespmem:$0xE920]  }
0x409: {  	v6 =	vadd.f32 v63, v6;
	v10 =	vadd.f32 v51, v10;
	v51 =	vld [tilespmem:$0xE8A0]  }
0x40a: {  	v21 =	vadd.f32 v59, v21;
	v63 =	vld [tilespmem:$0xE8B0]  }
0x40b: {  	v59 =	vadd.f32 v25, v37;
	v37 =	vld [tilespmem:$0xEA30];
	v6 =	vadd.f32 v52, v6  }
0x40c: {  	[tilespmem:$0xF000] =	vst v53;
	v53 =	vld [tilespmem:$0x1FFF0]  }
0x40d: {  	v10 =	vadd.f32 v13, v10;
	v13 =	vld [tilespmem:$0xE830];
	v6 =	vadd.f32 v56, v6  }
0x40e: {  	v52 =	vld [tilespmem:$0xEBA0]  }
0x40f: {  	v56 =	vld [tilespmem:$0x1FF30];
	v6 =	vadd.f32 v58, v6  }
0x410: {  	v21 =	vadd.f32 v61, v21;
	v61 =	vadd.f32 v51, v50;
	v50 =	vld [tilespmem:$0xEB20]  }
0x411: {  	v10 =	vadd.f32 v15, v10;
	v58 =	vld [tilespmem:$0xE930];
	v6 =	vadd.f32 v60, v6  }
0x412: {  	v60 =	vld [tilespmem:$0xE9A0]  }
0x413: {  	v10 =	vadd.f32 v17, v10;
	v6 =	vadd.f32 v62, v6;
	v62 =	vld [tilespmem:$0xE9B0]  }
0x414: {  	v17 =	vadd.f32 v38, v59;
	v13 =	vadd.f32 v63, v13;
	v63 =	vld [tilespmem:$0xEA20]  }
0x415: {  	v51 =	vld [tilespmem:$0xEB30];
	v15 =	vadd.f32 v57, v61  }
0x416: {  	v38 =	vld [tilespmem:$0x1FFA0];
	v17 =	vadd.f32 v26, v17;
	v13 =	vadd.f32 v58, v13  }
0x417: {  	v57 =	vld [tilespmem:$0xEC20];
	v21 =	vadd.f32 v56, v21;
	v15 =	vadd.f32 v60, v15  }
0x418: {  	v56 =	vld [tilespmem:$0x1FF50];
	v17 =	vadd.f32 v42, v17;
	v13 =	vadd.f32 v62, v13  }
0x419: {  	v61 =	vld [tilespmem:$0x1FF70];
	v15 =	vadd.f32 v63, v15  }
0x41a: {  	v42 =	vld [tilespmem:$0xED30];
	v17 =	vadd.f32 v28, v17;
	v13 =	vadd.f32 v37, v13  }
0x41b: {  	v58 =	vld [tilespmem:$0x1FF60];
	v15 =	vadd.f32 v44, v15  }
0x41c: {  	[tilespmem:$0xF220] =	vst v23;
	v60 =	vld [tilespmem:$0xEC30];
	v17 =	vadd.f32 v24, v17;
	v13 =	vadd.f32 v48, v13  }
0x41d: {  	v7 =	vadd.f32 v32, v7;
	[tilespmem:$0xF010] =	vst v56;
	v56 =	vld [tilespmem:$0xEEB0];
	v59 =	vadd.f32 v50, v15  }
0x41e: {  	[tilespmem:$0xF0B0] =	vst v43;
	v62 =	vld [tilespmem:$0xECA0];
	v17 =	vadd.f32 v29, v17;
	v13 =	vadd.f32 v51, v13  }
0x41f: {  	[tilespmem:$0xF100] =	vst v45;
	v7 =	vadd.f32 v34, v7;
	v29 =	vld [tilespmem:$0xECB0];
	v14 =	vadd.f32 v52, v59  }
0x420: {  	[tilespmem:$0xF090] =	vst v35;
	v37 =	vld [tilespmem:$0xED20];
	v17 =	vadd.f32 v49, v17;
	v13 =	vadd.f32 v55, v13  }
0x421: {  	[tilespmem:$0xF190] =	vst v41;
	v7 =	vadd.f32 v27, v7;
	v63 =	vld [tilespmem:$0x1FF80];
	v14 =	vadd.f32 v57, v14  }
0x422: {  	[tilespmem:$0xF1A0] =	vst v46;
	v44 =	vld [tilespmem:$0xEDA0];
	v17 =	vadd.f32 v30, v17;
	v13 =	vadd.f32 v60, v13  }
0x423: {  	[tilespmem:$0xF180] =	vst v39;
	v7 =	vadd.f32 v8, v7;
	v48 =	vld [tilespmem:$0xEDB0];
	v14 =	vadd.f32 v62, v14  }
0x424: {  	[tilespmem:$0xF1B0] =	vst v47;
	v50 =	vld [tilespmem:$0xEE20];
	v11 =	vadd.f32 v11, v17;
	v13 =	vadd.f32 v29, v13  }
0x425: {  	v7 =	vadd.f32 v20, v7;
	[tilespmem:$0xF130] =	vst v53;
	v52 =	vld [tilespmem:$0xEE30];
	v14 =	vadd.f32 v37, v14  }
0x426: {  	[tilespmem:$0xF020] =	vst v58;
	v58 =	vld [tilespmem:$0xEF30];
	v11 =	vadd.f32 v31, v11;
	v13 =	vadd.f32 v42, v13  }
0x427: {  	[tilespmem:$0xF200] =	vst v6;
	v6 =	vadd.f32 v19, v7;
	v49 =	vld [tilespmem:$0x1FFD0];
	v55 =	vadd.f32 v44, v14  }
0x428: {  	[tilespmem:$0xF230] =	vst v10;
	v57 =	vld [tilespmem:$0xEF20];
	v11 =	vadd.f32 v40, v11;
	v13 =	vadd.f32 v48, v13  }
0x429: {  	[tilespmem:$0xF0A0] =	vst v38;
	v6 =	vadd.f32 v9, v6;
	v51 =	vld [tilespmem:$0x1FFE0];
	v8 =	vadd.f32 v50, v55  }
0x42a: {  	[tilespmem:$0xF210] =	vst v21;
	v59 =	vld [tilespmem:$0xEFA0];
	v11 =	vadd.f32 v33, v11;
	v13 =	vadd.f32 v52, v13  }
0x42b: {  	[tilespmem:$0xF030] =	vst v61;
	v60 =	vld [tilespmem:$0xEFB0];
	v7 =	vadd.f32 v54, v8  }
0x42c: {  	[tilespmem:$0xF280] =	vst v6;
	v11 =	vadd.f32 v12, v11;
	v61 =	vadd.f32 v56, v13  }
0x42d: {  	[tilespmem:$0xF080] =	vst v63;
	v7 =	vadd.f32 v57, v7  }
0x42e: {  	[tilespmem:$0xF110] =	vst v49;
	v62 =	vadd.f32 v36, v11;
	v63 =	vadd.f32 v58, v61  }
0x42f: {  	[tilespmem:$0xF120] =	vst v51;
	v6 =	vadd.f32 v59, v7  }
0x430: {  	s18 =	sadd.s32 $0x1, s18;
	[tilespmem:$0xF290] =	vst v62;
	v7 =	vadd.f32 v60, v63  }
0x431: {  	p0 =	sne.s32 s18, s9;
	[tilespmem:$0xF2A0] =	vst v6  }
.Ltmp2:
0x432: {  	[tilespmem:$0xF2B0] =	vst v7;
	(pc) =	sbr.rel @p0 .LBB2_1-.Ltmp2, $4  }
0x433: {  	[hbm4b:s8+s5] =	stream.linear.scatter [tilespmem:s17], [sflag:$0x1], $0x300, $0x38;
	[tilespmem:$0xF400] =	vst v63  }
0x434: {  	_ =	swait.ge [sflag:s10], $0x300  }
0x435: {  	[sflag:s10] =	ssyncset.done $0x0  }
0x436: {  	[sflag:s10] =	ssyncadd.s32 $0xFFFFFD00  }
0x437: {  	_ =	sfence.sel $0x180000  }
0x438: {  	[bflag:$0x0] =	sbarrier.arrive $0xFFFF  }
0x439: {  	p0 =	sne.s32 s2, $0x0;
	_ =	strace $0x90000047  }
0x43a: {  	s0 =	sadd.s32 @!p0 $0x100000, s0;
	[bflag:$0x2] =	sbarrier.arrive $0xFFFF  }
0x43b: {  	[sflag:s0] =	ssyncadd.tile.s32 @!p0 $0x1;
	_ =	shalt  }
.Lfunc_end2:
_tile_overlayer_lowered:
.L_overlay_start_2:
0x43c: {  	(tag) =	ssettag $0x2  }
0x43d: {  	s0 =	rddreg [dreg:$0x0];
	s2 =	stileid.u32  }
0x43e: {  	s1 =	rddreg [dreg:$0x1];
	p0 =	sne.s32 s2, $0x0  }
0x43f: {  	s3 =	rddreg [dreg:$0x2];
	[bflag:$0x3] =	sbarrier.arrive $0xFFFF;
	s2 =	simm.s32 @!p0 $0x1C01  }
0x440: {  	[timem:s3], [sflag:s2] =	dma.local @!p0 [hbm:s0], s1  }
0x441: {  	s0 =	simm.s32 @!p0 $0x1  }
0x442: {  	_ =	swait.ge @!p0 [sflag:s0], s1  }
0x443: {  	s1 =	ssub.s32 @!p0 $0x0, s1;
	[sflag:s0] =	ssyncset.done @!p0 $0x0  }
0x444: {  	[sflag:s0] =	ssyncadd.s32 @!p0 s1  }
0x445: {  	[bflag:$0x3] =	sbarrier.arrive $0xFFFF  }
0x446: {  	_ =	shalt  }

</sc_bundles>
